<compile_context>
chip_gen: v7x
topology: tpu7x:2x2x1
jax: 0.10.2.dev20260603
libtpu: 0.0.44.dev20260713+nightly
codegen_flags: <defaults>
</compile_context>

<pallas_src>
import functools

import jax
import jax.numpy as jnp
from jax import lax
from jax.experimental import pallas as pl
from jax.experimental.pallas import tpu as pltpu
from jax.experimental.pallas import tpu_sc as plsc

K_HOPS = 10
ALPHA = 0.05
NCORES = 2
NSUB = 16
CH = 128
IC = 16
NBUF = 2
RB = 80
RPT = 8


def _f32v(val):
    return jnp.full((16,), val, dtype=jnp.float32)


def _ssgc_sc(x0, x1, row2d, col2d, *, n, d, cpb):
    fpc = d // NCORES
    c1 = (1.0 - ALPHA) / K_HOPS
    nch_real = n // RB
    npad = -(-(n + 1) // RB) * RB
    nzch = npad // RB
    ndeg = NSUB * RB * RPT
    ngroups = cpb // IC
    npair = ngroups // 2

    mesh = plsc.VectorSubcoreMesh(
        core_axis_name="c", subcore_axis_name="s", num_cores=NCORES,
        num_subcores=NSUB)

    @functools.partial(
        pl.kernel,
        out_type=[jax.ShapeDtypeStruct((n, fpc), jnp.float32),
                  jax.ShapeDtypeStruct((n, fpc), jnp.float32)],
        mesh=mesh,
        compiler_params=pltpu.CompilerParams(use_tc_tiling_on_sc=False),
        scratch_types=[
            pltpu.VMEM_SHARED((npad, fpc), jnp.float32),
            pltpu.VMEM_SHARED((npad, fpc), jnp.float32),
            pltpu.VMEM_SHARED((ndeg,), jnp.float32),
            pltpu.VMEM((IC, CH), jnp.int32),
            pltpu.VMEM((IC, CH), jnp.int32),
            pltpu.VMEM((IC, CH), jnp.int32),
            pltpu.VMEM((IC, CH), jnp.int32),
            [pltpu.VMEM((CH, fpc), jnp.float32) for _ in range(NBUF)],
            pltpu.VMEM((RB, fpc), jnp.float32),
            pltpu.VMEM((RB, fpc), jnp.float32),
            pltpu.VMEM((RB, fpc), jnp.float32),
            pltpu.VMEM((RB, fpc), jnp.float32),
            pltpu.VMEM((CH,), jnp.float32),
            pltpu.VMEM((RB * RPT,), jnp.float32),
            pltpu.VMEM((RB * RPT + 16,), jnp.float32),
            pltpu.VMEM((RB * RPT + 16,), jnp.float32),
            pltpu.VMEM((RB * RPT + 16,), jnp.float32),
            pltpu.VMEM((RB * RPT,), jnp.float32),
            [pltpu.SemaphoreType.DMA for _ in range(NBUF)],
            [pltpu.SemaphoreType.DMA for _ in range(NBUF)],
            [pltpu.SemaphoreType.DMA for _ in range(4)],
            [pltpu.SemaphoreType.DMA for _ in range(3)],
        ],
    )
    def k(x0_hbm, x1_hbm, row_hbm, col_hbm, h0_hbm, h1_hbm,
          z_sh, u_sh, deg_sh, rowca, colca, rowcb, colcb, gb,
          ubuf, zbuf, szbuf, zerob, onesb,
          degb, dinvb, d2b, dsqb, zdegb, gsem, ssem, isem, msem):
        cid = lax.axis_index("c")
        sid = lax.axis_index("s")
        r0 = sid * (RB * RPT)
        g0 = sid * cpb
        nreal = jnp.minimum(RPT, jnp.maximum(0, nch_real - sid * RPT))
        nzero = jnp.minimum(RPT, jnp.maximum(0, nzch - sid * RPT))

        def per_core(fn0, fn1):
            def w0():
                fn0()
            def w1():
                fn1()
            pl.when(cid == 0)(w0)
            pl.when(cid == 1)(w1)

        def fill_const(i, carry):
            def fill_f(f, carry2):
                zerob[i, pl.ds(f * 16, 16)] = _f32v(0.0)
                return carry2
            return lax.fori_loop(0, fpc // 16, fill_f, carry, unroll=False)
        lax.fori_loop(0, RB, fill_const, 0, unroll=False)

        def fill_ones(i, carry):
            onesb[pl.ds(i * 16, 16)] = _f32v(1.0)
            return carry
        lax.fori_loop(0, CH // 16, fill_ones, 0, unroll=False)

        def fill_zdeg(i, carry):
            zdegb[pl.ds(i * 16, 16)] = _f32v(0.0)
            return carry
        lax.fori_loop(0, RB * RPT // 16, fill_zdeg, 0, unroll=False)

        pltpu.sync_copy(zdegb, deg_sh.at[pl.ds(r0, RB * RPT)])

        def zero_tables(c, carry):
            rr = r0 + c * RB
            pltpu.sync_copy(zerob, u_sh.at[pl.ds(rr, RB), :])
            pltpu.sync_copy(zerob, z_sh.at[pl.ds(rr, RB), :])
            return carry
        lax.fori_loop(0, nzero, zero_tables, 0, unroll=False)
        plsc.subcore_barrier()

        def deg_group(g, carry):
            pltpu.sync_copy(col_hbm.at[pl.ds(g0 + g * IC, IC), :], colca)
            def deg_chunk(j, carry2):
                pltpu.sync_copy(onesb, deg_sh.at[colca.at[j]], add=True)
                return carry2
            return lax.fori_loop(0, IC, deg_chunk, carry, unroll=False)
        lax.fori_loop(0, ngroups, deg_group, 0, unroll=False)
        plsc.subcore_barrier()

        pltpu.sync_copy(deg_sh.at[pl.ds(r0, RB * RPT)], degb)
        def rsqrt_vec(v, carry):
            dv = degb[pl.ds(v * 16, 16)] + _f32v(1.0)
            iv = lax.bitcast_convert_type(dv, jnp.int32)
            iv = jnp.int32(0x5F3759DF) - lax.shift_right_arithmetic(
                iv, jnp.int32(1))
            y = lax.bitcast_convert_type(iv, jnp.float32)
            half_d = dv * _f32v(0.5)
            y = y * (_f32v(1.5) - half_d * y * y)
            y = y * (_f32v(1.5) - half_d * y * y)
            y = y * (_f32v(1.5) - half_d * y * y)
            dinvb[pl.ds(v * 16, 16)] = y
            d2b[pl.ds(v * 16, 16)] = _f32v(1.0) / dv
            dsqb[pl.ds(v * 16, 16)] = dv * y * _f32v(c1)
            return carry
        lax.fori_loop(0, RB * RPT // 16, rsqrt_vec, 0, unroll=False)

        a_over_c = ALPHA / c1
        def z0_chunk(c, carry):
            rr = r0 + c * RB
            per_core(
                lambda: pltpu.sync_copy(x0_hbm.at[pl.ds(rr, RB), :], zbuf),
                lambda: pltpu.sync_copy(x1_hbm.at[pl.ds(rr, RB), :], zbuf))
            def z0_row(i, carry2):
                s = dinvb[pl.ds(c * RB + i, 16)][0]
                def z0_f(f, carry3):
                    sl = pl.ds(f * 16, 16)
                    zv = zbuf[i, sl] * s
                    zbuf[i, sl] = zv
                    szbuf[i, sl] = zv * a_over_c
                    return carry3
                return lax.fori_loop(0, fpc // 16, z0_f, carry2, unroll=False)
            lax.fori_loop(0, RB, z0_row, 0, unroll=False)
            pltpu.sync_copy(zbuf, z_sh.at[pl.ds(rr, RB), :])
            per_core(
                lambda: pltpu.sync_copy(szbuf, h0_hbm.at[pl.ds(rr, RB), :]),
                lambda: pltpu.sync_copy(szbuf, h1_hbm.at[pl.ds(rr, RB), :]))
            return carry
        lax.fori_loop(0, nreal, z0_chunk, 0, unroll=False)
        plsc.subcore_barrier()

        idxbufs = ((rowca, colca), (rowcb, colcb))

        def idx_fetch(g, par):
            rowc, colc = idxbufs[par]
            pltpu.async_copy(row_hbm.at[pl.ds(g0 + g * IC, IC), :], rowc,
                             isem[2 * par])
            pltpu.async_copy(col_hbm.at[pl.ds(g0 + g * IC, IC), :], colc,
                             isem[2 * par + 1])

        def idx_wait(g, par):
            rowc, colc = idxbufs[par]
            pltpu.make_async_copy(row_hbm.at[pl.ds(g0 + g * IC, IC), :],
                                  rowc, isem[2 * par]).wait()
            pltpu.make_async_copy(col_hbm.at[pl.ds(g0 + g * IC, IC), :],
                                  colc, isem[2 * par + 1]).wait()

        def gather_issue(rowc, lj, b):
            pltpu.async_copy(z_sh.at[rowc.at[lj]], gb[b], gsem[b])

        def gather_wait(rowc, lj, b):
            pltpu.make_async_copy(z_sh.at[rowc.at[lj]], gb[b],
                                  gsem[b]).wait()

        def scatter_issue(colc, lj, b):
            pltpu.async_copy(gb[b], u_sh.at[colc.at[lj]], ssem[b], add=True)

        def scatter_wait(colc, lj, b):
            pltpu.make_async_copy(gb[b], u_sh.at[colc.at[lj]],
                                  ssem[b]).wait()

        def process_group(g, par, first):
            rowc, colc = idxbufs[par]
            idx_wait(g, par)
            def _w0():
                scatter_wait(colc, 0, 0)
            if first:
                pl.when(g >= 1)(_w0)
            else:
                _w0()
            gather_issue(rowc, 0, 0)
            for lj in range(IC):
                b = lj % NBUF
                gather_wait(rowc, lj, b)
                scatter_issue(colc, lj, b)
                if lj < IC - 1:
                    b2 = (lj + 1) % NBUF
                    if lj >= 1:
                        scatter_wait(colc, lj - 1, b2)
                    else:
                        def _w1():
                            scatter_wait(colc, 0, b2)
                        if first:
                            pl.when(g >= 1)(_w1)
                        else:
                            _w1()
                    gather_issue(rowc, lj + 1, b2)

        idx_fetch(0, 0)
        idx_fetch(1, 1)

        def hop(_, carry):
            def pair(p, carry2):
                process_group(2 * p, 0, True)
                @pl.when(p < npair - 1)
                def _():
                    idx_fetch(2 * p + 2, 0)
                process_group(2 * p + 1, 1, False)
                @pl.when(p < npair - 1)
                def _():
                    idx_fetch(2 * p + 3, 1)
                return carry2
            lax.fori_loop(0, npair, pair, 0, unroll=False)

            for lj in range(IC - NBUF, IC):
                scatter_wait(colcb, lj, lj % NBUF)
            idx_fetch(0, 0)
            idx_fetch(1, 1)

            plsc.subcore_barrier()

            def scale_chunk(c, carry2):
                rr = r0 + c * RB
                du = pltpu.async_copy(u_sh.at[pl.ds(rr, RB), :], ubuf,
                                      msem[0])
                dz = pltpu.async_copy(z_sh.at[pl.ds(rr, RB), :], zbuf,
                                      msem[1])
                per_core(
                    lambda: pltpu.async_copy(h0_hbm.at[pl.ds(rr, RB), :],
                                             szbuf, msem[2]),
                    lambda: pltpu.async_copy(h1_hbm.at[pl.ds(rr, RB), :],
                                             szbuf, msem[2]))
                du.wait()
                dz.wait()
                pltpu.make_async_copy(h0_hbm.at[pl.ds(rr, RB), :], szbuf,
                                      msem[2]).wait()
                def scale_row(i, carry3):
                    s = d2b[pl.ds(c * RB + i, 16)][0]
                    def scale_f(f, carry4):
                        sl = pl.ds(f * 16, 16)
                        zv = (ubuf[i, sl] + zbuf[i, sl]) * s
                        zbuf[i, sl] = zv
                        szbuf[i, sl] = szbuf[i, sl] + zv
                        return carry4
                    return lax.fori_loop(0, fpc // 16, scale_f, carry3,
                                         unroll=False)
                lax.fori_loop(0, RB, scale_row, 0, unroll=False)
                du2 = pltpu.async_copy(zerob, u_sh.at[pl.ds(rr, RB), :],
                                       msem[0])
                dz2 = pltpu.async_copy(zbuf, z_sh.at[pl.ds(rr, RB), :],
                                       msem[1])
                per_core(
                    lambda: pltpu.async_copy(szbuf,
                                             h0_hbm.at[pl.ds(rr, RB), :],
                                             msem[2]),
                    lambda: pltpu.async_copy(szbuf,
                                             h1_hbm.at[pl.ds(rr, RB), :],
                                             msem[2]))
                du2.wait()
                dz2.wait()
                pltpu.make_async_copy(szbuf, h0_hbm.at[pl.ds(rr, RB), :],
                                      msem[2]).wait()
                return carry2
            lax.fori_loop(0, nreal, scale_chunk, 0, unroll=False)
            plsc.subcore_barrier()
            return carry
        lax.fori_loop(0, K_HOPS, hop, 0, unroll=False)
        idx_wait(0, 0)
        idx_wait(1, 1)

        def out_chunk(c, carry):
            rr = r0 + c * RB
            per_core(
                lambda: pltpu.sync_copy(h0_hbm.at[pl.ds(rr, RB), :], szbuf),
                lambda: pltpu.sync_copy(h1_hbm.at[pl.ds(rr, RB), :], szbuf))
            def out_row(i, carry2):
                s = dsqb[pl.ds(c * RB + i, 16)][0]
                def out_f(f, carry3):
                    sl = pl.ds(f * 16, 16)
                    szbuf[i, sl] = szbuf[i, sl] * s
                    return carry3
                return lax.fori_loop(0, fpc // 16, out_f, carry2,
                                     unroll=False)
            lax.fori_loop(0, RB, out_row, 0, unroll=False)
            per_core(
                lambda: pltpu.sync_copy(szbuf, h0_hbm.at[pl.ds(rr, RB), :]),
                lambda: pltpu.sync_copy(szbuf, h1_hbm.at[pl.ds(rr, RB), :]))
            return carry
        lax.fori_loop(0, nreal, out_chunk, 0, unroll=False)

    return k(x0, x1, row2d, col2d)


def _matmul_tc(h0, h1, w, b2, *, n, d, c):
    bn = 400
    hd = d // 2

    def mm(h0_ref, h1_ref, w_ref, b_ref, o_ref):
        wv = w_ref[...]
        o_ref[...] = (
            jnp.dot(h0_ref[...], wv[:hd], preferred_element_type=jnp.float32)
            + jnp.dot(h1_ref[...], wv[hd:], preferred_element_type=jnp.float32)
            + b_ref[...])

    return pl.pallas_call(
        mm,
        grid=(n // bn,),
        in_specs=[
            pl.BlockSpec((bn, hd), lambda i: (i, 0)),
            pl.BlockSpec((bn, hd), lambda i: (i, 0)),
            pl.BlockSpec((d, c), lambda i: (0, 0)),
            pl.BlockSpec((1, c), lambda i: (0, 0)),
        ],
        out_specs=pl.BlockSpec((bn, c), lambda i: (i, 0)),
        out_shape=jax.ShapeDtypeStruct((n, c), jnp.float32),
    )(h0, h1, w, b2)


def kernel(x, edge_index, W, b):
    n, d = x.shape
    e = edge_index.shape[1]
    c = W.shape[1]

    cpb = -(-e // (NSUB * CH))
    cpb = -(-cpb // (2 * IC)) * (2 * IC)
    epad = cpb * NSUB * CH
    pad = jnp.full((epad - e,), n, dtype=jnp.int32)
    row2d = jnp.concatenate([edge_index[0], pad]).reshape(cpb * NSUB, CH)
    col2d = jnp.concatenate([edge_index[1], pad]).reshape(cpb * NSUB, CH)

    hd = d // 2
    h0, h1 = _ssgc_sc(x[:, :hd], x[:, hd:], row2d, col2d,
                      n=n, d=d, cpb=cpb)
    return _matmul_tc(h0, h1, W, b.reshape(1, c), n=n, d=d, c=c)

# --- scband reference (transcript-rebuilt; emitter-appended) ---
"""Pipeline reference for scband-ssgc-66073776882322 (READ-ONLY COPY).

The authoritative reference and input builder live on the scoring server;
editing this copy changes nothing except your own understanding.
"""

import jax, jax.numpy as jnp
import numpy as np

N = 10000
E = 320000
D = 128
C = 40
K = 10
ALPHA = 0.05


def setup_inputs(seed: int = 0) -> dict:
    key = jax.random.key(seed)
    k1, k2, k3 = jax.random.split(key, 3)
    x = jax.random.normal(k1, (N, D), dtype=jnp.float32)
    edge_index = jax.random.randint(k2, (2, E), 0, N, dtype=jnp.int32)
    W = jax.random.normal(k3, (D, C), dtype=jnp.float32) * (1.0 / np.sqrt(D))
    b = jnp.zeros((C,), dtype=jnp.float32)
    return {"x": x, "edge_index": edge_index, "W": W, "b": b}


def _gcn_norm(edge_index, n):
    # symmetric GCN normalization with self-loops (PyG gcn_norm default)
    row, col = edge_index[0], edge_index[1]
    loop = jnp.arange(n, dtype=edge_index.dtype)
    row = jnp.concatenate([row, loop])
    col = jnp.concatenate([col, loop])
    w = jnp.ones(row.shape[0], dtype=jnp.float32)
    deg = jax.ops.segment_sum(w, col, num_segments=n)
    dinv = jnp.where(deg > 0, 1.0 / jnp.sqrt(deg), 0.0)
    norm = dinv[row] * w * dinv[col]
    return row, col, norm


def reference(x, edge_index, W, b):
    # SSGConv: h = alpha*x + ((1-alpha)/K) * sum_{k=1..K} S^k x ; out = h @ W + b
    n = x.shape[0]
    row, col, norm = _gcn_norm(edge_index, n)
    h = x * ALPHA
    cur = x
    for _ in range(K):
        msgs = cur[row] * norm[:, None]          # gather + scale (memory-bound)
        cur = jax.ops.segment_sum(msgs, col, num_segments=n)  # scatter-add
        h = h + (1.0 - ALPHA) / K * cur
    return h @ W + b

if __name__ == "__main__":
    import jax
    _d = setup_inputs()
    print(jax.jit(kernel)(*tuple(_d.values())))

</pallas_src>

<mosaic_0001>
#map = affine_map<(d0, d1) -> (0, 0)>
module attributes {stable_mosaic.version = 14 : i64} {
  func.func @k(%arg0: i32, %arg1: i32, %arg2: memref<10000x64xf32, #tpu.memory_space<hbm>>, %arg3: memref<10000x64xf32, #tpu.memory_space<hbm>>, %arg4: memref<2560x128xi32, #tpu.memory_space<hbm>>, %arg5: memref<2560x128xi32, #tpu.memory_space<hbm>>, %arg6: memref<10000x64xf32, #tpu.memory_space<hbm>>, %arg7: memref<10000x64xf32, #tpu.memory_space<hbm>>, %arg8: memref<10080x64xf32, #tpu.memory_space<vmem_shared>>, %arg9: memref<10080x64xf32, #tpu.memory_space<vmem_shared>>, %arg10: memref<10240xf32, #tpu.memory_space<vmem_shared>>, %arg11: memref<16x128xi32, #tpu.memory_space<vmem>>, %arg12: memref<16x128xi32, #tpu.memory_space<vmem>>, %arg13: memref<16x128xi32, #tpu.memory_space<vmem>>, %arg14: memref<16x128xi32, #tpu.memory_space<vmem>>, %arg15: memref<128x64xf32, #tpu.memory_space<vmem>>, %arg16: memref<128x64xf32, #tpu.memory_space<vmem>>, %arg17: memref<80x64xf32, #tpu.memory_space<vmem>>, %arg18: memref<80x64xf32, #tpu.memory_space<vmem>>, %arg19: memref<80x64xf32, #tpu.memory_space<vmem>>, %arg20: memref<80x64xf32, #tpu.memory_space<vmem>>, %arg21: memref<128xf32, #tpu.memory_space<vmem>>, %arg22: memref<640xf32, #tpu.memory_space<vmem>>, %arg23: memref<656xf32, #tpu.memory_space<vmem>>, %arg24: memref<656xf32, #tpu.memory_space<vmem>>, %arg25: memref<656xf32, #tpu.memory_space<vmem>>, %arg26: memref<640xf32, #tpu.memory_space<vmem>>, %arg27: memref<!tpu.dma_semaphore, #tpu.memory_space<semaphore_mem>>, %arg28: memref<!tpu.dma_semaphore, #tpu.memory_space<semaphore_mem>>, %arg29: memref<!tpu.dma_semaphore, #tpu.memory_space<semaphore_mem>>, %arg30: memref<!tpu.dma_semaphore, #tpu.memory_space<semaphore_mem>>, %arg31: memref<!tpu.dma_semaphore, #tpu.memory_space<semaphore_mem>>, %arg32: memref<!tpu.dma_semaphore, #tpu.memory_space<semaphore_mem>>, %arg33: memref<!tpu.dma_semaphore, #tpu.memory_space<semaphore_mem>>, %arg34: memref<!tpu.dma_semaphore, #tpu.memory_space<semaphore_mem>>, %arg35: memref<!tpu.dma_semaphore, #tpu.memory_space<semaphore_mem>>, %arg36: memref<!tpu.dma_semaphore, #tpu.memory_space<semaphore_mem>>, %arg37: memref<!tpu.dma_semaphore, #tpu.memory_space<semaphore_mem>>) attributes {dimension_semantics = [#tpu.dimension_semantics<core_parallel>, #tpu.dimension_semantics<subcore_parallel>], iteration_bounds = array<i64: 2, 16>, scalar_prefetch = 0 : i64, scratch_operands = 30 : i64, tpu.core_type = #tpu.core_type<sc_vector_subcore>, window_params = [{transform_indices = #map}, {transform_indices = #map}, {transform_indices = #map}, {transform_indices = #map}, {transform_indices = #map}, {transform_indices = #map}]} {
    %mul3A = arith.constant 640 : i32
    %mul3A_0 = arith.muli %arg1, %mul3A : i32
    %mul3A_1 = arith.constant 160 : i32
    %mul3A_2 = arith.muli %arg1, %mul3A_1 : i32
    %mul3A_3 = arith.constant 8 : i32
    %mul3A_4 = arith.muli %arg1, %mul3A_3 : i32
    %sub3A = arith.constant 125 : i32
    %sub3A_5 = arith.subi %sub3A, %mul3A_4 : i32
    %max3A = arith.constant 0 : i32
    %max3A_6 = arith.maxsi %max3A, %sub3A_5 : i32
    %min3A = arith.constant 8 : i32
    %min3A_7 = arith.minsi %min3A, %max3A_6 : i32
    %mul3A_8 = arith.constant 8 : i32
    %mul3A_9 = arith.muli %arg1, %mul3A_8 : i32
    %sub3A_10 = arith.constant 126 : i32
    %sub3A_11 = arith.subi %sub3A_10, %mul3A_9 : i32
    %max3A_12 = arith.constant 0 : i32
    %max3A_13 = arith.maxsi %max3A_12, %sub3A_11 : i32
    %min3A_14 = arith.constant 8 : i32
    %min3A_15 = arith.minsi %min3A_14, %max3A_13 : i32
    %scan3A = arith.constant 0 : i32
    %scan3A_16 = arith.constant 0 : i32
    %scan3A_17 = arith.constant 80 : i32
    %scan3A_18 = arith.addi %scan3A_16, %scan3A_17 : i32
    %scan3A_19 = arith.constant 1 : i32
    scf.for %scan3A_127 = %scan3A_16 to %scan3A_18 step %scan3A_19  : i32 {
      %scan3A_128 = arith.constant 0 : i32
      %scan3A_129 = arith.constant 4 : i32
      %scan3A_130 = arith.addi %scan3A_128, %scan3A_129 : i32
      %scan3A_131 = arith.constant 1 : i32
      scf.for %scan3A_133 = %scan3A_128 to %scan3A_130 step %scan3A_131  : i32 {
        %broadcast_in_dim3A = arith.constant 0.000000e+00 : f32
        %broadcast_in_dim3A_134 = vector.broadcast %broadcast_in_dim3A : f32 to vector<16xf32>
        %mul3A_135 = arith.constant 16 : i32
        %mul3A_136 = arith.muli %scan3A_133, %mul3A_135 : i32
        %swap3A = arith.index_cast %scan3A_127 : i32 to index
        %swap3A_137 = arith.index_cast %mul3A_136 : i32 to index
        %swap3A_138 = tpu.vector_load %arg20[%swap3A, %swap3A_137] {strides = array<i32>} : memref<80x64xf32, #tpu.memory_space<vmem>>, vector<1x16xf32>,
        %swap3A_139 = vector.shape_cast %swap3A_138 : vector<1x16xf32> to vector<16xf32>
        %swap3A_140 = vector.shape_cast %broadcast_in_dim3A_134 : vector<16xf32> to vector<1x16xf32>
        tpu.vector_store %arg20[%swap3A, %swap3A_137], %swap3A_140 {strides = array<i32>} : memref<80x64xf32, #tpu.memory_space<vmem>>, vector<1x16xf32>,
      }
      %scan3A_132 = arith.constant 4 : i32
    }
    %scan3A_20 = arith.constant 80 : i32
    %scan3A_21 = arith.constant 0 : i32
    %scan3A_22 = arith.constant 0 : i32
    %scan3A_23 = arith.constant 8 : i32
    %scan3A_24 = arith.addi %scan3A_22, %scan3A_23 : i32
    %scan3A_25 = arith.constant 1 : i32
    scf.for %scan3A_127 = %scan3A_22 to %scan3A_24 step %scan3A_25  : i32 {
      %broadcast_in_dim3A = arith.constant 1.000000e+00 : f32
      %broadcast_in_dim3A_128 = vector.broadcast %broadcast_in_dim3A : f32 to vector<16xf32>
      %mul3A_129 = arith.constant 16 : i32
      %mul3A_130 = arith.muli %scan3A_127, %mul3A_129 : i32
      %swap3A = arith.index_cast %mul3A_130 : i32 to index
      %swap3A_131 = tpu.vector_load %arg21[%swap3A] {strides = array<i32>} : memref<128xf32, #tpu.memory_space<vmem>>, vector<16xf32>,
      %swap3A_132 = vector.shape_cast %swap3A_131 : vector<16xf32> to vector<16xf32>
      %swap3A_133 = vector.shape_cast %broadcast_in_dim3A_128 : vector<16xf32> to vector<16xf32>
      tpu.vector_store %arg21[%swap3A], %swap3A_133 {strides = array<i32>} : memref<128xf32, #tpu.memory_space<vmem>>, vector<16xf32>,
    }
    %scan3A_26 = arith.constant 8 : i32
    %scan3A_27 = arith.constant 0 : i32
    %scan3A_28 = arith.constant 0 : i32
    %scan3A_29 = arith.constant 40 : i32
    %scan3A_30 = arith.addi %scan3A_28, %scan3A_29 : i32
    %scan3A_31 = arith.constant 1 : i32
    scf.for %scan3A_127 = %scan3A_28 to %scan3A_30 step %scan3A_31  : i32 {
      %broadcast_in_dim3A = arith.constant 0.000000e+00 : f32
      %broadcast_in_dim3A_128 = vector.broadcast %broadcast_in_dim3A : f32 to vector<16xf32>
      %mul3A_129 = arith.constant 16 : i32
      %mul3A_130 = arith.muli %scan3A_127, %mul3A_129 : i32
      %swap3A = arith.index_cast %mul3A_130 : i32 to index
      %swap3A_131 = tpu.vector_load %arg26[%swap3A] {strides = array<i32>} : memref<640xf32, #tpu.memory_space<vmem>>, vector<16xf32>,
      %swap3A_132 = vector.shape_cast %swap3A_131 : vector<16xf32> to vector<16xf32>
      %swap3A_133 = vector.shape_cast %broadcast_in_dim3A_128 : vector<16xf32> to vector<16xf32>
      tpu.vector_store %arg26[%swap3A], %swap3A_133 {strides = array<i32>} : memref<640xf32, #tpu.memory_space<vmem>>, vector<16xf32>,
    }
    %scan3A_32 = arith.constant 40 : i32
    "tpu.region"() ({
      %run_scoped3A = tpu.sem_alloc : memref<!tpu.dma_semaphore, #tpu.memory_space<semaphore_mem>>
      %dma_start3A_127 = tpu.memref_slice %arg10[%mul3A_0] : memref<10240xf32, #tpu.memory_space<vmem_shared>> -> memref<640xf32, #tpu.memory_space<vmem_shared>>
      %dma_start3A_128 = tpu.memref_slice %arg10[%mul3A_0] : memref<10240xf32, #tpu.memory_space<vmem_shared>> -> memref<640xf32, #tpu.memory_space<vmem_shared>>
      tpu.enqueue_dma source(%arg26 : memref<640xf32, #tpu.memory_space<vmem>>) target(%dma_start3A_128 : memref<640xf32, #tpu.memory_space<vmem_shared>>) target_semaphore(%run_scoped3A : memref<!tpu.dma_semaphore, #tpu.memory_space<semaphore_mem>>)
      %dma_wait3A_129 = tpu.memref_slice %arg10[%mul3A_0] : memref<10240xf32, #tpu.memory_space<vmem_shared>> -> memref<640xf32, #tpu.memory_space<vmem_shared>>
      %dma_wait3A_130 = tpu.memref_slice %arg10[%mul3A_0] : memref<10240xf32, #tpu.memory_space<vmem_shared>> -> memref<640xf32, #tpu.memory_space<vmem_shared>>
      tpu.wait_dma2 semaphore(%run_scoped3A : memref<!tpu.dma_semaphore, #tpu.memory_space<semaphore_mem>>) src(%arg26 : memref<640xf32, #tpu.memory_space<vmem>>) dst(%dma_wait3A_130 : memref<640xf32, #tpu.memory_space<vmem_shared>>)
      tpu.yield
    }) : () -> ()
    %while3A = arith.constant 0 : i32
    %while3A_33 = arith.constant 0 : i32
    %while3A_34 = arith.subi %min3A_15, %while3A_33 : i32
    %while3A_35 = arith.addi %while3A_33, %while3A_34 : i32
    %while3A_36 = arith.constant 1 : i32
    %while3A_37 = arith.divsi %while3A_34, %while3A_36 : i32
    %while3A_38 = arith.muli %while3A_37, %while3A_36 : i32
    %while3A_39 = arith.addi %while3A_33, %while3A_38 : i32
    %while3A_40 = arith.constant 1 : i32
    scf.for %while3A_127 = %while3A_33 to %while3A_39 step %while3A_40  : i32 {
      %mul3A_128 = arith.constant 80 : i32
      %mul3A_129 = arith.muli %while3A_127, %mul3A_128 : i32
      %add3A_130 = arith.addi %mul3A_0, %mul3A_129 : i32
      "tpu.region"() ({
        %run_scoped3A = tpu.sem_alloc : memref<!tpu.dma_semaphore, #tpu.memory_space<semaphore_mem>>
        %dma_start3A_131 = arith.constant 0 : i32
        %dma_start3A_132 = tpu.memref_slice %arg9[%add3A_130, %dma_start3A_131] : memref<10080x64xf32, #tpu.memory_space<vmem_shared>> -> memref<80x64xf32, #tpu.memory_space<vmem_shared>>
        %dma_start3A_133 = arith.constant 0 : i32
        %dma_start3A_134 = tpu.memref_slice %arg9[%add3A_130, %dma_start3A_133] : memref<10080x64xf32, #tpu.memory_space<vmem_shared>> -> memref<80x64xf32, #tpu.memory_space<vmem_shared>>
        tpu.enqueue_dma source(%arg20 : memref<80x64xf32, #tpu.memory_space<vmem>>) target(%dma_start3A_134 : memref<80x64xf32, #tpu.memory_space<vmem_shared>>) target_semaphore(%run_scoped3A : memref<!tpu.dma_semaphore, #tpu.memory_space<semaphore_mem>>)
        %dma_wait3A_135 = arith.constant 0 : i32
        %dma_wait3A_136 = tpu.memref_slice %arg9[%add3A_130, %dma_wait3A_135] : memref<10080x64xf32, #tpu.memory_space<vmem_shared>> -> memref<80x64xf32, #tpu.memory_space<vmem_shared>>
        %dma_wait3A_137 = arith.constant 0 : i32
        %dma_wait3A_138 = tpu.memref_slice %arg9[%add3A_130, %dma_wait3A_137] : memref<10080x64xf32, #tpu.memory_space<vmem_shared>> -> memref<80x64xf32, #tpu.memory_space<vmem_shared>>
        tpu.wait_dma2 semaphore(%run_scoped3A : memref<!tpu.dma_semaphore, #tpu.memory_space<semaphore_mem>>) src(%arg20 : memref<80x64xf32, #tpu.memory_space<vmem>>) dst(%dma_wait3A_138 : memref<80x64xf32, #tpu.memory_space<vmem_shared>>)
        tpu.yield
      }) : () -> ()
      "tpu.region"() ({
        %run_scoped3A = tpu.sem_alloc : memref<!tpu.dma_semaphore, #tpu.memory_space<semaphore_mem>>
        %dma_start3A_131 = arith.constant 0 : i32
        %dma_start3A_132 = tpu.memref_slice %arg8[%add3A_130, %dma_start3A_131] : memref<10080x64xf32, #tpu.memory_space<vmem_shared>> -> memref<80x64xf32, #tpu.memory_space<vmem_shared>>
        %dma_start3A_133 = arith.constant 0 : i32
        %dma_start3A_134 = tpu.memref_slice %arg8[%add3A_130, %dma_start3A_133] : memref<10080x64xf32, #tpu.memory_space<vmem_shared>> -> memref<80x64xf32, #tpu.memory_space<vmem_shared>>
        tpu.enqueue_dma source(%arg20 : memref<80x64xf32, #tpu.memory_space<vmem>>) target(%dma_start3A_134 : memref<80x64xf32, #tpu.memory_space<vmem_shared>>) target_semaphore(%run_scoped3A : memref<!tpu.dma_semaphore, #tpu.memory_space<semaphore_mem>>)
        %dma_wait3A_135 = arith.constant 0 : i32
        %dma_wait3A_136 = tpu.memref_slice %arg8[%add3A_130, %dma_wait3A_135] : memref<10080x64xf32, #tpu.memory_space<vmem_shared>> -> memref<80x64xf32, #tpu.memory_space<vmem_shared>>
        %dma_wait3A_137 = arith.constant 0 : i32
        %dma_wait3A_138 = tpu.memref_slice %arg8[%add3A_130, %dma_wait3A_137] : memref<10080x64xf32, #tpu.memory_space<vmem_shared>> -> memref<80x64xf32, #tpu.memory_space<vmem_shared>>
        tpu.wait_dma2 semaphore(%run_scoped3A : memref<!tpu.dma_semaphore, #tpu.memory_space<semaphore_mem>>) src(%arg20 : memref<80x64xf32, #tpu.memory_space<vmem>>) dst(%dma_wait3A_138 : memref<80x64xf32, #tpu.memory_space<vmem_shared>>)
        tpu.yield
      }) : () -> ()
    }
    %while3A_41 = arith.constant 1 : i32
    scf.for %while3A_127 = %while3A_39 to %while3A_35 step %while3A_41  : i32 {
      %mul3A_128 = arith.constant 80 : i32
      %mul3A_129 = arith.muli %while3A_127, %mul3A_128 : i32
      %add3A_130 = arith.addi %mul3A_0, %mul3A_129 : i32
      "tpu.region"() ({
        %run_scoped3A = tpu.sem_alloc : memref<!tpu.dma_semaphore, #tpu.memory_space<semaphore_mem>>
        %dma_start3A_131 = arith.constant 0 : i32
        %dma_start3A_132 = tpu.memref_slice %arg9[%add3A_130, %dma_start3A_131] : memref<10080x64xf32, #tpu.memory_space<vmem_shared>> -> memref<80x64xf32, #tpu.memory_space<vmem_shared>>
        %dma_start3A_133 = arith.constant 0 : i32
        %dma_start3A_134 = tpu.memref_slice %arg9[%add3A_130, %dma_start3A_133] : memref<10080x64xf32, #tpu.memory_space<vmem_shared>> -> memref<80x64xf32, #tpu.memory_space<vmem_shared>>
        tpu.enqueue_dma source(%arg20 : memref<80x64xf32, #tpu.memory_space<vmem>>) target(%dma_start3A_134 : memref<80x64xf32, #tpu.memory_space<vmem_shared>>) target_semaphore(%run_scoped3A : memref<!tpu.dma_semaphore, #tpu.memory_space<semaphore_mem>>)
        %dma_wait3A_135 = arith.constant 0 : i32
        %dma_wait3A_136 = tpu.memref_slice %arg9[%add3A_130, %dma_wait3A_135] : memref<10080x64xf32, #tpu.memory_space<vmem_shared>> -> memref<80x64xf32, #tpu.memory_space<vmem_shared>>
        %dma_wait3A_137 = arith.constant 0 : i32
        %dma_wait3A_138 = tpu.memref_slice %arg9[%add3A_130, %dma_wait3A_137] : memref<10080x64xf32, #tpu.memory_space<vmem_shared>> -> memref<80x64xf32, #tpu.memory_space<vmem_shared>>
        tpu.wait_dma2 semaphore(%run_scoped3A : memref<!tpu.dma_semaphore, #tpu.memory_space<semaphore_mem>>) src(%arg20 : memref<80x64xf32, #tpu.memory_space<vmem>>) dst(%dma_wait3A_138 : memref<80x64xf32, #tpu.memory_space<vmem_shared>>)
        tpu.yield
      }) : () -> ()
      "tpu.region"() ({
        %run_scoped3A = tpu.sem_alloc : memref<!tpu.dma_semaphore, #tpu.memory_space<semaphore_mem>>
        %dma_start3A_131 = arith.constant 0 : i32
        %dma_start3A_132 = tpu.memref_slice %arg8[%add3A_130, %dma_start3A_131] : memref<10080x64xf32, #tpu.memory_space<vmem_shared>> -> memref<80x64xf32, #tpu.memory_space<vmem_shared>>
        %dma_start3A_133 = arith.constant 0 : i32
        %dma_start3A_134 = tpu.memref_slice %arg8[%add3A_130, %dma_start3A_133] : memref<10080x64xf32, #tpu.memory_space<vmem_shared>> -> memref<80x64xf32, #tpu.memory_space<vmem_shared>>
        tpu.enqueue_dma source(%arg20 : memref<80x64xf32, #tpu.memory_space<vmem>>) target(%dma_start3A_134 : memref<80x64xf32, #tpu.memory_space<vmem_shared>>) target_semaphore(%run_scoped3A : memref<!tpu.dma_semaphore, #tpu.memory_space<semaphore_mem>>)
        %dma_wait3A_135 = arith.constant 0 : i32
        %dma_wait3A_136 = tpu.memref_slice %arg8[%add3A_130, %dma_wait3A_135] : memref<10080x64xf32, #tpu.memory_space<vmem_shared>> -> memref<80x64xf32, #tpu.memory_space<vmem_shared>>
        %dma_wait3A_137 = arith.constant 0 : i32
        %dma_wait3A_138 = tpu.memref_slice %arg8[%add3A_130, %dma_wait3A_137] : memref<10080x64xf32, #tpu.memory_space<vmem_shared>> -> memref<80x64xf32, #tpu.memory_space<vmem_shared>>
        tpu.wait_dma2 semaphore(%run_scoped3A : memref<!tpu.dma_semaphore, #tpu.memory_space<semaphore_mem>>) src(%arg20 : memref<80x64xf32, #tpu.memory_space<vmem>>) dst(%dma_wait3A_138 : memref<80x64xf32, #tpu.memory_space<vmem_shared>>)
        tpu.yield
      }) : () -> ()
    }
    %barrier3A = arith.constant 0 : index
    tpu.barrier barrier_id(%barrier3A)
    %scan3A_42 = arith.constant 0 : i32
    %scan3A_43 = arith.constant 0 : i32
    %scan3A_44 = arith.constant 10 : i32
    %scan3A_45 = arith.addi %scan3A_43, %scan3A_44 : i32
    %scan3A_46 = arith.constant 1 : i32
    scf.for %scan3A_127 = %scan3A_43 to %scan3A_45 step %scan3A_46  : i32 {
      %mul3A_128 = arith.constant 16 : i32
      %mul3A_129 = arith.muli %scan3A_127, %mul3A_128 : i32
      %add3A_130 = arith.addi %mul3A_2, %mul3A_129 : i32
      "tpu.region"() ({
        %run_scoped3A = tpu.sem_alloc : memref<!tpu.dma_semaphore, #tpu.memory_space<semaphore_mem>>
        %dma_start3A_136 = arith.constant 0 : i32
        %dma_start3A_137 = tpu.memref_slice %arg5[%add3A_130, %dma_start3A_136] : memref<2560x128xi32, #tpu.memory_space<hbm>> -> memref<16x128xi32, #tpu.memory_space<hbm>>
        %dma_start3A_138 = arith.constant 0 : i32
        %dma_start3A_139 = tpu.memref_slice %arg5[%add3A_130, %dma_start3A_138] : memref<2560x128xi32, #tpu.memory_space<hbm>> -> memref<16x128xi32, #tpu.memory_space<hbm>>
        tpu.enqueue_dma source(%dma_start3A_139 : memref<16x128xi32, #tpu.memory_space<hbm>>) target(%arg12 : memref<16x128xi32, #tpu.memory_space<vmem>>) target_semaphore(%run_scoped3A : memref<!tpu.dma_semaphore, #tpu.memory_space<semaphore_mem>>)
        %dma_wait3A_140 = arith.constant 0 : i32
        %dma_wait3A_141 = tpu.memref_slice %arg5[%add3A_130, %dma_wait3A_140] : memref<2560x128xi32, #tpu.memory_space<hbm>> -> memref<16x128xi32, #tpu.memory_space<hbm>>
        %dma_wait3A_142 = arith.constant 0 : i32
        %dma_wait3A_143 = tpu.memref_slice %arg5[%add3A_130, %dma_wait3A_142] : memref<2560x128xi32, #tpu.memory_space<hbm>> -> memref<16x128xi32, #tpu.memory_space<hbm>>
        tpu.wait_dma2 semaphore(%run_scoped3A : memref<!tpu.dma_semaphore, #tpu.memory_space<semaphore_mem>>) src(%dma_wait3A_143 : memref<16x128xi32, #tpu.memory_space<hbm>>) dst(%arg12 : memref<16x128xi32, #tpu.memory_space<vmem>>)
        tpu.yield
      }) : () -> ()
      %scan3A_131 = arith.constant 0 : i32
      %scan3A_132 = arith.constant 16 : i32
      %scan3A_133 = arith.addi %scan3A_131, %scan3A_132 : i32
      %scan3A_134 = arith.constant 1 : i32
      scf.for %scan3A_136 = %scan3A_131 to %scan3A_133 step %scan3A_134  : i32 {
        "tpu.region"() ({
          %run_scoped3A = tpu.sem_alloc : memref<!tpu.dma_semaphore, #tpu.memory_space<semaphore_mem>>
          %dma_start3A_137 = arith.constant 0 : i32
          %dma_start3A_138 = tpu.memref_slice %arg12[%scan3A_136, %dma_start3A_137] : memref<16x128xi32, #tpu.memory_space<vmem>> -> memref<1x128xi32, #tpu.memory_space<vmem>>
          %dma_start3A_139 = tpu.memref_squeeze %dma_start3A_138 : memref<1x128xi32, #tpu.memory_space<vmem>> -> memref<128xi32, #tpu.memory_space<vmem>>
          %dma_start3A_140 = arith.constant 0 : i32
          %dma_start3A_141 = tpu.memref_slice %arg10[%dma_start3A_140] : memref<10240xf32, #tpu.memory_space<vmem_shared>> -> memref<10240xf32, #tpu.memory_space<vmem_shared>>
          tpu.enqueue_indirect_dma source(%arg21 : memref<128xf32, #tpu.memory_space<vmem>>) target(%dma_start3A_141 : memref<10240xf32, #tpu.memory_space<vmem_shared>>) offsets(%dma_start3A_139 : memref<128xi32, #tpu.memory_space<vmem>>) semaphore(%run_scoped3A : memref<!tpu.dma_semaphore, #tpu.memory_space<semaphore_mem>>) {add = true}
          %dma_wait3A_142 = arith.constant 0 : i32
          %dma_wait3A_143 = tpu.memref_slice %arg12[%scan3A_136, %dma_wait3A_142] : memref<16x128xi32, #tpu.memory_space<vmem>> -> memref<1x128xi32, #tpu.memory_space<vmem>>
          %dma_wait3A_144 = tpu.memref_squeeze %dma_wait3A_143 : memref<1x128xi32, #tpu.memory_space<vmem>> -> memref<128xi32, #tpu.memory_space<vmem>>
          %dma_wait3A_145 = arith.constant 0 : i32
          %dma_wait3A_146 = tpu.memref_slice %arg10[%dma_wait3A_145] : memref<10240xf32, #tpu.memory_space<vmem_shared>> -> memref<10240xf32, #tpu.memory_space<vmem_shared>>
          tpu.wait_indirect_dma semaphore(%run_scoped3A : memref<!tpu.dma_semaphore, #tpu.memory_space<semaphore_mem>>) src(%arg21 : memref<128xf32, #tpu.memory_space<vmem>>) dst(%dma_wait3A_146 : memref<10240xf32, #tpu.memory_space<vmem_shared>>)
          tpu.yield
        }) : () -> ()
      }
      %scan3A_135 = arith.constant 16 : i32
    }
    %scan3A_47 = arith.constant 10 : i32
    %barrier3A_48 = arith.constant 0 : index
    tpu.barrier barrier_id(%barrier3A_48)
    "tpu.region"() ({
      %run_scoped3A = tpu.sem_alloc : memref<!tpu.dma_semaphore, #tpu.memory_space<semaphore_mem>>
      %dma_start3A_127 = tpu.memref_slice %arg10[%mul3A_0] : memref<10240xf32, #tpu.memory_space<vmem_shared>> -> memref<640xf32, #tpu.memory_space<vmem_shared>>
      %dma_start3A_128 = tpu.memref_slice %arg10[%mul3A_0] : memref<10240xf32, #tpu.memory_space<vmem_shared>> -> memref<640xf32, #tpu.memory_space<vmem_shared>>
      tpu.enqueue_dma source(%dma_start3A_128 : memref<640xf32, #tpu.memory_space<vmem_shared>>) target(%arg22 : memref<640xf32, #tpu.memory_space<vmem>>) target_semaphore(%run_scoped3A : memref<!tpu.dma_semaphore, #tpu.memory_space<semaphore_mem>>)
      %dma_wait3A_129 = tpu.memref_slice %arg10[%mul3A_0] : memref<10240xf32, #tpu.memory_space<vmem_shared>> -> memref<640xf32, #tpu.memory_space<vmem_shared>>
      %dma_wait3A_130 = tpu.memref_slice %arg10[%mul3A_0] : memref<10240xf32, #tpu.memory_space<vmem_shared>> -> memref<640xf32, #tpu.memory_space<vmem_shared>>
      tpu.wait_dma2 semaphore(%run_scoped3A : memref<!tpu.dma_semaphore, #tpu.memory_space<semaphore_mem>>) src(%dma_wait3A_130 : memref<640xf32, #tpu.memory_space<vmem_shared>>) dst(%arg22 : memref<640xf32, #tpu.memory_space<vmem>>)
      tpu.yield
    }) : () -> ()
    %scan3A_49 = arith.constant 0 : i32
    %scan3A_50 = arith.constant 0 : i32
    %scan3A_51 = arith.constant 40 : i32
    %scan3A_52 = arith.addi %scan3A_50, %scan3A_51 : i32
    %scan3A_53 = arith.constant 1 : i32
    scf.for %scan3A_127 = %scan3A_50 to %scan3A_52 step %scan3A_53  : i32 {
      %mul3A_128 = arith.constant 16 : i32
      %mul3A_129 = arith.muli %scan3A_127, %mul3A_128 : i32
      %get3A = arith.index_cast %mul3A_129 : i32 to index
      %get3A_130 = tpu.vector_load %arg22[%get3A] {strides = array<i32>} : memref<640xf32, #tpu.memory_space<vmem>>, vector<16xf32>,
      %get3A_131 = vector.shape_cast %get3A_130 : vector<16xf32> to vector<16xf32>
      %broadcast_in_dim3A = arith.constant 1.000000e+00 : f32
      %broadcast_in_dim3A_132 = vector.broadcast %broadcast_in_dim3A : f32 to vector<16xf32>
      %add3A_133 = arith.addf %get3A_131, %broadcast_in_dim3A_132 : vector<16xf32>
      %bitcast_convert_type3A = tpu.bitcast %add3A_133 : vector<16xf32> -> vector<16xi32>
      %shift_right_arithmetic3A = arith.constant 1 : i32
      %shift_right_arithmetic3A_134 = vector.broadcast %shift_right_arithmetic3A : i32 to vector<16xi32>
      %shift_right_arithmetic3A_135 = arith.shrsi %bitcast_convert_type3A, %shift_right_arithmetic3A_134 : vector<16xi32>
      %sub3A_136 = arith.constant 1597463007 : i32
      %sub3A_137 = vector.broadcast %sub3A_136 : i32 to vector<16xi32>
      %sub3A_138 = arith.subi %sub3A_137, %shift_right_arithmetic3A_135 : vector<16xi32>
      %bitcast_convert_type3A_139 = tpu.bitcast %sub3A_138 : vector<16xi32> -> vector<16xf32>
      %broadcast_in_dim3A_140 = arith.constant 5.000000e-01 : f32
      %broadcast_in_dim3A_141 = vector.broadcast %broadcast_in_dim3A_140 : f32 to vector<16xf32>
      %mul3A_142 = arith.mulf %add3A_133, %broadcast_in_dim3A_141 : vector<16xf32>
      %broadcast_in_dim3A_143 = arith.constant 1.500000e+00 : f32
      %broadcast_in_dim3A_144 = vector.broadcast %broadcast_in_dim3A_143 : f32 to vector<16xf32>
      %mul3A_145 = arith.mulf %mul3A_142, %bitcast_convert_type3A_139 : vector<16xf32>
      %mul3A_146 = arith.mulf %mul3A_145, %bitcast_convert_type3A_139 : vector<16xf32>
      %sub3A_147 = arith.subf %broadcast_in_dim3A_144, %mul3A_146 : vector<16xf32>
      %mul3A_148 = arith.mulf %bitcast_convert_type3A_139, %sub3A_147 : vector<16xf32>
      %broadcast_in_dim3A_149 = arith.constant 1.500000e+00 : f32
      %broadcast_in_dim3A_150 = vector.broadcast %broadcast_in_dim3A_149 : f32 to vector<16xf32>
      %mul3A_151 = arith.mulf %mul3A_142, %mul3A_148 : vector<16xf32>
      %mul3A_152 = arith.mulf %mul3A_151, %mul3A_148 : vector<16xf32>
      %sub3A_153 = arith.subf %broadcast_in_dim3A_150, %mul3A_152 : vector<16xf32>
      %mul3A_154 = arith.mulf %mul3A_148, %sub3A_153 : vector<16xf32>
      %broadcast_in_dim3A_155 = arith.constant 1.500000e+00 : f32
      %broadcast_in_dim3A_156 = vector.broadcast %broadcast_in_dim3A_155 : f32 to vector<16xf32>
      %mul3A_157 = arith.mulf %mul3A_142, %mul3A_154 : vector<16xf32>
      %mul3A_158 = arith.mulf %mul3A_157, %mul3A_154 : vector<16xf32>
      %sub3A_159 = arith.subf %broadcast_in_dim3A_156, %mul3A_158 : vector<16xf32>
      %mul3A_160 = arith.mulf %mul3A_154, %sub3A_159 : vector<16xf32>
      %mul3A_161 = arith.constant 16 : i32
      %mul3A_162 = arith.muli %scan3A_127, %mul3A_161 : i32
      %swap3A = arith.index_cast %mul3A_162 : i32 to index
      %swap3A_163 = tpu.vector_load %arg23[%swap3A] {strides = array<i32>} : memref<656xf32, #tpu.memory_space<vmem>>, vector<16xf32>,
      %swap3A_164 = vector.shape_cast %swap3A_163 : vector<16xf32> to vector<16xf32>
      %swap3A_165 = vector.shape_cast %mul3A_160 : vector<16xf32> to vector<16xf32>
      tpu.vector_store %arg23[%swap3A], %swap3A_165 {strides = array<i32>} : memref<656xf32, #tpu.memory_space<vmem>>, vector<16xf32>,
      %broadcast_in_dim3A_166 = arith.constant 1.000000e+00 : f32
      %broadcast_in_dim3A_167 = vector.broadcast %broadcast_in_dim3A_166 : f32 to vector<16xf32>
      %div3A = arith.divf %broadcast_in_dim3A_167, %add3A_133 : vector<16xf32>
      %mul3A_168 = arith.constant 16 : i32
      %mul3A_169 = arith.muli %scan3A_127, %mul3A_168 : i32
      %swap3A_170 = arith.index_cast %mul3A_169 : i32 to index
      %swap3A_171 = tpu.vector_load %arg24[%swap3A_170] {strides = array<i32>} : memref<656xf32, #tpu.memory_space<vmem>>, vector<16xf32>,
      %swap3A_172 = vector.shape_cast %swap3A_171 : vector<16xf32> to vector<16xf32>
      %swap3A_173 = vector.shape_cast %div3A : vector<16xf32> to vector<16xf32>
      tpu.vector_store %arg24[%swap3A_170], %swap3A_173 {strides = array<i32>} : memref<656xf32, #tpu.memory_space<vmem>>, vector<16xf32>,
      %mul3A_174 = arith.mulf %add3A_133, %mul3A_160 : vector<16xf32>
      %broadcast_in_dim3A_175 = arith.constant 0.0949999988 : f32
      %broadcast_in_dim3A_176 = vector.broadcast %broadcast_in_dim3A_175 : f32 to vector<16xf32>
      %mul3A_177 = arith.mulf %mul3A_174, %broadcast_in_dim3A_176 : vector<16xf32>
      %mul3A_178 = arith.constant 16 : i32
      %mul3A_179 = arith.muli %scan3A_127, %mul3A_178 : i32
      %swap3A_180 = arith.index_cast %mul3A_179 : i32 to index
      %swap3A_181 = tpu.vector_load %arg25[%swap3A_180] {strides = array<i32>} : memref<656xf32, #tpu.memory_space<vmem>>, vector<16xf32>,
      %swap3A_182 = vector.shape_cast %swap3A_181 : vector<16xf32> to vector<16xf32>
      %swap3A_183 = vector.shape_cast %mul3A_177 : vector<16xf32> to vector<16xf32>
      tpu.vector_store %arg25[%swap3A_180], %swap3A_183 {strides = array<i32>} : memref<656xf32, #tpu.memory_space<vmem>>, vector<16xf32>,
    }
    %scan3A_54 = arith.constant 40 : i32
    %while3A_55 = arith.constant 0 : i32
    %while3A_56 = arith.constant 0 : i32
    %while3A_57 = arith.subi %min3A_7, %while3A_56 : i32
    %while3A_58 = arith.addi %while3A_56, %while3A_57 : i32
    %while3A_59 = arith.constant 1 : i32
    %while3A_60 = arith.divsi %while3A_57, %while3A_59 : i32
    %while3A_61 = arith.muli %while3A_60, %while3A_59 : i32
    %while3A_62 = arith.addi %while3A_56, %while3A_61 : i32
    %while3A_63 = arith.constant 1 : i32
    scf.for %while3A_127 = %while3A_56 to %while3A_62 step %while3A_63  : i32 {
      %mul3A_128 = arith.constant 80 : i32
      %mul3A_129 = arith.muli %while3A_127, %mul3A_128 : i32
      %add3A_130 = arith.addi %mul3A_0, %mul3A_129 : i32
      %eq3A = arith.constant 0 : i32
      %eq3A_131 = arith.cmpi eq, %arg0, %eq3A : i32
      %convert_element_type3A = arith.extui %eq3A_131 : i1 to i32
      %cond3A = arith.constant 0 : i32
      %cond3A_132 = arith.cmpi ne, %convert_element_type3A, %cond3A : i32
      scf.if %cond3A_132 {
        "tpu.region"() ({
          %run_scoped3A = tpu.sem_alloc : memref<!tpu.dma_semaphore, #tpu.memory_space<semaphore_mem>>
          %dma_start3A_154 = arith.constant 0 : i32
          %dma_start3A_155 = tpu.memref_slice %arg2[%add3A_130, %dma_start3A_154] : memref<10000x64xf32, #tpu.memory_space<hbm>> -> memref<80x64xf32, #tpu.memory_space<hbm>>
          %dma_start3A_156 = arith.constant 0 : i32
          %dma_start3A_157 = tpu.memref_slice %arg2[%add3A_130, %dma_start3A_156] : memref<10000x64xf32, #tpu.memory_space<hbm>> -> memref<80x64xf32, #tpu.memory_space<hbm>>
          tpu.enqueue_dma source(%dma_start3A_157 : memref<80x64xf32, #tpu.memory_space<hbm>>) target(%arg18 : memref<80x64xf32, #tpu.memory_space<vmem>>) target_semaphore(%run_scoped3A : memref<!tpu.dma_semaphore, #tpu.memory_space<semaphore_mem>>)
          %dma_wait3A_158 = arith.constant 0 : i32
          %dma_wait3A_159 = tpu.memref_slice %arg2[%add3A_130, %dma_wait3A_158] : memref<10000x64xf32, #tpu.memory_space<hbm>> -> memref<80x64xf32, #tpu.memory_space<hbm>>
          %dma_wait3A_160 = arith.constant 0 : i32
          %dma_wait3A_161 = tpu.memref_slice %arg2[%add3A_130, %dma_wait3A_160] : memref<10000x64xf32, #tpu.memory_space<hbm>> -> memref<80x64xf32, #tpu.memory_space<hbm>>
          tpu.wait_dma2 semaphore(%run_scoped3A : memref<!tpu.dma_semaphore, #tpu.memory_space<semaphore_mem>>) src(%dma_wait3A_161 : memref<80x64xf32, #tpu.memory_space<hbm>>) dst(%arg18 : memref<80x64xf32, #tpu.memory_space<vmem>>)
          tpu.yield
        }) : () -> ()
      } else {
      }
      %eq3A_133 = arith.constant 1 : i32
      %eq3A_134 = arith.cmpi eq, %arg0, %eq3A_133 : i32
      %convert_element_type3A_135 = arith.extui %eq3A_134 : i1 to i32
      %cond3A_136 = arith.constant 0 : i32
      %cond3A_137 = arith.cmpi ne, %convert_element_type3A_135, %cond3A_136 : i32
      scf.if %cond3A_137 {
        "tpu.region"() ({
          %run_scoped3A = tpu.sem_alloc : memref<!tpu.dma_semaphore, #tpu.memory_space<semaphore_mem>>
          %dma_start3A_154 = arith.constant 0 : i32
          %dma_start3A_155 = tpu.memref_slice %arg3[%add3A_130, %dma_start3A_154] : memref<10000x64xf32, #tpu.memory_space<hbm>> -> memref<80x64xf32, #tpu.memory_space<hbm>>
          %dma_start3A_156 = arith.constant 0 : i32
          %dma_start3A_157 = tpu.memref_slice %arg3[%add3A_130, %dma_start3A_156] : memref<10000x64xf32, #tpu.memory_space<hbm>> -> memref<80x64xf32, #tpu.memory_space<hbm>>
          tpu.enqueue_dma source(%dma_start3A_157 : memref<80x64xf32, #tpu.memory_space<hbm>>) target(%arg18 : memref<80x64xf32, #tpu.memory_space<vmem>>) target_semaphore(%run_scoped3A : memref<!tpu.dma_semaphore, #tpu.memory_space<semaphore_mem>>)
          %dma_wait3A_158 = arith.constant 0 : i32
          %dma_wait3A_159 = tpu.memref_slice %arg3[%add3A_130, %dma_wait3A_158] : memref<10000x64xf32, #tpu.memory_space<hbm>> -> memref<80x64xf32, #tpu.memory_space<hbm>>
          %dma_wait3A_160 = arith.constant 0 : i32
          %dma_wait3A_161 = tpu.memref_slice %arg3[%add3A_130, %dma_wait3A_160] : memref<10000x64xf32, #tpu.memory_space<hbm>> -> memref<80x64xf32, #tpu.memory_space<hbm>>
          tpu.wait_dma2 semaphore(%run_scoped3A : memref<!tpu.dma_semaphore, #tpu.memory_space<semaphore_mem>>) src(%dma_wait3A_161 : memref<80x64xf32, #tpu.memory_space<hbm>>) dst(%arg18 : memref<80x64xf32, #tpu.memory_space<vmem>>)
          tpu.yield
        }) : () -> ()
      } else {
      }
      %scan3A_138 = arith.constant 0 : i32
      %scan3A_139 = arith.constant 0 : i32
      %scan3A_140 = arith.constant 80 : i32
      %scan3A_141 = arith.addi %scan3A_139, %scan3A_140 : i32
      %scan3A_142 = arith.constant 1 : i32
      scf.for %scan3A_154 = %scan3A_139 to %scan3A_141 step %scan3A_142  : i32 {
        %mul3A_155 = arith.constant 80 : i32
        %mul3A_156 = arith.muli %while3A_127, %mul3A_155 : i32
        %add3A_157 = arith.addi %mul3A_156, %scan3A_154 : i32
        %get3A = arith.index_cast %add3A_157 : i32 to index
        %get3A_158 = tpu.vector_load %arg23[%get3A] {strides = array<i32>} : memref<656xf32, #tpu.memory_space<vmem>>, vector<16xf32>,
        %get3A_159 = vector.shape_cast %get3A_158 : vector<16xf32> to vector<16xf32>
        %slice3A = vector.extract_strided_slice %get3A_159 {offsets = [0], sizes = [1], strides = [1]} : vector<16xf32> to vector<1xf32>
        %squeeze3A = vector.extract %slice3A[0] : f32 from vector<1xf32>
        %scan3A_160 = arith.constant 0 : i32
        %scan3A_161 = arith.constant 4 : i32
        %scan3A_162 = arith.addi %scan3A_160, %scan3A_161 : i32
        %scan3A_163 = arith.constant 1 : i32
        scf.for %scan3A_165 = %scan3A_160 to %scan3A_162 step %scan3A_163  : i32 {
          %mul3A_166 = arith.constant 16 : i32
          %mul3A_167 = arith.muli %scan3A_165, %mul3A_166 : i32
          %get3A_168 = arith.index_cast %scan3A_154 : i32 to index
          %get3A_169 = arith.index_cast %mul3A_167 : i32 to index
          %get3A_170 = tpu.vector_load %arg18[%get3A_168, %get3A_169] {strides = array<i32>} : memref<80x64xf32, #tpu.memory_space<vmem>>, vector<1x16xf32>,
          %get3A_171 = vector.shape_cast %get3A_170 : vector<1x16xf32> to vector<16xf32>
          %mul3A_172 = vector.broadcast %squeeze3A : f32 to vector<16xf32>
          %mul3A_173 = arith.mulf %get3A_171, %mul3A_172 : vector<16xf32>
          %swap3A = arith.index_cast %scan3A_154 : i32 to index
          %swap3A_174 = arith.index_cast %mul3A_167 : i32 to index
          %swap3A_175 = tpu.vector_load %arg18[%swap3A, %swap3A_174] {strides = array<i32>} : memref<80x64xf32, #tpu.memory_space<vmem>>, vector<1x16xf32>,
          %swap3A_176 = vector.shape_cast %swap3A_175 : vector<1x16xf32> to vector<16xf32>
          %swap3A_177 = vector.shape_cast %mul3A_173 : vector<16xf32> to vector<1x16xf32>
          tpu.vector_store %arg18[%swap3A, %swap3A_174], %swap3A_177 {strides = array<i32>} : memref<80x64xf32, #tpu.memory_space<vmem>>, vector<1x16xf32>,
          %mul3A_178 = arith.constant 0.526315808 : f32
          %mul3A_179 = vector.broadcast %mul3A_178 : f32 to vector<16xf32>
          %mul3A_180 = arith.mulf %mul3A_173, %mul3A_179 : vector<16xf32>
          %swap3A_181 = arith.index_cast %scan3A_154 : i32 to index
          %swap3A_182 = arith.index_cast %mul3A_167 : i32 to index
          %swap3A_183 = tpu.vector_load %arg19[%swap3A_181, %swap3A_182] {strides = array<i32>} : memref<80x64xf32, #tpu.memory_space<vmem>>, vector<1x16xf32>,
          %swap3A_184 = vector.shape_cast %swap3A_183 : vector<1x16xf32> to vector<16xf32>
          %swap3A_185 = vector.shape_cast %mul3A_180 : vector<16xf32> to vector<1x16xf32>
          tpu.vector_store %arg19[%swap3A_181, %swap3A_182], %swap3A_185 {strides = array<i32>} : memref<80x64xf32, #tpu.memory_space<vmem>>, vector<1x16xf32>,
        }
        %scan3A_164 = arith.constant 4 : i32
      }
      %scan3A_143 = arith.constant 80 : i32
      "tpu.region"() ({
        %run_scoped3A = tpu.sem_alloc : memref<!tpu.dma_semaphore, #tpu.memory_space<semaphore_mem>>
        %dma_start3A_154 = arith.constant 0 : i32
        %dma_start3A_155 = tpu.memref_slice %arg8[%add3A_130, %dma_start3A_154] : memref<10080x64xf32, #tpu.memory_space<vmem_shared>> -> memref<80x64xf32, #tpu.memory_space<vmem_shared>>
        %dma_start3A_156 = arith.constant 0 : i32
        %dma_start3A_157 = tpu.memref_slice %arg8[%add3A_130, %dma_start3A_156] : memref<10080x64xf32, #tpu.memory_space<vmem_shared>> -> memref<80x64xf32, #tpu.memory_space<vmem_shared>>
        tpu.enqueue_dma source(%arg18 : memref<80x64xf32, #tpu.memory_space<vmem>>) target(%dma_start3A_157 : memref<80x64xf32, #tpu.memory_space<vmem_shared>>) target_semaphore(%run_scoped3A : memref<!tpu.dma_semaphore, #tpu.memory_space<semaphore_mem>>)
        %dma_wait3A_158 = arith.constant 0 : i32
        %dma_wait3A_159 = tpu.memref_slice %arg8[%add3A_130, %dma_wait3A_158] : memref<10080x64xf32, #tpu.memory_space<vmem_shared>> -> memref<80x64xf32, #tpu.memory_space<vmem_shared>>
        %dma_wait3A_160 = arith.constant 0 : i32
        %dma_wait3A_161 = tpu.memref_slice %arg8[%add3A_130, %dma_wait3A_160] : memref<10080x64xf32, #tpu.memory_space<vmem_shared>> -> memref<80x64xf32, #tpu.memory_space<vmem_shared>>
        tpu.wait_dma2 semaphore(%run_scoped3A : memref<!tpu.dma_semaphore, #tpu.memory_space<semaphore_mem>>) src(%arg18 : memref<80x64xf32, #tpu.memory_space<vmem>>) dst(%dma_wait3A_161 : memref<80x64xf32, #tpu.memory_space<vmem_shared>>)
        tpu.yield
      }) : () -> ()
      %eq3A_144 = arith.constant 0 : i32
      %eq3A_145 = arith.cmpi eq, %arg0, %eq3A_144 : i32
      %convert_element_type3A_146 = arith.extui %eq3A_145 : i1 to i32
      %cond3A_147 = arith.constant 0 : i32
      %cond3A_148 = arith.cmpi ne, %convert_element_type3A_146, %cond3A_147 : i32
      scf.if %cond3A_148 {
        "tpu.region"() ({
          %run_scoped3A = tpu.sem_alloc : memref<!tpu.dma_semaphore, #tpu.memory_space<semaphore_mem>>
          %dma_start3A_154 = arith.constant 0 : i32
          %dma_start3A_155 = tpu.memref_slice %arg6[%add3A_130, %dma_start3A_154] : memref<10000x64xf32, #tpu.memory_space<hbm>> -> memref<80x64xf32, #tpu.memory_space<hbm>>
          %dma_start3A_156 = arith.constant 0 : i32
          %dma_start3A_157 = tpu.memref_slice %arg6[%add3A_130, %dma_start3A_156] : memref<10000x64xf32, #tpu.memory_space<hbm>> -> memref<80x64xf32, #tpu.memory_space<hbm>>
          tpu.enqueue_dma source(%arg19 : memref<80x64xf32, #tpu.memory_space<vmem>>) target(%dma_start3A_157 : memref<80x64xf32, #tpu.memory_space<hbm>>) target_semaphore(%run_scoped3A : memref<!tpu.dma_semaphore, #tpu.memory_space<semaphore_mem>>)
          %dma_wait3A_158 = arith.constant 0 : i32
          %dma_wait3A_159 = tpu.memref_slice %arg6[%add3A_130, %dma_wait3A_158] : memref<10000x64xf32, #tpu.memory_space<hbm>> -> memref<80x64xf32, #tpu.memory_space<hbm>>
          %dma_wait3A_160 = arith.constant 0 : i32
          %dma_wait3A_161 = tpu.memref_slice %arg6[%add3A_130, %dma_wait3A_160] : memref<10000x64xf32, #tpu.memory_space<hbm>> -> memref<80x64xf32, #tpu.memory_space<hbm>>
          tpu.wait_dma2 semaphore(%run_scoped3A : memref<!tpu.dma_semaphore, #tpu.memory_space<semaphore_mem>>) src(%arg19 : memref<80x64xf32, #tpu.memory_space<vmem>>) dst(%dma_wait3A_161 : memref<80x64xf32, #tpu.memory_space<hbm>>)
          tpu.yield
        }) : () -> ()
      } else {
      }
      %eq3A_149 = arith.constant 1 : i32
      %eq3A_150 = arith.cmpi eq, %arg0, %eq3A_149 : i32
      %convert_element_type3A_151 = arith.extui %eq3A_150 : i1 to i32
      %cond3A_152 = arith.constant 0 : i32
      %cond3A_153 = arith.cmpi ne, %convert_element_type3A_151, %cond3A_152 : i32
      scf.if %cond3A_153 {
        "tpu.region"() ({
          %run_scoped3A = tpu.sem_alloc : memref<!tpu.dma_semaphore, #tpu.memory_space<semaphore_mem>>
          %dma_start3A_154 = arith.constant 0 : i32
          %dma_start3A_155 = tpu.memref_slice %arg7[%add3A_130, %dma_start3A_154] : memref<10000x64xf32, #tpu.memory_space<hbm>> -> memref<80x64xf32, #tpu.memory_space<hbm>>
          %dma_start3A_156 = arith.constant 0 : i32
          %dma_start3A_157 = tpu.memref_slice %arg7[%add3A_130, %dma_start3A_156] : memref<10000x64xf32, #tpu.memory_space<hbm>> -> memref<80x64xf32, #tpu.memory_space<hbm>>
          tpu.enqueue_dma source(%arg19 : memref<80x64xf32, #tpu.memory_space<vmem>>) target(%dma_start3A_157 : memref<80x64xf32, #tpu.memory_space<hbm>>) target_semaphore(%run_scoped3A : memref<!tpu.dma_semaphore, #tpu.memory_space<semaphore_mem>>)
          %dma_wait3A_158 = arith.constant 0 : i32
          %dma_wait3A_159 = tpu.memref_slice %arg7[%add3A_130, %dma_wait3A_158] : memref<10000x64xf32, #tpu.memory_space<hbm>> -> memref<80x64xf32, #tpu.memory_space<hbm>>
          %dma_wait3A_160 = arith.constant 0 : i32
          %dma_wait3A_161 = tpu.memref_slice %arg7[%add3A_130, %dma_wait3A_160] : memref<10000x64xf32, #tpu.memory_space<hbm>> -> memref<80x64xf32, #tpu.memory_space<hbm>>
          tpu.wait_dma2 semaphore(%run_scoped3A : memref<!tpu.dma_semaphore, #tpu.memory_space<semaphore_mem>>) src(%arg19 : memref<80x64xf32, #tpu.memory_space<vmem>>) dst(%dma_wait3A_161 : memref<80x64xf32, #tpu.memory_space<hbm>>)
          tpu.yield
        }) : () -> ()
      } else {
      }
    }
    %while3A_64 = arith.constant 1 : i32
    scf.for %while3A_127 = %while3A_62 to %while3A_58 step %while3A_64  : i32 {
      %mul3A_128 = arith.constant 80 : i32
      %mul3A_129 = arith.muli %while3A_127, %mul3A_128 : i32
      %add3A_130 = arith.addi %mul3A_0, %mul3A_129 : i32
      %eq3A = arith.constant 0 : i32
      %eq3A_131 = arith.cmpi eq, %arg0, %eq3A : i32
      %convert_element_type3A = arith.extui %eq3A_131 : i1 to i32
      %cond3A = arith.constant 0 : i32
      %cond3A_132 = arith.cmpi ne, %convert_element_type3A, %cond3A : i32
      scf.if %cond3A_132 {
        "tpu.region"() ({
          %run_scoped3A = tpu.sem_alloc : memref<!tpu.dma_semaphore, #tpu.memory_space<semaphore_mem>>
          %dma_start3A_154 = arith.constant 0 : i32
          %dma_start3A_155 = tpu.memref_slice %arg2[%add3A_130, %dma_start3A_154] : memref<10000x64xf32, #tpu.memory_space<hbm>> -> memref<80x64xf32, #tpu.memory_space<hbm>>
          %dma_start3A_156 = arith.constant 0 : i32
          %dma_start3A_157 = tpu.memref_slice %arg2[%add3A_130, %dma_start3A_156] : memref<10000x64xf32, #tpu.memory_space<hbm>> -> memref<80x64xf32, #tpu.memory_space<hbm>>
          tpu.enqueue_dma source(%dma_start3A_157 : memref<80x64xf32, #tpu.memory_space<hbm>>) target(%arg18 : memref<80x64xf32, #tpu.memory_space<vmem>>) target_semaphore(%run_scoped3A : memref<!tpu.dma_semaphore, #tpu.memory_space<semaphore_mem>>)
          %dma_wait3A_158 = arith.constant 0 : i32
          %dma_wait3A_159 = tpu.memref_slice %arg2[%add3A_130, %dma_wait3A_158] : memref<10000x64xf32, #tpu.memory_space<hbm>> -> memref<80x64xf32, #tpu.memory_space<hbm>>
          %dma_wait3A_160 = arith.constant 0 : i32
          %dma_wait3A_161 = tpu.memref_slice %arg2[%add3A_130, %dma_wait3A_160] : memref<10000x64xf32, #tpu.memory_space<hbm>> -> memref<80x64xf32, #tpu.memory_space<hbm>>
          tpu.wait_dma2 semaphore(%run_scoped3A : memref<!tpu.dma_semaphore, #tpu.memory_space<semaphore_mem>>) src(%dma_wait3A_161 : memref<80x64xf32, #tpu.memory_space<hbm>>) dst(%arg18 : memref<80x64xf32, #tpu.memory_space<vmem>>)
          tpu.yield
        }) : () -> ()
      } else {
      }
      %eq3A_133 = arith.constant 1 : i32
      %eq3A_134 = arith.cmpi eq, %arg0, %eq3A_133 : i32
      %convert_element_type3A_135 = arith.extui %eq3A_134 : i1 to i32
      %cond3A_136 = arith.constant 0 : i32
      %cond3A_137 = arith.cmpi ne, %convert_element_type3A_135, %cond3A_136 : i32
      scf.if %cond3A_137 {
        "tpu.region"() ({
          %run_scoped3A = tpu.sem_alloc : memref<!tpu.dma_semaphore, #tpu.memory_space<semaphore_mem>>
          %dma_start3A_154 = arith.constant 0 : i32
          %dma_start3A_155 = tpu.memref_slice %arg3[%add3A_130, %dma_start3A_154] : memref<10000x64xf32, #tpu.memory_space<hbm>> -> memref<80x64xf32, #tpu.memory_space<hbm>>
          %dma_start3A_156 = arith.constant 0 : i32
          %dma_start3A_157 = tpu.memref_slice %arg3[%add3A_130, %dma_start3A_156] : memref<10000x64xf32, #tpu.memory_space<hbm>> -> memref<80x64xf32, #tpu.memory_space<hbm>>
          tpu.enqueue_dma source(%dma_start3A_157 : memref<80x64xf32, #tpu.memory_space<hbm>>) target(%arg18 : memref<80x64xf32, #tpu.memory_space<vmem>>) target_semaphore(%run_scoped3A : memref<!tpu.dma_semaphore, #tpu.memory_space<semaphore_mem>>)
          %dma_wait3A_158 = arith.constant 0 : i32
          %dma_wait3A_159 = tpu.memref_slice %arg3[%add3A_130, %dma_wait3A_158] : memref<10000x64xf32, #tpu.memory_space<hbm>> -> memref<80x64xf32, #tpu.memory_space<hbm>>
          %dma_wait3A_160 = arith.constant 0 : i32
          %dma_wait3A_161 = tpu.memref_slice %arg3[%add3A_130, %dma_wait3A_160] : memref<10000x64xf32, #tpu.memory_space<hbm>> -> memref<80x64xf32, #tpu.memory_space<hbm>>
          tpu.wait_dma2 semaphore(%run_scoped3A : memref<!tpu.dma_semaphore, #tpu.memory_space<semaphore_mem>>) src(%dma_wait3A_161 : memref<80x64xf32, #tpu.memory_space<hbm>>) dst(%arg18 : memref<80x64xf32, #tpu.memory_space<vmem>>)
          tpu.yield
        }) : () -> ()
      } else {
      }
      %scan3A_138 = arith.constant 0 : i32
      %scan3A_139 = arith.constant 0 : i32
      %scan3A_140 = arith.constant 80 : i32
      %scan3A_141 = arith.addi %scan3A_139, %scan3A_140 : i32
      %scan3A_142 = arith.constant 1 : i32
      scf.for %scan3A_154 = %scan3A_139 to %scan3A_141 step %scan3A_142  : i32 {
        %mul3A_155 = arith.constant 80 : i32
        %mul3A_156 = arith.muli %while3A_127, %mul3A_155 : i32
        %add3A_157 = arith.addi %mul3A_156, %scan3A_154 : i32
        %get3A = arith.index_cast %add3A_157 : i32 to index
        %get3A_158 = tpu.vector_load %arg23[%get3A] {strides = array<i32>} : memref<656xf32, #tpu.memory_space<vmem>>, vector<16xf32>,
        %get3A_159 = vector.shape_cast %get3A_158 : vector<16xf32> to vector<16xf32>
        %slice3A = vector.extract_strided_slice %get3A_159 {offsets = [0], sizes = [1], strides = [1]} : vector<16xf32> to vector<1xf32>
        %squeeze3A = vector.extract %slice3A[0] : f32 from vector<1xf32>
        %scan3A_160 = arith.constant 0 : i32
        %scan3A_161 = arith.constant 4 : i32
        %scan3A_162 = arith.addi %scan3A_160, %scan3A_161 : i32
        %scan3A_163 = arith.constant 1 : i32
        scf.for %scan3A_165 = %scan3A_160 to %scan3A_162 step %scan3A_163  : i32 {
          %mul3A_166 = arith.constant 16 : i32
          %mul3A_167 = arith.muli %scan3A_165, %mul3A_166 : i32
          %get3A_168 = arith.index_cast %scan3A_154 : i32 to index
          %get3A_169 = arith.index_cast %mul3A_167 : i32 to index
          %get3A_170 = tpu.vector_load %arg18[%get3A_168, %get3A_169] {strides = array<i32>} : memref<80x64xf32, #tpu.memory_space<vmem>>, vector<1x16xf32>,
          %get3A_171 = vector.shape_cast %get3A_170 : vector<1x16xf32> to vector<16xf32>
          %mul3A_172 = vector.broadcast %squeeze3A : f32 to vector<16xf32>
          %mul3A_173 = arith.mulf %get3A_171, %mul3A_172 : vector<16xf32>
          %swap3A = arith.index_cast %scan3A_154 : i32 to index
          %swap3A_174 = arith.index_cast %mul3A_167 : i32 to index
          %swap3A_175 = tpu.vector_load %arg18[%swap3A, %swap3A_174] {strides = array<i32>} : memref<80x64xf32, #tpu.memory_space<vmem>>, vector<1x16xf32>,
          %swap3A_176 = vector.shape_cast %swap3A_175 : vector<1x16xf32> to vector<16xf32>
          %swap3A_177 = vector.shape_cast %mul3A_173 : vector<16xf32> to vector<1x16xf32>
          tpu.vector_store %arg18[%swap3A, %swap3A_174], %swap3A_177 {strides = array<i32>} : memref<80x64xf32, #tpu.memory_space<vmem>>, vector<1x16xf32>,
          %mul3A_178 = arith.constant 0.526315808 : f32
          %mul3A_179 = vector.broadcast %mul3A_178 : f32 to vector<16xf32>
          %mul3A_180 = arith.mulf %mul3A_173, %mul3A_179 : vector<16xf32>
          %swap3A_181 = arith.index_cast %scan3A_154 : i32 to index
          %swap3A_182 = arith.index_cast %mul3A_167 : i32 to index
          %swap3A_183 = tpu.vector_load %arg19[%swap3A_181, %swap3A_182] {strides = array<i32>} : memref<80x64xf32, #tpu.memory_space<vmem>>, vector<1x16xf32>,
          %swap3A_184 = vector.shape_cast %swap3A_183 : vector<1x16xf32> to vector<16xf32>
          %swap3A_185 = vector.shape_cast %mul3A_180 : vector<16xf32> to vector<1x16xf32>
          tpu.vector_store %arg19[%swap3A_181, %swap3A_182], %swap3A_185 {strides = array<i32>} : memref<80x64xf32, #tpu.memory_space<vmem>>, vector<1x16xf32>,
        }
        %scan3A_164 = arith.constant 4 : i32
      }
      %scan3A_143 = arith.constant 80 : i32
      "tpu.region"() ({
        %run_scoped3A = tpu.sem_alloc : memref<!tpu.dma_semaphore, #tpu.memory_space<semaphore_mem>>
        %dma_start3A_154 = arith.constant 0 : i32
        %dma_start3A_155 = tpu.memref_slice %arg8[%add3A_130, %dma_start3A_154] : memref<10080x64xf32, #tpu.memory_space<vmem_shared>> -> memref<80x64xf32, #tpu.memory_space<vmem_shared>>
        %dma_start3A_156 = arith.constant 0 : i32
        %dma_start3A_157 = tpu.memref_slice %arg8[%add3A_130, %dma_start3A_156] : memref<10080x64xf32, #tpu.memory_space<vmem_shared>> -> memref<80x64xf32, #tpu.memory_space<vmem_shared>>
        tpu.enqueue_dma source(%arg18 : memref<80x64xf32, #tpu.memory_space<vmem>>) target(%dma_start3A_157 : memref<80x64xf32, #tpu.memory_space<vmem_shared>>) target_semaphore(%run_scoped3A : memref<!tpu.dma_semaphore, #tpu.memory_space<semaphore_mem>>)
        %dma_wait3A_158 = arith.constant 0 : i32
        %dma_wait3A_159 = tpu.memref_slice %arg8[%add3A_130, %dma_wait3A_158] : memref<10080x64xf32, #tpu.memory_space<vmem_shared>> -> memref<80x64xf32, #tpu.memory_space<vmem_shared>>
        %dma_wait3A_160 = arith.constant 0 : i32
        %dma_wait3A_161 = tpu.memref_slice %arg8[%add3A_130, %dma_wait3A_160] : memref<10080x64xf32, #tpu.memory_space<vmem_shared>> -> memref<80x64xf32, #tpu.memory_space<vmem_shared>>
        tpu.wait_dma2 semaphore(%run_scoped3A : memref<!tpu.dma_semaphore, #tpu.memory_space<semaphore_mem>>) src(%arg18 : memref<80x64xf32, #tpu.memory_space<vmem>>) dst(%dma_wait3A_161 : memref<80x64xf32, #tpu.memory_space<vmem_shared>>)
        tpu.yield
      }) : () -> ()
      %eq3A_144 = arith.constant 0 : i32
      %eq3A_145 = arith.cmpi eq, %arg0, %eq3A_144 : i32
      %convert_element_type3A_146 = arith.extui %eq3A_145 : i1 to i32
      %cond3A_147 = arith.constant 0 : i32
      %cond3A_148 = arith.cmpi ne, %convert_element_type3A_146, %cond3A_147 : i32
      scf.if %cond3A_148 {
        "tpu.region"() ({
          %run_scoped3A = tpu.sem_alloc : memref<!tpu.dma_semaphore, #tpu.memory_space<semaphore_mem>>
          %dma_start3A_154 = arith.constant 0 : i32
          %dma_start3A_155 = tpu.memref_slice %arg6[%add3A_130, %dma_start3A_154] : memref<10000x64xf32, #tpu.memory_space<hbm>> -> memref<80x64xf32, #tpu.memory_space<hbm>>
          %dma_start3A_156 = arith.constant 0 : i32
          %dma_start3A_157 = tpu.memref_slice %arg6[%add3A_130, %dma_start3A_156] : memref<10000x64xf32, #tpu.memory_space<hbm>> -> memref<80x64xf32, #tpu.memory_space<hbm>>
          tpu.enqueue_dma source(%arg19 : memref<80x64xf32, #tpu.memory_space<vmem>>) target(%dma_start3A_157 : memref<80x64xf32, #tpu.memory_space<hbm>>) target_semaphore(%run_scoped3A : memref<!tpu.dma_semaphore, #tpu.memory_space<semaphore_mem>>)
          %dma_wait3A_158 = arith.constant 0 : i32
          %dma_wait3A_159 = tpu.memref_slice %arg6[%add3A_130, %dma_wait3A_158] : memref<10000x64xf32, #tpu.memory_space<hbm>> -> memref<80x64xf32, #tpu.memory_space<hbm>>
          %dma_wait3A_160 = arith.constant 0 : i32
          %dma_wait3A_161 = tpu.memref_slice %arg6[%add3A_130, %dma_wait3A_160] : memref<10000x64xf32, #tpu.memory_space<hbm>> -> memref<80x64xf32, #tpu.memory_space<hbm>>
          tpu.wait_dma2 semaphore(%run_scoped3A : memref<!tpu.dma_semaphore, #tpu.memory_space<semaphore_mem>>) src(%arg19 : memref<80x64xf32, #tpu.memory_space<vmem>>) dst(%dma_wait3A_161 : memref<80x64xf32, #tpu.memory_space<hbm>>)
          tpu.yield
        }) : () -> ()
      } else {
      }
      %eq3A_149 = arith.constant 1 : i32
      %eq3A_150 = arith.cmpi eq, %arg0, %eq3A_149 : i32
      %convert_element_type3A_151 = arith.extui %eq3A_150 : i1 to i32
      %cond3A_152 = arith.constant 0 : i32
      %cond3A_153 = arith.cmpi ne, %convert_element_type3A_151, %cond3A_152 : i32
      scf.if %cond3A_153 {
        "tpu.region"() ({
          %run_scoped3A = tpu.sem_alloc : memref<!tpu.dma_semaphore, #tpu.memory_space<semaphore_mem>>
          %dma_start3A_154 = arith.constant 0 : i32
          %dma_start3A_155 = tpu.memref_slice %arg7[%add3A_130, %dma_start3A_154] : memref<10000x64xf32, #tpu.memory_space<hbm>> -> memref<80x64xf32, #tpu.memory_space<hbm>>
          %dma_start3A_156 = arith.constant 0 : i32
          %dma_start3A_157 = tpu.memref_slice %arg7[%add3A_130, %dma_start3A_156] : memref<10000x64xf32, #tpu.memory_space<hbm>> -> memref<80x64xf32, #tpu.memory_space<hbm>>
          tpu.enqueue_dma source(%arg19 : memref<80x64xf32, #tpu.memory_space<vmem>>) target(%dma_start3A_157 : memref<80x64xf32, #tpu.memory_space<hbm>>) target_semaphore(%run_scoped3A : memref<!tpu.dma_semaphore, #tpu.memory_space<semaphore_mem>>)
          %dma_wait3A_158 = arith.constant 0 : i32
          %dma_wait3A_159 = tpu.memref_slice %arg7[%add3A_130, %dma_wait3A_158] : memref<10000x64xf32, #tpu.memory_space<hbm>> -> memref<80x64xf32, #tpu.memory_space<hbm>>
          %dma_wait3A_160 = arith.constant 0 : i32
          %dma_wait3A_161 = tpu.memref_slice %arg7[%add3A_130, %dma_wait3A_160] : memref<10000x64xf32, #tpu.memory_space<hbm>> -> memref<80x64xf32, #tpu.memory_space<hbm>>
          tpu.wait_dma2 semaphore(%run_scoped3A : memref<!tpu.dma_semaphore, #tpu.memory_space<semaphore_mem>>) src(%arg19 : memref<80x64xf32, #tpu.memory_space<vmem>>) dst(%dma_wait3A_161 : memref<80x64xf32, #tpu.memory_space<hbm>>)
          tpu.yield
        }) : () -> ()
      } else {
      }
    }
    %barrier3A_65 = arith.constant 0 : index
    tpu.barrier barrier_id(%barrier3A_65)
    %add3A = arith.constant 0 : i32
    %add3A_66 = arith.addi %mul3A_2, %add3A : i32
    %dma_start3A = arith.constant 0 : i32
    %dma_start3A_67 = tpu.memref_slice %arg4[%add3A_66, %dma_start3A] : memref<2560x128xi32, #tpu.memory_space<hbm>> -> memref<16x128xi32, #tpu.memory_space<hbm>>
    %dma_start3A_68 = arith.constant 0 : i32
    %dma_start3A_69 = tpu.memref_slice %arg4[%add3A_66, %dma_start3A_68] : memref<2560x128xi32, #tpu.memory_space<hbm>> -> memref<16x128xi32, #tpu.memory_space<hbm>>
    tpu.enqueue_dma source(%dma_start3A_69 : memref<16x128xi32, #tpu.memory_space<hbm>>) target(%arg11 : memref<16x128xi32, #tpu.memory_space<vmem>>) target_semaphore(%arg31 : memref<!tpu.dma_semaphore, #tpu.memory_space<semaphore_mem>>)
    %add3A_70 = arith.constant 0 : i32
    %add3A_71 = arith.addi %mul3A_2, %add3A_70 : i32
    %dma_start3A_72 = arith.constant 0 : i32
    %dma_start3A_73 = tpu.memref_slice %arg5[%add3A_71, %dma_start3A_72] : memref<2560x128xi32, #tpu.memory_space<hbm>> -> memref<16x128xi32, #tpu.memory_space<hbm>>
    %dma_start3A_74 = arith.constant 0 : i32
    %dma_start3A_75 = tpu.memref_slice %arg5[%add3A_71, %dma_start3A_74] : memref<2560x128xi32, #tpu.memory_space<hbm>> -> memref<16x128xi32, #tpu.memory_space<hbm>>
    tpu.enqueue_dma source(%dma_start3A_75 : memref<16x128xi32, #tpu.memory_space<hbm>>) target(%arg12 : memref<16x128xi32, #tpu.memory_space<vmem>>) target_semaphore(%arg32 : memref<!tpu.dma_semaphore, #tpu.memory_space<semaphore_mem>>)
    %add3A_76 = arith.constant 16 : i32
    %add3A_77 = arith.addi %mul3A_2, %add3A_76 : i32
    %dma_start3A_78 = arith.constant 0 : i32
    %dma_start3A_79 = tpu.memref_slice %arg4[%add3A_77, %dma_start3A_78] : memref<2560x128xi32, #tpu.memory_space<hbm>> -> memref<16x128xi32, #tpu.memory_space<hbm>>
    %dma_start3A_80 = arith.constant 0 : i32
    %dma_start3A_81 = tpu.memref_slice %arg4[%add3A_77, %dma_start3A_80] : memref<2560x128xi32, #tpu.memory_space<hbm>> -> memref<16x128xi32, #tpu.memory_space<hbm>>
    tpu.enqueue_dma source(%dma_start3A_81 : memref<16x128xi32, #tpu.memory_space<hbm>>) target(%arg13 : memref<16x128xi32, #tpu.memory_space<vmem>>) target_semaphore(%arg33 : memref<!tpu.dma_semaphore, #tpu.memory_space<semaphore_mem>>)
    %add3A_82 = arith.constant 16 : i32
    %add3A_83 = arith.addi %mul3A_2, %add3A_82 : i32
    %dma_start3A_84 = arith.constant 0 : i32
    %dma_start3A_85 = tpu.memref_slice %arg5[%add3A_83, %dma_start3A_84] : memref<2560x128xi32, #tpu.memory_space<hbm>> -> memref<16x128xi32, #tpu.memory_space<hbm>>
    %dma_start3A_86 = arith.constant 0 : i32
    %dma_start3A_87 = tpu.memref_slice %arg5[%add3A_83, %dma_start3A_86] : memref<2560x128xi32, #tpu.memory_space<hbm>> -> memref<16x128xi32, #tpu.memory_space<hbm>>
    tpu.enqueue_dma source(%dma_start3A_87 : memref<16x128xi32, #tpu.memory_space<hbm>>) target(%arg14 : memref<16x128xi32, #tpu.memory_space<vmem>>) target_semaphore(%arg34 : memref<!tpu.dma_semaphore, #tpu.memory_space<semaphore_mem>>)
    %scan3A_88 = arith.constant 0 : i32
    %scan3A_89 = arith.constant 0 : i32
    %scan3A_90 = arith.constant 10 : i32
    %scan3A_91 = arith.addi %scan3A_89, %scan3A_90 : i32
    %scan3A_92 = arith.constant 1 : i32
    scf.for %scan3A_127 = %scan3A_89 to %scan3A_91 step %scan3A_92  : i32 {
      %scan3A_128 = arith.constant 0 : i32
      %scan3A_129 = arith.constant 0 : i32
      %scan3A_130 = arith.constant 5 : i32
      %scan3A_131 = arith.addi %scan3A_129, %scan3A_130 : i32
      %scan3A_132 = arith.constant 1 : i32
      scf.for %scan3A_184 = %scan3A_129 to %scan3A_131 step %scan3A_132  : i32 {
        %mul3A_185 = arith.constant 2 : i32
        %mul3A_186 = arith.muli %mul3A_185, %scan3A_184 : i32
        %mul3A_187 = arith.constant 16 : i32
        %mul3A_188 = arith.muli %mul3A_186, %mul3A_187 : i32
        %add3A_189 = arith.addi %mul3A_2, %mul3A_188 : i32
        %dma_wait3A_190 = arith.constant 0 : i32
        %dma_wait3A_191 = tpu.memref_slice %arg4[%add3A_189, %dma_wait3A_190] : memref<2560x128xi32, #tpu.memory_space<hbm>> -> memref<16x128xi32, #tpu.memory_space<hbm>>
        %dma_wait3A_192 = arith.constant 0 : i32
        %dma_wait3A_193 = tpu.memref_slice %arg4[%add3A_189, %dma_wait3A_192] : memref<2560x128xi32, #tpu.memory_space<hbm>> -> memref<16x128xi32, #tpu.memory_space<hbm>>
        tpu.wait_dma2 semaphore(%arg31 : memref<!tpu.dma_semaphore, #tpu.memory_space<semaphore_mem>>) src(%dma_wait3A_193 : memref<16x128xi32, #tpu.memory_space<hbm>>) dst(%arg11 : memref<16x128xi32, #tpu.memory_space<vmem>>)
        %mul3A_194 = arith.constant 16 : i32
        %mul3A_195 = arith.muli %mul3A_186, %mul3A_194 : i32
        %add3A_196 = arith.addi %mul3A_2, %mul3A_195 : i32
        %dma_wait3A_197 = arith.constant 0 : i32
        %dma_wait3A_198 = tpu.memref_slice %arg5[%add3A_196, %dma_wait3A_197] : memref<2560x128xi32, #tpu.memory_space<hbm>> -> memref<16x128xi32, #tpu.memory_space<hbm>>
        %dma_wait3A_199 = arith.constant 0 : i32
        %dma_wait3A_200 = tpu.memref_slice %arg5[%add3A_196, %dma_wait3A_199] : memref<2560x128xi32, #tpu.memory_space<hbm>> -> memref<16x128xi32, #tpu.memory_space<hbm>>
        tpu.wait_dma2 semaphore(%arg32 : memref<!tpu.dma_semaphore, #tpu.memory_space<semaphore_mem>>) src(%dma_wait3A_200 : memref<16x128xi32, #tpu.memory_space<hbm>>) dst(%arg12 : memref<16x128xi32, #tpu.memory_space<vmem>>)
        %ge3A = arith.constant 1 : i32
        %ge3A_201 = arith.cmpi sge, %mul3A_186, %ge3A : i32
        %convert_element_type3A = arith.extui %ge3A_201 : i1 to i32
        %cond3A = arith.constant 0 : i32
        %cond3A_202 = arith.cmpi ne, %convert_element_type3A, %cond3A : i32
        scf.if %cond3A_202 {
          %dma_wait3A_1117 = arith.constant 0 : i32
          %dma_wait3A_1118 = arith.constant 0 : i32
          %dma_wait3A_1119 = tpu.memref_slice %arg12[%dma_wait3A_1117, %dma_wait3A_1118] : memref<16x128xi32, #tpu.memory_space<vmem>> -> memref<1x128xi32, #tpu.memory_space<vmem>>
          %dma_wait3A_1120 = tpu.memref_squeeze %dma_wait3A_1119 : memref<1x128xi32, #tpu.memory_space<vmem>> -> memref<128xi32, #tpu.memory_space<vmem>>
          %dma_wait3A_1121 = arith.constant 0 : i32
          %dma_wait3A_1122 = arith.constant 0 : i32
          %dma_wait3A_1123 = tpu.memref_slice %arg9[%dma_wait3A_1121, %dma_wait3A_1122] : memref<10080x64xf32, #tpu.memory_space<vmem_shared>> -> memref<10080x64xf32, #tpu.memory_space<vmem_shared>>
          tpu.wait_indirect_dma semaphore(%arg29 : memref<!tpu.dma_semaphore, #tpu.memory_space<semaphore_mem>>) src(%arg15 : memref<128x64xf32, #tpu.memory_space<vmem>>) dst(%dma_wait3A_1123 : memref<10080x64xf32, #tpu.memory_space<vmem_shared>>)
        } else {
        }
        %dma_start3A_203 = arith.constant 0 : i32
        %dma_start3A_204 = arith.constant 0 : i32
        %dma_start3A_205 = tpu.memref_slice %arg11[%dma_start3A_203, %dma_start3A_204] : memref<16x128xi32, #tpu.memory_space<vmem>> -> memref<1x128xi32, #tpu.memory_space<vmem>>
        %dma_start3A_206 = tpu.memref_squeeze %dma_start3A_205 : memref<1x128xi32, #tpu.memory_space<vmem>> -> memref<128xi32, #tpu.memory_space<vmem>>
        %dma_start3A_207 = arith.constant 0 : i32
        %dma_start3A_208 = arith.constant 0 : i32
        %dma_start3A_209 = tpu.memref_slice %arg8[%dma_start3A_207, %dma_start3A_208] : memref<10080x64xf32, #tpu.memory_space<vmem_shared>> -> memref<10080x64xf32, #tpu.memory_space<vmem_shared>>
        tpu.enqueue_indirect_dma source(%dma_start3A_209 : memref<10080x64xf32, #tpu.memory_space<vmem_shared>>) target(%arg15 : memref<128x64xf32, #tpu.memory_space<vmem>>) offsets(%dma_start3A_206 : memref<128xi32, #tpu.memory_space<vmem>>) semaphore(%arg27 : memref<!tpu.dma_semaphore, #tpu.memory_space<semaphore_mem>>)
        %dma_wait3A_210 = arith.constant 0 : i32
        %dma_wait3A_211 = arith.constant 0 : i32
        %dma_wait3A_212 = tpu.memref_slice %arg11[%dma_wait3A_210, %dma_wait3A_211] : memref<16x128xi32, #tpu.memory_space<vmem>> -> memref<1x128xi32, #tpu.memory_space<vmem>>
        %dma_wait3A_213 = tpu.memref_squeeze %dma_wait3A_212 : memref<1x128xi32, #tpu.memory_space<vmem>> -> memref<128xi32, #tpu.memory_space<vmem>>
        %dma_wait3A_214 = arith.constant 0 : i32
        %dma_wait3A_215 = arith.constant 0 : i32
        %dma_wait3A_216 = tpu.memref_slice %arg8[%dma_wait3A_214, %dma_wait3A_215] : memref<10080x64xf32, #tpu.memory_space<vmem_shared>> -> memref<10080x64xf32, #tpu.memory_space<vmem_shared>>
        tpu.wait_indirect_dma semaphore(%arg27 : memref<!tpu.dma_semaphore, #tpu.memory_space<semaphore_mem>>) src(%dma_wait3A_216 : memref<10080x64xf32, #tpu.memory_space<vmem_shared>>) dst(%arg15 : memref<128x64xf32, #tpu.memory_space<vmem>>)
        %dma_start3A_217 = arith.constant 0 : i32
        %dma_start3A_218 = arith.constant 0 : i32
        %dma_start3A_219 = tpu.memref_slice %arg12[%dma_start3A_217, %dma_start3A_218] : memref<16x128xi32, #tpu.memory_space<vmem>> -> memref<1x128xi32, #tpu.memory_space<vmem>>
        %dma_start3A_220 = tpu.memref_squeeze %dma_start3A_219 : memref<1x128xi32, #tpu.memory_space<vmem>> -> memref<128xi32, #tpu.memory_space<vmem>>
        %dma_start3A_221 = arith.constant 0 : i32
        %dma_start3A_222 = arith.constant 0 : i32
        %dma_start3A_223 = tpu.memref_slice %arg9[%dma_start3A_221, %dma_start3A_222] : memref<10080x64xf32, #tpu.memory_space<vmem_shared>> -> memref<10080x64xf32, #tpu.memory_space<vmem_shared>>
        tpu.enqueue_indirect_dma source(%arg15 : memref<128x64xf32, #tpu.memory_space<vmem>>) target(%dma_start3A_223 : memref<10080x64xf32, #tpu.memory_space<vmem_shared>>) offsets(%dma_start3A_220 : memref<128xi32, #tpu.memory_space<vmem>>) semaphore(%arg29 : memref<!tpu.dma_semaphore, #tpu.memory_space<semaphore_mem>>) {add = true}
        %ge3A_224 = arith.constant 1 : i32
        %ge3A_225 = arith.cmpi sge, %mul3A_186, %ge3A_224 : i32
        %convert_element_type3A_226 = arith.extui %ge3A_225 : i1 to i32
        %cond3A_227 = arith.constant 0 : i32
        %cond3A_228 = arith.cmpi ne, %convert_element_type3A_226, %cond3A_227 : i32
        scf.if %cond3A_228 {
          %dma_wait3A_1117 = arith.constant 0 : i32
          %dma_wait3A_1118 = arith.constant 0 : i32
          %dma_wait3A_1119 = tpu.memref_slice %arg12[%dma_wait3A_1117, %dma_wait3A_1118] : memref<16x128xi32, #tpu.memory_space<vmem>> -> memref<1x128xi32, #tpu.memory_space<vmem>>
          %dma_wait3A_1120 = tpu.memref_squeeze %dma_wait3A_1119 : memref<1x128xi32, #tpu.memory_space<vmem>> -> memref<128xi32, #tpu.memory_space<vmem>>
          %dma_wait3A_1121 = arith.constant 0 : i32
          %dma_wait3A_1122 = arith.constant 0 : i32
          %dma_wait3A_1123 = tpu.memref_slice %arg9[%dma_wait3A_1121, %dma_wait3A_1122] : memref<10080x64xf32, #tpu.memory_space<vmem_shared>> -> memref<10080x64xf32, #tpu.memory_space<vmem_shared>>
          tpu.wait_indirect_dma semaphore(%arg30 : memref<!tpu.dma_semaphore, #tpu.memory_space<semaphore_mem>>) src(%arg16 : memref<128x64xf32, #tpu.memory_space<vmem>>) dst(%dma_wait3A_1123 : memref<10080x64xf32, #tpu.memory_space<vmem_shared>>)
        } else {
        }
        %dma_start3A_229 = arith.constant 1 : i32
        %dma_start3A_230 = arith.constant 0 : i32
        %dma_start3A_231 = tpu.memref_slice %arg11[%dma_start3A_229, %dma_start3A_230] : memref<16x128xi32, #tpu.memory_space<vmem>> -> memref<1x128xi32, #tpu.memory_space<vmem>>
        %dma_start3A_232 = tpu.memref_squeeze %dma_start3A_231 : memref<1x128xi32, #tpu.memory_space<vmem>> -> memref<128xi32, #tpu.memory_space<vmem>>
        %dma_start3A_233 = arith.constant 0 : i32
        %dma_start3A_234 = arith.constant 0 : i32
        %dma_start3A_235 = tpu.memref_slice %arg8[%dma_start3A_233, %dma_start3A_234] : memref<10080x64xf32, #tpu.memory_space<vmem_shared>> -> memref<10080x64xf32, #tpu.memory_space<vmem_shared>>
        tpu.enqueue_indirect_dma source(%dma_start3A_235 : memref<10080x64xf32, #tpu.memory_space<vmem_shared>>) target(%arg16 : memref<128x64xf32, #tpu.memory_space<vmem>>) offsets(%dma_start3A_232 : memref<128xi32, #tpu.memory_space<vmem>>) semaphore(%arg28 : memref<!tpu.dma_semaphore, #tpu.memory_space<semaphore_mem>>)
        %dma_wait3A_236 = arith.constant 1 : i32
        %dma_wait3A_237 = arith.constant 0 : i32
        %dma_wait3A_238 = tpu.memref_slice %arg11[%dma_wait3A_236, %dma_wait3A_237] : memref<16x128xi32, #tpu.memory_space<vmem>> -> memref<1x128xi32, #tpu.memory_space<vmem>>
        %dma_wait3A_239 = tpu.memref_squeeze %dma_wait3A_238 : memref<1x128xi32, #tpu.memory_space<vmem>> -> memref<128xi32, #tpu.memory_space<vmem>>
        %dma_wait3A_240 = arith.constant 0 : i32
        %dma_wait3A_241 = arith.constant 0 : i32
        %dma_wait3A_242 = tpu.memref_slice %arg8[%dma_wait3A_240, %dma_wait3A_241] : memref<10080x64xf32, #tpu.memory_space<vmem_shared>> -> memref<10080x64xf32, #tpu.memory_space<vmem_shared>>
        tpu.wait_indirect_dma semaphore(%arg28 : memref<!tpu.dma_semaphore, #tpu.memory_space<semaphore_mem>>) src(%dma_wait3A_242 : memref<10080x64xf32, #tpu.memory_space<vmem_shared>>) dst(%arg16 : memref<128x64xf32, #tpu.memory_space<vmem>>)
        %dma_start3A_243 = arith.constant 1 : i32
        %dma_start3A_244 = arith.constant 0 : i32
        %dma_start3A_245 = tpu.memref_slice %arg12[%dma_start3A_243, %dma_start3A_244] : memref<16x128xi32, #tpu.memory_space<vmem>> -> memref<1x128xi32, #tpu.memory_space<vmem>>
        %dma_start3A_246 = tpu.memref_squeeze %dma_start3A_245 : memref<1x128xi32, #tpu.memory_space<vmem>> -> memref<128xi32, #tpu.memory_space<vmem>>
        %dma_start3A_247 = arith.constant 0 : i32
        %dma_start3A_248 = arith.constant 0 : i32
        %dma_start3A_249 = tpu.memref_slice %arg9[%dma_start3A_247, %dma_start3A_248] : memref<10080x64xf32, #tpu.memory_space<vmem_shared>> -> memref<10080x64xf32, #tpu.memory_space<vmem_shared>>
        tpu.enqueue_indirect_dma source(%arg16 : memref<128x64xf32, #tpu.memory_space<vmem>>) target(%dma_start3A_249 : memref<10080x64xf32, #tpu.memory_space<vmem_shared>>) offsets(%dma_start3A_246 : memref<128xi32, #tpu.memory_space<vmem>>) semaphore(%arg30 : memref<!tpu.dma_semaphore, #tpu.memory_space<semaphore_mem>>) {add = true}
        %dma_wait3A_250 = arith.constant 0 : i32
        %dma_wait3A_251 = arith.constant 0 : i32
        %dma_wait3A_252 = tpu.memref_slice %arg12[%dma_wait3A_250, %dma_wait3A_251] : memref<16x128xi32, #tpu.memory_space<vmem>> -> memref<1x128xi32, #tpu.memory_space<vmem>>
        %dma_wait3A_253 = tpu.memref_squeeze %dma_wait3A_252 : memref<1x128xi32, #tpu.memory_space<vmem>> -> memref<128xi32, #tpu.memory_space<vmem>>
        %dma_wait3A_254 = arith.constant 0 : i32
        %dma_wait3A_255 = arith.constant 0 : i32
        %dma_wait3A_256 = tpu.memref_slice %arg9[%dma_wait3A_254, %dma_wait3A_255] : memref<10080x64xf32, #tpu.memory_space<vmem_shared>> -> memref<10080x64xf32, #tpu.memory_space<vmem_shared>>
        tpu.wait_indirect_dma semaphore(%arg29 : memref<!tpu.dma_semaphore, #tpu.memory_space<semaphore_mem>>) src(%arg15 : memref<128x64xf32, #tpu.memory_space<vmem>>) dst(%dma_wait3A_256 : memref<10080x64xf32, #tpu.memory_space<vmem_shared>>)
        %dma_start3A_257 = arith.constant 2 : i32
        %dma_start3A_258 = arith.constant 0 : i32
        %dma_start3A_259 = tpu.memref_slice %arg11[%dma_start3A_257, %dma_start3A_258] : memref<16x128xi32, #tpu.memory_space<vmem>> -> memref<1x128xi32, #tpu.memory_space<vmem>>
        %dma_start3A_260 = tpu.memref_squeeze %dma_start3A_259 : memref<1x128xi32, #tpu.memory_space<vmem>> -> memref<128xi32, #tpu.memory_space<vmem>>
        %dma_start3A_261 = arith.constant 0 : i32
        %dma_start3A_262 = arith.constant 0 : i32
        %dma_start3A_263 = tpu.memref_slice %arg8[%dma_start3A_261, %dma_start3A_262] : memref<10080x64xf32, #tpu.memory_space<vmem_shared>> -> memref<10080x64xf32, #tpu.memory_space<vmem_shared>>
        tpu.enqueue_indirect_dma source(%dma_start3A_263 : memref<10080x64xf32, #tpu.memory_space<vmem_shared>>) target(%arg15 : memref<128x64xf32, #tpu.memory_space<vmem>>) offsets(%dma_start3A_260 : memref<128xi32, #tpu.memory_space<vmem>>) semaphore(%arg27 : memref<!tpu.dma_semaphore, #tpu.memory_space<semaphore_mem>>)
        %dma_wait3A_264 = arith.constant 2 : i32
        %dma_wait3A_265 = arith.constant 0 : i32
        %dma_wait3A_266 = tpu.memref_slice %arg11[%dma_wait3A_264, %dma_wait3A_265] : memref<16x128xi32, #tpu.memory_space<vmem>> -> memref<1x128xi32, #tpu.memory_space<vmem>>
        %dma_wait3A_267 = tpu.memref_squeeze %dma_wait3A_266 : memref<1x128xi32, #tpu.memory_space<vmem>> -> memref<128xi32, #tpu.memory_space<vmem>>
        %dma_wait3A_268 = arith.constant 0 : i32
        %dma_wait3A_269 = arith.constant 0 : i32
        %dma_wait3A_270 = tpu.memref_slice %arg8[%dma_wait3A_268, %dma_wait3A_269] : memref<10080x64xf32, #tpu.memory_space<vmem_shared>> -> memref<10080x64xf32, #tpu.memory_space<vmem_shared>>
        tpu.wait_indirect_dma semaphore(%arg27 : memref<!tpu.dma_semaphore, #tpu.memory_space<semaphore_mem>>) src(%dma_wait3A_270 : memref<10080x64xf32, #tpu.memory_space<vmem_shared>>) dst(%arg15 : memref<128x64xf32, #tpu.memory_space<vmem>>)
        %dma_start3A_271 = arith.constant 2 : i32
        %dma_start3A_272 = arith.constant 0 : i32
        %dma_start3A_273 = tpu.memref_slice %arg12[%dma_start3A_271, %dma_start3A_272] : memref<16x128xi32, #tpu.memory_space<vmem>> -> memref<1x128xi32, #tpu.memory_space<vmem>>
        %dma_start3A_274 = tpu.memref_squeeze %dma_start3A_273 : memref<1x128xi32, #tpu.memory_space<vmem>> -> memref<128xi32, #tpu.memory_space<vmem>>
        %dma_start3A_275 = arith.constant 0 : i32
        %dma_start3A_276 = arith.constant 0 : i32
        %dma_start3A_277 = tpu.memref_slice %arg9[%dma_start3A_275, %dma_start3A_276] : memref<10080x64xf32, #tpu.memory_space<vmem_shared>> -> memref<10080x64xf32, #tpu.memory_space<vmem_shared>>
        tpu.enqueue_indirect_dma source(%arg15 : memref<128x64xf32, #tpu.memory_space<vmem>>) target(%dma_start3A_277 : memref<10080x64xf32, #tpu.memory_space<vmem_shared>>) offsets(%dma_start3A_274 : memref<128xi32, #tpu.memory_space<vmem>>) semaphore(%arg29 : memref<!tpu.dma_semaphore, #tpu.memory_space<semaphore_mem>>) {add = true}
        %dma_wait3A_278 = arith.constant 1 : i32
        %dma_wait3A_279 = arith.constant 0 : i32
        %dma_wait3A_280 = tpu.memref_slice %arg12[%dma_wait3A_278, %dma_wait3A_279] : memref<16x128xi32, #tpu.memory_space<vmem>> -> memref<1x128xi32, #tpu.memory_space<vmem>>
        %dma_wait3A_281 = tpu.memref_squeeze %dma_wait3A_280 : memref<1x128xi32, #tpu.memory_space<vmem>> -> memref<128xi32, #tpu.memory_space<vmem>>
        %dma_wait3A_282 = arith.constant 0 : i32
        %dma_wait3A_283 = arith.constant 0 : i32
        %dma_wait3A_284 = tpu.memref_slice %arg9[%dma_wait3A_282, %dma_wait3A_283] : memref<10080x64xf32, #tpu.memory_space<vmem_shared>> -> memref<10080x64xf32, #tpu.memory_space<vmem_shared>>
        tpu.wait_indirect_dma semaphore(%arg30 : memref<!tpu.dma_semaphore, #tpu.memory_space<semaphore_mem>>) src(%arg16 : memref<128x64xf32, #tpu.memory_space<vmem>>) dst(%dma_wait3A_284 : memref<10080x64xf32, #tpu.memory_space<vmem_shared>>)
        %dma_start3A_285 = arith.constant 3 : i32
        %dma_start3A_286 = arith.constant 0 : i32
        %dma_start3A_287 = tpu.memref_slice %arg11[%dma_start3A_285, %dma_start3A_286] : memref<16x128xi32, #tpu.memory_space<vmem>> -> memref<1x128xi32, #tpu.memory_space<vmem>>
        %dma_start3A_288 = tpu.memref_squeeze %dma_start3A_287 : memref<1x128xi32, #tpu.memory_space<vmem>> -> memref<128xi32, #tpu.memory_space<vmem>>
        %dma_start3A_289 = arith.constant 0 : i32
        %dma_start3A_290 = arith.constant 0 : i32
        %dma_start3A_291 = tpu.memref_slice %arg8[%dma_start3A_289, %dma_start3A_290] : memref<10080x64xf32, #tpu.memory_space<vmem_shared>> -> memref<10080x64xf32, #tpu.memory_space<vmem_shared>>
        tpu.enqueue_indirect_dma source(%dma_start3A_291 : memref<10080x64xf32, #tpu.memory_space<vmem_shared>>) target(%arg16 : memref<128x64xf32, #tpu.memory_space<vmem>>) offsets(%dma_start3A_288 : memref<128xi32, #tpu.memory_space<vmem>>) semaphore(%arg28 : memref<!tpu.dma_semaphore, #tpu.memory_space<semaphore_mem>>)
        %dma_wait3A_292 = arith.constant 3 : i32
        %dma_wait3A_293 = arith.constant 0 : i32
        %dma_wait3A_294 = tpu.memref_slice %arg11[%dma_wait3A_292, %dma_wait3A_293] : memref<16x128xi32, #tpu.memory_space<vmem>> -> memref<1x128xi32, #tpu.memory_space<vmem>>
        %dma_wait3A_295 = tpu.memref_squeeze %dma_wait3A_294 : memref<1x128xi32, #tpu.memory_space<vmem>> -> memref<128xi32, #tpu.memory_space<vmem>>
        %dma_wait3A_296 = arith.constant 0 : i32
        %dma_wait3A_297 = arith.constant 0 : i32
        %dma_wait3A_298 = tpu.memref_slice %arg8[%dma_wait3A_296, %dma_wait3A_297] : memref<10080x64xf32, #tpu.memory_space<vmem_shared>> -> memref<10080x64xf32, #tpu.memory_space<vmem_shared>>
        tpu.wait_indirect_dma semaphore(%arg28 : memref<!tpu.dma_semaphore, #tpu.memory_space<semaphore_mem>>) src(%dma_wait3A_298 : memref<10080x64xf32, #tpu.memory_space<vmem_shared>>) dst(%arg16 : memref<128x64xf32, #tpu.memory_space<vmem>>)
        %dma_start3A_299 = arith.constant 3 : i32
        %dma_start3A_300 = arith.constant 0 : i32
        %dma_start3A_301 = tpu.memref_slice %arg12[%dma_start3A_299, %dma_start3A_300] : memref<16x128xi32, #tpu.memory_space<vmem>> -> memref<1x128xi32, #tpu.memory_space<vmem>>
        %dma_start3A_302 = tpu.memref_squeeze %dma_start3A_301 : memref<1x128xi32, #tpu.memory_space<vmem>> -> memref<128xi32, #tpu.memory_space<vmem>>
        %dma_start3A_303 = arith.constant 0 : i32
        %dma_start3A_304 = arith.constant 0 : i32
        %dma_start3A_305 = tpu.memref_slice %arg9[%dma_start3A_303, %dma_start3A_304] : memref<10080x64xf32, #tpu.memory_space<vmem_shared>> -> memref<10080x64xf32, #tpu.memory_space<vmem_shared>>
        tpu.enqueue_indirect_dma source(%arg16 : memref<128x64xf32, #tpu.memory_space<vmem>>) target(%dma_start3A_305 : memref<10080x64xf32, #tpu.memory_space<vmem_shared>>) offsets(%dma_start3A_302 : memref<128xi32, #tpu.memory_space<vmem>>) semaphore(%arg30 : memref<!tpu.dma_semaphore, #tpu.memory_space<semaphore_mem>>) {add = true}
        %dma_wait3A_306 = arith.constant 2 : i32
        %dma_wait3A_307 = arith.constant 0 : i32
        %dma_wait3A_308 = tpu.memref_slice %arg12[%dma_wait3A_306, %dma_wait3A_307] : memref<16x128xi32, #tpu.memory_space<vmem>> -> memref<1x128xi32, #tpu.memory_space<vmem>>
        %dma_wait3A_309 = tpu.memref_squeeze %dma_wait3A_308 : memref<1x128xi32, #tpu.memory_space<vmem>> -> memref<128xi32, #tpu.memory_space<vmem>>
        %dma_wait3A_310 = arith.constant 0 : i32
        %dma_wait3A_311 = arith.constant 0 : i32
        %dma_wait3A_312 = tpu.memref_slice %arg9[%dma_wait3A_310, %dma_wait3A_311] : memref<10080x64xf32, #tpu.memory_space<vmem_shared>> -> memref<10080x64xf32, #tpu.memory_space<vmem_shared>>
        tpu.wait_indirect_dma semaphore(%arg29 : memref<!tpu.dma_semaphore, #tpu.memory_space<semaphore_mem>>) src(%arg15 : memref<128x64xf32, #tpu.memory_space<vmem>>) dst(%dma_wait3A_312 : memref<10080x64xf32, #tpu.memory_space<vmem_shared>>)
        %dma_start3A_313 = arith.constant 4 : i32
        %dma_start3A_314 = arith.constant 0 : i32
        %dma_start3A_315 = tpu.memref_slice %arg11[%dma_start3A_313, %dma_start3A_314] : memref<16x128xi32, #tpu.memory_space<vmem>> -> memref<1x128xi32, #tpu.memory_space<vmem>>
        %dma_start3A_316 = tpu.memref_squeeze %dma_start3A_315 : memref<1x128xi32, #tpu.memory_space<vmem>> -> memref<128xi32, #tpu.memory_space<vmem>>
        %dma_start3A_317 = arith.constant 0 : i32
        %dma_start3A_318 = arith.constant 0 : i32
        %dma_start3A_319 = tpu.memref_slice %arg8[%dma_start3A_317, %dma_start3A_318] : memref<10080x64xf32, #tpu.memory_space<vmem_shared>> -> memref<10080x64xf32, #tpu.memory_space<vmem_shared>>
        tpu.enqueue_indirect_dma source(%dma_start3A_319 : memref<10080x64xf32, #tpu.memory_space<vmem_shared>>) target(%arg15 : memref<128x64xf32, #tpu.memory_space<vmem>>) offsets(%dma_start3A_316 : memref<128xi32, #tpu.memory_space<vmem>>) semaphore(%arg27 : memref<!tpu.dma_semaphore, #tpu.memory_space<semaphore_mem>>)
        %dma_wait3A_320 = arith.constant 4 : i32
        %dma_wait3A_321 = arith.constant 0 : i32
        %dma_wait3A_322 = tpu.memref_slice %arg11[%dma_wait3A_320, %dma_wait3A_321] : memref<16x128xi32, #tpu.memory_space<vmem>> -> memref<1x128xi32, #tpu.memory_space<vmem>>
        %dma_wait3A_323 = tpu.memref_squeeze %dma_wait3A_322 : memref<1x128xi32, #tpu.memory_space<vmem>> -> memref<128xi32, #tpu.memory_space<vmem>>
        %dma_wait3A_324 = arith.constant 0 : i32
        %dma_wait3A_325 = arith.constant 0 : i32
        %dma_wait3A_326 = tpu.memref_slice %arg8[%dma_wait3A_324, %dma_wait3A_325] : memref<10080x64xf32, #tpu.memory_space<vmem_shared>> -> memref<10080x64xf32, #tpu.memory_space<vmem_shared>>
        tpu.wait_indirect_dma semaphore(%arg27 : memref<!tpu.dma_semaphore, #tpu.memory_space<semaphore_mem>>) src(%dma_wait3A_326 : memref<10080x64xf32, #tpu.memory_space<vmem_shared>>) dst(%arg15 : memref<128x64xf32, #tpu.memory_space<vmem>>)
        %dma_start3A_327 = arith.constant 4 : i32
        %dma_start3A_328 = arith.constant 0 : i32
        %dma_start3A_329 = tpu.memref_slice %arg12[%dma_start3A_327, %dma_start3A_328] : memref<16x128xi32, #tpu.memory_space<vmem>> -> memref<1x128xi32, #tpu.memory_space<vmem>>
        %dma_start3A_330 = tpu.memref_squeeze %dma_start3A_329 : memref<1x128xi32, #tpu.memory_space<vmem>> -> memref<128xi32, #tpu.memory_space<vmem>>
        %dma_start3A_331 = arith.constant 0 : i32
        %dma_start3A_332 = arith.constant 0 : i32
        %dma_start3A_333 = tpu.memref_slice %arg9[%dma_start3A_331, %dma_start3A_332] : memref<10080x64xf32, #tpu.memory_space<vmem_shared>> -> memref<10080x64xf32, #tpu.memory_space<vmem_shared>>
        tpu.enqueue_indirect_dma source(%arg15 : memref<128x64xf32, #tpu.memory_space<vmem>>) target(%dma_start3A_333 : memref<10080x64xf32, #tpu.memory_space<vmem_shared>>) offsets(%dma_start3A_330 : memref<128xi32, #tpu.memory_space<vmem>>) semaphore(%arg29 : memref<!tpu.dma_semaphore, #tpu.memory_space<semaphore_mem>>) {add = true}
        %dma_wait3A_334 = arith.constant 3 : i32
        %dma_wait3A_335 = arith.constant 0 : i32
        %dma_wait3A_336 = tpu.memref_slice %arg12[%dma_wait3A_334, %dma_wait3A_335] : memref<16x128xi32, #tpu.memory_space<vmem>> -> memref<1x128xi32, #tpu.memory_space<vmem>>
        %dma_wait3A_337 = tpu.memref_squeeze %dma_wait3A_336 : memref<1x128xi32, #tpu.memory_space<vmem>> -> memref<128xi32, #tpu.memory_space<vmem>>
        %dma_wait3A_338 = arith.constant 0 : i32
        %dma_wait3A_339 = arith.constant 0 : i32
        %dma_wait3A_340 = tpu.memref_slice %arg9[%dma_wait3A_338, %dma_wait3A_339] : memref<10080x64xf32, #tpu.memory_space<vmem_shared>> -> memref<10080x64xf32, #tpu.memory_space<vmem_shared>>
        tpu.wait_indirect_dma semaphore(%arg30 : memref<!tpu.dma_semaphore, #tpu.memory_space<semaphore_mem>>) src(%arg16 : memref<128x64xf32, #tpu.memory_space<vmem>>) dst(%dma_wait3A_340 : memref<10080x64xf32, #tpu.memory_space<vmem_shared>>)
        %dma_start3A_341 = arith.constant 5 : i32
        %dma_start3A_342 = arith.constant 0 : i32
        %dma_start3A_343 = tpu.memref_slice %arg11[%dma_start3A_341, %dma_start3A_342] : memref<16x128xi32, #tpu.memory_space<vmem>> -> memref<1x128xi32, #tpu.memory_space<vmem>>
        %dma_start3A_344 = tpu.memref_squeeze %dma_start3A_343 : memref<1x128xi32, #tpu.memory_space<vmem>> -> memref<128xi32, #tpu.memory_space<vmem>>
        %dma_start3A_345 = arith.constant 0 : i32
        %dma_start3A_346 = arith.constant 0 : i32
        %dma_start3A_347 = tpu.memref_slice %arg8[%dma_start3A_345, %dma_start3A_346] : memref<10080x64xf32, #tpu.memory_space<vmem_shared>> -> memref<10080x64xf32, #tpu.memory_space<vmem_shared>>
        tpu.enqueue_indirect_dma source(%dma_start3A_347 : memref<10080x64xf32, #tpu.memory_space<vmem_shared>>) target(%arg16 : memref<128x64xf32, #tpu.memory_space<vmem>>) offsets(%dma_start3A_344 : memref<128xi32, #tpu.memory_space<vmem>>) semaphore(%arg28 : memref<!tpu.dma_semaphore, #tpu.memory_space<semaphore_mem>>)
        %dma_wait3A_348 = arith.constant 5 : i32
        %dma_wait3A_349 = arith.constant 0 : i32
        %dma_wait3A_350 = tpu.memref_slice %arg11[%dma_wait3A_348, %dma_wait3A_349] : memref<16x128xi32, #tpu.memory_space<vmem>> -> memref<1x128xi32, #tpu.memory_space<vmem>>
        %dma_wait3A_351 = tpu.memref_squeeze %dma_wait3A_350 : memref<1x128xi32, #tpu.memory_space<vmem>> -> memref<128xi32, #tpu.memory_space<vmem>>
        %dma_wait3A_352 = arith.constant 0 : i32
        %dma_wait3A_353 = arith.constant 0 : i32
        %dma_wait3A_354 = tpu.memref_slice %arg8[%dma_wait3A_352, %dma_wait3A_353] : memref<10080x64xf32, #tpu.memory_space<vmem_shared>> -> memref<10080x64xf32, #tpu.memory_space<vmem_shared>>
        tpu.wait_indirect_dma semaphore(%arg28 : memref<!tpu.dma_semaphore, #tpu.memory_space<semaphore_mem>>) src(%dma_wait3A_354 : memref<10080x64xf32, #tpu.memory_space<vmem_shared>>) dst(%arg16 : memref<128x64xf32, #tpu.memory_space<vmem>>)
        %dma_start3A_355 = arith.constant 5 : i32
        %dma_start3A_356 = arith.constant 0 : i32
        %dma_start3A_357 = tpu.memref_slice %arg12[%dma_start3A_355, %dma_start3A_356] : memref<16x128xi32, #tpu.memory_space<vmem>> -> memref<1x128xi32, #tpu.memory_space<vmem>>
        %dma_start3A_358 = tpu.memref_squeeze %dma_start3A_357 : memref<1x128xi32, #tpu.memory_space<vmem>> -> memref<128xi32, #tpu.memory_space<vmem>>
        %dma_start3A_359 = arith.constant 0 : i32
        %dma_start3A_360 = arith.constant 0 : i32
        %dma_start3A_361 = tpu.memref_slice %arg9[%dma_start3A_359, %dma_start3A_360] : memref<10080x64xf32, #tpu.memory_space<vmem_shared>> -> memref<10080x64xf32, #tpu.memory_space<vmem_shared>>
        tpu.enqueue_indirect_dma source(%arg16 : memref<128x64xf32, #tpu.memory_space<vmem>>) target(%dma_start3A_361 : memref<10080x64xf32, #tpu.memory_space<vmem_shared>>) offsets(%dma_start3A_358 : memref<128xi32, #tpu.memory_space<vmem>>) semaphore(%arg30 : memref<!tpu.dma_semaphore, #tpu.memory_space<semaphore_mem>>) {add = true}
        %dma_wait3A_362 = arith.constant 4 : i32
        %dma_wait3A_363 = arith.constant 0 : i32
        %dma_wait3A_364 = tpu.memref_slice %arg12[%dma_wait3A_362, %dma_wait3A_363] : memref<16x128xi32, #tpu.memory_space<vmem>> -> memref<1x128xi32, #tpu.memory_space<vmem>>
        %dma_wait3A_365 = tpu.memref_squeeze %dma_wait3A_364 : memref<1x128xi32, #tpu.memory_space<vmem>> -> memref<128xi32, #tpu.memory_space<vmem>>
        %dma_wait3A_366 = arith.constant 0 : i32
        %dma_wait3A_367 = arith.constant 0 : i32
        %dma_wait3A_368 = tpu.memref_slice %arg9[%dma_wait3A_366, %dma_wait3A_367] : memref<10080x64xf32, #tpu.memory_space<vmem_shared>> -> memref<10080x64xf32, #tpu.memory_space<vmem_shared>>
        tpu.wait_indirect_dma semaphore(%arg29 : memref<!tpu.dma_semaphore, #tpu.memory_space<semaphore_mem>>) src(%arg15 : memref<128x64xf32, #tpu.memory_space<vmem>>) dst(%dma_wait3A_368 : memref<10080x64xf32, #tpu.memory_space<vmem_shared>>)
        %dma_start3A_369 = arith.constant 6 : i32
        %dma_start3A_370 = arith.constant 0 : i32
        %dma_start3A_371 = tpu.memref_slice %arg11[%dma_start3A_369, %dma_start3A_370] : memref<16x128xi32, #tpu.memory_space<vmem>> -> memref<1x128xi32, #tpu.memory_space<vmem>>
        %dma_start3A_372 = tpu.memref_squeeze %dma_start3A_371 : memref<1x128xi32, #tpu.memory_space<vmem>> -> memref<128xi32, #tpu.memory_space<vmem>>
        %dma_start3A_373 = arith.constant 0 : i32
        %dma_start3A_374 = arith.constant 0 : i32
        %dma_start3A_375 = tpu.memref_slice %arg8[%dma_start3A_373, %dma_start3A_374] : memref<10080x64xf32, #tpu.memory_space<vmem_shared>> -> memref<10080x64xf32, #tpu.memory_space<vmem_shared>>
        tpu.enqueue_indirect_dma source(%dma_start3A_375 : memref<10080x64xf32, #tpu.memory_space<vmem_shared>>) target(%arg15 : memref<128x64xf32, #tpu.memory_space<vmem>>) offsets(%dma_start3A_372 : memref<128xi32, #tpu.memory_space<vmem>>) semaphore(%arg27 : memref<!tpu.dma_semaphore, #tpu.memory_space<semaphore_mem>>)
        %dma_wait3A_376 = arith.constant 6 : i32
        %dma_wait3A_377 = arith.constant 0 : i32
        %dma_wait3A_378 = tpu.memref_slice %arg11[%dma_wait3A_376, %dma_wait3A_377] : memref<16x128xi32, #tpu.memory_space<vmem>> -> memref<1x128xi32, #tpu.memory_space<vmem>>
        %dma_wait3A_379 = tpu.memref_squeeze %dma_wait3A_378 : memref<1x128xi32, #tpu.memory_space<vmem>> -> memref<128xi32, #tpu.memory_space<vmem>>
        %dma_wait3A_380 = arith.constant 0 : i32
        %dma_wait3A_381 = arith.constant 0 : i32
        %dma_wait3A_382 = tpu.memref_slice %arg8[%dma_wait3A_380, %dma_wait3A_381] : memref<10080x64xf32, #tpu.memory_space<vmem_shared>> -> memref<10080x64xf32, #tpu.memory_space<vmem_shared>>
        tpu.wait_indirect_dma semaphore(%arg27 : memref<!tpu.dma_semaphore, #tpu.memory_space<semaphore_mem>>) src(%dma_wait3A_382 : memref<10080x64xf32, #tpu.memory_space<vmem_shared>>) dst(%arg15 : memref<128x64xf32, #tpu.memory_space<vmem>>)
        %dma_start3A_383 = arith.constant 6 : i32
        %dma_start3A_384 = arith.constant 0 : i32
        %dma_start3A_385 = tpu.memref_slice %arg12[%dma_start3A_383, %dma_start3A_384] : memref<16x128xi32, #tpu.memory_space<vmem>> -> memref<1x128xi32, #tpu.memory_space<vmem>>
        %dma_start3A_386 = tpu.memref_squeeze %dma_start3A_385 : memref<1x128xi32, #tpu.memory_space<vmem>> -> memref<128xi32, #tpu.memory_space<vmem>>
        %dma_start3A_387 = arith.constant 0 : i32
        %dma_start3A_388 = arith.constant 0 : i32
        %dma_start3A_389 = tpu.memref_slice %arg9[%dma_start3A_387, %dma_start3A_388] : memref<10080x64xf32, #tpu.memory_space<vmem_shared>> -> memref<10080x64xf32, #tpu.memory_space<vmem_shared>>
        tpu.enqueue_indirect_dma source(%arg15 : memref<128x64xf32, #tpu.memory_space<vmem>>) target(%dma_start3A_389 : memref<10080x64xf32, #tpu.memory_space<vmem_shared>>) offsets(%dma_start3A_386 : memref<128xi32, #tpu.memory_space<vmem>>) semaphore(%arg29 : memref<!tpu.dma_semaphore, #tpu.memory_space<semaphore_mem>>) {add = true}
        %dma_wait3A_390 = arith.constant 5 : i32
        %dma_wait3A_391 = arith.constant 0 : i32
        %dma_wait3A_392 = tpu.memref_slice %arg12[%dma_wait3A_390, %dma_wait3A_391] : memref<16x128xi32, #tpu.memory_space<vmem>> -> memref<1x128xi32, #tpu.memory_space<vmem>>
        %dma_wait3A_393 = tpu.memref_squeeze %dma_wait3A_392 : memref<1x128xi32, #tpu.memory_space<vmem>> -> memref<128xi32, #tpu.memory_space<vmem>>
        %dma_wait3A_394 = arith.constant 0 : i32
        %dma_wait3A_395 = arith.constant 0 : i32
        %dma_wait3A_396 = tpu.memref_slice %arg9[%dma_wait3A_394, %dma_wait3A_395] : memref<10080x64xf32, #tpu.memory_space<vmem_shared>> -> memref<10080x64xf32, #tpu.memory_space<vmem_shared>>
        tpu.wait_indirect_dma semaphore(%arg30 : memref<!tpu.dma_semaphore, #tpu.memory_space<semaphore_mem>>) src(%arg16 : memref<128x64xf32, #tpu.memory_space<vmem>>) dst(%dma_wait3A_396 : memref<10080x64xf32, #tpu.memory_space<vmem_shared>>)
        %dma_start3A_397 = arith.constant 7 : i32
        %dma_start3A_398 = arith.constant 0 : i32
        %dma_start3A_399 = tpu.memref_slice %arg11[%dma_start3A_397, %dma_start3A_398] : memref<16x128xi32, #tpu.memory_space<vmem>> -> memref<1x128xi32, #tpu.memory_space<vmem>>
        %dma_start3A_400 = tpu.memref_squeeze %dma_start3A_399 : memref<1x128xi32, #tpu.memory_space<vmem>> -> memref<128xi32, #tpu.memory_space<vmem>>
        %dma_start3A_401 = arith.constant 0 : i32
        %dma_start3A_402 = arith.constant 0 : i32
        %dma_start3A_403 = tpu.memref_slice %arg8[%dma_start3A_401, %dma_start3A_402] : memref<10080x64xf32, #tpu.memory_space<vmem_shared>> -> memref<10080x64xf32, #tpu.memory_space<vmem_shared>>
        tpu.enqueue_indirect_dma source(%dma_start3A_403 : memref<10080x64xf32, #tpu.memory_space<vmem_shared>>) target(%arg16 : memref<128x64xf32, #tpu.memory_space<vmem>>) offsets(%dma_start3A_400 : memref<128xi32, #tpu.memory_space<vmem>>) semaphore(%arg28 : memref<!tpu.dma_semaphore, #tpu.memory_space<semaphore_mem>>)
        %dma_wait3A_404 = arith.constant 7 : i32
        %dma_wait3A_405 = arith.constant 0 : i32
        %dma_wait3A_406 = tpu.memref_slice %arg11[%dma_wait3A_404, %dma_wait3A_405] : memref<16x128xi32, #tpu.memory_space<vmem>> -> memref<1x128xi32, #tpu.memory_space<vmem>>
        %dma_wait3A_407 = tpu.memref_squeeze %dma_wait3A_406 : memref<1x128xi32, #tpu.memory_space<vmem>> -> memref<128xi32, #tpu.memory_space<vmem>>
        %dma_wait3A_408 = arith.constant 0 : i32
        %dma_wait3A_409 = arith.constant 0 : i32
        %dma_wait3A_410 = tpu.memref_slice %arg8[%dma_wait3A_408, %dma_wait3A_409] : memref<10080x64xf32, #tpu.memory_space<vmem_shared>> -> memref<10080x64xf32, #tpu.memory_space<vmem_shared>>
        tpu.wait_indirect_dma semaphore(%arg28 : memref<!tpu.dma_semaphore, #tpu.memory_space<semaphore_mem>>) src(%dma_wait3A_410 : memref<10080x64xf32, #tpu.memory_space<vmem_shared>>) dst(%arg16 : memref<128x64xf32, #tpu.memory_space<vmem>>)
        %dma_start3A_411 = arith.constant 7 : i32
        %dma_start3A_412 = arith.constant 0 : i32
        %dma_start3A_413 = tpu.memref_slice %arg12[%dma_start3A_411, %dma_start3A_412] : memref<16x128xi32, #tpu.memory_space<vmem>> -> memref<1x128xi32, #tpu.memory_space<vmem>>
        %dma_start3A_414 = tpu.memref_squeeze %dma_start3A_413 : memref<1x128xi32, #tpu.memory_space<vmem>> -> memref<128xi32, #tpu.memory_space<vmem>>
        %dma_start3A_415 = arith.constant 0 : i32
        %dma_start3A_416 = arith.constant 0 : i32
        %dma_start3A_417 = tpu.memref_slice %arg9[%dma_start3A_415, %dma_start3A_416] : memref<10080x64xf32, #tpu.memory_space<vmem_shared>> -> memref<10080x64xf32, #tpu.memory_space<vmem_shared>>
        tpu.enqueue_indirect_dma source(%arg16 : memref<128x64xf32, #tpu.memory_space<vmem>>) target(%dma_start3A_417 : memref<10080x64xf32, #tpu.memory_space<vmem_shared>>) offsets(%dma_start3A_414 : memref<128xi32, #tpu.memory_space<vmem>>) semaphore(%arg30 : memref<!tpu.dma_semaphore, #tpu.memory_space<semaphore_mem>>) {add = true}
        %dma_wait3A_418 = arith.constant 6 : i32
        %dma_wait3A_419 = arith.constant 0 : i32
        %dma_wait3A_420 = tpu.memref_slice %arg12[%dma_wait3A_418, %dma_wait3A_419] : memref<16x128xi32, #tpu.memory_space<vmem>> -> memref<1x128xi32, #tpu.memory_space<vmem>>
        %dma_wait3A_421 = tpu.memref_squeeze %dma_wait3A_420 : memref<1x128xi32, #tpu.memory_space<vmem>> -> memref<128xi32, #tpu.memory_space<vmem>>
        %dma_wait3A_422 = arith.constant 0 : i32
        %dma_wait3A_423 = arith.constant 0 : i32
        %dma_wait3A_424 = tpu.memref_slice %arg9[%dma_wait3A_422, %dma_wait3A_423] : memref<10080x64xf32, #tpu.memory_space<vmem_shared>> -> memref<10080x64xf32, #tpu.memory_space<vmem_shared>>
        tpu.wait_indirect_dma semaphore(%arg29 : memref<!tpu.dma_semaphore, #tpu.memory_space<semaphore_mem>>) src(%arg15 : memref<128x64xf32, #tpu.memory_space<vmem>>) dst(%dma_wait3A_424 : memref<10080x64xf32, #tpu.memory_space<vmem_shared>>)
        %dma_start3A_425 = arith.constant 8 : i32
        %dma_start3A_426 = arith.constant 0 : i32
        %dma_start3A_427 = tpu.memref_slice %arg11[%dma_start3A_425, %dma_start3A_426] : memref<16x128xi32, #tpu.memory_space<vmem>> -> memref<1x128xi32, #tpu.memory_space<vmem>>
        %dma_start3A_428 = tpu.memref_squeeze %dma_start3A_427 : memref<1x128xi32, #tpu.memory_space<vmem>> -> memref<128xi32, #tpu.memory_space<vmem>>
        %dma_start3A_429 = arith.constant 0 : i32
        %dma_start3A_430 = arith.constant 0 : i32
        %dma_start3A_431 = tpu.memref_slice %arg8[%dma_start3A_429, %dma_start3A_430] : memref<10080x64xf32, #tpu.memory_space<vmem_shared>> -> memref<10080x64xf32, #tpu.memory_space<vmem_shared>>
        tpu.enqueue_indirect_dma source(%dma_start3A_431 : memref<10080x64xf32, #tpu.memory_space<vmem_shared>>) target(%arg15 : memref<128x64xf32, #tpu.memory_space<vmem>>) offsets(%dma_start3A_428 : memref<128xi32, #tpu.memory_space<vmem>>) semaphore(%arg27 : memref<!tpu.dma_semaphore, #tpu.memory_space<semaphore_mem>>)
        %dma_wait3A_432 = arith.constant 8 : i32
        %dma_wait3A_433 = arith.constant 0 : i32
        %dma_wait3A_434 = tpu.memref_slice %arg11[%dma_wait3A_432, %dma_wait3A_433] : memref<16x128xi32, #tpu.memory_space<vmem>> -> memref<1x128xi32, #tpu.memory_space<vmem>>
        %dma_wait3A_435 = tpu.memref_squeeze %dma_wait3A_434 : memref<1x128xi32, #tpu.memory_space<vmem>> -> memref<128xi32, #tpu.memory_space<vmem>>
        %dma_wait3A_436 = arith.constant 0 : i32
        %dma_wait3A_437 = arith.constant 0 : i32
        %dma_wait3A_438 = tpu.memref_slice %arg8[%dma_wait3A_436, %dma_wait3A_437] : memref<10080x64xf32, #tpu.memory_space<vmem_shared>> -> memref<10080x64xf32, #tpu.memory_space<vmem_shared>>
        tpu.wait_indirect_dma semaphore(%arg27 : memref<!tpu.dma_semaphore, #tpu.memory_space<semaphore_mem>>) src(%dma_wait3A_438 : memref<10080x64xf32, #tpu.memory_space<vmem_shared>>) dst(%arg15 : memref<128x64xf32, #tpu.memory_space<vmem>>)
        %dma_start3A_439 = arith.constant 8 : i32
        %dma_start3A_440 = arith.constant 0 : i32
        %dma_start3A_441 = tpu.memref_slice %arg12[%dma_start3A_439, %dma_start3A_440] : memref<16x128xi32, #tpu.memory_space<vmem>> -> memref<1x128xi32, #tpu.memory_space<vmem>>
        %dma_start3A_442 = tpu.memref_squeeze %dma_start3A_441 : memref<1x128xi32, #tpu.memory_space<vmem>> -> memref<128xi32, #tpu.memory_space<vmem>>
        %dma_start3A_443 = arith.constant 0 : i32
        %dma_start3A_444 = arith.constant 0 : i32
        %dma_start3A_445 = tpu.memref_slice %arg9[%dma_start3A_443, %dma_start3A_444] : memref<10080x64xf32, #tpu.memory_space<vmem_shared>> -> memref<10080x64xf32, #tpu.memory_space<vmem_shared>>
        tpu.enqueue_indirect_dma source(%arg15 : memref<128x64xf32, #tpu.memory_space<vmem>>) target(%dma_start3A_445 : memref<10080x64xf32, #tpu.memory_space<vmem_shared>>) offsets(%dma_start3A_442 : memref<128xi32, #tpu.memory_space<vmem>>) semaphore(%arg29 : memref<!tpu.dma_semaphore, #tpu.memory_space<semaphore_mem>>) {add = true}
        %dma_wait3A_446 = arith.constant 7 : i32
        %dma_wait3A_447 = arith.constant 0 : i32
        %dma_wait3A_448 = tpu.memref_slice %arg12[%dma_wait3A_446, %dma_wait3A_447] : memref<16x128xi32, #tpu.memory_space<vmem>> -> memref<1x128xi32, #tpu.memory_space<vmem>>
        %dma_wait3A_449 = tpu.memref_squeeze %dma_wait3A_448 : memref<1x128xi32, #tpu.memory_space<vmem>> -> memref<128xi32, #tpu.memory_space<vmem>>
        %dma_wait3A_450 = arith.constant 0 : i32
        %dma_wait3A_451 = arith.constant 0 : i32
        %dma_wait3A_452 = tpu.memref_slice %arg9[%dma_wait3A_450, %dma_wait3A_451] : memref<10080x64xf32, #tpu.memory_space<vmem_shared>> -> memref<10080x64xf32, #tpu.memory_space<vmem_shared>>
        tpu.wait_indirect_dma semaphore(%arg30 : memref<!tpu.dma_semaphore, #tpu.memory_space<semaphore_mem>>) src(%arg16 : memref<128x64xf32, #tpu.memory_space<vmem>>) dst(%dma_wait3A_452 : memref<10080x64xf32, #tpu.memory_space<vmem_shared>>)
        %dma_start3A_453 = arith.constant 9 : i32
        %dma_start3A_454 = arith.constant 0 : i32
        %dma_start3A_455 = tpu.memref_slice %arg11[%dma_start3A_453, %dma_start3A_454] : memref<16x128xi32, #tpu.memory_space<vmem>> -> memref<1x128xi32, #tpu.memory_space<vmem>>
        %dma_start3A_456 = tpu.memref_squeeze %dma_start3A_455 : memref<1x128xi32, #tpu.memory_space<vmem>> -> memref<128xi32, #tpu.memory_space<vmem>>
        %dma_start3A_457 = arith.constant 0 : i32
        %dma_start3A_458 = arith.constant 0 : i32
        %dma_start3A_459 = tpu.memref_slice %arg8[%dma_start3A_457, %dma_start3A_458] : memref<10080x64xf32, #tpu.memory_space<vmem_shared>> -> memref<10080x64xf32, #tpu.memory_space<vmem_shared>>
        tpu.enqueue_indirect_dma source(%dma_start3A_459 : memref<10080x64xf32, #tpu.memory_space<vmem_shared>>) target(%arg16 : memref<128x64xf32, #tpu.memory_space<vmem>>) offsets(%dma_start3A_456 : memref<128xi32, #tpu.memory_space<vmem>>) semaphore(%arg28 : memref<!tpu.dma_semaphore, #tpu.memory_space<semaphore_mem>>)
        %dma_wait3A_460 = arith.constant 9 : i32
        %dma_wait3A_461 = arith.constant 0 : i32
        %dma_wait3A_462 = tpu.memref_slice %arg11[%dma_wait3A_460, %dma_wait3A_461] : memref<16x128xi32, #tpu.memory_space<vmem>> -> memref<1x128xi32, #tpu.memory_space<vmem>>
        %dma_wait3A_463 = tpu.memref_squeeze %dma_wait3A_462 : memref<1x128xi32, #tpu.memory_space<vmem>> -> memref<128xi32, #tpu.memory_space<vmem>>
        %dma_wait3A_464 = arith.constant 0 : i32
        %dma_wait3A_465 = arith.constant 0 : i32
        %dma_wait3A_466 = tpu.memref_slice %arg8[%dma_wait3A_464, %dma_wait3A_465] : memref<10080x64xf32, #tpu.memory_space<vmem_shared>> -> memref<10080x64xf32, #tpu.memory_space<vmem_shared>>
        tpu.wait_indirect_dma semaphore(%arg28 : memref<!tpu.dma_semaphore, #tpu.memory_space<semaphore_mem>>) src(%dma_wait3A_466 : memref<10080x64xf32, #tpu.memory_space<vmem_shared>>) dst(%arg16 : memref<128x64xf32, #tpu.memory_space<vmem>>)
        %dma_start3A_467 = arith.constant 9 : i32
        %dma_start3A_468 = arith.constant 0 : i32
        %dma_start3A_469 = tpu.memref_slice %arg12[%dma_start3A_467, %dma_start3A_468] : memref<16x128xi32, #tpu.memory_space<vmem>> -> memref<1x128xi32, #tpu.memory_space<vmem>>
        %dma_start3A_470 = tpu.memref_squeeze %dma_start3A_469 : memref<1x128xi32, #tpu.memory_space<vmem>> -> memref<128xi32, #tpu.memory_space<vmem>>
        %dma_start3A_471 = arith.constant 0 : i32
        %dma_start3A_472 = arith.constant 0 : i32
        %dma_start3A_473 = tpu.memref_slice %arg9[%dma_start3A_471, %dma_start3A_472] : memref<10080x64xf32, #tpu.memory_space<vmem_shared>> -> memref<10080x64xf32, #tpu.memory_space<vmem_shared>>
        tpu.enqueue_indirect_dma source(%arg16 : memref<128x64xf32, #tpu.memory_space<vmem>>) target(%dma_start3A_473 : memref<10080x64xf32, #tpu.memory_space<vmem_shared>>) offsets(%dma_start3A_470 : memref<128xi32, #tpu.memory_space<vmem>>) semaphore(%arg30 : memref<!tpu.dma_semaphore, #tpu.memory_space<semaphore_mem>>) {add = true}
        %dma_wait3A_474 = arith.constant 8 : i32
        %dma_wait3A_475 = arith.constant 0 : i32
        %dma_wait3A_476 = tpu.memref_slice %arg12[%dma_wait3A_474, %dma_wait3A_475] : memref<16x128xi32, #tpu.memory_space<vmem>> -> memref<1x128xi32, #tpu.memory_space<vmem>>
        %dma_wait3A_477 = tpu.memref_squeeze %dma_wait3A_476 : memref<1x128xi32, #tpu.memory_space<vmem>> -> memref<128xi32, #tpu.memory_space<vmem>>
        %dma_wait3A_478 = arith.constant 0 : i32
        %dma_wait3A_479 = arith.constant 0 : i32
        %dma_wait3A_480 = tpu.memref_slice %arg9[%dma_wait3A_478, %dma_wait3A_479] : memref<10080x64xf32, #tpu.memory_space<vmem_shared>> -> memref<10080x64xf32, #tpu.memory_space<vmem_shared>>
        tpu.wait_indirect_dma semaphore(%arg29 : memref<!tpu.dma_semaphore, #tpu.memory_space<semaphore_mem>>) src(%arg15 : memref<128x64xf32, #tpu.memory_space<vmem>>) dst(%dma_wait3A_480 : memref<10080x64xf32, #tpu.memory_space<vmem_shared>>)
        %dma_start3A_481 = arith.constant 10 : i32
        %dma_start3A_482 = arith.constant 0 : i32
        %dma_start3A_483 = tpu.memref_slice %arg11[%dma_start3A_481, %dma_start3A_482] : memref<16x128xi32, #tpu.memory_space<vmem>> -> memref<1x128xi32, #tpu.memory_space<vmem>>
        %dma_start3A_484 = tpu.memref_squeeze %dma_start3A_483 : memref<1x128xi32, #tpu.memory_space<vmem>> -> memref<128xi32, #tpu.memory_space<vmem>>
        %dma_start3A_485 = arith.constant 0 : i32
        %dma_start3A_486 = arith.constant 0 : i32
        %dma_start3A_487 = tpu.memref_slice %arg8[%dma_start3A_485, %dma_start3A_486] : memref<10080x64xf32, #tpu.memory_space<vmem_shared>> -> memref<10080x64xf32, #tpu.memory_space<vmem_shared>>
        tpu.enqueue_indirect_dma source(%dma_start3A_487 : memref<10080x64xf32, #tpu.memory_space<vmem_shared>>) target(%arg15 : memref<128x64xf32, #tpu.memory_space<vmem>>) offsets(%dma_start3A_484 : memref<128xi32, #tpu.memory_space<vmem>>) semaphore(%arg27 : memref<!tpu.dma_semaphore, #tpu.memory_space<semaphore_mem>>)
        %dma_wait3A_488 = arith.constant 10 : i32
        %dma_wait3A_489 = arith.constant 0 : i32
        %dma_wait3A_490 = tpu.memref_slice %arg11[%dma_wait3A_488, %dma_wait3A_489] : memref<16x128xi32, #tpu.memory_space<vmem>> -> memref<1x128xi32, #tpu.memory_space<vmem>>
        %dma_wait3A_491 = tpu.memref_squeeze %dma_wait3A_490 : memref<1x128xi32, #tpu.memory_space<vmem>> -> memref<128xi32, #tpu.memory_space<vmem>>
        %dma_wait3A_492 = arith.constant 0 : i32
        %dma_wait3A_493 = arith.constant 0 : i32
        %dma_wait3A_494 = tpu.memref_slice %arg8[%dma_wait3A_492, %dma_wait3A_493] : memref<10080x64xf32, #tpu.memory_space<vmem_shared>> -> memref<10080x64xf32, #tpu.memory_space<vmem_shared>>
        tpu.wait_indirect_dma semaphore(%arg27 : memref<!tpu.dma_semaphore, #tpu.memory_space<semaphore_mem>>) src(%dma_wait3A_494 : memref<10080x64xf32, #tpu.memory_space<vmem_shared>>) dst(%arg15 : memref<128x64xf32, #tpu.memory_space<vmem>>)
        %dma_start3A_495 = arith.constant 10 : i32
        %dma_start3A_496 = arith.constant 0 : i32
        %dma_start3A_497 = tpu.memref_slice %arg12[%dma_start3A_495, %dma_start3A_496] : memref<16x128xi32, #tpu.memory_space<vmem>> -> memref<1x128xi32, #tpu.memory_space<vmem>>
        %dma_start3A_498 = tpu.memref_squeeze %dma_start3A_497 : memref<1x128xi32, #tpu.memory_space<vmem>> -> memref<128xi32, #tpu.memory_space<vmem>>
        %dma_start3A_499 = arith.constant 0 : i32
        %dma_start3A_500 = arith.constant 0 : i32
        %dma_start3A_501 = tpu.memref_slice %arg9[%dma_start3A_499, %dma_start3A_500] : memref<10080x64xf32, #tpu.memory_space<vmem_shared>> -> memref<10080x64xf32, #tpu.memory_space<vmem_shared>>
        tpu.enqueue_indirect_dma source(%arg15 : memref<128x64xf32, #tpu.memory_space<vmem>>) target(%dma_start3A_501 : memref<10080x64xf32, #tpu.memory_space<vmem_shared>>) offsets(%dma_start3A_498 : memref<128xi32, #tpu.memory_space<vmem>>) semaphore(%arg29 : memref<!tpu.dma_semaphore, #tpu.memory_space<semaphore_mem>>) {add = true}
        %dma_wait3A_502 = arith.constant 9 : i32
        %dma_wait3A_503 = arith.constant 0 : i32
        %dma_wait3A_504 = tpu.memref_slice %arg12[%dma_wait3A_502, %dma_wait3A_503] : memref<16x128xi32, #tpu.memory_space<vmem>> -> memref<1x128xi32, #tpu.memory_space<vmem>>
        %dma_wait3A_505 = tpu.memref_squeeze %dma_wait3A_504 : memref<1x128xi32, #tpu.memory_space<vmem>> -> memref<128xi32, #tpu.memory_space<vmem>>
        %dma_wait3A_506 = arith.constant 0 : i32
        %dma_wait3A_507 = arith.constant 0 : i32
        %dma_wait3A_508 = tpu.memref_slice %arg9[%dma_wait3A_506, %dma_wait3A_507] : memref<10080x64xf32, #tpu.memory_space<vmem_shared>> -> memref<10080x64xf32, #tpu.memory_space<vmem_shared>>
        tpu.wait_indirect_dma semaphore(%arg30 : memref<!tpu.dma_semaphore, #tpu.memory_space<semaphore_mem>>) src(%arg16 : memref<128x64xf32, #tpu.memory_space<vmem>>) dst(%dma_wait3A_508 : memref<10080x64xf32, #tpu.memory_space<vmem_shared>>)
        %dma_start3A_509 = arith.constant 11 : i32
        %dma_start3A_510 = arith.constant 0 : i32
        %dma_start3A_511 = tpu.memref_slice %arg11[%dma_start3A_509, %dma_start3A_510] : memref<16x128xi32, #tpu.memory_space<vmem>> -> memref<1x128xi32, #tpu.memory_space<vmem>>
        %dma_start3A_512 = tpu.memref_squeeze %dma_start3A_511 : memref<1x128xi32, #tpu.memory_space<vmem>> -> memref<128xi32, #tpu.memory_space<vmem>>
        %dma_start3A_513 = arith.constant 0 : i32
        %dma_start3A_514 = arith.constant 0 : i32
        %dma_start3A_515 = tpu.memref_slice %arg8[%dma_start3A_513, %dma_start3A_514] : memref<10080x64xf32, #tpu.memory_space<vmem_shared>> -> memref<10080x64xf32, #tpu.memory_space<vmem_shared>>
        tpu.enqueue_indirect_dma source(%dma_start3A_515 : memref<10080x64xf32, #tpu.memory_space<vmem_shared>>) target(%arg16 : memref<128x64xf32, #tpu.memory_space<vmem>>) offsets(%dma_start3A_512 : memref<128xi32, #tpu.memory_space<vmem>>) semaphore(%arg28 : memref<!tpu.dma_semaphore, #tpu.memory_space<semaphore_mem>>)
        %dma_wait3A_516 = arith.constant 11 : i32
        %dma_wait3A_517 = arith.constant 0 : i32
        %dma_wait3A_518 = tpu.memref_slice %arg11[%dma_wait3A_516, %dma_wait3A_517] : memref<16x128xi32, #tpu.memory_space<vmem>> -> memref<1x128xi32, #tpu.memory_space<vmem>>
        %dma_wait3A_519 = tpu.memref_squeeze %dma_wait3A_518 : memref<1x128xi32, #tpu.memory_space<vmem>> -> memref<128xi32, #tpu.memory_space<vmem>>
        %dma_wait3A_520 = arith.constant 0 : i32
        %dma_wait3A_521 = arith.constant 0 : i32
        %dma_wait3A_522 = tpu.memref_slice %arg8[%dma_wait3A_520, %dma_wait3A_521] : memref<10080x64xf32, #tpu.memory_space<vmem_shared>> -> memref<10080x64xf32, #tpu.memory_space<vmem_shared>>
        tpu.wait_indirect_dma semaphore(%arg28 : memref<!tpu.dma_semaphore, #tpu.memory_space<semaphore_mem>>) src(%dma_wait3A_522 : memref<10080x64xf32, #tpu.memory_space<vmem_shared>>) dst(%arg16 : memref<128x64xf32, #tpu.memory_space<vmem>>)
        %dma_start3A_523 = arith.constant 11 : i32
        %dma_start3A_524 = arith.constant 0 : i32
        %dma_start3A_525 = tpu.memref_slice %arg12[%dma_start3A_523, %dma_start3A_524] : memref<16x128xi32, #tpu.memory_space<vmem>> -> memref<1x128xi32, #tpu.memory_space<vmem>>
        %dma_start3A_526 = tpu.memref_squeeze %dma_start3A_525 : memref<1x128xi32, #tpu.memory_space<vmem>> -> memref<128xi32, #tpu.memory_space<vmem>>
        %dma_start3A_527 = arith.constant 0 : i32
        %dma_start3A_528 = arith.constant 0 : i32
        %dma_start3A_529 = tpu.memref_slice %arg9[%dma_start3A_527, %dma_start3A_528] : memref<10080x64xf32, #tpu.memory_space<vmem_shared>> -> memref<10080x64xf32, #tpu.memory_space<vmem_shared>>
        tpu.enqueue_indirect_dma source(%arg16 : memref<128x64xf32, #tpu.memory_space<vmem>>) target(%dma_start3A_529 : memref<10080x64xf32, #tpu.memory_space<vmem_shared>>) offsets(%dma_start3A_526 : memref<128xi32, #tpu.memory_space<vmem>>) semaphore(%arg30 : memref<!tpu.dma_semaphore, #tpu.memory_space<semaphore_mem>>) {add = true}
        %dma_wait3A_530 = arith.constant 10 : i32
        %dma_wait3A_531 = arith.constant 0 : i32
        %dma_wait3A_532 = tpu.memref_slice %arg12[%dma_wait3A_530, %dma_wait3A_531] : memref<16x128xi32, #tpu.memory_space<vmem>> -> memref<1x128xi32, #tpu.memory_space<vmem>>
        %dma_wait3A_533 = tpu.memref_squeeze %dma_wait3A_532 : memref<1x128xi32, #tpu.memory_space<vmem>> -> memref<128xi32, #tpu.memory_space<vmem>>
        %dma_wait3A_534 = arith.constant 0 : i32
        %dma_wait3A_535 = arith.constant 0 : i32
        %dma_wait3A_536 = tpu.memref_slice %arg9[%dma_wait3A_534, %dma_wait3A_535] : memref<10080x64xf32, #tpu.memory_space<vmem_shared>> -> memref<10080x64xf32, #tpu.memory_space<vmem_shared>>
        tpu.wait_indirect_dma semaphore(%arg29 : memref<!tpu.dma_semaphore, #tpu.memory_space<semaphore_mem>>) src(%arg15 : memref<128x64xf32, #tpu.memory_space<vmem>>) dst(%dma_wait3A_536 : memref<10080x64xf32, #tpu.memory_space<vmem_shared>>)
        %dma_start3A_537 = arith.constant 12 : i32
        %dma_start3A_538 = arith.constant 0 : i32
        %dma_start3A_539 = tpu.memref_slice %arg11[%dma_start3A_537, %dma_start3A_538] : memref<16x128xi32, #tpu.memory_space<vmem>> -> memref<1x128xi32, #tpu.memory_space<vmem>>
        %dma_start3A_540 = tpu.memref_squeeze %dma_start3A_539 : memref<1x128xi32, #tpu.memory_space<vmem>> -> memref<128xi32, #tpu.memory_space<vmem>>
        %dma_start3A_541 = arith.constant 0 : i32
        %dma_start3A_542 = arith.constant 0 : i32
        %dma_start3A_543 = tpu.memref_slice %arg8[%dma_start3A_541, %dma_start3A_542] : memref<10080x64xf32, #tpu.memory_space<vmem_shared>> -> memref<10080x64xf32, #tpu.memory_space<vmem_shared>>
        tpu.enqueue_indirect_dma source(%dma_start3A_543 : memref<10080x64xf32, #tpu.memory_space<vmem_shared>>) target(%arg15 : memref<128x64xf32, #tpu.memory_space<vmem>>) offsets(%dma_start3A_540 : memref<128xi32, #tpu.memory_space<vmem>>) semaphore(%arg27 : memref<!tpu.dma_semaphore, #tpu.memory_space<semaphore_mem>>)
        %dma_wait3A_544 = arith.constant 12 : i32
        %dma_wait3A_545 = arith.constant 0 : i32
        %dma_wait3A_546 = tpu.memref_slice %arg11[%dma_wait3A_544, %dma_wait3A_545] : memref<16x128xi32, #tpu.memory_space<vmem>> -> memref<1x128xi32, #tpu.memory_space<vmem>>
        %dma_wait3A_547 = tpu.memref_squeeze %dma_wait3A_546 : memref<1x128xi32, #tpu.memory_space<vmem>> -> memref<128xi32, #tpu.memory_space<vmem>>
        %dma_wait3A_548 = arith.constant 0 : i32
        %dma_wait3A_549 = arith.constant 0 : i32
        %dma_wait3A_550 = tpu.memref_slice %arg8[%dma_wait3A_548, %dma_wait3A_549] : memref<10080x64xf32, #tpu.memory_space<vmem_shared>> -> memref<10080x64xf32, #tpu.memory_space<vmem_shared>>
        tpu.wait_indirect_dma semaphore(%arg27 : memref<!tpu.dma_semaphore, #tpu.memory_space<semaphore_mem>>) src(%dma_wait3A_550 : memref<10080x64xf32, #tpu.memory_space<vmem_shared>>) dst(%arg15 : memref<128x64xf32, #tpu.memory_space<vmem>>)
        %dma_start3A_551 = arith.constant 12 : i32
        %dma_start3A_552 = arith.constant 0 : i32
        %dma_start3A_553 = tpu.memref_slice %arg12[%dma_start3A_551, %dma_start3A_552] : memref<16x128xi32, #tpu.memory_space<vmem>> -> memref<1x128xi32, #tpu.memory_space<vmem>>
        %dma_start3A_554 = tpu.memref_squeeze %dma_start3A_553 : memref<1x128xi32, #tpu.memory_space<vmem>> -> memref<128xi32, #tpu.memory_space<vmem>>
        %dma_start3A_555 = arith.constant 0 : i32
        %dma_start3A_556 = arith.constant 0 : i32
        %dma_start3A_557 = tpu.memref_slice %arg9[%dma_start3A_555, %dma_start3A_556] : memref<10080x64xf32, #tpu.memory_space<vmem_shared>> -> memref<10080x64xf32, #tpu.memory_space<vmem_shared>>
        tpu.enqueue_indirect_dma source(%arg15 : memref<128x64xf32, #tpu.memory_space<vmem>>) target(%dma_start3A_557 : memref<10080x64xf32, #tpu.memory_space<vmem_shared>>) offsets(%dma_start3A_554 : memref<128xi32, #tpu.memory_space<vmem>>) semaphore(%arg29 : memref<!tpu.dma_semaphore, #tpu.memory_space<semaphore_mem>>) {add = true}
        %dma_wait3A_558 = arith.constant 11 : i32
        %dma_wait3A_559 = arith.constant 0 : i32
        %dma_wait3A_560 = tpu.memref_slice %arg12[%dma_wait3A_558, %dma_wait3A_559] : memref<16x128xi32, #tpu.memory_space<vmem>> -> memref<1x128xi32, #tpu.memory_space<vmem>>
        %dma_wait3A_561 = tpu.memref_squeeze %dma_wait3A_560 : memref<1x128xi32, #tpu.memory_space<vmem>> -> memref<128xi32, #tpu.memory_space<vmem>>
        %dma_wait3A_562 = arith.constant 0 : i32
        %dma_wait3A_563 = arith.constant 0 : i32
        %dma_wait3A_564 = tpu.memref_slice %arg9[%dma_wait3A_562, %dma_wait3A_563] : memref<10080x64xf32, #tpu.memory_space<vmem_shared>> -> memref<10080x64xf32, #tpu.memory_space<vmem_shared>>
        tpu.wait_indirect_dma semaphore(%arg30 : memref<!tpu.dma_semaphore, #tpu.memory_space<semaphore_mem>>) src(%arg16 : memref<128x64xf32, #tpu.memory_space<vmem>>) dst(%dma_wait3A_564 : memref<10080x64xf32, #tpu.memory_space<vmem_shared>>)
        %dma_start3A_565 = arith.constant 13 : i32
        %dma_start3A_566 = arith.constant 0 : i32
        %dma_start3A_567 = tpu.memref_slice %arg11[%dma_start3A_565, %dma_start3A_566] : memref<16x128xi32, #tpu.memory_space<vmem>> -> memref<1x128xi32, #tpu.memory_space<vmem>>
        %dma_start3A_568 = tpu.memref_squeeze %dma_start3A_567 : memref<1x128xi32, #tpu.memory_space<vmem>> -> memref<128xi32, #tpu.memory_space<vmem>>
        %dma_start3A_569 = arith.constant 0 : i32
        %dma_start3A_570 = arith.constant 0 : i32
        %dma_start3A_571 = tpu.memref_slice %arg8[%dma_start3A_569, %dma_start3A_570] : memref<10080x64xf32, #tpu.memory_space<vmem_shared>> -> memref<10080x64xf32, #tpu.memory_space<vmem_shared>>
        tpu.enqueue_indirect_dma source(%dma_start3A_571 : memref<10080x64xf32, #tpu.memory_space<vmem_shared>>) target(%arg16 : memref<128x64xf32, #tpu.memory_space<vmem>>) offsets(%dma_start3A_568 : memref<128xi32, #tpu.memory_space<vmem>>) semaphore(%arg28 : memref<!tpu.dma_semaphore, #tpu.memory_space<semaphore_mem>>)
        %dma_wait3A_572 = arith.constant 13 : i32
        %dma_wait3A_573 = arith.constant 0 : i32
        %dma_wait3A_574 = tpu.memref_slice %arg11[%dma_wait3A_572, %dma_wait3A_573] : memref<16x128xi32, #tpu.memory_space<vmem>> -> memref<1x128xi32, #tpu.memory_space<vmem>>
        %dma_wait3A_575 = tpu.memref_squeeze %dma_wait3A_574 : memref<1x128xi32, #tpu.memory_space<vmem>> -> memref<128xi32, #tpu.memory_space<vmem>>
        %dma_wait3A_576 = arith.constant 0 : i32
        %dma_wait3A_577 = arith.constant 0 : i32
        %dma_wait3A_578 = tpu.memref_slice %arg8[%dma_wait3A_576, %dma_wait3A_577] : memref<10080x64xf32, #tpu.memory_space<vmem_shared>> -> memref<10080x64xf32, #tpu.memory_space<vmem_shared>>
        tpu.wait_indirect_dma semaphore(%arg28 : memref<!tpu.dma_semaphore, #tpu.memory_space<semaphore_mem>>) src(%dma_wait3A_578 : memref<10080x64xf32, #tpu.memory_space<vmem_shared>>) dst(%arg16 : memref<128x64xf32, #tpu.memory_space<vmem>>)
        %dma_start3A_579 = arith.constant 13 : i32
        %dma_start3A_580 = arith.constant 0 : i32
        %dma_start3A_581 = tpu.memref_slice %arg12[%dma_start3A_579, %dma_start3A_580] : memref<16x128xi32, #tpu.memory_space<vmem>> -> memref<1x128xi32, #tpu.memory_space<vmem>>
        %dma_start3A_582 = tpu.memref_squeeze %dma_start3A_581 : memref<1x128xi32, #tpu.memory_space<vmem>> -> memref<128xi32, #tpu.memory_space<vmem>>
        %dma_start3A_583 = arith.constant 0 : i32
        %dma_start3A_584 = arith.constant 0 : i32
        %dma_start3A_585 = tpu.memref_slice %arg9[%dma_start3A_583, %dma_start3A_584] : memref<10080x64xf32, #tpu.memory_space<vmem_shared>> -> memref<10080x64xf32, #tpu.memory_space<vmem_shared>>
        tpu.enqueue_indirect_dma source(%arg16 : memref<128x64xf32, #tpu.memory_space<vmem>>) target(%dma_start3A_585 : memref<10080x64xf32, #tpu.memory_space<vmem_shared>>) offsets(%dma_start3A_582 : memref<128xi32, #tpu.memory_space<vmem>>) semaphore(%arg30 : memref<!tpu.dma_semaphore, #tpu.memory_space<semaphore_mem>>) {add = true}
        %dma_wait3A_586 = arith.constant 12 : i32
        %dma_wait3A_587 = arith.constant 0 : i32
        %dma_wait3A_588 = tpu.memref_slice %arg12[%dma_wait3A_586, %dma_wait3A_587] : memref<16x128xi32, #tpu.memory_space<vmem>> -> memref<1x128xi32, #tpu.memory_space<vmem>>
        %dma_wait3A_589 = tpu.memref_squeeze %dma_wait3A_588 : memref<1x128xi32, #tpu.memory_space<vmem>> -> memref<128xi32, #tpu.memory_space<vmem>>
        %dma_wait3A_590 = arith.constant 0 : i32
        %dma_wait3A_591 = arith.constant 0 : i32
        %dma_wait3A_592 = tpu.memref_slice %arg9[%dma_wait3A_590, %dma_wait3A_591] : memref<10080x64xf32, #tpu.memory_space<vmem_shared>> -> memref<10080x64xf32, #tpu.memory_space<vmem_shared>>
        tpu.wait_indirect_dma semaphore(%arg29 : memref<!tpu.dma_semaphore, #tpu.memory_space<semaphore_mem>>) src(%arg15 : memref<128x64xf32, #tpu.memory_space<vmem>>) dst(%dma_wait3A_592 : memref<10080x64xf32, #tpu.memory_space<vmem_shared>>)
        %dma_start3A_593 = arith.constant 14 : i32
        %dma_start3A_594 = arith.constant 0 : i32
        %dma_start3A_595 = tpu.memref_slice %arg11[%dma_start3A_593, %dma_start3A_594] : memref<16x128xi32, #tpu.memory_space<vmem>> -> memref<1x128xi32, #tpu.memory_space<vmem>>
        %dma_start3A_596 = tpu.memref_squeeze %dma_start3A_595 : memref<1x128xi32, #tpu.memory_space<vmem>> -> memref<128xi32, #tpu.memory_space<vmem>>
        %dma_start3A_597 = arith.constant 0 : i32
        %dma_start3A_598 = arith.constant 0 : i32
        %dma_start3A_599 = tpu.memref_slice %arg8[%dma_start3A_597, %dma_start3A_598] : memref<10080x64xf32, #tpu.memory_space<vmem_shared>> -> memref<10080x64xf32, #tpu.memory_space<vmem_shared>>
        tpu.enqueue_indirect_dma source(%dma_start3A_599 : memref<10080x64xf32, #tpu.memory_space<vmem_shared>>) target(%arg15 : memref<128x64xf32, #tpu.memory_space<vmem>>) offsets(%dma_start3A_596 : memref<128xi32, #tpu.memory_space<vmem>>) semaphore(%arg27 : memref<!tpu.dma_semaphore, #tpu.memory_space<semaphore_mem>>)
        %dma_wait3A_600 = arith.constant 14 : i32
        %dma_wait3A_601 = arith.constant 0 : i32
        %dma_wait3A_602 = tpu.memref_slice %arg11[%dma_wait3A_600, %dma_wait3A_601] : memref<16x128xi32, #tpu.memory_space<vmem>> -> memref<1x128xi32, #tpu.memory_space<vmem>>
        %dma_wait3A_603 = tpu.memref_squeeze %dma_wait3A_602 : memref<1x128xi32, #tpu.memory_space<vmem>> -> memref<128xi32, #tpu.memory_space<vmem>>
        %dma_wait3A_604 = arith.constant 0 : i32
        %dma_wait3A_605 = arith.constant 0 : i32
        %dma_wait3A_606 = tpu.memref_slice %arg8[%dma_wait3A_604, %dma_wait3A_605] : memref<10080x64xf32, #tpu.memory_space<vmem_shared>> -> memref<10080x64xf32, #tpu.memory_space<vmem_shared>>
        tpu.wait_indirect_dma semaphore(%arg27 : memref<!tpu.dma_semaphore, #tpu.memory_space<semaphore_mem>>) src(%dma_wait3A_606 : memref<10080x64xf32, #tpu.memory_space<vmem_shared>>) dst(%arg15 : memref<128x64xf32, #tpu.memory_space<vmem>>)
        %dma_start3A_607 = arith.constant 14 : i32
        %dma_start3A_608 = arith.constant 0 : i32
        %dma_start3A_609 = tpu.memref_slice %arg12[%dma_start3A_607, %dma_start3A_608] : memref<16x128xi32, #tpu.memory_space<vmem>> -> memref<1x128xi32, #tpu.memory_space<vmem>>
        %dma_start3A_610 = tpu.memref_squeeze %dma_start3A_609 : memref<1x128xi32, #tpu.memory_space<vmem>> -> memref<128xi32, #tpu.memory_space<vmem>>
        %dma_start3A_611 = arith.constant 0 : i32
        %dma_start3A_612 = arith.constant 0 : i32
        %dma_start3A_613 = tpu.memref_slice %arg9[%dma_start3A_611, %dma_start3A_612] : memref<10080x64xf32, #tpu.memory_space<vmem_shared>> -> memref<10080x64xf32, #tpu.memory_space<vmem_shared>>
        tpu.enqueue_indirect_dma source(%arg15 : memref<128x64xf32, #tpu.memory_space<vmem>>) target(%dma_start3A_613 : memref<10080x64xf32, #tpu.memory_space<vmem_shared>>) offsets(%dma_start3A_610 : memref<128xi32, #tpu.memory_space<vmem>>) semaphore(%arg29 : memref<!tpu.dma_semaphore, #tpu.memory_space<semaphore_mem>>) {add = true}
        %dma_wait3A_614 = arith.constant 13 : i32
        %dma_wait3A_615 = arith.constant 0 : i32
        %dma_wait3A_616 = tpu.memref_slice %arg12[%dma_wait3A_614, %dma_wait3A_615] : memref<16x128xi32, #tpu.memory_space<vmem>> -> memref<1x128xi32, #tpu.memory_space<vmem>>
        %dma_wait3A_617 = tpu.memref_squeeze %dma_wait3A_616 : memref<1x128xi32, #tpu.memory_space<vmem>> -> memref<128xi32, #tpu.memory_space<vmem>>
        %dma_wait3A_618 = arith.constant 0 : i32
        %dma_wait3A_619 = arith.constant 0 : i32
        %dma_wait3A_620 = tpu.memref_slice %arg9[%dma_wait3A_618, %dma_wait3A_619] : memref<10080x64xf32, #tpu.memory_space<vmem_shared>> -> memref<10080x64xf32, #tpu.memory_space<vmem_shared>>
        tpu.wait_indirect_dma semaphore(%arg30 : memref<!tpu.dma_semaphore, #tpu.memory_space<semaphore_mem>>) src(%arg16 : memref<128x64xf32, #tpu.memory_space<vmem>>) dst(%dma_wait3A_620 : memref<10080x64xf32, #tpu.memory_space<vmem_shared>>)
        %dma_start3A_621 = arith.constant 15 : i32
        %dma_start3A_622 = arith.constant 0 : i32
        %dma_start3A_623 = tpu.memref_slice %arg11[%dma_start3A_621, %dma_start3A_622] : memref<16x128xi32, #tpu.memory_space<vmem>> -> memref<1x128xi32, #tpu.memory_space<vmem>>
        %dma_start3A_624 = tpu.memref_squeeze %dma_start3A_623 : memref<1x128xi32, #tpu.memory_space<vmem>> -> memref<128xi32, #tpu.memory_space<vmem>>
        %dma_start3A_625 = arith.constant 0 : i32
        %dma_start3A_626 = arith.constant 0 : i32
        %dma_start3A_627 = tpu.memref_slice %arg8[%dma_start3A_625, %dma_start3A_626] : memref<10080x64xf32, #tpu.memory_space<vmem_shared>> -> memref<10080x64xf32, #tpu.memory_space<vmem_shared>>
        tpu.enqueue_indirect_dma source(%dma_start3A_627 : memref<10080x64xf32, #tpu.memory_space<vmem_shared>>) target(%arg16 : memref<128x64xf32, #tpu.memory_space<vmem>>) offsets(%dma_start3A_624 : memref<128xi32, #tpu.memory_space<vmem>>) semaphore(%arg28 : memref<!tpu.dma_semaphore, #tpu.memory_space<semaphore_mem>>)
        %dma_wait3A_628 = arith.constant 15 : i32
        %dma_wait3A_629 = arith.constant 0 : i32
        %dma_wait3A_630 = tpu.memref_slice %arg11[%dma_wait3A_628, %dma_wait3A_629] : memref<16x128xi32, #tpu.memory_space<vmem>> -> memref<1x128xi32, #tpu.memory_space<vmem>>
        %dma_wait3A_631 = tpu.memref_squeeze %dma_wait3A_630 : memref<1x128xi32, #tpu.memory_space<vmem>> -> memref<128xi32, #tpu.memory_space<vmem>>
        %dma_wait3A_632 = arith.constant 0 : i32
        %dma_wait3A_633 = arith.constant 0 : i32
        %dma_wait3A_634 = tpu.memref_slice %arg8[%dma_wait3A_632, %dma_wait3A_633] : memref<10080x64xf32, #tpu.memory_space<vmem_shared>> -> memref<10080x64xf32, #tpu.memory_space<vmem_shared>>
        tpu.wait_indirect_dma semaphore(%arg28 : memref<!tpu.dma_semaphore, #tpu.memory_space<semaphore_mem>>) src(%dma_wait3A_634 : memref<10080x64xf32, #tpu.memory_space<vmem_shared>>) dst(%arg16 : memref<128x64xf32, #tpu.memory_space<vmem>>)
        %dma_start3A_635 = arith.constant 15 : i32
        %dma_start3A_636 = arith.constant 0 : i32
        %dma_start3A_637 = tpu.memref_slice %arg12[%dma_start3A_635, %dma_start3A_636] : memref<16x128xi32, #tpu.memory_space<vmem>> -> memref<1x128xi32, #tpu.memory_space<vmem>>
        %dma_start3A_638 = tpu.memref_squeeze %dma_start3A_637 : memref<1x128xi32, #tpu.memory_space<vmem>> -> memref<128xi32, #tpu.memory_space<vmem>>
        %dma_start3A_639 = arith.constant 0 : i32
        %dma_start3A_640 = arith.constant 0 : i32
        %dma_start3A_641 = tpu.memref_slice %arg9[%dma_start3A_639, %dma_start3A_640] : memref<10080x64xf32, #tpu.memory_space<vmem_shared>> -> memref<10080x64xf32, #tpu.memory_space<vmem_shared>>
        tpu.enqueue_indirect_dma source(%arg16 : memref<128x64xf32, #tpu.memory_space<vmem>>) target(%dma_start3A_641 : memref<10080x64xf32, #tpu.memory_space<vmem_shared>>) offsets(%dma_start3A_638 : memref<128xi32, #tpu.memory_space<vmem>>) semaphore(%arg30 : memref<!tpu.dma_semaphore, #tpu.memory_space<semaphore_mem>>) {add = true}
        %lt3A = arith.constant 4 : i32
        %lt3A_642 = arith.cmpi slt, %scan3A_184, %lt3A : i32
        %convert_element_type3A_643 = arith.extui %lt3A_642 : i1 to i32
        %cond3A_644 = arith.constant 0 : i32
        %cond3A_645 = arith.cmpi ne, %convert_element_type3A_643, %cond3A_644 : i32
        scf.if %cond3A_645 {
          %mul3A_1117 = arith.constant 2 : i32
          %mul3A_1118 = arith.muli %mul3A_1117, %scan3A_184 : i32
          %add3A_1119 = arith.constant 2 : i32
          %add3A_1120 = arith.addi %mul3A_1118, %add3A_1119 : i32
          %mul3A_1121 = arith.constant 16 : i32
          %mul3A_1122 = arith.muli %add3A_1120, %mul3A_1121 : i32
          %add3A_1123 = arith.addi %mul3A_2, %mul3A_1122 : i32
          %dma_start3A_1124 = arith.constant 0 : i32
          %dma_start3A_1125 = tpu.memref_slice %arg4[%add3A_1123, %dma_start3A_1124] : memref<2560x128xi32, #tpu.memory_space<hbm>> -> memref<16x128xi32, #tpu.memory_space<hbm>>
          %dma_start3A_1126 = arith.constant 0 : i32
          %dma_start3A_1127 = tpu.memref_slice %arg4[%add3A_1123, %dma_start3A_1126] : memref<2560x128xi32, #tpu.memory_space<hbm>> -> memref<16x128xi32, #tpu.memory_space<hbm>>
          tpu.enqueue_dma source(%dma_start3A_1127 : memref<16x128xi32, #tpu.memory_space<hbm>>) target(%arg11 : memref<16x128xi32, #tpu.memory_space<vmem>>) target_semaphore(%arg31 : memref<!tpu.dma_semaphore, #tpu.memory_space<semaphore_mem>>)
          %mul3A_1128 = arith.constant 16 : i32
          %mul3A_1129 = arith.muli %add3A_1120, %mul3A_1128 : i32
          %add3A_1130 = arith.addi %mul3A_2, %mul3A_1129 : i32
          %dma_start3A_1131 = arith.constant 0 : i32
          %dma_start3A_1132 = tpu.memref_slice %arg5[%add3A_1130, %dma_start3A_1131] : memref<2560x128xi32, #tpu.memory_space<hbm>> -> memref<16x128xi32, #tpu.memory_space<hbm>>
          %dma_start3A_1133 = arith.constant 0 : i32
          %dma_start3A_1134 = tpu.memref_slice %arg5[%add3A_1130, %dma_start3A_1133] : memref<2560x128xi32, #tpu.memory_space<hbm>> -> memref<16x128xi32, #tpu.memory_space<hbm>>
          tpu.enqueue_dma source(%dma_start3A_1134 : memref<16x128xi32, #tpu.memory_space<hbm>>) target(%arg12 : memref<16x128xi32, #tpu.memory_space<vmem>>) target_semaphore(%arg32 : memref<!tpu.dma_semaphore, #tpu.memory_space<semaphore_mem>>)
        } else {
        }
        %mul3A_646 = arith.constant 2 : i32
        %mul3A_647 = arith.muli %mul3A_646, %scan3A_184 : i32
        %add3A_648 = arith.constant 1 : i32
        %add3A_649 = arith.addi %mul3A_647, %add3A_648 : i32
        %mul3A_650 = arith.constant 16 : i32
        %mul3A_651 = arith.muli %add3A_649, %mul3A_650 : i32
        %add3A_652 = arith.addi %mul3A_2, %mul3A_651 : i32
        %dma_wait3A_653 = arith.constant 0 : i32
        %dma_wait3A_654 = tpu.memref_slice %arg4[%add3A_652, %dma_wait3A_653] : memref<2560x128xi32, #tpu.memory_space<hbm>> -> memref<16x128xi32, #tpu.memory_space<hbm>>
        %dma_wait3A_655 = arith.constant 0 : i32
        %dma_wait3A_656 = tpu.memref_slice %arg4[%add3A_652, %dma_wait3A_655] : memref<2560x128xi32, #tpu.memory_space<hbm>> -> memref<16x128xi32, #tpu.memory_space<hbm>>
        tpu.wait_dma2 semaphore(%arg33 : memref<!tpu.dma_semaphore, #tpu.memory_space<semaphore_mem>>) src(%dma_wait3A_656 : memref<16x128xi32, #tpu.memory_space<hbm>>) dst(%arg13 : memref<16x128xi32, #tpu.memory_space<vmem>>)
        %mul3A_657 = arith.constant 16 : i32
        %mul3A_658 = arith.muli %add3A_649, %mul3A_657 : i32
        %add3A_659 = arith.addi %mul3A_2, %mul3A_658 : i32
        %dma_wait3A_660 = arith.constant 0 : i32
        %dma_wait3A_661 = tpu.memref_slice %arg5[%add3A_659, %dma_wait3A_660] : memref<2560x128xi32, #tpu.memory_space<hbm>> -> memref<16x128xi32, #tpu.memory_space<hbm>>
        %dma_wait3A_662 = arith.constant 0 : i32
        %dma_wait3A_663 = tpu.memref_slice %arg5[%add3A_659, %dma_wait3A_662] : memref<2560x128xi32, #tpu.memory_space<hbm>> -> memref<16x128xi32, #tpu.memory_space<hbm>>
        tpu.wait_dma2 semaphore(%arg34 : memref<!tpu.dma_semaphore, #tpu.memory_space<semaphore_mem>>) src(%dma_wait3A_663 : memref<16x128xi32, #tpu.memory_space<hbm>>) dst(%arg14 : memref<16x128xi32, #tpu.memory_space<vmem>>)
        %dma_wait3A_664 = arith.constant 0 : i32
        %dma_wait3A_665 = arith.constant 0 : i32
        %dma_wait3A_666 = tpu.memref_slice %arg14[%dma_wait3A_664, %dma_wait3A_665] : memref<16x128xi32, #tpu.memory_space<vmem>> -> memref<1x128xi32, #tpu.memory_space<vmem>>
        %dma_wait3A_667 = tpu.memref_squeeze %dma_wait3A_666 : memref<1x128xi32, #tpu.memory_space<vmem>> -> memref<128xi32, #tpu.memory_space<vmem>>
        %dma_wait3A_668 = arith.constant 0 : i32
        %dma_wait3A_669 = arith.constant 0 : i32
        %dma_wait3A_670 = tpu.memref_slice %arg9[%dma_wait3A_668, %dma_wait3A_669] : memref<10080x64xf32, #tpu.memory_space<vmem_shared>> -> memref<10080x64xf32, #tpu.memory_space<vmem_shared>>
        tpu.wait_indirect_dma semaphore(%arg29 : memref<!tpu.dma_semaphore, #tpu.memory_space<semaphore_mem>>) src(%arg15 : memref<128x64xf32, #tpu.memory_space<vmem>>) dst(%dma_wait3A_670 : memref<10080x64xf32, #tpu.memory_space<vmem_shared>>)
        %dma_start3A_671 = arith.constant 0 : i32
        %dma_start3A_672 = arith.constant 0 : i32
        %dma_start3A_673 = tpu.memref_slice %arg13[%dma_start3A_671, %dma_start3A_672] : memref<16x128xi32, #tpu.memory_space<vmem>> -> memref<1x128xi32, #tpu.memory_space<vmem>>
        %dma_start3A_674 = tpu.memref_squeeze %dma_start3A_673 : memref<1x128xi32, #tpu.memory_space<vmem>> -> memref<128xi32, #tpu.memory_space<vmem>>
        %dma_start3A_675 = arith.constant 0 : i32
        %dma_start3A_676 = arith.constant 0 : i32
        %dma_start3A_677 = tpu.memref_slice %arg8[%dma_start3A_675, %dma_start3A_676] : memref<10080x64xf32, #tpu.memory_space<vmem_shared>> -> memref<10080x64xf32, #tpu.memory_space<vmem_shared>>
        tpu.enqueue_indirect_dma source(%dma_start3A_677 : memref<10080x64xf32, #tpu.memory_space<vmem_shared>>) target(%arg15 : memref<128x64xf32, #tpu.memory_space<vmem>>) offsets(%dma_start3A_674 : memref<128xi32, #tpu.memory_space<vmem>>) semaphore(%arg27 : memref<!tpu.dma_semaphore, #tpu.memory_space<semaphore_mem>>)
        %dma_wait3A_678 = arith.constant 0 : i32
        %dma_wait3A_679 = arith.constant 0 : i32
        %dma_wait3A_680 = tpu.memref_slice %arg13[%dma_wait3A_678, %dma_wait3A_679] : memref<16x128xi32, #tpu.memory_space<vmem>> -> memref<1x128xi32, #tpu.memory_space<vmem>>
        %dma_wait3A_681 = tpu.memref_squeeze %dma_wait3A_680 : memref<1x128xi32, #tpu.memory_space<vmem>> -> memref<128xi32, #tpu.memory_space<vmem>>
        %dma_wait3A_682 = arith.constant 0 : i32
        %dma_wait3A_683 = arith.constant 0 : i32
        %dma_wait3A_684 = tpu.memref_slice %arg8[%dma_wait3A_682, %dma_wait3A_683] : memref<10080x64xf32, #tpu.memory_space<vmem_shared>> -> memref<10080x64xf32, #tpu.memory_space<vmem_shared>>
        tpu.wait_indirect_dma semaphore(%arg27 : memref<!tpu.dma_semaphore, #tpu.memory_space<semaphore_mem>>) src(%dma_wait3A_684 : memref<10080x64xf32, #tpu.memory_space<vmem_shared>>) dst(%arg15 : memref<128x64xf32, #tpu.memory_space<vmem>>)
        %dma_start3A_685 = arith.constant 0 : i32
        %dma_start3A_686 = arith.constant 0 : i32
        %dma_start3A_687 = tpu.memref_slice %arg14[%dma_start3A_685, %dma_start3A_686] : memref<16x128xi32, #tpu.memory_space<vmem>> -> memref<1x128xi32, #tpu.memory_space<vmem>>
        %dma_start3A_688 = tpu.memref_squeeze %dma_start3A_687 : memref<1x128xi32, #tpu.memory_space<vmem>> -> memref<128xi32, #tpu.memory_space<vmem>>
        %dma_start3A_689 = arith.constant 0 : i32
        %dma_start3A_690 = arith.constant 0 : i32
        %dma_start3A_691 = tpu.memref_slice %arg9[%dma_start3A_689, %dma_start3A_690] : memref<10080x64xf32, #tpu.memory_space<vmem_shared>> -> memref<10080x64xf32, #tpu.memory_space<vmem_shared>>
        tpu.enqueue_indirect_dma source(%arg15 : memref<128x64xf32, #tpu.memory_space<vmem>>) target(%dma_start3A_691 : memref<10080x64xf32, #tpu.memory_space<vmem_shared>>) offsets(%dma_start3A_688 : memref<128xi32, #tpu.memory_space<vmem>>) semaphore(%arg29 : memref<!tpu.dma_semaphore, #tpu.memory_space<semaphore_mem>>) {add = true}
        %dma_wait3A_692 = arith.constant 0 : i32
        %dma_wait3A_693 = arith.constant 0 : i32
        %dma_wait3A_694 = tpu.memref_slice %arg14[%dma_wait3A_692, %dma_wait3A_693] : memref<16x128xi32, #tpu.memory_space<vmem>> -> memref<1x128xi32, #tpu.memory_space<vmem>>
        %dma_wait3A_695 = tpu.memref_squeeze %dma_wait3A_694 : memref<1x128xi32, #tpu.memory_space<vmem>> -> memref<128xi32, #tpu.memory_space<vmem>>
        %dma_wait3A_696 = arith.constant 0 : i32
        %dma_wait3A_697 = arith.constant 0 : i32
        %dma_wait3A_698 = tpu.memref_slice %arg9[%dma_wait3A_696, %dma_wait3A_697] : memref<10080x64xf32, #tpu.memory_space<vmem_shared>> -> memref<10080x64xf32, #tpu.memory_space<vmem_shared>>
        tpu.wait_indirect_dma semaphore(%arg30 : memref<!tpu.dma_semaphore, #tpu.memory_space<semaphore_mem>>) src(%arg16 : memref<128x64xf32, #tpu.memory_space<vmem>>) dst(%dma_wait3A_698 : memref<10080x64xf32, #tpu.memory_space<vmem_shared>>)
        %dma_start3A_699 = arith.constant 1 : i32
        %dma_start3A_700 = arith.constant 0 : i32
        %dma_start3A_701 = tpu.memref_slice %arg13[%dma_start3A_699, %dma_start3A_700] : memref<16x128xi32, #tpu.memory_space<vmem>> -> memref<1x128xi32, #tpu.memory_space<vmem>>
        %dma_start3A_702 = tpu.memref_squeeze %dma_start3A_701 : memref<1x128xi32, #tpu.memory_space<vmem>> -> memref<128xi32, #tpu.memory_space<vmem>>
        %dma_start3A_703 = arith.constant 0 : i32
        %dma_start3A_704 = arith.constant 0 : i32
        %dma_start3A_705 = tpu.memref_slice %arg8[%dma_start3A_703, %dma_start3A_704] : memref<10080x64xf32, #tpu.memory_space<vmem_shared>> -> memref<10080x64xf32, #tpu.memory_space<vmem_shared>>
        tpu.enqueue_indirect_dma source(%dma_start3A_705 : memref<10080x64xf32, #tpu.memory_space<vmem_shared>>) target(%arg16 : memref<128x64xf32, #tpu.memory_space<vmem>>) offsets(%dma_start3A_702 : memref<128xi32, #tpu.memory_space<vmem>>) semaphore(%arg28 : memref<!tpu.dma_semaphore, #tpu.memory_space<semaphore_mem>>)
        %dma_wait3A_706 = arith.constant 1 : i32
        %dma_wait3A_707 = arith.constant 0 : i32
        %dma_wait3A_708 = tpu.memref_slice %arg13[%dma_wait3A_706, %dma_wait3A_707] : memref<16x128xi32, #tpu.memory_space<vmem>> -> memref<1x128xi32, #tpu.memory_space<vmem>>
        %dma_wait3A_709 = tpu.memref_squeeze %dma_wait3A_708 : memref<1x128xi32, #tpu.memory_space<vmem>> -> memref<128xi32, #tpu.memory_space<vmem>>
        %dma_wait3A_710 = arith.constant 0 : i32
        %dma_wait3A_711 = arith.constant 0 : i32
        %dma_wait3A_712 = tpu.memref_slice %arg8[%dma_wait3A_710, %dma_wait3A_711] : memref<10080x64xf32, #tpu.memory_space<vmem_shared>> -> memref<10080x64xf32, #tpu.memory_space<vmem_shared>>
        tpu.wait_indirect_dma semaphore(%arg28 : memref<!tpu.dma_semaphore, #tpu.memory_space<semaphore_mem>>) src(%dma_wait3A_712 : memref<10080x64xf32, #tpu.memory_space<vmem_shared>>) dst(%arg16 : memref<128x64xf32, #tpu.memory_space<vmem>>)
        %dma_start3A_713 = arith.constant 1 : i32
        %dma_start3A_714 = arith.constant 0 : i32
        %dma_start3A_715 = tpu.memref_slice %arg14[%dma_start3A_713, %dma_start3A_714] : memref<16x128xi32, #tpu.memory_space<vmem>> -> memref<1x128xi32, #tpu.memory_space<vmem>>
        %dma_start3A_716 = tpu.memref_squeeze %dma_start3A_715 : memref<1x128xi32, #tpu.memory_space<vmem>> -> memref<128xi32, #tpu.memory_space<vmem>>
        %dma_start3A_717 = arith.constant 0 : i32
        %dma_start3A_718 = arith.constant 0 : i32
        %dma_start3A_719 = tpu.memref_slice %arg9[%dma_start3A_717, %dma_start3A_718] : memref<10080x64xf32, #tpu.memory_space<vmem_shared>> -> memref<10080x64xf32, #tpu.memory_space<vmem_shared>>
        tpu.enqueue_indirect_dma source(%arg16 : memref<128x64xf32, #tpu.memory_space<vmem>>) target(%dma_start3A_719 : memref<10080x64xf32, #tpu.memory_space<vmem_shared>>) offsets(%dma_start3A_716 : memref<128xi32, #tpu.memory_space<vmem>>) semaphore(%arg30 : memref<!tpu.dma_semaphore, #tpu.memory_space<semaphore_mem>>) {add = true}
        %dma_wait3A_720 = arith.constant 0 : i32
        %dma_wait3A_721 = arith.constant 0 : i32
        %dma_wait3A_722 = tpu.memref_slice %arg14[%dma_wait3A_720, %dma_wait3A_721] : memref<16x128xi32, #tpu.memory_space<vmem>> -> memref<1x128xi32, #tpu.memory_space<vmem>>
        %dma_wait3A_723 = tpu.memref_squeeze %dma_wait3A_722 : memref<1x128xi32, #tpu.memory_space<vmem>> -> memref<128xi32, #tpu.memory_space<vmem>>
        %dma_wait3A_724 = arith.constant 0 : i32
        %dma_wait3A_725 = arith.constant 0 : i32
        %dma_wait3A_726 = tpu.memref_slice %arg9[%dma_wait3A_724, %dma_wait3A_725] : memref<10080x64xf32, #tpu.memory_space<vmem_shared>> -> memref<10080x64xf32, #tpu.memory_space<vmem_shared>>
        tpu.wait_indirect_dma semaphore(%arg29 : memref<!tpu.dma_semaphore, #tpu.memory_space<semaphore_mem>>) src(%arg15 : memref<128x64xf32, #tpu.memory_space<vmem>>) dst(%dma_wait3A_726 : memref<10080x64xf32, #tpu.memory_space<vmem_shared>>)
        %dma_start3A_727 = arith.constant 2 : i32
        %dma_start3A_728 = arith.constant 0 : i32
        %dma_start3A_729 = tpu.memref_slice %arg13[%dma_start3A_727, %dma_start3A_728] : memref<16x128xi32, #tpu.memory_space<vmem>> -> memref<1x128xi32, #tpu.memory_space<vmem>>
        %dma_start3A_730 = tpu.memref_squeeze %dma_start3A_729 : memref<1x128xi32, #tpu.memory_space<vmem>> -> memref<128xi32, #tpu.memory_space<vmem>>
        %dma_start3A_731 = arith.constant 0 : i32
        %dma_start3A_732 = arith.constant 0 : i32
        %dma_start3A_733 = tpu.memref_slice %arg8[%dma_start3A_731, %dma_start3A_732] : memref<10080x64xf32, #tpu.memory_space<vmem_shared>> -> memref<10080x64xf32, #tpu.memory_space<vmem_shared>>
        tpu.enqueue_indirect_dma source(%dma_start3A_733 : memref<10080x64xf32, #tpu.memory_space<vmem_shared>>) target(%arg15 : memref<128x64xf32, #tpu.memory_space<vmem>>) offsets(%dma_start3A_730 : memref<128xi32, #tpu.memory_space<vmem>>) semaphore(%arg27 : memref<!tpu.dma_semaphore, #tpu.memory_space<semaphore_mem>>)
        %dma_wait3A_734 = arith.constant 2 : i32
        %dma_wait3A_735 = arith.constant 0 : i32
        %dma_wait3A_736 = tpu.memref_slice %arg13[%dma_wait3A_734, %dma_wait3A_735] : memref<16x128xi32, #tpu.memory_space<vmem>> -> memref<1x128xi32, #tpu.memory_space<vmem>>
        %dma_wait3A_737 = tpu.memref_squeeze %dma_wait3A_736 : memref<1x128xi32, #tpu.memory_space<vmem>> -> memref<128xi32, #tpu.memory_space<vmem>>
        %dma_wait3A_738 = arith.constant 0 : i32
        %dma_wait3A_739 = arith.constant 0 : i32
        %dma_wait3A_740 = tpu.memref_slice %arg8[%dma_wait3A_738, %dma_wait3A_739] : memref<10080x64xf32, #tpu.memory_space<vmem_shared>> -> memref<10080x64xf32, #tpu.memory_space<vmem_shared>>
        tpu.wait_indirect_dma semaphore(%arg27 : memref<!tpu.dma_semaphore, #tpu.memory_space<semaphore_mem>>) src(%dma_wait3A_740 : memref<10080x64xf32, #tpu.memory_space<vmem_shared>>) dst(%arg15 : memref<128x64xf32, #tpu.memory_space<vmem>>)
        %dma_start3A_741 = arith.constant 2 : i32
        %dma_start3A_742 = arith.constant 0 : i32
        %dma_start3A_743 = tpu.memref_slice %arg14[%dma_start3A_741, %dma_start3A_742] : memref<16x128xi32, #tpu.memory_space<vmem>> -> memref<1x128xi32, #tpu.memory_space<vmem>>
        %dma_start3A_744 = tpu.memref_squeeze %dma_start3A_743 : memref<1x128xi32, #tpu.memory_space<vmem>> -> memref<128xi32, #tpu.memory_space<vmem>>
        %dma_start3A_745 = arith.constant 0 : i32
        %dma_start3A_746 = arith.constant 0 : i32
        %dma_start3A_747 = tpu.memref_slice %arg9[%dma_start3A_745, %dma_start3A_746] : memref<10080x64xf32, #tpu.memory_space<vmem_shared>> -> memref<10080x64xf32, #tpu.memory_space<vmem_shared>>
        tpu.enqueue_indirect_dma source(%arg15 : memref<128x64xf32, #tpu.memory_space<vmem>>) target(%dma_start3A_747 : memref<10080x64xf32, #tpu.memory_space<vmem_shared>>) offsets(%dma_start3A_744 : memref<128xi32, #tpu.memory_space<vmem>>) semaphore(%arg29 : memref<!tpu.dma_semaphore, #tpu.memory_space<semaphore_mem>>) {add = true}
        %dma_wait3A_748 = arith.constant 1 : i32
        %dma_wait3A_749 = arith.constant 0 : i32
        %dma_wait3A_750 = tpu.memref_slice %arg14[%dma_wait3A_748, %dma_wait3A_749] : memref<16x128xi32, #tpu.memory_space<vmem>> -> memref<1x128xi32, #tpu.memory_space<vmem>>
        %dma_wait3A_751 = tpu.memref_squeeze %dma_wait3A_750 : memref<1x128xi32, #tpu.memory_space<vmem>> -> memref<128xi32, #tpu.memory_space<vmem>>
        %dma_wait3A_752 = arith.constant 0 : i32
        %dma_wait3A_753 = arith.constant 0 : i32
        %dma_wait3A_754 = tpu.memref_slice %arg9[%dma_wait3A_752, %dma_wait3A_753] : memref<10080x64xf32, #tpu.memory_space<vmem_shared>> -> memref<10080x64xf32, #tpu.memory_space<vmem_shared>>
        tpu.wait_indirect_dma semaphore(%arg30 : memref<!tpu.dma_semaphore, #tpu.memory_space<semaphore_mem>>) src(%arg16 : memref<128x64xf32, #tpu.memory_space<vmem>>) dst(%dma_wait3A_754 : memref<10080x64xf32, #tpu.memory_space<vmem_shared>>)
        %dma_start3A_755 = arith.constant 3 : i32
        %dma_start3A_756 = arith.constant 0 : i32
        %dma_start3A_757 = tpu.memref_slice %arg13[%dma_start3A_755, %dma_start3A_756] : memref<16x128xi32, #tpu.memory_space<vmem>> -> memref<1x128xi32, #tpu.memory_space<vmem>>
        %dma_start3A_758 = tpu.memref_squeeze %dma_start3A_757 : memref<1x128xi32, #tpu.memory_space<vmem>> -> memref<128xi32, #tpu.memory_space<vmem>>
        %dma_start3A_759 = arith.constant 0 : i32
        %dma_start3A_760 = arith.constant 0 : i32
        %dma_start3A_761 = tpu.memref_slice %arg8[%dma_start3A_759, %dma_start3A_760] : memref<10080x64xf32, #tpu.memory_space<vmem_shared>> -> memref<10080x64xf32, #tpu.memory_space<vmem_shared>>
        tpu.enqueue_indirect_dma source(%dma_start3A_761 : memref<10080x64xf32, #tpu.memory_space<vmem_shared>>) target(%arg16 : memref<128x64xf32, #tpu.memory_space<vmem>>) offsets(%dma_start3A_758 : memref<128xi32, #tpu.memory_space<vmem>>) semaphore(%arg28 : memref<!tpu.dma_semaphore, #tpu.memory_space<semaphore_mem>>)
        %dma_wait3A_762 = arith.constant 3 : i32
        %dma_wait3A_763 = arith.constant 0 : i32
        %dma_wait3A_764 = tpu.memref_slice %arg13[%dma_wait3A_762, %dma_wait3A_763] : memref<16x128xi32, #tpu.memory_space<vmem>> -> memref<1x128xi32, #tpu.memory_space<vmem>>
        %dma_wait3A_765 = tpu.memref_squeeze %dma_wait3A_764 : memref<1x128xi32, #tpu.memory_space<vmem>> -> memref<128xi32, #tpu.memory_space<vmem>>
        %dma_wait3A_766 = arith.constant 0 : i32
        %dma_wait3A_767 = arith.constant 0 : i32
        %dma_wait3A_768 = tpu.memref_slice %arg8[%dma_wait3A_766, %dma_wait3A_767] : memref<10080x64xf32, #tpu.memory_space<vmem_shared>> -> memref<10080x64xf32, #tpu.memory_space<vmem_shared>>
        tpu.wait_indirect_dma semaphore(%arg28 : memref<!tpu.dma_semaphore, #tpu.memory_space<semaphore_mem>>) src(%dma_wait3A_768 : memref<10080x64xf32, #tpu.memory_space<vmem_shared>>) dst(%arg16 : memref<128x64xf32, #tpu.memory_space<vmem>>)
        %dma_start3A_769 = arith.constant 3 : i32
        %dma_start3A_770 = arith.constant 0 : i32
        %dma_start3A_771 = tpu.memref_slice %arg14[%dma_start3A_769, %dma_start3A_770] : memref<16x128xi32, #tpu.memory_space<vmem>> -> memref<1x128xi32, #tpu.memory_space<vmem>>
        %dma_start3A_772 = tpu.memref_squeeze %dma_start3A_771 : memref<1x128xi32, #tpu.memory_space<vmem>> -> memref<128xi32, #tpu.memory_space<vmem>>
        %dma_start3A_773 = arith.constant 0 : i32
        %dma_start3A_774 = arith.constant 0 : i32
        %dma_start3A_775 = tpu.memref_slice %arg9[%dma_start3A_773, %dma_start3A_774] : memref<10080x64xf32, #tpu.memory_space<vmem_shared>> -> memref<10080x64xf32, #tpu.memory_space<vmem_shared>>
        tpu.enqueue_indirect_dma source(%arg16 : memref<128x64xf32, #tpu.memory_space<vmem>>) target(%dma_start3A_775 : memref<10080x64xf32, #tpu.memory_space<vmem_shared>>) offsets(%dma_start3A_772 : memref<128xi32, #tpu.memory_space<vmem>>) semaphore(%arg30 : memref<!tpu.dma_semaphore, #tpu.memory_space<semaphore_mem>>) {add = true}
        %dma_wait3A_776 = arith.constant 2 : i32
        %dma_wait3A_777 = arith.constant 0 : i32
        %dma_wait3A_778 = tpu.memref_slice %arg14[%dma_wait3A_776, %dma_wait3A_777] : memref<16x128xi32, #tpu.memory_space<vmem>> -> memref<1x128xi32, #tpu.memory_space<vmem>>
        %dma_wait3A_779 = tpu.memref_squeeze %dma_wait3A_778 : memref<1x128xi32, #tpu.memory_space<vmem>> -> memref<128xi32, #tpu.memory_space<vmem>>
        %dma_wait3A_780 = arith.constant 0 : i32
        %dma_wait3A_781 = arith.constant 0 : i32
        %dma_wait3A_782 = tpu.memref_slice %arg9[%dma_wait3A_780, %dma_wait3A_781] : memref<10080x64xf32, #tpu.memory_space<vmem_shared>> -> memref<10080x64xf32, #tpu.memory_space<vmem_shared>>
        tpu.wait_indirect_dma semaphore(%arg29 : memref<!tpu.dma_semaphore, #tpu.memory_space<semaphore_mem>>) src(%arg15 : memref<128x64xf32, #tpu.memory_space<vmem>>) dst(%dma_wait3A_782 : memref<10080x64xf32, #tpu.memory_space<vmem_shared>>)
        %dma_start3A_783 = arith.constant 4 : i32
        %dma_start3A_784 = arith.constant 0 : i32
        %dma_start3A_785 = tpu.memref_slice %arg13[%dma_start3A_783, %dma_start3A_784] : memref<16x128xi32, #tpu.memory_space<vmem>> -> memref<1x128xi32, #tpu.memory_space<vmem>>
        %dma_start3A_786 = tpu.memref_squeeze %dma_start3A_785 : memref<1x128xi32, #tpu.memory_space<vmem>> -> memref<128xi32, #tpu.memory_space<vmem>>
        %dma_start3A_787 = arith.constant 0 : i32
        %dma_start3A_788 = arith.constant 0 : i32
        %dma_start3A_789 = tpu.memref_slice %arg8[%dma_start3A_787, %dma_start3A_788] : memref<10080x64xf32, #tpu.memory_space<vmem_shared>> -> memref<10080x64xf32, #tpu.memory_space<vmem_shared>>
        tpu.enqueue_indirect_dma source(%dma_start3A_789 : memref<10080x64xf32, #tpu.memory_space<vmem_shared>>) target(%arg15 : memref<128x64xf32, #tpu.memory_space<vmem>>) offsets(%dma_start3A_786 : memref<128xi32, #tpu.memory_space<vmem>>) semaphore(%arg27 : memref<!tpu.dma_semaphore, #tpu.memory_space<semaphore_mem>>)
        %dma_wait3A_790 = arith.constant 4 : i32
        %dma_wait3A_791 = arith.constant 0 : i32
        %dma_wait3A_792 = tpu.memref_slice %arg13[%dma_wait3A_790, %dma_wait3A_791] : memref<16x128xi32, #tpu.memory_space<vmem>> -> memref<1x128xi32, #tpu.memory_space<vmem>>
        %dma_wait3A_793 = tpu.memref_squeeze %dma_wait3A_792 : memref<1x128xi32, #tpu.memory_space<vmem>> -> memref<128xi32, #tpu.memory_space<vmem>>
        %dma_wait3A_794 = arith.constant 0 : i32
        %dma_wait3A_795 = arith.constant 0 : i32
        %dma_wait3A_796 = tpu.memref_slice %arg8[%dma_wait3A_794, %dma_wait3A_795] : memref<10080x64xf32, #tpu.memory_space<vmem_shared>> -> memref<10080x64xf32, #tpu.memory_space<vmem_shared>>
        tpu.wait_indirect_dma semaphore(%arg27 : memref<!tpu.dma_semaphore, #tpu.memory_space<semaphore_mem>>) src(%dma_wait3A_796 : memref<10080x64xf32, #tpu.memory_space<vmem_shared>>) dst(%arg15 : memref<128x64xf32, #tpu.memory_space<vmem>>)
        %dma_start3A_797 = arith.constant 4 : i32
        %dma_start3A_798 = arith.constant 0 : i32
        %dma_start3A_799 = tpu.memref_slice %arg14[%dma_start3A_797, %dma_start3A_798] : memref<16x128xi32, #tpu.memory_space<vmem>> -> memref<1x128xi32, #tpu.memory_space<vmem>>
        %dma_start3A_800 = tpu.memref_squeeze %dma_start3A_799 : memref<1x128xi32, #tpu.memory_space<vmem>> -> memref<128xi32, #tpu.memory_space<vmem>>
        %dma_start3A_801 = arith.constant 0 : i32
        %dma_start3A_802 = arith.constant 0 : i32
        %dma_start3A_803 = tpu.memref_slice %arg9[%dma_start3A_801, %dma_start3A_802] : memref<10080x64xf32, #tpu.memory_space<vmem_shared>> -> memref<10080x64xf32, #tpu.memory_space<vmem_shared>>
        tpu.enqueue_indirect_dma source(%arg15 : memref<128x64xf32, #tpu.memory_space<vmem>>) target(%dma_start3A_803 : memref<10080x64xf32, #tpu.memory_space<vmem_shared>>) offsets(%dma_start3A_800 : memref<128xi32, #tpu.memory_space<vmem>>) semaphore(%arg29 : memref<!tpu.dma_semaphore, #tpu.memory_space<semaphore_mem>>) {add = true}
        %dma_wait3A_804 = arith.constant 3 : i32
        %dma_wait3A_805 = arith.constant 0 : i32
        %dma_wait3A_806 = tpu.memref_slice %arg14[%dma_wait3A_804, %dma_wait3A_805] : memref<16x128xi32, #tpu.memory_space<vmem>> -> memref<1x128xi32, #tpu.memory_space<vmem>>
        %dma_wait3A_807 = tpu.memref_squeeze %dma_wait3A_806 : memref<1x128xi32, #tpu.memory_space<vmem>> -> memref<128xi32, #tpu.memory_space<vmem>>
        %dma_wait3A_808 = arith.constant 0 : i32
        %dma_wait3A_809 = arith.constant 0 : i32
        %dma_wait3A_810 = tpu.memref_slice %arg9[%dma_wait3A_808, %dma_wait3A_809] : memref<10080x64xf32, #tpu.memory_space<vmem_shared>> -> memref<10080x64xf32, #tpu.memory_space<vmem_shared>>
        tpu.wait_indirect_dma semaphore(%arg30 : memref<!tpu.dma_semaphore, #tpu.memory_space<semaphore_mem>>) src(%arg16 : memref<128x64xf32, #tpu.memory_space<vmem>>) dst(%dma_wait3A_810 : memref<10080x64xf32, #tpu.memory_space<vmem_shared>>)
        %dma_start3A_811 = arith.constant 5 : i32
        %dma_start3A_812 = arith.constant 0 : i32
        %dma_start3A_813 = tpu.memref_slice %arg13[%dma_start3A_811, %dma_start3A_812] : memref<16x128xi32, #tpu.memory_space<vmem>> -> memref<1x128xi32, #tpu.memory_space<vmem>>
        %dma_start3A_814 = tpu.memref_squeeze %dma_start3A_813 : memref<1x128xi32, #tpu.memory_space<vmem>> -> memref<128xi32, #tpu.memory_space<vmem>>
        %dma_start3A_815 = arith.constant 0 : i32
        %dma_start3A_816 = arith.constant 0 : i32
        %dma_start3A_817 = tpu.memref_slice %arg8[%dma_start3A_815, %dma_start3A_816] : memref<10080x64xf32, #tpu.memory_space<vmem_shared>> -> memref<10080x64xf32, #tpu.memory_space<vmem_shared>>
        tpu.enqueue_indirect_dma source(%dma_start3A_817 : memref<10080x64xf32, #tpu.memory_space<vmem_shared>>) target(%arg16 : memref<128x64xf32, #tpu.memory_space<vmem>>) offsets(%dma_start3A_814 : memref<128xi32, #tpu.memory_space<vmem>>) semaphore(%arg28 : memref<!tpu.dma_semaphore, #tpu.memory_space<semaphore_mem>>)
        %dma_wait3A_818 = arith.constant 5 : i32
        %dma_wait3A_819 = arith.constant 0 : i32
        %dma_wait3A_820 = tpu.memref_slice %arg13[%dma_wait3A_818, %dma_wait3A_819] : memref<16x128xi32, #tpu.memory_space<vmem>> -> memref<1x128xi32, #tpu.memory_space<vmem>>
        %dma_wait3A_821 = tpu.memref_squeeze %dma_wait3A_820 : memref<1x128xi32, #tpu.memory_space<vmem>> -> memref<128xi32, #tpu.memory_space<vmem>>
        %dma_wait3A_822 = arith.constant 0 : i32
        %dma_wait3A_823 = arith.constant 0 : i32
        %dma_wait3A_824 = tpu.memref_slice %arg8[%dma_wait3A_822, %dma_wait3A_823] : memref<10080x64xf32, #tpu.memory_space<vmem_shared>> -> memref<10080x64xf32, #tpu.memory_space<vmem_shared>>
        tpu.wait_indirect_dma semaphore(%arg28 : memref<!tpu.dma_semaphore, #tpu.memory_space<semaphore_mem>>) src(%dma_wait3A_824 : memref<10080x64xf32, #tpu.memory_space<vmem_shared>>) dst(%arg16 : memref<128x64xf32, #tpu.memory_space<vmem>>)
        %dma_start3A_825 = arith.constant 5 : i32
        %dma_start3A_826 = arith.constant 0 : i32
        %dma_start3A_827 = tpu.memref_slice %arg14[%dma_start3A_825, %dma_start3A_826] : memref<16x128xi32, #tpu.memory_space<vmem>> -> memref<1x128xi32, #tpu.memory_space<vmem>>
        %dma_start3A_828 = tpu.memref_squeeze %dma_start3A_827 : memref<1x128xi32, #tpu.memory_space<vmem>> -> memref<128xi32, #tpu.memory_space<vmem>>
        %dma_start3A_829 = arith.constant 0 : i32
        %dma_start3A_830 = arith.constant 0 : i32
        %dma_start3A_831 = tpu.memref_slice %arg9[%dma_start3A_829, %dma_start3A_830] : memref<10080x64xf32, #tpu.memory_space<vmem_shared>> -> memref<10080x64xf32, #tpu.memory_space<vmem_shared>>
        tpu.enqueue_indirect_dma source(%arg16 : memref<128x64xf32, #tpu.memory_space<vmem>>) target(%dma_start3A_831 : memref<10080x64xf32, #tpu.memory_space<vmem_shared>>) offsets(%dma_start3A_828 : memref<128xi32, #tpu.memory_space<vmem>>) semaphore(%arg30 : memref<!tpu.dma_semaphore, #tpu.memory_space<semaphore_mem>>) {add = true}
        %dma_wait3A_832 = arith.constant 4 : i32
        %dma_wait3A_833 = arith.constant 0 : i32
        %dma_wait3A_834 = tpu.memref_slice %arg14[%dma_wait3A_832, %dma_wait3A_833] : memref<16x128xi32, #tpu.memory_space<vmem>> -> memref<1x128xi32, #tpu.memory_space<vmem>>
        %dma_wait3A_835 = tpu.memref_squeeze %dma_wait3A_834 : memref<1x128xi32, #tpu.memory_space<vmem>> -> memref<128xi32, #tpu.memory_space<vmem>>
        %dma_wait3A_836 = arith.constant 0 : i32
        %dma_wait3A_837 = arith.constant 0 : i32
        %dma_wait3A_838 = tpu.memref_slice %arg9[%dma_wait3A_836, %dma_wait3A_837] : memref<10080x64xf32, #tpu.memory_space<vmem_shared>> -> memref<10080x64xf32, #tpu.memory_space<vmem_shared>>
        tpu.wait_indirect_dma semaphore(%arg29 : memref<!tpu.dma_semaphore, #tpu.memory_space<semaphore_mem>>) src(%arg15 : memref<128x64xf32, #tpu.memory_space<vmem>>) dst(%dma_wait3A_838 : memref<10080x64xf32, #tpu.memory_space<vmem_shared>>)
        %dma_start3A_839 = arith.constant 6 : i32
        %dma_start3A_840 = arith.constant 0 : i32
        %dma_start3A_841 = tpu.memref_slice %arg13[%dma_start3A_839, %dma_start3A_840] : memref<16x128xi32, #tpu.memory_space<vmem>> -> memref<1x128xi32, #tpu.memory_space<vmem>>
        %dma_start3A_842 = tpu.memref_squeeze %dma_start3A_841 : memref<1x128xi32, #tpu.memory_space<vmem>> -> memref<128xi32, #tpu.memory_space<vmem>>
        %dma_start3A_843 = arith.constant 0 : i32
        %dma_start3A_844 = arith.constant 0 : i32
        %dma_start3A_845 = tpu.memref_slice %arg8[%dma_start3A_843, %dma_start3A_844] : memref<10080x64xf32, #tpu.memory_space<vmem_shared>> -> memref<10080x64xf32, #tpu.memory_space<vmem_shared>>
        tpu.enqueue_indirect_dma source(%dma_start3A_845 : memref<10080x64xf32, #tpu.memory_space<vmem_shared>>) target(%arg15 : memref<128x64xf32, #tpu.memory_space<vmem>>) offsets(%dma_start3A_842 : memref<128xi32, #tpu.memory_space<vmem>>) semaphore(%arg27 : memref<!tpu.dma_semaphore, #tpu.memory_space<semaphore_mem>>)
        %dma_wait3A_846 = arith.constant 6 : i32
        %dma_wait3A_847 = arith.constant 0 : i32
        %dma_wait3A_848 = tpu.memref_slice %arg13[%dma_wait3A_846, %dma_wait3A_847] : memref<16x128xi32, #tpu.memory_space<vmem>> -> memref<1x128xi32, #tpu.memory_space<vmem>>
        %dma_wait3A_849 = tpu.memref_squeeze %dma_wait3A_848 : memref<1x128xi32, #tpu.memory_space<vmem>> -> memref<128xi32, #tpu.memory_space<vmem>>
        %dma_wait3A_850 = arith.constant 0 : i32
        %dma_wait3A_851 = arith.constant 0 : i32
        %dma_wait3A_852 = tpu.memref_slice %arg8[%dma_wait3A_850, %dma_wait3A_851] : memref<10080x64xf32, #tpu.memory_space<vmem_shared>> -> memref<10080x64xf32, #tpu.memory_space<vmem_shared>>
        tpu.wait_indirect_dma semaphore(%arg27 : memref<!tpu.dma_semaphore, #tpu.memory_space<semaphore_mem>>) src(%dma_wait3A_852 : memref<10080x64xf32, #tpu.memory_space<vmem_shared>>) dst(%arg15 : memref<128x64xf32, #tpu.memory_space<vmem>>)
        %dma_start3A_853 = arith.constant 6 : i32
        %dma_start3A_854 = arith.constant 0 : i32
        %dma_start3A_855 = tpu.memref_slice %arg14[%dma_start3A_853, %dma_start3A_854] : memref<16x128xi32, #tpu.memory_space<vmem>> -> memref<1x128xi32, #tpu.memory_space<vmem>>
        %dma_start3A_856 = tpu.memref_squeeze %dma_start3A_855 : memref<1x128xi32, #tpu.memory_space<vmem>> -> memref<128xi32, #tpu.memory_space<vmem>>
        %dma_start3A_857 = arith.constant 0 : i32
        %dma_start3A_858 = arith.constant 0 : i32
        %dma_start3A_859 = tpu.memref_slice %arg9[%dma_start3A_857, %dma_start3A_858] : memref<10080x64xf32, #tpu.memory_space<vmem_shared>> -> memref<10080x64xf32, #tpu.memory_space<vmem_shared>>
        tpu.enqueue_indirect_dma source(%arg15 : memref<128x64xf32, #tpu.memory_space<vmem>>) target(%dma_start3A_859 : memref<10080x64xf32, #tpu.memory_space<vmem_shared>>) offsets(%dma_start3A_856 : memref<128xi32, #tpu.memory_space<vmem>>) semaphore(%arg29 : memref<!tpu.dma_semaphore, #tpu.memory_space<semaphore_mem>>) {add = true}
        %dma_wait3A_860 = arith.constant 5 : i32
        %dma_wait3A_861 = arith.constant 0 : i32
        %dma_wait3A_862 = tpu.memref_slice %arg14[%dma_wait3A_860, %dma_wait3A_861] : memref<16x128xi32, #tpu.memory_space<vmem>> -> memref<1x128xi32, #tpu.memory_space<vmem>>
        %dma_wait3A_863 = tpu.memref_squeeze %dma_wait3A_862 : memref<1x128xi32, #tpu.memory_space<vmem>> -> memref<128xi32, #tpu.memory_space<vmem>>
        %dma_wait3A_864 = arith.constant 0 : i32
        %dma_wait3A_865 = arith.constant 0 : i32
        %dma_wait3A_866 = tpu.memref_slice %arg9[%dma_wait3A_864, %dma_wait3A_865] : memref<10080x64xf32, #tpu.memory_space<vmem_shared>> -> memref<10080x64xf32, #tpu.memory_space<vmem_shared>>
        tpu.wait_indirect_dma semaphore(%arg30 : memref<!tpu.dma_semaphore, #tpu.memory_space<semaphore_mem>>) src(%arg16 : memref<128x64xf32, #tpu.memory_space<vmem>>) dst(%dma_wait3A_866 : memref<10080x64xf32, #tpu.memory_space<vmem_shared>>)
        %dma_start3A_867 = arith.constant 7 : i32
        %dma_start3A_868 = arith.constant 0 : i32
        %dma_start3A_869 = tpu.memref_slice %arg13[%dma_start3A_867, %dma_start3A_868] : memref<16x128xi32, #tpu.memory_space<vmem>> -> memref<1x128xi32, #tpu.memory_space<vmem>>
        %dma_start3A_870 = tpu.memref_squeeze %dma_start3A_869 : memref<1x128xi32, #tpu.memory_space<vmem>> -> memref<128xi32, #tpu.memory_space<vmem>>
        %dma_start3A_871 = arith.constant 0 : i32
        %dma_start3A_872 = arith.constant 0 : i32
        %dma_start3A_873 = tpu.memref_slice %arg8[%dma_start3A_871, %dma_start3A_872] : memref<10080x64xf32, #tpu.memory_space<vmem_shared>> -> memref<10080x64xf32, #tpu.memory_space<vmem_shared>>
        tpu.enqueue_indirect_dma source(%dma_start3A_873 : memref<10080x64xf32, #tpu.memory_space<vmem_shared>>) target(%arg16 : memref<128x64xf32, #tpu.memory_space<vmem>>) offsets(%dma_start3A_870 : memref<128xi32, #tpu.memory_space<vmem>>) semaphore(%arg28 : memref<!tpu.dma_semaphore, #tpu.memory_space<semaphore_mem>>)
        %dma_wait3A_874 = arith.constant 7 : i32
        %dma_wait3A_875 = arith.constant 0 : i32
        %dma_wait3A_876 = tpu.memref_slice %arg13[%dma_wait3A_874, %dma_wait3A_875] : memref<16x128xi32, #tpu.memory_space<vmem>> -> memref<1x128xi32, #tpu.memory_space<vmem>>
        %dma_wait3A_877 = tpu.memref_squeeze %dma_wait3A_876 : memref<1x128xi32, #tpu.memory_space<vmem>> -> memref<128xi32, #tpu.memory_space<vmem>>
        %dma_wait3A_878 = arith.constant 0 : i32
        %dma_wait3A_879 = arith.constant 0 : i32
        %dma_wait3A_880 = tpu.memref_slice %arg8[%dma_wait3A_878, %dma_wait3A_879] : memref<10080x64xf32, #tpu.memory_space<vmem_shared>> -> memref<10080x64xf32, #tpu.memory_space<vmem_shared>>
        tpu.wait_indirect_dma semaphore(%arg28 : memref<!tpu.dma_semaphore, #tpu.memory_space<semaphore_mem>>) src(%dma_wait3A_880 : memref<10080x64xf32, #tpu.memory_space<vmem_shared>>) dst(%arg16 : memref<128x64xf32, #tpu.memory_space<vmem>>)
        %dma_start3A_881 = arith.constant 7 : i32
        %dma_start3A_882 = arith.constant 0 : i32
        %dma_start3A_883 = tpu.memref_slice %arg14[%dma_start3A_881, %dma_start3A_882] : memref<16x128xi32, #tpu.memory_space<vmem>> -> memref<1x128xi32, #tpu.memory_space<vmem>>
        %dma_start3A_884 = tpu.memref_squeeze %dma_start3A_883 : memref<1x128xi32, #tpu.memory_space<vmem>> -> memref<128xi32, #tpu.memory_space<vmem>>
        %dma_start3A_885 = arith.constant 0 : i32
        %dma_start3A_886 = arith.constant 0 : i32
        %dma_start3A_887 = tpu.memref_slice %arg9[%dma_start3A_885, %dma_start3A_886] : memref<10080x64xf32, #tpu.memory_space<vmem_shared>> -> memref<10080x64xf32, #tpu.memory_space<vmem_shared>>
        tpu.enqueue_indirect_dma source(%arg16 : memref<128x64xf32, #tpu.memory_space<vmem>>) target(%dma_start3A_887 : memref<10080x64xf32, #tpu.memory_space<vmem_shared>>) offsets(%dma_start3A_884 : memref<128xi32, #tpu.memory_space<vmem>>) semaphore(%arg30 : memref<!tpu.dma_semaphore, #tpu.memory_space<semaphore_mem>>) {add = true}
        %dma_wait3A_888 = arith.constant 6 : i32
        %dma_wait3A_889 = arith.constant 0 : i32
        %dma_wait3A_890 = tpu.memref_slice %arg14[%dma_wait3A_888, %dma_wait3A_889] : memref<16x128xi32, #tpu.memory_space<vmem>> -> memref<1x128xi32, #tpu.memory_space<vmem>>
        %dma_wait3A_891 = tpu.memref_squeeze %dma_wait3A_890 : memref<1x128xi32, #tpu.memory_space<vmem>> -> memref<128xi32, #tpu.memory_space<vmem>>
        %dma_wait3A_892 = arith.constant 0 : i32
        %dma_wait3A_893 = arith.constant 0 : i32
        %dma_wait3A_894 = tpu.memref_slice %arg9[%dma_wait3A_892, %dma_wait3A_893] : memref<10080x64xf32, #tpu.memory_space<vmem_shared>> -> memref<10080x64xf32, #tpu.memory_space<vmem_shared>>
        tpu.wait_indirect_dma semaphore(%arg29 : memref<!tpu.dma_semaphore, #tpu.memory_space<semaphore_mem>>) src(%arg15 : memref<128x64xf32, #tpu.memory_space<vmem>>) dst(%dma_wait3A_894 : memref<10080x64xf32, #tpu.memory_space<vmem_shared>>)
        %dma_start3A_895 = arith.constant 8 : i32
        %dma_start3A_896 = arith.constant 0 : i32
        %dma_start3A_897 = tpu.memref_slice %arg13[%dma_start3A_895, %dma_start3A_896] : memref<16x128xi32, #tpu.memory_space<vmem>> -> memref<1x128xi32, #tpu.memory_space<vmem>>
        %dma_start3A_898 = tpu.memref_squeeze %dma_start3A_897 : memref<1x128xi32, #tpu.memory_space<vmem>> -> memref<128xi32, #tpu.memory_space<vmem>>
        %dma_start3A_899 = arith.constant 0 : i32
        %dma_start3A_900 = arith.constant 0 : i32
        %dma_start3A_901 = tpu.memref_slice %arg8[%dma_start3A_899, %dma_start3A_900] : memref<10080x64xf32, #tpu.memory_space<vmem_shared>> -> memref<10080x64xf32, #tpu.memory_space<vmem_shared>>
        tpu.enqueue_indirect_dma source(%dma_start3A_901 : memref<10080x64xf32, #tpu.memory_space<vmem_shared>>) target(%arg15 : memref<128x64xf32, #tpu.memory_space<vmem>>) offsets(%dma_start3A_898 : memref<128xi32, #tpu.memory_space<vmem>>) semaphore(%arg27 : memref<!tpu.dma_semaphore, #tpu.memory_space<semaphore_mem>>)
        %dma_wait3A_902 = arith.constant 8 : i32
        %dma_wait3A_903 = arith.constant 0 : i32
        %dma_wait3A_904 = tpu.memref_slice %arg13[%dma_wait3A_902, %dma_wait3A_903] : memref<16x128xi32, #tpu.memory_space<vmem>> -> memref<1x128xi32, #tpu.memory_space<vmem>>
        %dma_wait3A_905 = tpu.memref_squeeze %dma_wait3A_904 : memref<1x128xi32, #tpu.memory_space<vmem>> -> memref<128xi32, #tpu.memory_space<vmem>>
        %dma_wait3A_906 = arith.constant 0 : i32
        %dma_wait3A_907 = arith.constant 0 : i32
        %dma_wait3A_908 = tpu.memref_slice %arg8[%dma_wait3A_906, %dma_wait3A_907] : memref<10080x64xf32, #tpu.memory_space<vmem_shared>> -> memref<10080x64xf32, #tpu.memory_space<vmem_shared>>
        tpu.wait_indirect_dma semaphore(%arg27 : memref<!tpu.dma_semaphore, #tpu.memory_space<semaphore_mem>>) src(%dma_wait3A_908 : memref<10080x64xf32, #tpu.memory_space<vmem_shared>>) dst(%arg15 : memref<128x64xf32, #tpu.memory_space<vmem>>)
        %dma_start3A_909 = arith.constant 8 : i32
        %dma_start3A_910 = arith.constant 0 : i32
        %dma_start3A_911 = tpu.memref_slice %arg14[%dma_start3A_909, %dma_start3A_910] : memref<16x128xi32, #tpu.memory_space<vmem>> -> memref<1x128xi32, #tpu.memory_space<vmem>>
        %dma_start3A_912 = tpu.memref_squeeze %dma_start3A_911 : memref<1x128xi32, #tpu.memory_space<vmem>> -> memref<128xi32, #tpu.memory_space<vmem>>
        %dma_start3A_913 = arith.constant 0 : i32
        %dma_start3A_914 = arith.constant 0 : i32
        %dma_start3A_915 = tpu.memref_slice %arg9[%dma_start3A_913, %dma_start3A_914] : memref<10080x64xf32, #tpu.memory_space<vmem_shared>> -> memref<10080x64xf32, #tpu.memory_space<vmem_shared>>
        tpu.enqueue_indirect_dma source(%arg15 : memref<128x64xf32, #tpu.memory_space<vmem>>) target(%dma_start3A_915 : memref<10080x64xf32, #tpu.memory_space<vmem_shared>>) offsets(%dma_start3A_912 : memref<128xi32, #tpu.memory_space<vmem>>) semaphore(%arg29 : memref<!tpu.dma_semaphore, #tpu.memory_space<semaphore_mem>>) {add = true}
        %dma_wait3A_916 = arith.constant 7 : i32
        %dma_wait3A_917 = arith.constant 0 : i32
        %dma_wait3A_918 = tpu.memref_slice %arg14[%dma_wait3A_916, %dma_wait3A_917] : memref<16x128xi32, #tpu.memory_space<vmem>> -> memref<1x128xi32, #tpu.memory_space<vmem>>
        %dma_wait3A_919 = tpu.memref_squeeze %dma_wait3A_918 : memref<1x128xi32, #tpu.memory_space<vmem>> -> memref<128xi32, #tpu.memory_space<vmem>>
        %dma_wait3A_920 = arith.constant 0 : i32
        %dma_wait3A_921 = arith.constant 0 : i32
        %dma_wait3A_922 = tpu.memref_slice %arg9[%dma_wait3A_920, %dma_wait3A_921] : memref<10080x64xf32, #tpu.memory_space<vmem_shared>> -> memref<10080x64xf32, #tpu.memory_space<vmem_shared>>
        tpu.wait_indirect_dma semaphore(%arg30 : memref<!tpu.dma_semaphore, #tpu.memory_space<semaphore_mem>>) src(%arg16 : memref<128x64xf32, #tpu.memory_space<vmem>>) dst(%dma_wait3A_922 : memref<10080x64xf32, #tpu.memory_space<vmem_shared>>)
        %dma_start3A_923 = arith.constant 9 : i32
        %dma_start3A_924 = arith.constant 0 : i32
        %dma_start3A_925 = tpu.memref_slice %arg13[%dma_start3A_923, %dma_start3A_924] : memref<16x128xi32, #tpu.memory_space<vmem>> -> memref<1x128xi32, #tpu.memory_space<vmem>>
        %dma_start3A_926 = tpu.memref_squeeze %dma_start3A_925 : memref<1x128xi32, #tpu.memory_space<vmem>> -> memref<128xi32, #tpu.memory_space<vmem>>
        %dma_start3A_927 = arith.constant 0 : i32
        %dma_start3A_928 = arith.constant 0 : i32
        %dma_start3A_929 = tpu.memref_slice %arg8[%dma_start3A_927, %dma_start3A_928] : memref<10080x64xf32, #tpu.memory_space<vmem_shared>> -> memref<10080x64xf32, #tpu.memory_space<vmem_shared>>
        tpu.enqueue_indirect_dma source(%dma_start3A_929 : memref<10080x64xf32, #tpu.memory_space<vmem_shared>>) target(%arg16 : memref<128x64xf32, #tpu.memory_space<vmem>>) offsets(%dma_start3A_926 : memref<128xi32, #tpu.memory_space<vmem>>) semaphore(%arg28 : memref<!tpu.dma_semaphore, #tpu.memory_space<semaphore_mem>>)
        %dma_wait3A_930 = arith.constant 9 : i32
        %dma_wait3A_931 = arith.constant 0 : i32
        %dma_wait3A_932 = tpu.memref_slice %arg13[%dma_wait3A_930, %dma_wait3A_931] : memref<16x128xi32, #tpu.memory_space<vmem>> -> memref<1x128xi32, #tpu.memory_space<vmem>>
        %dma_wait3A_933 = tpu.memref_squeeze %dma_wait3A_932 : memref<1x128xi32, #tpu.memory_space<vmem>> -> memref<128xi32, #tpu.memory_space<vmem>>
        %dma_wait3A_934 = arith.constant 0 : i32
        %dma_wait3A_935 = arith.constant 0 : i32
        %dma_wait3A_936 = tpu.memref_slice %arg8[%dma_wait3A_934, %dma_wait3A_935] : memref<10080x64xf32, #tpu.memory_space<vmem_shared>> -> memref<10080x64xf32, #tpu.memory_space<vmem_shared>>
        tpu.wait_indirect_dma semaphore(%arg28 : memref<!tpu.dma_semaphore, #tpu.memory_space<semaphore_mem>>) src(%dma_wait3A_936 : memref<10080x64xf32, #tpu.memory_space<vmem_shared>>) dst(%arg16 : memref<128x64xf32, #tpu.memory_space<vmem>>)
        %dma_start3A_937 = arith.constant 9 : i32
        %dma_start3A_938 = arith.constant 0 : i32
        %dma_start3A_939 = tpu.memref_slice %arg14[%dma_start3A_937, %dma_start3A_938] : memref<16x128xi32, #tpu.memory_space<vmem>> -> memref<1x128xi32, #tpu.memory_space<vmem>>
        %dma_start3A_940 = tpu.memref_squeeze %dma_start3A_939 : memref<1x128xi32, #tpu.memory_space<vmem>> -> memref<128xi32, #tpu.memory_space<vmem>>
        %dma_start3A_941 = arith.constant 0 : i32
        %dma_start3A_942 = arith.constant 0 : i32
        %dma_start3A_943 = tpu.memref_slice %arg9[%dma_start3A_941, %dma_start3A_942] : memref<10080x64xf32, #tpu.memory_space<vmem_shared>> -> memref<10080x64xf32, #tpu.memory_space<vmem_shared>>
        tpu.enqueue_indirect_dma source(%arg16 : memref<128x64xf32, #tpu.memory_space<vmem>>) target(%dma_start3A_943 : memref<10080x64xf32, #tpu.memory_space<vmem_shared>>) offsets(%dma_start3A_940 : memref<128xi32, #tpu.memory_space<vmem>>) semaphore(%arg30 : memref<!tpu.dma_semaphore, #tpu.memory_space<semaphore_mem>>) {add = true}
        %dma_wait3A_944 = arith.constant 8 : i32
        %dma_wait3A_945 = arith.constant 0 : i32
        %dma_wait3A_946 = tpu.memref_slice %arg14[%dma_wait3A_944, %dma_wait3A_945] : memref<16x128xi32, #tpu.memory_space<vmem>> -> memref<1x128xi32, #tpu.memory_space<vmem>>
        %dma_wait3A_947 = tpu.memref_squeeze %dma_wait3A_946 : memref<1x128xi32, #tpu.memory_space<vmem>> -> memref<128xi32, #tpu.memory_space<vmem>>
        %dma_wait3A_948 = arith.constant 0 : i32
        %dma_wait3A_949 = arith.constant 0 : i32
        %dma_wait3A_950 = tpu.memref_slice %arg9[%dma_wait3A_948, %dma_wait3A_949] : memref<10080x64xf32, #tpu.memory_space<vmem_shared>> -> memref<10080x64xf32, #tpu.memory_space<vmem_shared>>
        tpu.wait_indirect_dma semaphore(%arg29 : memref<!tpu.dma_semaphore, #tpu.memory_space<semaphore_mem>>) src(%arg15 : memref<128x64xf32, #tpu.memory_space<vmem>>) dst(%dma_wait3A_950 : memref<10080x64xf32, #tpu.memory_space<vmem_shared>>)
        %dma_start3A_951 = arith.constant 10 : i32
        %dma_start3A_952 = arith.constant 0 : i32
        %dma_start3A_953 = tpu.memref_slice %arg13[%dma_start3A_951, %dma_start3A_952] : memref<16x128xi32, #tpu.memory_space<vmem>> -> memref<1x128xi32, #tpu.memory_space<vmem>>
        %dma_start3A_954 = tpu.memref_squeeze %dma_start3A_953 : memref<1x128xi32, #tpu.memory_space<vmem>> -> memref<128xi32, #tpu.memory_space<vmem>>
        %dma_start3A_955 = arith.constant 0 : i32
        %dma_start3A_956 = arith.constant 0 : i32
        %dma_start3A_957 = tpu.memref_slice %arg8[%dma_start3A_955, %dma_start3A_956] : memref<10080x64xf32, #tpu.memory_space<vmem_shared>> -> memref<10080x64xf32, #tpu.memory_space<vmem_shared>>
        tpu.enqueue_indirect_dma source(%dma_start3A_957 : memref<10080x64xf32, #tpu.memory_space<vmem_shared>>) target(%arg15 : memref<128x64xf32, #tpu.memory_space<vmem>>) offsets(%dma_start3A_954 : memref<128xi32, #tpu.memory_space<vmem>>) semaphore(%arg27 : memref<!tpu.dma_semaphore, #tpu.memory_space<semaphore_mem>>)
        %dma_wait3A_958 = arith.constant 10 : i32
        %dma_wait3A_959 = arith.constant 0 : i32
        %dma_wait3A_960 = tpu.memref_slice %arg13[%dma_wait3A_958, %dma_wait3A_959] : memref<16x128xi32, #tpu.memory_space<vmem>> -> memref<1x128xi32, #tpu.memory_space<vmem>>
        %dma_wait3A_961 = tpu.memref_squeeze %dma_wait3A_960 : memref<1x128xi32, #tpu.memory_space<vmem>> -> memref<128xi32, #tpu.memory_space<vmem>>
        %dma_wait3A_962 = arith.constant 0 : i32
        %dma_wait3A_963 = arith.constant 0 : i32
        %dma_wait3A_964 = tpu.memref_slice %arg8[%dma_wait3A_962, %dma_wait3A_963] : memref<10080x64xf32, #tpu.memory_space<vmem_shared>> -> memref<10080x64xf32, #tpu.memory_space<vmem_shared>>
        tpu.wait_indirect_dma semaphore(%arg27 : memref<!tpu.dma_semaphore, #tpu.memory_space<semaphore_mem>>) src(%dma_wait3A_964 : memref<10080x64xf32, #tpu.memory_space<vmem_shared>>) dst(%arg15 : memref<128x64xf32, #tpu.memory_space<vmem>>)
        %dma_start3A_965 = arith.constant 10 : i32
        %dma_start3A_966 = arith.constant 0 : i32
        %dma_start3A_967 = tpu.memref_slice %arg14[%dma_start3A_965, %dma_start3A_966] : memref<16x128xi32, #tpu.memory_space<vmem>> -> memref<1x128xi32, #tpu.memory_space<vmem>>
        %dma_start3A_968 = tpu.memref_squeeze %dma_start3A_967 : memref<1x128xi32, #tpu.memory_space<vmem>> -> memref<128xi32, #tpu.memory_space<vmem>>
        %dma_start3A_969 = arith.constant 0 : i32
        %dma_start3A_970 = arith.constant 0 : i32
        %dma_start3A_971 = tpu.memref_slice %arg9[%dma_start3A_969, %dma_start3A_970] : memref<10080x64xf32, #tpu.memory_space<vmem_shared>> -> memref<10080x64xf32, #tpu.memory_space<vmem_shared>>
        tpu.enqueue_indirect_dma source(%arg15 : memref<128x64xf32, #tpu.memory_space<vmem>>) target(%dma_start3A_971 : memref<10080x64xf32, #tpu.memory_space<vmem_shared>>) offsets(%dma_start3A_968 : memref<128xi32, #tpu.memory_space<vmem>>) semaphore(%arg29 : memref<!tpu.dma_semaphore, #tpu.memory_space<semaphore_mem>>) {add = true}
        %dma_wait3A_972 = arith.constant 9 : i32
        %dma_wait3A_973 = arith.constant 0 : i32
        %dma_wait3A_974 = tpu.memref_slice %arg14[%dma_wait3A_972, %dma_wait3A_973] : memref<16x128xi32, #tpu.memory_space<vmem>> -> memref<1x128xi32, #tpu.memory_space<vmem>>
        %dma_wait3A_975 = tpu.memref_squeeze %dma_wait3A_974 : memref<1x128xi32, #tpu.memory_space<vmem>> -> memref<128xi32, #tpu.memory_space<vmem>>
        %dma_wait3A_976 = arith.constant 0 : i32
        %dma_wait3A_977 = arith.constant 0 : i32
        %dma_wait3A_978 = tpu.memref_slice %arg9[%dma_wait3A_976, %dma_wait3A_977] : memref<10080x64xf32, #tpu.memory_space<vmem_shared>> -> memref<10080x64xf32, #tpu.memory_space<vmem_shared>>
        tpu.wait_indirect_dma semaphore(%arg30 : memref<!tpu.dma_semaphore, #tpu.memory_space<semaphore_mem>>) src(%arg16 : memref<128x64xf32, #tpu.memory_space<vmem>>) dst(%dma_wait3A_978 : memref<10080x64xf32, #tpu.memory_space<vmem_shared>>)
        %dma_start3A_979 = arith.constant 11 : i32
        %dma_start3A_980 = arith.constant 0 : i32
        %dma_start3A_981 = tpu.memref_slice %arg13[%dma_start3A_979, %dma_start3A_980] : memref<16x128xi32, #tpu.memory_space<vmem>> -> memref<1x128xi32, #tpu.memory_space<vmem>>
        %dma_start3A_982 = tpu.memref_squeeze %dma_start3A_981 : memref<1x128xi32, #tpu.memory_space<vmem>> -> memref<128xi32, #tpu.memory_space<vmem>>
        %dma_start3A_983 = arith.constant 0 : i32
        %dma_start3A_984 = arith.constant 0 : i32
        %dma_start3A_985 = tpu.memref_slice %arg8[%dma_start3A_983, %dma_start3A_984] : memref<10080x64xf32, #tpu.memory_space<vmem_shared>> -> memref<10080x64xf32, #tpu.memory_space<vmem_shared>>
        tpu.enqueue_indirect_dma source(%dma_start3A_985 : memref<10080x64xf32, #tpu.memory_space<vmem_shared>>) target(%arg16 : memref<128x64xf32, #tpu.memory_space<vmem>>) offsets(%dma_start3A_982 : memref<128xi32, #tpu.memory_space<vmem>>) semaphore(%arg28 : memref<!tpu.dma_semaphore, #tpu.memory_space<semaphore_mem>>)
        %dma_wait3A_986 = arith.constant 11 : i32
        %dma_wait3A_987 = arith.constant 0 : i32
        %dma_wait3A_988 = tpu.memref_slice %arg13[%dma_wait3A_986, %dma_wait3A_987] : memref<16x128xi32, #tpu.memory_space<vmem>> -> memref<1x128xi32, #tpu.memory_space<vmem>>
        %dma_wait3A_989 = tpu.memref_squeeze %dma_wait3A_988 : memref<1x128xi32, #tpu.memory_space<vmem>> -> memref<128xi32, #tpu.memory_space<vmem>>
        %dma_wait3A_990 = arith.constant 0 : i32
        %dma_wait3A_991 = arith.constant 0 : i32
        %dma_wait3A_992 = tpu.memref_slice %arg8[%dma_wait3A_990, %dma_wait3A_991] : memref<10080x64xf32, #tpu.memory_space<vmem_shared>> -> memref<10080x64xf32, #tpu.memory_space<vmem_shared>>
        tpu.wait_indirect_dma semaphore(%arg28 : memref<!tpu.dma_semaphore, #tpu.memory_space<semaphore_mem>>) src(%dma_wait3A_992 : memref<10080x64xf32, #tpu.memory_space<vmem_shared>>) dst(%arg16 : memref<128x64xf32, #tpu.memory_space<vmem>>)
        %dma_start3A_993 = arith.constant 11 : i32
        %dma_start3A_994 = arith.constant 0 : i32
        %dma_start3A_995 = tpu.memref_slice %arg14[%dma_start3A_993, %dma_start3A_994] : memref<16x128xi32, #tpu.memory_space<vmem>> -> memref<1x128xi32, #tpu.memory_space<vmem>>
        %dma_start3A_996 = tpu.memref_squeeze %dma_start3A_995 : memref<1x128xi32, #tpu.memory_space<vmem>> -> memref<128xi32, #tpu.memory_space<vmem>>
        %dma_start3A_997 = arith.constant 0 : i32
        %dma_start3A_998 = arith.constant 0 : i32
        %dma_start3A_999 = tpu.memref_slice %arg9[%dma_start3A_997, %dma_start3A_998] : memref<10080x64xf32, #tpu.memory_space<vmem_shared>> -> memref<10080x64xf32, #tpu.memory_space<vmem_shared>>
        tpu.enqueue_indirect_dma source(%arg16 : memref<128x64xf32, #tpu.memory_space<vmem>>) target(%dma_start3A_999 : memref<10080x64xf32, #tpu.memory_space<vmem_shared>>) offsets(%dma_start3A_996 : memref<128xi32, #tpu.memory_space<vmem>>) semaphore(%arg30 : memref<!tpu.dma_semaphore, #tpu.memory_space<semaphore_mem>>) {add = true}
        %dma_wait3A_1000 = arith.constant 10 : i32
        %dma_wait3A_1001 = arith.constant 0 : i32
        %dma_wait3A_1002 = tpu.memref_slice %arg14[%dma_wait3A_1000, %dma_wait3A_1001] : memref<16x128xi32, #tpu.memory_space<vmem>> -> memref<1x128xi32, #tpu.memory_space<vmem>>
        %dma_wait3A_1003 = tpu.memref_squeeze %dma_wait3A_1002 : memref<1x128xi32, #tpu.memory_space<vmem>> -> memref<128xi32, #tpu.memory_space<vmem>>
        %dma_wait3A_1004 = arith.constant 0 : i32
        %dma_wait3A_1005 = arith.constant 0 : i32
        %dma_wait3A_1006 = tpu.memref_slice %arg9[%dma_wait3A_1004, %dma_wait3A_1005] : memref<10080x64xf32, #tpu.memory_space<vmem_shared>> -> memref<10080x64xf32, #tpu.memory_space<vmem_shared>>
        tpu.wait_indirect_dma semaphore(%arg29 : memref<!tpu.dma_semaphore, #tpu.memory_space<semaphore_mem>>) src(%arg15 : memref<128x64xf32, #tpu.memory_space<vmem>>) dst(%dma_wait3A_1006 : memref<10080x64xf32, #tpu.memory_space<vmem_shared>>)
        %dma_start3A_1007 = arith.constant 12 : i32
        %dma_start3A_1008 = arith.constant 0 : i32
        %dma_start3A_1009 = tpu.memref_slice %arg13[%dma_start3A_1007, %dma_start3A_1008] : memref<16x128xi32, #tpu.memory_space<vmem>> -> memref<1x128xi32, #tpu.memory_space<vmem>>
        %dma_start3A_1010 = tpu.memref_squeeze %dma_start3A_1009 : memref<1x128xi32, #tpu.memory_space<vmem>> -> memref<128xi32, #tpu.memory_space<vmem>>
        %dma_start3A_1011 = arith.constant 0 : i32
        %dma_start3A_1012 = arith.constant 0 : i32
        %dma_start3A_1013 = tpu.memref_slice %arg8[%dma_start3A_1011, %dma_start3A_1012] : memref<10080x64xf32, #tpu.memory_space<vmem_shared>> -> memref<10080x64xf32, #tpu.memory_space<vmem_shared>>
        tpu.enqueue_indirect_dma source(%dma_start3A_1013 : memref<10080x64xf32, #tpu.memory_space<vmem_shared>>) target(%arg15 : memref<128x64xf32, #tpu.memory_space<vmem>>) offsets(%dma_start3A_1010 : memref<128xi32, #tpu.memory_space<vmem>>) semaphore(%arg27 : memref<!tpu.dma_semaphore, #tpu.memory_space<semaphore_mem>>)
        %dma_wait3A_1014 = arith.constant 12 : i32
        %dma_wait3A_1015 = arith.constant 0 : i32
        %dma_wait3A_1016 = tpu.memref_slice %arg13[%dma_wait3A_1014, %dma_wait3A_1015] : memref<16x128xi32, #tpu.memory_space<vmem>> -> memref<1x128xi32, #tpu.memory_space<vmem>>
        %dma_wait3A_1017 = tpu.memref_squeeze %dma_wait3A_1016 : memref<1x128xi32, #tpu.memory_space<vmem>> -> memref<128xi32, #tpu.memory_space<vmem>>
        %dma_wait3A_1018 = arith.constant 0 : i32
        %dma_wait3A_1019 = arith.constant 0 : i32
        %dma_wait3A_1020 = tpu.memref_slice %arg8[%dma_wait3A_1018, %dma_wait3A_1019] : memref<10080x64xf32, #tpu.memory_space<vmem_shared>> -> memref<10080x64xf32, #tpu.memory_space<vmem_shared>>
        tpu.wait_indirect_dma semaphore(%arg27 : memref<!tpu.dma_semaphore, #tpu.memory_space<semaphore_mem>>) src(%dma_wait3A_1020 : memref<10080x64xf32, #tpu.memory_space<vmem_shared>>) dst(%arg15 : memref<128x64xf32, #tpu.memory_space<vmem>>)
        %dma_start3A_1021 = arith.constant 12 : i32
        %dma_start3A_1022 = arith.constant 0 : i32
        %dma_start3A_1023 = tpu.memref_slice %arg14[%dma_start3A_1021, %dma_start3A_1022] : memref<16x128xi32, #tpu.memory_space<vmem>> -> memref<1x128xi32, #tpu.memory_space<vmem>>
        %dma_start3A_1024 = tpu.memref_squeeze %dma_start3A_1023 : memref<1x128xi32, #tpu.memory_space<vmem>> -> memref<128xi32, #tpu.memory_space<vmem>>
        %dma_start3A_1025 = arith.constant 0 : i32
        %dma_start3A_1026 = arith.constant 0 : i32
        %dma_start3A_1027 = tpu.memref_slice %arg9[%dma_start3A_1025, %dma_start3A_1026] : memref<10080x64xf32, #tpu.memory_space<vmem_shared>> -> memref<10080x64xf32, #tpu.memory_space<vmem_shared>>
        tpu.enqueue_indirect_dma source(%arg15 : memref<128x64xf32, #tpu.memory_space<vmem>>) target(%dma_start3A_1027 : memref<10080x64xf32, #tpu.memory_space<vmem_shared>>) offsets(%dma_start3A_1024 : memref<128xi32, #tpu.memory_space<vmem>>) semaphore(%arg29 : memref<!tpu.dma_semaphore, #tpu.memory_space<semaphore_mem>>) {add = true}
        %dma_wait3A_1028 = arith.constant 11 : i32
        %dma_wait3A_1029 = arith.constant 0 : i32
        %dma_wait3A_1030 = tpu.memref_slice %arg14[%dma_wait3A_1028, %dma_wait3A_1029] : memref<16x128xi32, #tpu.memory_space<vmem>> -> memref<1x128xi32, #tpu.memory_space<vmem>>
        %dma_wait3A_1031 = tpu.memref_squeeze %dma_wait3A_1030 : memref<1x128xi32, #tpu.memory_space<vmem>> -> memref<128xi32, #tpu.memory_space<vmem>>
        %dma_wait3A_1032 = arith.constant 0 : i32
        %dma_wait3A_1033 = arith.constant 0 : i32
        %dma_wait3A_1034 = tpu.memref_slice %arg9[%dma_wait3A_1032, %dma_wait3A_1033] : memref<10080x64xf32, #tpu.memory_space<vmem_shared>> -> memref<10080x64xf32, #tpu.memory_space<vmem_shared>>
        tpu.wait_indirect_dma semaphore(%arg30 : memref<!tpu.dma_semaphore, #tpu.memory_space<semaphore_mem>>) src(%arg16 : memref<128x64xf32, #tpu.memory_space<vmem>>) dst(%dma_wait3A_1034 : memref<10080x64xf32, #tpu.memory_space<vmem_shared>>)
        %dma_start3A_1035 = arith.constant 13 : i32
        %dma_start3A_1036 = arith.constant 0 : i32
        %dma_start3A_1037 = tpu.memref_slice %arg13[%dma_start3A_1035, %dma_start3A_1036] : memref<16x128xi32, #tpu.memory_space<vmem>> -> memref<1x128xi32, #tpu.memory_space<vmem>>
        %dma_start3A_1038 = tpu.memref_squeeze %dma_start3A_1037 : memref<1x128xi32, #tpu.memory_space<vmem>> -> memref<128xi32, #tpu.memory_space<vmem>>
        %dma_start3A_1039 = arith.constant 0 : i32
        %dma_start3A_1040 = arith.constant 0 : i32
        %dma_start3A_1041 = tpu.memref_slice %arg8[%dma_start3A_1039, %dma_start3A_1040] : memref<10080x64xf32, #tpu.memory_space<vmem_shared>> -> memref<10080x64xf32, #tpu.memory_space<vmem_shared>>
        tpu.enqueue_indirect_dma source(%dma_start3A_1041 : memref<10080x64xf32, #tpu.memory_space<vmem_shared>>) target(%arg16 : memref<128x64xf32, #tpu.memory_space<vmem>>) offsets(%dma_start3A_1038 : memref<128xi32, #tpu.memory_space<vmem>>) semaphore(%arg28 : memref<!tpu.dma_semaphore, #tpu.memory_space<semaphore_mem>>)
        %dma_wait3A_1042 = arith.constant 13 : i32
        %dma_wait3A_1043 = arith.constant 0 : i32
        %dma_wait3A_1044 = tpu.memref_slice %arg13[%dma_wait3A_1042, %dma_wait3A_1043] : memref<16x128xi32, #tpu.memory_space<vmem>> -> memref<1x128xi32, #tpu.memory_space<vmem>>
        %dma_wait3A_1045 = tpu.memref_squeeze %dma_wait3A_1044 : memref<1x128xi32, #tpu.memory_space<vmem>> -> memref<128xi32, #tpu.memory_space<vmem>>
        %dma_wait3A_1046 = arith.constant 0 : i32
        %dma_wait3A_1047 = arith.constant 0 : i32
        %dma_wait3A_1048 = tpu.memref_slice %arg8[%dma_wait3A_1046, %dma_wait3A_1047] : memref<10080x64xf32, #tpu.memory_space<vmem_shared>> -> memref<10080x64xf32, #tpu.memory_space<vmem_shared>>
        tpu.wait_indirect_dma semaphore(%arg28 : memref<!tpu.dma_semaphore, #tpu.memory_space<semaphore_mem>>) src(%dma_wait3A_1048 : memref<10080x64xf32, #tpu.memory_space<vmem_shared>>) dst(%arg16 : memref<128x64xf32, #tpu.memory_space<vmem>>)
        %dma_start3A_1049 = arith.constant 13 : i32
        %dma_start3A_1050 = arith.constant 0 : i32
        %dma_start3A_1051 = tpu.memref_slice %arg14[%dma_start3A_1049, %dma_start3A_1050] : memref<16x128xi32, #tpu.memory_space<vmem>> -> memref<1x128xi32, #tpu.memory_space<vmem>>
        %dma_start3A_1052 = tpu.memref_squeeze %dma_start3A_1051 : memref<1x128xi32, #tpu.memory_space<vmem>> -> memref<128xi32, #tpu.memory_space<vmem>>
        %dma_start3A_1053 = arith.constant 0 : i32
        %dma_start3A_1054 = arith.constant 0 : i32
        %dma_start3A_1055 = tpu.memref_slice %arg9[%dma_start3A_1053, %dma_start3A_1054] : memref<10080x64xf32, #tpu.memory_space<vmem_shared>> -> memref<10080x64xf32, #tpu.memory_space<vmem_shared>>
        tpu.enqueue_indirect_dma source(%arg16 : memref<128x64xf32, #tpu.memory_space<vmem>>) target(%dma_start3A_1055 : memref<10080x64xf32, #tpu.memory_space<vmem_shared>>) offsets(%dma_start3A_1052 : memref<128xi32, #tpu.memory_space<vmem>>) semaphore(%arg30 : memref<!tpu.dma_semaphore, #tpu.memory_space<semaphore_mem>>) {add = true}
        %dma_wait3A_1056 = arith.constant 12 : i32
        %dma_wait3A_1057 = arith.constant 0 : i32
        %dma_wait3A_1058 = tpu.memref_slice %arg14[%dma_wait3A_1056, %dma_wait3A_1057] : memref<16x128xi32, #tpu.memory_space<vmem>> -> memref<1x128xi32, #tpu.memory_space<vmem>>
        %dma_wait3A_1059 = tpu.memref_squeeze %dma_wait3A_1058 : memref<1x128xi32, #tpu.memory_space<vmem>> -> memref<128xi32, #tpu.memory_space<vmem>>
        %dma_wait3A_1060 = arith.constant 0 : i32
        %dma_wait3A_1061 = arith.constant 0 : i32
        %dma_wait3A_1062 = tpu.memref_slice %arg9[%dma_wait3A_1060, %dma_wait3A_1061] : memref<10080x64xf32, #tpu.memory_space<vmem_shared>> -> memref<10080x64xf32, #tpu.memory_space<vmem_shared>>
        tpu.wait_indirect_dma semaphore(%arg29 : memref<!tpu.dma_semaphore, #tpu.memory_space<semaphore_mem>>) src(%arg15 : memref<128x64xf32, #tpu.memory_space<vmem>>) dst(%dma_wait3A_1062 : memref<10080x64xf32, #tpu.memory_space<vmem_shared>>)
        %dma_start3A_1063 = arith.constant 14 : i32
        %dma_start3A_1064 = arith.constant 0 : i32
        %dma_start3A_1065 = tpu.memref_slice %arg13[%dma_start3A_1063, %dma_start3A_1064] : memref<16x128xi32, #tpu.memory_space<vmem>> -> memref<1x128xi32, #tpu.memory_space<vmem>>
        %dma_start3A_1066 = tpu.memref_squeeze %dma_start3A_1065 : memref<1x128xi32, #tpu.memory_space<vmem>> -> memref<128xi32, #tpu.memory_space<vmem>>
        %dma_start3A_1067 = arith.constant 0 : i32
        %dma_start3A_1068 = arith.constant 0 : i32
        %dma_start3A_1069 = tpu.memref_slice %arg8[%dma_start3A_1067, %dma_start3A_1068] : memref<10080x64xf32, #tpu.memory_space<vmem_shared>> -> memref<10080x64xf32, #tpu.memory_space<vmem_shared>>
        tpu.enqueue_indirect_dma source(%dma_start3A_1069 : memref<10080x64xf32, #tpu.memory_space<vmem_shared>>) target(%arg15 : memref<128x64xf32, #tpu.memory_space<vmem>>) offsets(%dma_start3A_1066 : memref<128xi32, #tpu.memory_space<vmem>>) semaphore(%arg27 : memref<!tpu.dma_semaphore, #tpu.memory_space<semaphore_mem>>)
        %dma_wait3A_1070 = arith.constant 14 : i32
        %dma_wait3A_1071 = arith.constant 0 : i32
        %dma_wait3A_1072 = tpu.memref_slice %arg13[%dma_wait3A_1070, %dma_wait3A_1071] : memref<16x128xi32, #tpu.memory_space<vmem>> -> memref<1x128xi32, #tpu.memory_space<vmem>>
        %dma_wait3A_1073 = tpu.memref_squeeze %dma_wait3A_1072 : memref<1x128xi32, #tpu.memory_space<vmem>> -> memref<128xi32, #tpu.memory_space<vmem>>
        %dma_wait3A_1074 = arith.constant 0 : i32
        %dma_wait3A_1075 = arith.constant 0 : i32
        %dma_wait3A_1076 = tpu.memref_slice %arg8[%dma_wait3A_1074, %dma_wait3A_1075] : memref<10080x64xf32, #tpu.memory_space<vmem_shared>> -> memref<10080x64xf32, #tpu.memory_space<vmem_shared>>
        tpu.wait_indirect_dma semaphore(%arg27 : memref<!tpu.dma_semaphore, #tpu.memory_space<semaphore_mem>>) src(%dma_wait3A_1076 : memref<10080x64xf32, #tpu.memory_space<vmem_shared>>) dst(%arg15 : memref<128x64xf32, #tpu.memory_space<vmem>>)
        %dma_start3A_1077 = arith.constant 14 : i32
        %dma_start3A_1078 = arith.constant 0 : i32
        %dma_start3A_1079 = tpu.memref_slice %arg14[%dma_start3A_1077, %dma_start3A_1078] : memref<16x128xi32, #tpu.memory_space<vmem>> -> memref<1x128xi32, #tpu.memory_space<vmem>>
        %dma_start3A_1080 = tpu.memref_squeeze %dma_start3A_1079 : memref<1x128xi32, #tpu.memory_space<vmem>> -> memref<128xi32, #tpu.memory_space<vmem>>
        %dma_start3A_1081 = arith.constant 0 : i32
        %dma_start3A_1082 = arith.constant 0 : i32
        %dma_start3A_1083 = tpu.memref_slice %arg9[%dma_start3A_1081, %dma_start3A_1082] : memref<10080x64xf32, #tpu.memory_space<vmem_shared>> -> memref<10080x64xf32, #tpu.memory_space<vmem_shared>>
        tpu.enqueue_indirect_dma source(%arg15 : memref<128x64xf32, #tpu.memory_space<vmem>>) target(%dma_start3A_1083 : memref<10080x64xf32, #tpu.memory_space<vmem_shared>>) offsets(%dma_start3A_1080 : memref<128xi32, #tpu.memory_space<vmem>>) semaphore(%arg29 : memref<!tpu.dma_semaphore, #tpu.memory_space<semaphore_mem>>) {add = true}
        %dma_wait3A_1084 = arith.constant 13 : i32
        %dma_wait3A_1085 = arith.constant 0 : i32
        %dma_wait3A_1086 = tpu.memref_slice %arg14[%dma_wait3A_1084, %dma_wait3A_1085] : memref<16x128xi32, #tpu.memory_space<vmem>> -> memref<1x128xi32, #tpu.memory_space<vmem>>
        %dma_wait3A_1087 = tpu.memref_squeeze %dma_wait3A_1086 : memref<1x128xi32, #tpu.memory_space<vmem>> -> memref<128xi32, #tpu.memory_space<vmem>>
        %dma_wait3A_1088 = arith.constant 0 : i32
        %dma_wait3A_1089 = arith.constant 0 : i32
        %dma_wait3A_1090 = tpu.memref_slice %arg9[%dma_wait3A_1088, %dma_wait3A_1089] : memref<10080x64xf32, #tpu.memory_space<vmem_shared>> -> memref<10080x64xf32, #tpu.memory_space<vmem_shared>>
        tpu.wait_indirect_dma semaphore(%arg30 : memref<!tpu.dma_semaphore, #tpu.memory_space<semaphore_mem>>) src(%arg16 : memref<128x64xf32, #tpu.memory_space<vmem>>) dst(%dma_wait3A_1090 : memref<10080x64xf32, #tpu.memory_space<vmem_shared>>)
        %dma_start3A_1091 = arith.constant 15 : i32
        %dma_start3A_1092 = arith.constant 0 : i32
        %dma_start3A_1093 = tpu.memref_slice %arg13[%dma_start3A_1091, %dma_start3A_1092] : memref<16x128xi32, #tpu.memory_space<vmem>> -> memref<1x128xi32, #tpu.memory_space<vmem>>
        %dma_start3A_1094 = tpu.memref_squeeze %dma_start3A_1093 : memref<1x128xi32, #tpu.memory_space<vmem>> -> memref<128xi32, #tpu.memory_space<vmem>>
        %dma_start3A_1095 = arith.constant 0 : i32
        %dma_start3A_1096 = arith.constant 0 : i32
        %dma_start3A_1097 = tpu.memref_slice %arg8[%dma_start3A_1095, %dma_start3A_1096] : memref<10080x64xf32, #tpu.memory_space<vmem_shared>> -> memref<10080x64xf32, #tpu.memory_space<vmem_shared>>
        tpu.enqueue_indirect_dma source(%dma_start3A_1097 : memref<10080x64xf32, #tpu.memory_space<vmem_shared>>) target(%arg16 : memref<128x64xf32, #tpu.memory_space<vmem>>) offsets(%dma_start3A_1094 : memref<128xi32, #tpu.memory_space<vmem>>) semaphore(%arg28 : memref<!tpu.dma_semaphore, #tpu.memory_space<semaphore_mem>>)
        %dma_wait3A_1098 = arith.constant 15 : i32
        %dma_wait3A_1099 = arith.constant 0 : i32
        %dma_wait3A_1100 = tpu.memref_slice %arg13[%dma_wait3A_1098, %dma_wait3A_1099] : memref<16x128xi32, #tpu.memory_space<vmem>> -> memref<1x128xi32, #tpu.memory_space<vmem>>
        %dma_wait3A_1101 = tpu.memref_squeeze %dma_wait3A_1100 : memref<1x128xi32, #tpu.memory_space<vmem>> -> memref<128xi32, #tpu.memory_space<vmem>>
        %dma_wait3A_1102 = arith.constant 0 : i32
        %dma_wait3A_1103 = arith.constant 0 : i32
        %dma_wait3A_1104 = tpu.memref_slice %arg8[%dma_wait3A_1102, %dma_wait3A_1103] : memref<10080x64xf32, #tpu.memory_space<vmem_shared>> -> memref<10080x64xf32, #tpu.memory_space<vmem_shared>>
        tpu.wait_indirect_dma semaphore(%arg28 : memref<!tpu.dma_semaphore, #tpu.memory_space<semaphore_mem>>) src(%dma_wait3A_1104 : memref<10080x64xf32, #tpu.memory_space<vmem_shared>>) dst(%arg16 : memref<128x64xf32, #tpu.memory_space<vmem>>)
        %dma_start3A_1105 = arith.constant 15 : i32
        %dma_start3A_1106 = arith.constant 0 : i32
        %dma_start3A_1107 = tpu.memref_slice %arg14[%dma_start3A_1105, %dma_start3A_1106] : memref<16x128xi32, #tpu.memory_space<vmem>> -> memref<1x128xi32, #tpu.memory_space<vmem>>
        %dma_start3A_1108 = tpu.memref_squeeze %dma_start3A_1107 : memref<1x128xi32, #tpu.memory_space<vmem>> -> memref<128xi32, #tpu.memory_space<vmem>>
        %dma_start3A_1109 = arith.constant 0 : i32
        %dma_start3A_1110 = arith.constant 0 : i32
        %dma_start3A_1111 = tpu.memref_slice %arg9[%dma_start3A_1109, %dma_start3A_1110] : memref<10080x64xf32, #tpu.memory_space<vmem_shared>> -> memref<10080x64xf32, #tpu.memory_space<vmem_shared>>
        tpu.enqueue_indirect_dma source(%arg16 : memref<128x64xf32, #tpu.memory_space<vmem>>) target(%dma_start3A_1111 : memref<10080x64xf32, #tpu.memory_space<vmem_shared>>) offsets(%dma_start3A_1108 : memref<128xi32, #tpu.memory_space<vmem>>) semaphore(%arg30 : memref<!tpu.dma_semaphore, #tpu.memory_space<semaphore_mem>>) {add = true}
        %lt3A_1112 = arith.constant 4 : i32
        %lt3A_1113 = arith.cmpi slt, %scan3A_184, %lt3A_1112 : i32
        %convert_element_type3A_1114 = arith.extui %lt3A_1113 : i1 to i32
        %cond3A_1115 = arith.constant 0 : i32
        %cond3A_1116 = arith.cmpi ne, %convert_element_type3A_1114, %cond3A_1115 : i32
        scf.if %cond3A_1116 {
          %mul3A_1117 = arith.constant 2 : i32
          %mul3A_1118 = arith.muli %mul3A_1117, %scan3A_184 : i32
          %add3A_1119 = arith.constant 3 : i32
          %add3A_1120 = arith.addi %mul3A_1118, %add3A_1119 : i32
          %mul3A_1121 = arith.constant 16 : i32
          %mul3A_1122 = arith.muli %add3A_1120, %mul3A_1121 : i32
          %add3A_1123 = arith.addi %mul3A_2, %mul3A_1122 : i32
          %dma_start3A_1124 = arith.constant 0 : i32
          %dma_start3A_1125 = tpu.memref_slice %arg4[%add3A_1123, %dma_start3A_1124] : memref<2560x128xi32, #tpu.memory_space<hbm>> -> memref<16x128xi32, #tpu.memory_space<hbm>>
          %dma_start3A_1126 = arith.constant 0 : i32
          %dma_start3A_1127 = tpu.memref_slice %arg4[%add3A_1123, %dma_start3A_1126] : memref<2560x128xi32, #tpu.memory_space<hbm>> -> memref<16x128xi32, #tpu.memory_space<hbm>>
          tpu.enqueue_dma source(%dma_start3A_1127 : memref<16x128xi32, #tpu.memory_space<hbm>>) target(%arg13 : memref<16x128xi32, #tpu.memory_space<vmem>>) target_semaphore(%arg33 : memref<!tpu.dma_semaphore, #tpu.memory_space<semaphore_mem>>)
          %mul3A_1128 = arith.constant 16 : i32
          %mul3A_1129 = arith.muli %add3A_1120, %mul3A_1128 : i32
          %add3A_1130 = arith.addi %mul3A_2, %mul3A_1129 : i32
          %dma_start3A_1131 = arith.constant 0 : i32
          %dma_start3A_1132 = tpu.memref_slice %arg5[%add3A_1130, %dma_start3A_1131] : memref<2560x128xi32, #tpu.memory_space<hbm>> -> memref<16x128xi32, #tpu.memory_space<hbm>>
          %dma_start3A_1133 = arith.constant 0 : i32
          %dma_start3A_1134 = tpu.memref_slice %arg5[%add3A_1130, %dma_start3A_1133] : memref<2560x128xi32, #tpu.memory_space<hbm>> -> memref<16x128xi32, #tpu.memory_space<hbm>>
          tpu.enqueue_dma source(%dma_start3A_1134 : memref<16x128xi32, #tpu.memory_space<hbm>>) target(%arg14 : memref<16x128xi32, #tpu.memory_space<vmem>>) target_semaphore(%arg34 : memref<!tpu.dma_semaphore, #tpu.memory_space<semaphore_mem>>)
        } else {
        }
      }
      %scan3A_133 = arith.constant 5 : i32
      %dma_wait3A_134 = arith.constant 14 : i32
      %dma_wait3A_135 = arith.constant 0 : i32
      %dma_wait3A_136 = tpu.memref_slice %arg14[%dma_wait3A_134, %dma_wait3A_135] : memref<16x128xi32, #tpu.memory_space<vmem>> -> memref<1x128xi32, #tpu.memory_space<vmem>>
      %dma_wait3A_137 = tpu.memref_squeeze %dma_wait3A_136 : memref<1x128xi32, #tpu.memory_space<vmem>> -> memref<128xi32, #tpu.memory_space<vmem>>
      %dma_wait3A_138 = arith.constant 0 : i32
      %dma_wait3A_139 = arith.constant 0 : i32
      %dma_wait3A_140 = tpu.memref_slice %arg9[%dma_wait3A_138, %dma_wait3A_139] : memref<10080x64xf32, #tpu.memory_space<vmem_shared>> -> memref<10080x64xf32, #tpu.memory_space<vmem_shared>>
      tpu.wait_indirect_dma semaphore(%arg29 : memref<!tpu.dma_semaphore, #tpu.memory_space<semaphore_mem>>) src(%arg15 : memref<128x64xf32, #tpu.memory_space<vmem>>) dst(%dma_wait3A_140 : memref<10080x64xf32, #tpu.memory_space<vmem_shared>>)
      %dma_wait3A_141 = arith.constant 15 : i32
      %dma_wait3A_142 = arith.constant 0 : i32
      %dma_wait3A_143 = tpu.memref_slice %arg14[%dma_wait3A_141, %dma_wait3A_142] : memref<16x128xi32, #tpu.memory_space<vmem>> -> memref<1x128xi32, #tpu.memory_space<vmem>>
      %dma_wait3A_144 = tpu.memref_squeeze %dma_wait3A_143 : memref<1x128xi32, #tpu.memory_space<vmem>> -> memref<128xi32, #tpu.memory_space<vmem>>
      %dma_wait3A_145 = arith.constant 0 : i32
      %dma_wait3A_146 = arith.constant 0 : i32
      %dma_wait3A_147 = tpu.memref_slice %arg9[%dma_wait3A_145, %dma_wait3A_146] : memref<10080x64xf32, #tpu.memory_space<vmem_shared>> -> memref<10080x64xf32, #tpu.memory_space<vmem_shared>>
      tpu.wait_indirect_dma semaphore(%arg30 : memref<!tpu.dma_semaphore, #tpu.memory_space<semaphore_mem>>) src(%arg16 : memref<128x64xf32, #tpu.memory_space<vmem>>) dst(%dma_wait3A_147 : memref<10080x64xf32, #tpu.memory_space<vmem_shared>>)
      %add3A_148 = arith.constant 0 : i32
      %add3A_149 = arith.addi %mul3A_2, %add3A_148 : i32
      %dma_start3A_150 = arith.constant 0 : i32
      %dma_start3A_151 = tpu.memref_slice %arg4[%add3A_149, %dma_start3A_150] : memref<2560x128xi32, #tpu.memory_space<hbm>> -> memref<16x128xi32, #tpu.memory_space<hbm>>
      %dma_start3A_152 = arith.constant 0 : i32
      %dma_start3A_153 = tpu.memref_slice %arg4[%add3A_149, %dma_start3A_152] : memref<2560x128xi32, #tpu.memory_space<hbm>> -> memref<16x128xi32, #tpu.memory_space<hbm>>
      tpu.enqueue_dma source(%dma_start3A_153 : memref<16x128xi32, #tpu.memory_space<hbm>>) target(%arg11 : memref<16x128xi32, #tpu.memory_space<vmem>>) target_semaphore(%arg31 : memref<!tpu.dma_semaphore, #tpu.memory_space<semaphore_mem>>)
      %add3A_154 = arith.constant 0 : i32
      %add3A_155 = arith.addi %mul3A_2, %add3A_154 : i32
      %dma_start3A_156 = arith.constant 0 : i32
      %dma_start3A_157 = tpu.memref_slice %arg5[%add3A_155, %dma_start3A_156] : memref<2560x128xi32, #tpu.memory_space<hbm>> -> memref<16x128xi32, #tpu.memory_space<hbm>>
      %dma_start3A_158 = arith.constant 0 : i32
      %dma_start3A_159 = tpu.memref_slice %arg5[%add3A_155, %dma_start3A_158] : memref<2560x128xi32, #tpu.memory_space<hbm>> -> memref<16x128xi32, #tpu.memory_space<hbm>>
      tpu.enqueue_dma source(%dma_start3A_159 : memref<16x128xi32, #tpu.memory_space<hbm>>) target(%arg12 : memref<16x128xi32, #tpu.memory_space<vmem>>) target_semaphore(%arg32 : memref<!tpu.dma_semaphore, #tpu.memory_space<semaphore_mem>>)
      %add3A_160 = arith.constant 16 : i32
      %add3A_161 = arith.addi %mul3A_2, %add3A_160 : i32
      %dma_start3A_162 = arith.constant 0 : i32
      %dma_start3A_163 = tpu.memref_slice %arg4[%add3A_161, %dma_start3A_162] : memref<2560x128xi32, #tpu.memory_space<hbm>> -> memref<16x128xi32, #tpu.memory_space<hbm>>
      %dma_start3A_164 = arith.constant 0 : i32
      %dma_start3A_165 = tpu.memref_slice %arg4[%add3A_161, %dma_start3A_164] : memref<2560x128xi32, #tpu.memory_space<hbm>> -> memref<16x128xi32, #tpu.memory_space<hbm>>
      tpu.enqueue_dma source(%dma_start3A_165 : memref<16x128xi32, #tpu.memory_space<hbm>>) target(%arg13 : memref<16x128xi32, #tpu.memory_space<vmem>>) target_semaphore(%arg33 : memref<!tpu.dma_semaphore, #tpu.memory_space<semaphore_mem>>)
      %add3A_166 = arith.constant 16 : i32
      %add3A_167 = arith.addi %mul3A_2, %add3A_166 : i32
      %dma_start3A_168 = arith.constant 0 : i32
      %dma_start3A_169 = tpu.memref_slice %arg5[%add3A_167, %dma_start3A_168] : memref<2560x128xi32, #tpu.memory_space<hbm>> -> memref<16x128xi32, #tpu.memory_space<hbm>>
      %dma_start3A_170 = arith.constant 0 : i32
      %dma_start3A_171 = tpu.memref_slice %arg5[%add3A_167, %dma_start3A_170] : memref<2560x128xi32, #tpu.memory_space<hbm>> -> memref<16x128xi32, #tpu.memory_space<hbm>>
      tpu.enqueue_dma source(%dma_start3A_171 : memref<16x128xi32, #tpu.memory_space<hbm>>) target(%arg14 : memref<16x128xi32, #tpu.memory_space<vmem>>) target_semaphore(%arg34 : memref<!tpu.dma_semaphore, #tpu.memory_space<semaphore_mem>>)
      %barrier3A_172 = arith.constant 0 : index
      tpu.barrier barrier_id(%barrier3A_172)
      %while3A_173 = arith.constant 0 : i32
      %while3A_174 = arith.constant 0 : i32
      %while3A_175 = arith.subi %min3A_7, %while3A_174 : i32
      %while3A_176 = arith.addi %while3A_174, %while3A_175 : i32
      %while3A_177 = arith.constant 1 : i32
      %while3A_178 = arith.divsi %while3A_175, %while3A_177 : i32
      %while3A_179 = arith.muli %while3A_178, %while3A_177 : i32
      %while3A_180 = arith.addi %while3A_174, %while3A_179 : i32
      %while3A_181 = arith.constant 1 : i32
      scf.for %while3A_184 = %while3A_174 to %while3A_180 step %while3A_181  : i32 {
        %mul3A_185 = arith.constant 80 : i32
        %mul3A_186 = arith.muli %while3A_184, %mul3A_185 : i32
        %add3A_187 = arith.addi %mul3A_0, %mul3A_186 : i32
        %dma_start3A_188 = arith.constant 0 : i32
        %dma_start3A_189 = tpu.memref_slice %arg9[%add3A_187, %dma_start3A_188] : memref<10080x64xf32, #tpu.memory_space<vmem_shared>> -> memref<80x64xf32, #tpu.memory_space<vmem_shared>>
        %dma_start3A_190 = arith.constant 0 : i32
        %dma_start3A_191 = tpu.memref_slice %arg9[%add3A_187, %dma_start3A_190] : memref<10080x64xf32, #tpu.memory_space<vmem_shared>> -> memref<80x64xf32, #tpu.memory_space<vmem_shared>>
        tpu.enqueue_dma source(%dma_start3A_191 : memref<80x64xf32, #tpu.memory_space<vmem_shared>>) target(%arg17 : memref<80x64xf32, #tpu.memory_space<vmem>>) target_semaphore(%arg35 : memref<!tpu.dma_semaphore, #tpu.memory_space<semaphore_mem>>)
        %dma_start3A_192 = arith.constant 0 : i32
        %dma_start3A_193 = tpu.memref_slice %arg8[%add3A_187, %dma_start3A_192] : memref<10080x64xf32, #tpu.memory_space<vmem_shared>> -> memref<80x64xf32, #tpu.memory_space<vmem_shared>>
        %dma_start3A_194 = arith.constant 0 : i32
        %dma_start3A_195 = tpu.memref_slice %arg8[%add3A_187, %dma_start3A_194] : memref<10080x64xf32, #tpu.memory_space<vmem_shared>> -> memref<80x64xf32, #tpu.memory_space<vmem_shared>>
        tpu.enqueue_dma source(%dma_start3A_195 : memref<80x64xf32, #tpu.memory_space<vmem_shared>>) target(%arg18 : memref<80x64xf32, #tpu.memory_space<vmem>>) target_semaphore(%arg36 : memref<!tpu.dma_semaphore, #tpu.memory_space<semaphore_mem>>)
        %eq3A = arith.constant 0 : i32
        %eq3A_196 = arith.cmpi eq, %arg0, %eq3A : i32
        %convert_element_type3A = arith.extui %eq3A_196 : i1 to i32
        %cond3A = arith.constant 0 : i32
        %cond3A_197 = arith.cmpi ne, %convert_element_type3A, %cond3A : i32
        scf.if %cond3A_197 {
          %dma_start3A_251 = arith.constant 0 : i32
          %dma_start3A_252 = tpu.memref_slice %arg6[%add3A_187, %dma_start3A_251] : memref<10000x64xf32, #tpu.memory_space<hbm>> -> memref<80x64xf32, #tpu.memory_space<hbm>>
          %dma_start3A_253 = arith.constant 0 : i32
          %dma_start3A_254 = tpu.memref_slice %arg6[%add3A_187, %dma_start3A_253] : memref<10000x64xf32, #tpu.memory_space<hbm>> -> memref<80x64xf32, #tpu.memory_space<hbm>>
          tpu.enqueue_dma source(%dma_start3A_254 : memref<80x64xf32, #tpu.memory_space<hbm>>) target(%arg19 : memref<80x64xf32, #tpu.memory_space<vmem>>) target_semaphore(%arg37 : memref<!tpu.dma_semaphore, #tpu.memory_space<semaphore_mem>>)
        } else {
        }
        %eq3A_198 = arith.constant 1 : i32
        %eq3A_199 = arith.cmpi eq, %arg0, %eq3A_198 : i32
        %convert_element_type3A_200 = arith.extui %eq3A_199 : i1 to i32
        %cond3A_201 = arith.constant 0 : i32
        %cond3A_202 = arith.cmpi ne, %convert_element_type3A_200, %cond3A_201 : i32
        scf.if %cond3A_202 {
          %dma_start3A_251 = arith.constant 0 : i32
          %dma_start3A_252 = tpu.memref_slice %arg7[%add3A_187, %dma_start3A_251] : memref<10000x64xf32, #tpu.memory_space<hbm>> -> memref<80x64xf32, #tpu.memory_space<hbm>>
          %dma_start3A_253 = arith.constant 0 : i32
          %dma_start3A_254 = tpu.memref_slice %arg7[%add3A_187, %dma_start3A_253] : memref<10000x64xf32, #tpu.memory_space<hbm>> -> memref<80x64xf32, #tpu.memory_space<hbm>>
          tpu.enqueue_dma source(%dma_start3A_254 : memref<80x64xf32, #tpu.memory_space<hbm>>) target(%arg19 : memref<80x64xf32, #tpu.memory_space<vmem>>) target_semaphore(%arg37 : memref<!tpu.dma_semaphore, #tpu.memory_space<semaphore_mem>>)
        } else {
        }
        %dma_wait3A_203 = arith.constant 0 : i32
        %dma_wait3A_204 = tpu.memref_slice %arg9[%add3A_187, %dma_wait3A_203] : memref<10080x64xf32, #tpu.memory_space<vmem_shared>> -> memref<80x64xf32, #tpu.memory_space<vmem_shared>>
        %dma_wait3A_205 = arith.constant 0 : i32
        %dma_wait3A_206 = tpu.memref_slice %arg9[%add3A_187, %dma_wait3A_205] : memref<10080x64xf32, #tpu.memory_space<vmem_shared>> -> memref<80x64xf32, #tpu.memory_space<vmem_shared>>
        tpu.wait_dma2 semaphore(%arg35 : memref<!tpu.dma_semaphore, #tpu.memory_space<semaphore_mem>>) src(%dma_wait3A_206 : memref<80x64xf32, #tpu.memory_space<vmem_shared>>) dst(%arg17 : memref<80x64xf32, #tpu.memory_space<vmem>>)
        %dma_wait3A_207 = arith.constant 0 : i32
        %dma_wait3A_208 = tpu.memref_slice %arg8[%add3A_187, %dma_wait3A_207] : memref<10080x64xf32, #tpu.memory_space<vmem_shared>> -> memref<80x64xf32, #tpu.memory_space<vmem_shared>>
        %dma_wait3A_209 = arith.constant 0 : i32
        %dma_wait3A_210 = tpu.memref_slice %arg8[%add3A_187, %dma_wait3A_209] : memref<10080x64xf32, #tpu.memory_space<vmem_shared>> -> memref<80x64xf32, #tpu.memory_space<vmem_shared>>
        tpu.wait_dma2 semaphore(%arg36 : memref<!tpu.dma_semaphore, #tpu.memory_space<semaphore_mem>>) src(%dma_wait3A_210 : memref<80x64xf32, #tpu.memory_space<vmem_shared>>) dst(%arg18 : memref<80x64xf32, #tpu.memory_space<vmem>>)
        %dma_wait3A_211 = arith.constant 0 : i32
        %dma_wait3A_212 = tpu.memref_slice %arg6[%add3A_187, %dma_wait3A_211] : memref<10000x64xf32, #tpu.memory_space<hbm>> -> memref<80x64xf32, #tpu.memory_space<hbm>>
        %dma_wait3A_213 = arith.constant 0 : i32
        %dma_wait3A_214 = tpu.memref_slice %arg6[%add3A_187, %dma_wait3A_213] : memref<10000x64xf32, #tpu.memory_space<hbm>> -> memref<80x64xf32, #tpu.memory_space<hbm>>
        tpu.wait_dma2 semaphore(%arg37 : memref<!tpu.dma_semaphore, #tpu.memory_space<semaphore_mem>>) src(%dma_wait3A_214 : memref<80x64xf32, #tpu.memory_space<hbm>>) dst(%arg19 : memref<80x64xf32, #tpu.memory_space<vmem>>)
        %scan3A_215 = arith.constant 0 : i32
        %scan3A_216 = arith.constant 0 : i32
        %scan3A_217 = arith.constant 80 : i32
        %scan3A_218 = arith.addi %scan3A_216, %scan3A_217 : i32
        %scan3A_219 = arith.constant 1 : i32
        scf.for %scan3A_251 = %scan3A_216 to %scan3A_218 step %scan3A_219  : i32 {
          %mul3A_252 = arith.constant 80 : i32
          %mul3A_253 = arith.muli %while3A_184, %mul3A_252 : i32
          %add3A_254 = arith.addi %mul3A_253, %scan3A_251 : i32
          %get3A = arith.index_cast %add3A_254 : i32 to index
          %get3A_255 = tpu.vector_load %arg24[%get3A] {strides = array<i32>} : memref<656xf32, #tpu.memory_space<vmem>>, vector<16xf32>,
          %get3A_256 = vector.shape_cast %get3A_255 : vector<16xf32> to vector<16xf32>
          %slice3A = vector.extract_strided_slice %get3A_256 {offsets = [0], sizes = [1], strides = [1]} : vector<16xf32> to vector<1xf32>
          %squeeze3A = vector.extract %slice3A[0] : f32 from vector<1xf32>
          %scan3A_257 = arith.constant 0 : i32
          %scan3A_258 = arith.constant 4 : i32
          %scan3A_259 = arith.addi %scan3A_257, %scan3A_258 : i32
          %scan3A_260 = arith.constant 1 : i32
          scf.for %scan3A_262 = %scan3A_257 to %scan3A_259 step %scan3A_260  : i32 {
            %mul3A_263 = arith.constant 16 : i32
            %mul3A_264 = arith.muli %scan3A_262, %mul3A_263 : i32
            %get3A_265 = arith.index_cast %scan3A_251 : i32 to index
            %get3A_266 = arith.index_cast %mul3A_264 : i32 to index
            %get3A_267 = tpu.vector_load %arg17[%get3A_265, %get3A_266] {strides = array<i32>} : memref<80x64xf32, #tpu.memory_space<vmem>>, vector<1x16xf32>,
            %get3A_268 = vector.shape_cast %get3A_267 : vector<1x16xf32> to vector<16xf32>
            %get3A_269 = arith.index_cast %scan3A_251 : i32 to index
            %get3A_270 = arith.index_cast %mul3A_264 : i32 to index
            %get3A_271 = tpu.vector_load %arg18[%get3A_269, %get3A_270] {strides = array<i32>} : memref<80x64xf32, #tpu.memory_space<vmem>>, vector<1x16xf32>,
            %get3A_272 = vector.shape_cast %get3A_271 : vector<1x16xf32> to vector<16xf32>
            %add3A_273 = arith.addf %get3A_268, %get3A_272 : vector<16xf32>
            %mul3A_274 = vector.broadcast %squeeze3A : f32 to vector<16xf32>
            %mul3A_275 = arith.mulf %add3A_273, %mul3A_274 : vector<16xf32>
            %swap3A = arith.index_cast %scan3A_251 : i32 to index
            %swap3A_276 = arith.index_cast %mul3A_264 : i32 to index
            %swap3A_277 = tpu.vector_load %arg18[%swap3A, %swap3A_276] {strides = array<i32>} : memref<80x64xf32, #tpu.memory_space<vmem>>, vector<1x16xf32>,
            %swap3A_278 = vector.shape_cast %swap3A_277 : vector<1x16xf32> to vector<16xf32>
            %swap3A_279 = vector.shape_cast %mul3A_275 : vector<16xf32> to vector<1x16xf32>
            tpu.vector_store %arg18[%swap3A, %swap3A_276], %swap3A_279 {strides = array<i32>} : memref<80x64xf32, #tpu.memory_space<vmem>>, vector<1x16xf32>,
            %get3A_280 = arith.index_cast %scan3A_251 : i32 to index
            %get3A_281 = arith.index_cast %mul3A_264 : i32 to index
            %get3A_282 = tpu.vector_load %arg19[%get3A_280, %get3A_281] {strides = array<i32>} : memref<80x64xf32, #tpu.memory_space<vmem>>, vector<1x16xf32>,
            %get3A_283 = vector.shape_cast %get3A_282 : vector<1x16xf32> to vector<16xf32>
            %add3A_284 = arith.addf %get3A_283, %mul3A_275 : vector<16xf32>
            %swap3A_285 = arith.index_cast %scan3A_251 : i32 to index
            %swap3A_286 = arith.index_cast %mul3A_264 : i32 to index
            %swap3A_287 = tpu.vector_load %arg19[%swap3A_285, %swap3A_286] {strides = array<i32>} : memref<80x64xf32, #tpu.memory_space<vmem>>, vector<1x16xf32>,
            %swap3A_288 = vector.shape_cast %swap3A_287 : vector<1x16xf32> to vector<16xf32>
            %swap3A_289 = vector.shape_cast %add3A_284 : vector<16xf32> to vector<1x16xf32>
            tpu.vector_store %arg19[%swap3A_285, %swap3A_286], %swap3A_289 {strides = array<i32>} : memref<80x64xf32, #tpu.memory_space<vmem>>, vector<1x16xf32>,
          }
          %scan3A_261 = arith.constant 4 : i32
        }
        %scan3A_220 = arith.constant 80 : i32
        %dma_start3A_221 = arith.constant 0 : i32
        %dma_start3A_222 = tpu.memref_slice %arg9[%add3A_187, %dma_start3A_221] : memref<10080x64xf32, #tpu.memory_space<vmem_shared>> -> memref<80x64xf32, #tpu.memory_space<vmem_shared>>
        %dma_start3A_223 = arith.constant 0 : i32
        %dma_start3A_224 = tpu.memref_slice %arg9[%add3A_187, %dma_start3A_223] : memref<10080x64xf32, #tpu.memory_space<vmem_shared>> -> memref<80x64xf32, #tpu.memory_space<vmem_shared>>
        tpu.enqueue_dma source(%arg20 : memref<80x64xf32, #tpu.memory_space<vmem>>) target(%dma_start3A_224 : memref<80x64xf32, #tpu.memory_space<vmem_shared>>) target_semaphore(%arg35 : memref<!tpu.dma_semaphore, #tpu.memory_space<semaphore_mem>>)
        %dma_start3A_225 = arith.constant 0 : i32
        %dma_start3A_226 = tpu.memref_slice %arg8[%add3A_187, %dma_start3A_225] : memref<10080x64xf32, #tpu.memory_space<vmem_shared>> -> memref<80x64xf32, #tpu.memory_space<vmem_shared>>
        %dma_start3A_227 = arith.constant 0 : i32
        %dma_start3A_228 = tpu.memref_slice %arg8[%add3A_187, %dma_start3A_227] : memref<10080x64xf32, #tpu.memory_space<vmem_shared>> -> memref<80x64xf32, #tpu.memory_space<vmem_shared>>
        tpu.enqueue_dma source(%arg18 : memref<80x64xf32, #tpu.memory_space<vmem>>) target(%dma_start3A_228 : memref<80x64xf32, #tpu.memory_space<vmem_shared>>) target_semaphore(%arg36 : memref<!tpu.dma_semaphore, #tpu.memory_space<semaphore_mem>>)
        %eq3A_229 = arith.constant 0 : i32
        %eq3A_230 = arith.cmpi eq, %arg0, %eq3A_229 : i32
        %convert_element_type3A_231 = arith.extui %eq3A_230 : i1 to i32
        %cond3A_232 = arith.constant 0 : i32
        %cond3A_233 = arith.cmpi ne, %convert_element_type3A_231, %cond3A_232 : i32
        scf.if %cond3A_233 {
          %dma_start3A_251 = arith.constant 0 : i32
          %dma_start3A_252 = tpu.memref_slice %arg6[%add3A_187, %dma_start3A_251] : memref<10000x64xf32, #tpu.memory_space<hbm>> -> memref<80x64xf32, #tpu.memory_space<hbm>>
          %dma_start3A_253 = arith.constant 0 : i32
          %dma_start3A_254 = tpu.memref_slice %arg6[%add3A_187, %dma_start3A_253] : memref<10000x64xf32, #tpu.memory_space<hbm>> -> memref<80x64xf32, #tpu.memory_space<hbm>>
          tpu.enqueue_dma source(%arg19 : memref<80x64xf32, #tpu.memory_space<vmem>>) target(%dma_start3A_254 : memref<80x64xf32, #tpu.memory_space<hbm>>) target_semaphore(%arg37 : memref<!tpu.dma_semaphore, #tpu.memory_space<semaphore_mem>>)
        } else {
        }
        %eq3A_234 = arith.constant 1 : i32
        %eq3A_235 = arith.cmpi eq, %arg0, %eq3A_234 : i32
        %convert_element_type3A_236 = arith.extui %eq3A_235 : i1 to i32
        %cond3A_237 = arith.constant 0 : i32
        %cond3A_238 = arith.cmpi ne, %convert_element_type3A_236, %cond3A_237 : i32
        scf.if %cond3A_238 {
          %dma_start3A_251 = arith.constant 0 : i32
          %dma_start3A_252 = tpu.memref_slice %arg7[%add3A_187, %dma_start3A_251] : memref<10000x64xf32, #tpu.memory_space<hbm>> -> memref<80x64xf32, #tpu.memory_space<hbm>>
          %dma_start3A_253 = arith.constant 0 : i32
          %dma_start3A_254 = tpu.memref_slice %arg7[%add3A_187, %dma_start3A_253] : memref<10000x64xf32, #tpu.memory_space<hbm>> -> memref<80x64xf32, #tpu.memory_space<hbm>>
          tpu.enqueue_dma source(%arg19 : memref<80x64xf32, #tpu.memory_space<vmem>>) target(%dma_start3A_254 : memref<80x64xf32, #tpu.memory_space<hbm>>) target_semaphore(%arg37 : memref<!tpu.dma_semaphore, #tpu.memory_space<semaphore_mem>>)
        } else {
        }
        %dma_wait3A_239 = arith.constant 0 : i32
        %dma_wait3A_240 = tpu.memref_slice %arg9[%add3A_187, %dma_wait3A_239] : memref<10080x64xf32, #tpu.memory_space<vmem_shared>> -> memref<80x64xf32, #tpu.memory_space<vmem_shared>>
        %dma_wait3A_241 = arith.constant 0 : i32
        %dma_wait3A_242 = tpu.memref_slice %arg9[%add3A_187, %dma_wait3A_241] : memref<10080x64xf32, #tpu.memory_space<vmem_shared>> -> memref<80x64xf32, #tpu.memory_space<vmem_shared>>
        tpu.wait_dma2 semaphore(%arg35 : memref<!tpu.dma_semaphore, #tpu.memory_space<semaphore_mem>>) src(%arg20 : memref<80x64xf32, #tpu.memory_space<vmem>>) dst(%dma_wait3A_242 : memref<80x64xf32, #tpu.memory_space<vmem_shared>>)
        %dma_wait3A_243 = arith.constant 0 : i32
        %dma_wait3A_244 = tpu.memref_slice %arg8[%add3A_187, %dma_wait3A_243] : memref<10080x64xf32, #tpu.memory_space<vmem_shared>> -> memref<80x64xf32, #tpu.memory_space<vmem_shared>>
        %dma_wait3A_245 = arith.constant 0 : i32
        %dma_wait3A_246 = tpu.memref_slice %arg8[%add3A_187, %dma_wait3A_245] : memref<10080x64xf32, #tpu.memory_space<vmem_shared>> -> memref<80x64xf32, #tpu.memory_space<vmem_shared>>
        tpu.wait_dma2 semaphore(%arg36 : memref<!tpu.dma_semaphore, #tpu.memory_space<semaphore_mem>>) src(%arg18 : memref<80x64xf32, #tpu.memory_space<vmem>>) dst(%dma_wait3A_246 : memref<80x64xf32, #tpu.memory_space<vmem_shared>>)
        %dma_wait3A_247 = arith.constant 0 : i32
        %dma_wait3A_248 = tpu.memref_slice %arg6[%add3A_187, %dma_wait3A_247] : memref<10000x64xf32, #tpu.memory_space<hbm>> -> memref<80x64xf32, #tpu.memory_space<hbm>>
        %dma_wait3A_249 = arith.constant 0 : i32
        %dma_wait3A_250 = tpu.memref_slice %arg6[%add3A_187, %dma_wait3A_249] : memref<10000x64xf32, #tpu.memory_space<hbm>> -> memref<80x64xf32, #tpu.memory_space<hbm>>
        tpu.wait_dma2 semaphore(%arg37 : memref<!tpu.dma_semaphore, #tpu.memory_space<semaphore_mem>>) src(%arg19 : memref<80x64xf32, #tpu.memory_space<vmem>>) dst(%dma_wait3A_250 : memref<80x64xf32, #tpu.memory_space<hbm>>)
      }
      %while3A_182 = arith.constant 1 : i32
      scf.for %while3A_184 = %while3A_180 to %while3A_176 step %while3A_182  : i32 {
        %mul3A_185 = arith.constant 80 : i32
        %mul3A_186 = arith.muli %while3A_184, %mul3A_185 : i32
        %add3A_187 = arith.addi %mul3A_0, %mul3A_186 : i32
        %dma_start3A_188 = arith.constant 0 : i32
        %dma_start3A_189 = tpu.memref_slice %arg9[%add3A_187, %dma_start3A_188] : memref<10080x64xf32, #tpu.memory_space<vmem_shared>> -> memref<80x64xf32, #tpu.memory_space<vmem_shared>>
        %dma_start3A_190 = arith.constant 0 : i32
        %dma_start3A_191 = tpu.memref_slice %arg9[%add3A_187, %dma_start3A_190] : memref<10080x64xf32, #tpu.memory_space<vmem_shared>> -> memref<80x64xf32, #tpu.memory_space<vmem_shared>>
        tpu.enqueue_dma source(%dma_start3A_191 : memref<80x64xf32, #tpu.memory_space<vmem_shared>>) target(%arg17 : memref<80x64xf32, #tpu.memory_space<vmem>>) target_semaphore(%arg35 : memref<!tpu.dma_semaphore, #tpu.memory_space<semaphore_mem>>)
        %dma_start3A_192 = arith.constant 0 : i32
        %dma_start3A_193 = tpu.memref_slice %arg8[%add3A_187, %dma_start3A_192] : memref<10080x64xf32, #tpu.memory_space<vmem_shared>> -> memref<80x64xf32, #tpu.memory_space<vmem_shared>>
        %dma_start3A_194 = arith.constant 0 : i32
        %dma_start3A_195 = tpu.memref_slice %arg8[%add3A_187, %dma_start3A_194] : memref<10080x64xf32, #tpu.memory_space<vmem_shared>> -> memref<80x64xf32, #tpu.memory_space<vmem_shared>>
        tpu.enqueue_dma source(%dma_start3A_195 : memref<80x64xf32, #tpu.memory_space<vmem_shared>>) target(%arg18 : memref<80x64xf32, #tpu.memory_space<vmem>>) target_semaphore(%arg36 : memref<!tpu.dma_semaphore, #tpu.memory_space<semaphore_mem>>)
        %eq3A = arith.constant 0 : i32
        %eq3A_196 = arith.cmpi eq, %arg0, %eq3A : i32
        %convert_element_type3A = arith.extui %eq3A_196 : i1 to i32
        %cond3A = arith.constant 0 : i32
        %cond3A_197 = arith.cmpi ne, %convert_element_type3A, %cond3A : i32
        scf.if %cond3A_197 {
          %dma_start3A_251 = arith.constant 0 : i32
          %dma_start3A_252 = tpu.memref_slice %arg6[%add3A_187, %dma_start3A_251] : memref<10000x64xf32, #tpu.memory_space<hbm>> -> memref<80x64xf32, #tpu.memory_space<hbm>>
          %dma_start3A_253 = arith.constant 0 : i32
          %dma_start3A_254 = tpu.memref_slice %arg6[%add3A_187, %dma_start3A_253] : memref<10000x64xf32, #tpu.memory_space<hbm>> -> memref<80x64xf32, #tpu.memory_space<hbm>>
          tpu.enqueue_dma source(%dma_start3A_254 : memref<80x64xf32, #tpu.memory_space<hbm>>) target(%arg19 : memref<80x64xf32, #tpu.memory_space<vmem>>) target_semaphore(%arg37 : memref<!tpu.dma_semaphore, #tpu.memory_space<semaphore_mem>>)
        } else {
        }
        %eq3A_198 = arith.constant 1 : i32
        %eq3A_199 = arith.cmpi eq, %arg0, %eq3A_198 : i32
        %convert_element_type3A_200 = arith.extui %eq3A_199 : i1 to i32
        %cond3A_201 = arith.constant 0 : i32
        %cond3A_202 = arith.cmpi ne, %convert_element_type3A_200, %cond3A_201 : i32
        scf.if %cond3A_202 {
          %dma_start3A_251 = arith.constant 0 : i32
          %dma_start3A_252 = tpu.memref_slice %arg7[%add3A_187, %dma_start3A_251] : memref<10000x64xf32, #tpu.memory_space<hbm>> -> memref<80x64xf32, #tpu.memory_space<hbm>>
          %dma_start3A_253 = arith.constant 0 : i32
          %dma_start3A_254 = tpu.memref_slice %arg7[%add3A_187, %dma_start3A_253] : memref<10000x64xf32, #tpu.memory_space<hbm>> -> memref<80x64xf32, #tpu.memory_space<hbm>>
          tpu.enqueue_dma source(%dma_start3A_254 : memref<80x64xf32, #tpu.memory_space<hbm>>) target(%arg19 : memref<80x64xf32, #tpu.memory_space<vmem>>) target_semaphore(%arg37 : memref<!tpu.dma_semaphore, #tpu.memory_space<semaphore_mem>>)
        } else {
        }
        %dma_wait3A_203 = arith.constant 0 : i32
        %dma_wait3A_204 = tpu.memref_slice %arg9[%add3A_187, %dma_wait3A_203] : memref<10080x64xf32, #tpu.memory_space<vmem_shared>> -> memref<80x64xf32, #tpu.memory_space<vmem_shared>>
        %dma_wait3A_205 = arith.constant 0 : i32
        %dma_wait3A_206 = tpu.memref_slice %arg9[%add3A_187, %dma_wait3A_205] : memref<10080x64xf32, #tpu.memory_space<vmem_shared>> -> memref<80x64xf32, #tpu.memory_space<vmem_shared>>
        tpu.wait_dma2 semaphore(%arg35 : memref<!tpu.dma_semaphore, #tpu.memory_space<semaphore_mem>>) src(%dma_wait3A_206 : memref<80x64xf32, #tpu.memory_space<vmem_shared>>) dst(%arg17 : memref<80x64xf32, #tpu.memory_space<vmem>>)
        %dma_wait3A_207 = arith.constant 0 : i32
        %dma_wait3A_208 = tpu.memref_slice %arg8[%add3A_187, %dma_wait3A_207] : memref<10080x64xf32, #tpu.memory_space<vmem_shared>> -> memref<80x64xf32, #tpu.memory_space<vmem_shared>>
        %dma_wait3A_209 = arith.constant 0 : i32
        %dma_wait3A_210 = tpu.memref_slice %arg8[%add3A_187, %dma_wait3A_209] : memref<10080x64xf32, #tpu.memory_space<vmem_shared>> -> memref<80x64xf32, #tpu.memory_space<vmem_shared>>
        tpu.wait_dma2 semaphore(%arg36 : memref<!tpu.dma_semaphore, #tpu.memory_space<semaphore_mem>>) src(%dma_wait3A_210 : memref<80x64xf32, #tpu.memory_space<vmem_shared>>) dst(%arg18 : memref<80x64xf32, #tpu.memory_space<vmem>>)
        %dma_wait3A_211 = arith.constant 0 : i32
        %dma_wait3A_212 = tpu.memref_slice %arg6[%add3A_187, %dma_wait3A_211] : memref<10000x64xf32, #tpu.memory_space<hbm>> -> memref<80x64xf32, #tpu.memory_space<hbm>>
        %dma_wait3A_213 = arith.constant 0 : i32
        %dma_wait3A_214 = tpu.memref_slice %arg6[%add3A_187, %dma_wait3A_213] : memref<10000x64xf32, #tpu.memory_space<hbm>> -> memref<80x64xf32, #tpu.memory_space<hbm>>
        tpu.wait_dma2 semaphore(%arg37 : memref<!tpu.dma_semaphore, #tpu.memory_space<semaphore_mem>>) src(%dma_wait3A_214 : memref<80x64xf32, #tpu.memory_space<hbm>>) dst(%arg19 : memref<80x64xf32, #tpu.memory_space<vmem>>)
        %scan3A_215 = arith.constant 0 : i32
        %scan3A_216 = arith.constant 0 : i32
        %scan3A_217 = arith.constant 80 : i32
        %scan3A_218 = arith.addi %scan3A_216, %scan3A_217 : i32
        %scan3A_219 = arith.constant 1 : i32
        scf.for %scan3A_251 = %scan3A_216 to %scan3A_218 step %scan3A_219  : i32 {
          %mul3A_252 = arith.constant 80 : i32
          %mul3A_253 = arith.muli %while3A_184, %mul3A_252 : i32
          %add3A_254 = arith.addi %mul3A_253, %scan3A_251 : i32
          %get3A = arith.index_cast %add3A_254 : i32 to index
          %get3A_255 = tpu.vector_load %arg24[%get3A] {strides = array<i32>} : memref<656xf32, #tpu.memory_space<vmem>>, vector<16xf32>,
          %get3A_256 = vector.shape_cast %get3A_255 : vector<16xf32> to vector<16xf32>
          %slice3A = vector.extract_strided_slice %get3A_256 {offsets = [0], sizes = [1], strides = [1]} : vector<16xf32> to vector<1xf32>
          %squeeze3A = vector.extract %slice3A[0] : f32 from vector<1xf32>
          %scan3A_257 = arith.constant 0 : i32
          %scan3A_258 = arith.constant 4 : i32
          %scan3A_259 = arith.addi %scan3A_257, %scan3A_258 : i32
          %scan3A_260 = arith.constant 1 : i32
          scf.for %scan3A_262 = %scan3A_257 to %scan3A_259 step %scan3A_260  : i32 {
            %mul3A_263 = arith.constant 16 : i32
            %mul3A_264 = arith.muli %scan3A_262, %mul3A_263 : i32
            %get3A_265 = arith.index_cast %scan3A_251 : i32 to index
            %get3A_266 = arith.index_cast %mul3A_264 : i32 to index
            %get3A_267 = tpu.vector_load %arg17[%get3A_265, %get3A_266] {strides = array<i32>} : memref<80x64xf32, #tpu.memory_space<vmem>>, vector<1x16xf32>,
            %get3A_268 = vector.shape_cast %get3A_267 : vector<1x16xf32> to vector<16xf32>
            %get3A_269 = arith.index_cast %scan3A_251 : i32 to index
            %get3A_270 = arith.index_cast %mul3A_264 : i32 to index
            %get3A_271 = tpu.vector_load %arg18[%get3A_269, %get3A_270] {strides = array<i32>} : memref<80x64xf32, #tpu.memory_space<vmem>>, vector<1x16xf32>,
            %get3A_272 = vector.shape_cast %get3A_271 : vector<1x16xf32> to vector<16xf32>
            %add3A_273 = arith.addf %get3A_268, %get3A_272 : vector<16xf32>
            %mul3A_274 = vector.broadcast %squeeze3A : f32 to vector<16xf32>
            %mul3A_275 = arith.mulf %add3A_273, %mul3A_274 : vector<16xf32>
            %swap3A = arith.index_cast %scan3A_251 : i32 to index
            %swap3A_276 = arith.index_cast %mul3A_264 : i32 to index
            %swap3A_277 = tpu.vector_load %arg18[%swap3A, %swap3A_276] {strides = array<i32>} : memref<80x64xf32, #tpu.memory_space<vmem>>, vector<1x16xf32>,
            %swap3A_278 = vector.shape_cast %swap3A_277 : vector<1x16xf32> to vector<16xf32>
            %swap3A_279 = vector.shape_cast %mul3A_275 : vector<16xf32> to vector<1x16xf32>
            tpu.vector_store %arg18[%swap3A, %swap3A_276], %swap3A_279 {strides = array<i32>} : memref<80x64xf32, #tpu.memory_space<vmem>>, vector<1x16xf32>,
            %get3A_280 = arith.index_cast %scan3A_251 : i32 to index
            %get3A_281 = arith.index_cast %mul3A_264 : i32 to index
            %get3A_282 = tpu.vector_load %arg19[%get3A_280, %get3A_281] {strides = array<i32>} : memref<80x64xf32, #tpu.memory_space<vmem>>, vector<1x16xf32>,
            %get3A_283 = vector.shape_cast %get3A_282 : vector<1x16xf32> to vector<16xf32>
            %add3A_284 = arith.addf %get3A_283, %mul3A_275 : vector<16xf32>
            %swap3A_285 = arith.index_cast %scan3A_251 : i32 to index
            %swap3A_286 = arith.index_cast %mul3A_264 : i32 to index
            %swap3A_287 = tpu.vector_load %arg19[%swap3A_285, %swap3A_286] {strides = array<i32>} : memref<80x64xf32, #tpu.memory_space<vmem>>, vector<1x16xf32>,
            %swap3A_288 = vector.shape_cast %swap3A_287 : vector<1x16xf32> to vector<16xf32>
            %swap3A_289 = vector.shape_cast %add3A_284 : vector<16xf32> to vector<1x16xf32>
            tpu.vector_store %arg19[%swap3A_285, %swap3A_286], %swap3A_289 {strides = array<i32>} : memref<80x64xf32, #tpu.memory_space<vmem>>, vector<1x16xf32>,
          }
          %scan3A_261 = arith.constant 4 : i32
        }
        %scan3A_220 = arith.constant 80 : i32
        %dma_start3A_221 = arith.constant 0 : i32
        %dma_start3A_222 = tpu.memref_slice %arg9[%add3A_187, %dma_start3A_221] : memref<10080x64xf32, #tpu.memory_space<vmem_shared>> -> memref<80x64xf32, #tpu.memory_space<vmem_shared>>
        %dma_start3A_223 = arith.constant 0 : i32
        %dma_start3A_224 = tpu.memref_slice %arg9[%add3A_187, %dma_start3A_223] : memref<10080x64xf32, #tpu.memory_space<vmem_shared>> -> memref<80x64xf32, #tpu.memory_space<vmem_shared>>
        tpu.enqueue_dma source(%arg20 : memref<80x64xf32, #tpu.memory_space<vmem>>) target(%dma_start3A_224 : memref<80x64xf32, #tpu.memory_space<vmem_shared>>) target_semaphore(%arg35 : memref<!tpu.dma_semaphore, #tpu.memory_space<semaphore_mem>>)
        %dma_start3A_225 = arith.constant 0 : i32
        %dma_start3A_226 = tpu.memref_slice %arg8[%add3A_187, %dma_start3A_225] : memref<10080x64xf32, #tpu.memory_space<vmem_shared>> -> memref<80x64xf32, #tpu.memory_space<vmem_shared>>
        %dma_start3A_227 = arith.constant 0 : i32
        %dma_start3A_228 = tpu.memref_slice %arg8[%add3A_187, %dma_start3A_227] : memref<10080x64xf32, #tpu.memory_space<vmem_shared>> -> memref<80x64xf32, #tpu.memory_space<vmem_shared>>
        tpu.enqueue_dma source(%arg18 : memref<80x64xf32, #tpu.memory_space<vmem>>) target(%dma_start3A_228 : memref<80x64xf32, #tpu.memory_space<vmem_shared>>) target_semaphore(%arg36 : memref<!tpu.dma_semaphore, #tpu.memory_space<semaphore_mem>>)
        %eq3A_229 = arith.constant 0 : i32
        %eq3A_230 = arith.cmpi eq, %arg0, %eq3A_229 : i32
        %convert_element_type3A_231 = arith.extui %eq3A_230 : i1 to i32
        %cond3A_232 = arith.constant 0 : i32
        %cond3A_233 = arith.cmpi ne, %convert_element_type3A_231, %cond3A_232 : i32
        scf.if %cond3A_233 {
          %dma_start3A_251 = arith.constant 0 : i32
          %dma_start3A_252 = tpu.memref_slice %arg6[%add3A_187, %dma_start3A_251] : memref<10000x64xf32, #tpu.memory_space<hbm>> -> memref<80x64xf32, #tpu.memory_space<hbm>>
          %dma_start3A_253 = arith.constant 0 : i32
          %dma_start3A_254 = tpu.memref_slice %arg6[%add3A_187, %dma_start3A_253] : memref<10000x64xf32, #tpu.memory_space<hbm>> -> memref<80x64xf32, #tpu.memory_space<hbm>>
          tpu.enqueue_dma source(%arg19 : memref<80x64xf32, #tpu.memory_space<vmem>>) target(%dma_start3A_254 : memref<80x64xf32, #tpu.memory_space<hbm>>) target_semaphore(%arg37 : memref<!tpu.dma_semaphore, #tpu.memory_space<semaphore_mem>>)
        } else {
        }
        %eq3A_234 = arith.constant 1 : i32
        %eq3A_235 = arith.cmpi eq, %arg0, %eq3A_234 : i32
        %convert_element_type3A_236 = arith.extui %eq3A_235 : i1 to i32
        %cond3A_237 = arith.constant 0 : i32
        %cond3A_238 = arith.cmpi ne, %convert_element_type3A_236, %cond3A_237 : i32
        scf.if %cond3A_238 {
          %dma_start3A_251 = arith.constant 0 : i32
          %dma_start3A_252 = tpu.memref_slice %arg7[%add3A_187, %dma_start3A_251] : memref<10000x64xf32, #tpu.memory_space<hbm>> -> memref<80x64xf32, #tpu.memory_space<hbm>>
          %dma_start3A_253 = arith.constant 0 : i32
          %dma_start3A_254 = tpu.memref_slice %arg7[%add3A_187, %dma_start3A_253] : memref<10000x64xf32, #tpu.memory_space<hbm>> -> memref<80x64xf32, #tpu.memory_space<hbm>>
          tpu.enqueue_dma source(%arg19 : memref<80x64xf32, #tpu.memory_space<vmem>>) target(%dma_start3A_254 : memref<80x64xf32, #tpu.memory_space<hbm>>) target_semaphore(%arg37 : memref<!tpu.dma_semaphore, #tpu.memory_space<semaphore_mem>>)
        } else {
        }
        %dma_wait3A_239 = arith.constant 0 : i32
        %dma_wait3A_240 = tpu.memref_slice %arg9[%add3A_187, %dma_wait3A_239] : memref<10080x64xf32, #tpu.memory_space<vmem_shared>> -> memref<80x64xf32, #tpu.memory_space<vmem_shared>>
        %dma_wait3A_241 = arith.constant 0 : i32
        %dma_wait3A_242 = tpu.memref_slice %arg9[%add3A_187, %dma_wait3A_241] : memref<10080x64xf32, #tpu.memory_space<vmem_shared>> -> memref<80x64xf32, #tpu.memory_space<vmem_shared>>
        tpu.wait_dma2 semaphore(%arg35 : memref<!tpu.dma_semaphore, #tpu.memory_space<semaphore_mem>>) src(%arg20 : memref<80x64xf32, #tpu.memory_space<vmem>>) dst(%dma_wait3A_242 : memref<80x64xf32, #tpu.memory_space<vmem_shared>>)
        %dma_wait3A_243 = arith.constant 0 : i32
        %dma_wait3A_244 = tpu.memref_slice %arg8[%add3A_187, %dma_wait3A_243] : memref<10080x64xf32, #tpu.memory_space<vmem_shared>> -> memref<80x64xf32, #tpu.memory_space<vmem_shared>>
        %dma_wait3A_245 = arith.constant 0 : i32
        %dma_wait3A_246 = tpu.memref_slice %arg8[%add3A_187, %dma_wait3A_245] : memref<10080x64xf32, #tpu.memory_space<vmem_shared>> -> memref<80x64xf32, #tpu.memory_space<vmem_shared>>
        tpu.wait_dma2 semaphore(%arg36 : memref<!tpu.dma_semaphore, #tpu.memory_space<semaphore_mem>>) src(%arg18 : memref<80x64xf32, #tpu.memory_space<vmem>>) dst(%dma_wait3A_246 : memref<80x64xf32, #tpu.memory_space<vmem_shared>>)
        %dma_wait3A_247 = arith.constant 0 : i32
        %dma_wait3A_248 = tpu.memref_slice %arg6[%add3A_187, %dma_wait3A_247] : memref<10000x64xf32, #tpu.memory_space<hbm>> -> memref<80x64xf32, #tpu.memory_space<hbm>>
        %dma_wait3A_249 = arith.constant 0 : i32
        %dma_wait3A_250 = tpu.memref_slice %arg6[%add3A_187, %dma_wait3A_249] : memref<10000x64xf32, #tpu.memory_space<hbm>> -> memref<80x64xf32, #tpu.memory_space<hbm>>
        tpu.wait_dma2 semaphore(%arg37 : memref<!tpu.dma_semaphore, #tpu.memory_space<semaphore_mem>>) src(%arg19 : memref<80x64xf32, #tpu.memory_space<vmem>>) dst(%dma_wait3A_250 : memref<80x64xf32, #tpu.memory_space<hbm>>)
      }
      %barrier3A_183 = arith.constant 0 : index
      tpu.barrier barrier_id(%barrier3A_183)
    }
    %scan3A_93 = arith.constant 10 : i32
    %add3A_94 = arith.constant 0 : i32
    %add3A_95 = arith.addi %mul3A_2, %add3A_94 : i32
    %dma_wait3A = arith.constant 0 : i32
    %dma_wait3A_96 = tpu.memref_slice %arg4[%add3A_95, %dma_wait3A] : memref<2560x128xi32, #tpu.memory_space<hbm>> -> memref<16x128xi32, #tpu.memory_space<hbm>>
    %dma_wait3A_97 = arith.constant 0 : i32
    %dma_wait3A_98 = tpu.memref_slice %arg4[%add3A_95, %dma_wait3A_97] : memref<2560x128xi32, #tpu.memory_space<hbm>> -> memref<16x128xi32, #tpu.memory_space<hbm>>
    tpu.wait_dma2 semaphore(%arg31 : memref<!tpu.dma_semaphore, #tpu.memory_space<semaphore_mem>>) src(%dma_wait3A_98 : memref<16x128xi32, #tpu.memory_space<hbm>>) dst(%arg11 : memref<16x128xi32, #tpu.memory_space<vmem>>)
    %add3A_99 = arith.constant 0 : i32
    %add3A_100 = arith.addi %mul3A_2, %add3A_99 : i32
    %dma_wait3A_101 = arith.constant 0 : i32
    %dma_wait3A_102 = tpu.memref_slice %arg5[%add3A_100, %dma_wait3A_101] : memref<2560x128xi32, #tpu.memory_space<hbm>> -> memref<16x128xi32, #tpu.memory_space<hbm>>
    %dma_wait3A_103 = arith.constant 0 : i32
    %dma_wait3A_104 = tpu.memref_slice %arg5[%add3A_100, %dma_wait3A_103] : memref<2560x128xi32, #tpu.memory_space<hbm>> -> memref<16x128xi32, #tpu.memory_space<hbm>>
    tpu.wait_dma2 semaphore(%arg32 : memref<!tpu.dma_semaphore, #tpu.memory_space<semaphore_mem>>) src(%dma_wait3A_104 : memref<16x128xi32, #tpu.memory_space<hbm>>) dst(%arg12 : memref<16x128xi32, #tpu.memory_space<vmem>>)
    %add3A_105 = arith.constant 16 : i32
    %add3A_106 = arith.addi %mul3A_2, %add3A_105 : i32
    %dma_wait3A_107 = arith.constant 0 : i32
    %dma_wait3A_108 = tpu.memref_slice %arg4[%add3A_106, %dma_wait3A_107] : memref<2560x128xi32, #tpu.memory_space<hbm>> -> memref<16x128xi32, #tpu.memory_space<hbm>>
    %dma_wait3A_109 = arith.constant 0 : i32
    %dma_wait3A_110 = tpu.memref_slice %arg4[%add3A_106, %dma_wait3A_109] : memref<2560x128xi32, #tpu.memory_space<hbm>> -> memref<16x128xi32, #tpu.memory_space<hbm>>
    tpu.wait_dma2 semaphore(%arg33 : memref<!tpu.dma_semaphore, #tpu.memory_space<semaphore_mem>>) src(%dma_wait3A_110 : memref<16x128xi32, #tpu.memory_space<hbm>>) dst(%arg13 : memref<16x128xi32, #tpu.memory_space<vmem>>)
    %add3A_111 = arith.constant 16 : i32
    %add3A_112 = arith.addi %mul3A_2, %add3A_111 : i32
    %dma_wait3A_113 = arith.constant 0 : i32
    %dma_wait3A_114 = tpu.memref_slice %arg5[%add3A_112, %dma_wait3A_113] : memref<2560x128xi32, #tpu.memory_space<hbm>> -> memref<16x128xi32, #tpu.memory_space<hbm>>
    %dma_wait3A_115 = arith.constant 0 : i32
    %dma_wait3A_116 = tpu.memref_slice %arg5[%add3A_112, %dma_wait3A_115] : memref<2560x128xi32, #tpu.memory_space<hbm>> -> memref<16x128xi32, #tpu.memory_space<hbm>>
    tpu.wait_dma2 semaphore(%arg34 : memref<!tpu.dma_semaphore, #tpu.memory_space<semaphore_mem>>) src(%dma_wait3A_116 : memref<16x128xi32, #tpu.memory_space<hbm>>) dst(%arg14 : memref<16x128xi32, #tpu.memory_space<vmem>>)
    %while3A_117 = arith.constant 0 : i32
    %while3A_118 = arith.constant 0 : i32
    %while3A_119 = arith.subi %min3A_7, %while3A_118 : i32
    %while3A_120 = arith.addi %while3A_118, %while3A_119 : i32
    %while3A_121 = arith.constant 1 : i32
    %while3A_122 = arith.divsi %while3A_119, %while3A_121 : i32
    %while3A_123 = arith.muli %while3A_122, %while3A_121 : i32
    %while3A_124 = arith.addi %while3A_118, %while3A_123 : i32
    %while3A_125 = arith.constant 1 : i32
    scf.for %while3A_127 = %while3A_118 to %while3A_124 step %while3A_125  : i32 {
      %mul3A_128 = arith.constant 80 : i32
      %mul3A_129 = arith.muli %while3A_127, %mul3A_128 : i32
      %add3A_130 = arith.addi %mul3A_0, %mul3A_129 : i32
      %eq3A = arith.constant 0 : i32
      %eq3A_131 = arith.cmpi eq, %arg0, %eq3A : i32
      %convert_element_type3A = arith.extui %eq3A_131 : i1 to i32
      %cond3A = arith.constant 0 : i32
      %cond3A_132 = arith.cmpi ne, %convert_element_type3A, %cond3A : i32
      scf.if %cond3A_132 {
        "tpu.region"() ({
          %run_scoped3A = tpu.sem_alloc : memref<!tpu.dma_semaphore, #tpu.memory_space<semaphore_mem>>
          %dma_start3A_154 = arith.constant 0 : i32
          %dma_start3A_155 = tpu.memref_slice %arg6[%add3A_130, %dma_start3A_154] : memref<10000x64xf32, #tpu.memory_space<hbm>> -> memref<80x64xf32, #tpu.memory_space<hbm>>
          %dma_start3A_156 = arith.constant 0 : i32
          %dma_start3A_157 = tpu.memref_slice %arg6[%add3A_130, %dma_start3A_156] : memref<10000x64xf32, #tpu.memory_space<hbm>> -> memref<80x64xf32, #tpu.memory_space<hbm>>
          tpu.enqueue_dma source(%dma_start3A_157 : memref<80x64xf32, #tpu.memory_space<hbm>>) target(%arg19 : memref<80x64xf32, #tpu.memory_space<vmem>>) target_semaphore(%run_scoped3A : memref<!tpu.dma_semaphore, #tpu.memory_space<semaphore_mem>>)
          %dma_wait3A_158 = arith.constant 0 : i32
          %dma_wait3A_159 = tpu.memref_slice %arg6[%add3A_130, %dma_wait3A_158] : memref<10000x64xf32, #tpu.memory_space<hbm>> -> memref<80x64xf32, #tpu.memory_space<hbm>>
          %dma_wait3A_160 = arith.constant 0 : i32
          %dma_wait3A_161 = tpu.memref_slice %arg6[%add3A_130, %dma_wait3A_160] : memref<10000x64xf32, #tpu.memory_space<hbm>> -> memref<80x64xf32, #tpu.memory_space<hbm>>
          tpu.wait_dma2 semaphore(%run_scoped3A : memref<!tpu.dma_semaphore, #tpu.memory_space<semaphore_mem>>) src(%dma_wait3A_161 : memref<80x64xf32, #tpu.memory_space<hbm>>) dst(%arg19 : memref<80x64xf32, #tpu.memory_space<vmem>>)
          tpu.yield
        }) : () -> ()
      } else {
      }
      %eq3A_133 = arith.constant 1 : i32
      %eq3A_134 = arith.cmpi eq, %arg0, %eq3A_133 : i32
      %convert_element_type3A_135 = arith.extui %eq3A_134 : i1 to i32
      %cond3A_136 = arith.constant 0 : i32
      %cond3A_137 = arith.cmpi ne, %convert_element_type3A_135, %cond3A_136 : i32
      scf.if %cond3A_137 {
        "tpu.region"() ({
          %run_scoped3A = tpu.sem_alloc : memref<!tpu.dma_semaphore, #tpu.memory_space<semaphore_mem>>
          %dma_start3A_154 = arith.constant 0 : i32
          %dma_start3A_155 = tpu.memref_slice %arg7[%add3A_130, %dma_start3A_154] : memref<10000x64xf32, #tpu.memory_space<hbm>> -> memref<80x64xf32, #tpu.memory_space<hbm>>
          %dma_start3A_156 = arith.constant 0 : i32
          %dma_start3A_157 = tpu.memref_slice %arg7[%add3A_130, %dma_start3A_156] : memref<10000x64xf32, #tpu.memory_space<hbm>> -> memref<80x64xf32, #tpu.memory_space<hbm>>
          tpu.enqueue_dma source(%dma_start3A_157 : memref<80x64xf32, #tpu.memory_space<hbm>>) target(%arg19 : memref<80x64xf32, #tpu.memory_space<vmem>>) target_semaphore(%run_scoped3A : memref<!tpu.dma_semaphore, #tpu.memory_space<semaphore_mem>>)
          %dma_wait3A_158 = arith.constant 0 : i32
          %dma_wait3A_159 = tpu.memref_slice %arg7[%add3A_130, %dma_wait3A_158] : memref<10000x64xf32, #tpu.memory_space<hbm>> -> memref<80x64xf32, #tpu.memory_space<hbm>>
          %dma_wait3A_160 = arith.constant 0 : i32
          %dma_wait3A_161 = tpu.memref_slice %arg7[%add3A_130, %dma_wait3A_160] : memref<10000x64xf32, #tpu.memory_space<hbm>> -> memref<80x64xf32, #tpu.memory_space<hbm>>
          tpu.wait_dma2 semaphore(%run_scoped3A : memref<!tpu.dma_semaphore, #tpu.memory_space<semaphore_mem>>) src(%dma_wait3A_161 : memref<80x64xf32, #tpu.memory_space<hbm>>) dst(%arg19 : memref<80x64xf32, #tpu.memory_space<vmem>>)
          tpu.yield
        }) : () -> ()
      } else {
      }
      %scan3A_138 = arith.constant 0 : i32
      %scan3A_139 = arith.constant 0 : i32
      %scan3A_140 = arith.constant 80 : i32
      %scan3A_141 = arith.addi %scan3A_139, %scan3A_140 : i32
      %scan3A_142 = arith.constant 1 : i32
      scf.for %scan3A_154 = %scan3A_139 to %scan3A_141 step %scan3A_142  : i32 {
        %mul3A_155 = arith.constant 80 : i32
        %mul3A_156 = arith.muli %while3A_127, %mul3A_155 : i32
        %add3A_157 = arith.addi %mul3A_156, %scan3A_154 : i32
        %get3A = arith.index_cast %add3A_157 : i32 to index
        %get3A_158 = tpu.vector_load %arg25[%get3A] {strides = array<i32>} : memref<656xf32, #tpu.memory_space<vmem>>, vector<16xf32>,
        %get3A_159 = vector.shape_cast %get3A_158 : vector<16xf32> to vector<16xf32>
        %slice3A = vector.extract_strided_slice %get3A_159 {offsets = [0], sizes = [1], strides = [1]} : vector<16xf32> to vector<1xf32>
        %squeeze3A = vector.extract %slice3A[0] : f32 from vector<1xf32>
        %scan3A_160 = arith.constant 0 : i32
        %scan3A_161 = arith.constant 4 : i32
        %scan3A_162 = arith.addi %scan3A_160, %scan3A_161 : i32
        %scan3A_163 = arith.constant 1 : i32
        scf.for %scan3A_165 = %scan3A_160 to %scan3A_162 step %scan3A_163  : i32 {
          %mul3A_166 = arith.constant 16 : i32
          %mul3A_167 = arith.muli %scan3A_165, %mul3A_166 : i32
          %get3A_168 = arith.index_cast %scan3A_154 : i32 to index
          %get3A_169 = arith.index_cast %mul3A_167 : i32 to index
          %get3A_170 = tpu.vector_load %arg19[%get3A_168, %get3A_169] {strides = array<i32>} : memref<80x64xf32, #tpu.memory_space<vmem>>, vector<1x16xf32>,
          %get3A_171 = vector.shape_cast %get3A_170 : vector<1x16xf32> to vector<16xf32>
          %mul3A_172 = vector.broadcast %squeeze3A : f32 to vector<16xf32>
          %mul3A_173 = arith.mulf %get3A_171, %mul3A_172 : vector<16xf32>
          %swap3A = arith.index_cast %scan3A_154 : i32 to index
          %swap3A_174 = arith.index_cast %mul3A_167 : i32 to index
          %swap3A_175 = tpu.vector_load %arg19[%swap3A, %swap3A_174] {strides = array<i32>} : memref<80x64xf32, #tpu.memory_space<vmem>>, vector<1x16xf32>,
          %swap3A_176 = vector.shape_cast %swap3A_175 : vector<1x16xf32> to vector<16xf32>
          %swap3A_177 = vector.shape_cast %mul3A_173 : vector<16xf32> to vector<1x16xf32>
          tpu.vector_store %arg19[%swap3A, %swap3A_174], %swap3A_177 {strides = array<i32>} : memref<80x64xf32, #tpu.memory_space<vmem>>, vector<1x16xf32>,
        }
        %scan3A_164 = arith.constant 4 : i32
      }
      %scan3A_143 = arith.constant 80 : i32
      %eq3A_144 = arith.constant 0 : i32
      %eq3A_145 = arith.cmpi eq, %arg0, %eq3A_144 : i32
      %convert_element_type3A_146 = arith.extui %eq3A_145 : i1 to i32
      %cond3A_147 = arith.constant 0 : i32
      %cond3A_148 = arith.cmpi ne, %convert_element_type3A_146, %cond3A_147 : i32
      scf.if %cond3A_148 {
        "tpu.region"() ({
          %run_scoped3A = tpu.sem_alloc : memref<!tpu.dma_semaphore, #tpu.memory_space<semaphore_mem>>
          %dma_start3A_154 = arith.constant 0 : i32
          %dma_start3A_155 = tpu.memref_slice %arg6[%add3A_130, %dma_start3A_154] : memref<10000x64xf32, #tpu.memory_space<hbm>> -> memref<80x64xf32, #tpu.memory_space<hbm>>
          %dma_start3A_156 = arith.constant 0 : i32
          %dma_start3A_157 = tpu.memref_slice %arg6[%add3A_130, %dma_start3A_156] : memref<10000x64xf32, #tpu.memory_space<hbm>> -> memref<80x64xf32, #tpu.memory_space<hbm>>
          tpu.enqueue_dma source(%arg19 : memref<80x64xf32, #tpu.memory_space<vmem>>) target(%dma_start3A_157 : memref<80x64xf32, #tpu.memory_space<hbm>>) target_semaphore(%run_scoped3A : memref<!tpu.dma_semaphore, #tpu.memory_space<semaphore_mem>>)
          %dma_wait3A_158 = arith.constant 0 : i32
          %dma_wait3A_159 = tpu.memref_slice %arg6[%add3A_130, %dma_wait3A_158] : memref<10000x64xf32, #tpu.memory_space<hbm>> -> memref<80x64xf32, #tpu.memory_space<hbm>>
          %dma_wait3A_160 = arith.constant 0 : i32
          %dma_wait3A_161 = tpu.memref_slice %arg6[%add3A_130, %dma_wait3A_160] : memref<10000x64xf32, #tpu.memory_space<hbm>> -> memref<80x64xf32, #tpu.memory_space<hbm>>
          tpu.wait_dma2 semaphore(%run_scoped3A : memref<!tpu.dma_semaphore, #tpu.memory_space<semaphore_mem>>) src(%arg19 : memref<80x64xf32, #tpu.memory_space<vmem>>) dst(%dma_wait3A_161 : memref<80x64xf32, #tpu.memory_space<hbm>>)
          tpu.yield
        }) : () -> ()
      } else {
      }
      %eq3A_149 = arith.constant 1 : i32
      %eq3A_150 = arith.cmpi eq, %arg0, %eq3A_149 : i32
      %convert_element_type3A_151 = arith.extui %eq3A_150 : i1 to i32
      %cond3A_152 = arith.constant 0 : i32
      %cond3A_153 = arith.cmpi ne, %convert_element_type3A_151, %cond3A_152 : i32
      scf.if %cond3A_153 {
        "tpu.region"() ({
          %run_scoped3A = tpu.sem_alloc : memref<!tpu.dma_semaphore, #tpu.memory_space<semaphore_mem>>
          %dma_start3A_154 = arith.constant 0 : i32
          %dma_start3A_155 = tpu.memref_slice %arg7[%add3A_130, %dma_start3A_154] : memref<10000x64xf32, #tpu.memory_space<hbm>> -> memref<80x64xf32, #tpu.memory_space<hbm>>
          %dma_start3A_156 = arith.constant 0 : i32
          %dma_start3A_157 = tpu.memref_slice %arg7[%add3A_130, %dma_start3A_156] : memref<10000x64xf32, #tpu.memory_space<hbm>> -> memref<80x64xf32, #tpu.memory_space<hbm>>
          tpu.enqueue_dma source(%arg19 : memref<80x64xf32, #tpu.memory_space<vmem>>) target(%dma_start3A_157 : memref<80x64xf32, #tpu.memory_space<hbm>>) target_semaphore(%run_scoped3A : memref<!tpu.dma_semaphore, #tpu.memory_space<semaphore_mem>>)
          %dma_wait3A_158 = arith.constant 0 : i32
          %dma_wait3A_159 = tpu.memref_slice %arg7[%add3A_130, %dma_wait3A_158] : memref<10000x64xf32, #tpu.memory_space<hbm>> -> memref<80x64xf32, #tpu.memory_space<hbm>>
          %dma_wait3A_160 = arith.constant 0 : i32
          %dma_wait3A_161 = tpu.memref_slice %arg7[%add3A_130, %dma_wait3A_160] : memref<10000x64xf32, #tpu.memory_space<hbm>> -> memref<80x64xf32, #tpu.memory_space<hbm>>
          tpu.wait_dma2 semaphore(%run_scoped3A : memref<!tpu.dma_semaphore, #tpu.memory_space<semaphore_mem>>) src(%arg19 : memref<80x64xf32, #tpu.memory_space<vmem>>) dst(%dma_wait3A_161 : memref<80x64xf32, #tpu.memory_space<hbm>>)
          tpu.yield
        }) : () -> ()
      } else {
      }
    }
    %while3A_126 = arith.constant 1 : i32
    scf.for %while3A_127 = %while3A_124 to %while3A_120 step %while3A_126  : i32 {
      %mul3A_128 = arith.constant 80 : i32
      %mul3A_129 = arith.muli %while3A_127, %mul3A_128 : i32
      %add3A_130 = arith.addi %mul3A_0, %mul3A_129 : i32
      %eq3A = arith.constant 0 : i32
      %eq3A_131 = arith.cmpi eq, %arg0, %eq3A : i32
      %convert_element_type3A = arith.extui %eq3A_131 : i1 to i32
      %cond3A = arith.constant 0 : i32
      %cond3A_132 = arith.cmpi ne, %convert_element_type3A, %cond3A : i32
      scf.if %cond3A_132 {
        "tpu.region"() ({
          %run_scoped3A = tpu.sem_alloc : memref<!tpu.dma_semaphore, #tpu.memory_space<semaphore_mem>>
          %dma_start3A_154 = arith.constant 0 : i32
          %dma_start3A_155 = tpu.memref_slice %arg6[%add3A_130, %dma_start3A_154] : memref<10000x64xf32, #tpu.memory_space<hbm>> -> memref<80x64xf32, #tpu.memory_space<hbm>>
          %dma_start3A_156 = arith.constant 0 : i32
          %dma_start3A_157 = tpu.memref_slice %arg6[%add3A_130, %dma_start3A_156] : memref<10000x64xf32, #tpu.memory_space<hbm>> -> memref<80x64xf32, #tpu.memory_space<hbm>>
          tpu.enqueue_dma source(%dma_start3A_157 : memref<80x64xf32, #tpu.memory_space<hbm>>) target(%arg19 : memref<80x64xf32, #tpu.memory_space<vmem>>) target_semaphore(%run_scoped3A : memref<!tpu.dma_semaphore, #tpu.memory_space<semaphore_mem>>)
          %dma_wait3A_158 = arith.constant 0 : i32
          %dma_wait3A_159 = tpu.memref_slice %arg6[%add3A_130, %dma_wait3A_158] : memref<10000x64xf32, #tpu.memory_space<hbm>> -> memref<80x64xf32, #tpu.memory_space<hbm>>
          %dma_wait3A_160 = arith.constant 0 : i32
          %dma_wait3A_161 = tpu.memref_slice %arg6[%add3A_130, %dma_wait3A_160] : memref<10000x64xf32, #tpu.memory_space<hbm>> -> memref<80x64xf32, #tpu.memory_space<hbm>>
          tpu.wait_dma2 semaphore(%run_scoped3A : memref<!tpu.dma_semaphore, #tpu.memory_space<semaphore_mem>>) src(%dma_wait3A_161 : memref<80x64xf32, #tpu.memory_space<hbm>>) dst(%arg19 : memref<80x64xf32, #tpu.memory_space<vmem>>)
          tpu.yield
        }) : () -> ()
      } else {
      }
      %eq3A_133 = arith.constant 1 : i32
      %eq3A_134 = arith.cmpi eq, %arg0, %eq3A_133 : i32
      %convert_element_type3A_135 = arith.extui %eq3A_134 : i1 to i32
      %cond3A_136 = arith.constant 0 : i32
      %cond3A_137 = arith.cmpi ne, %convert_element_type3A_135, %cond3A_136 : i32
      scf.if %cond3A_137 {
        "tpu.region"() ({
          %run_scoped3A = tpu.sem_alloc : memref<!tpu.dma_semaphore, #tpu.memory_space<semaphore_mem>>
          %dma_start3A_154 = arith.constant 0 : i32
          %dma_start3A_155 = tpu.memref_slice %arg7[%add3A_130, %dma_start3A_154] : memref<10000x64xf32, #tpu.memory_space<hbm>> -> memref<80x64xf32, #tpu.memory_space<hbm>>
          %dma_start3A_156 = arith.constant 0 : i32
          %dma_start3A_157 = tpu.memref_slice %arg7[%add3A_130, %dma_start3A_156] : memref<10000x64xf32, #tpu.memory_space<hbm>> -> memref<80x64xf32, #tpu.memory_space<hbm>>
          tpu.enqueue_dma source(%dma_start3A_157 : memref<80x64xf32, #tpu.memory_space<hbm>>) target(%arg19 : memref<80x64xf32, #tpu.memory_space<vmem>>) target_semaphore(%run_scoped3A : memref<!tpu.dma_semaphore, #tpu.memory_space<semaphore_mem>>)
          %dma_wait3A_158 = arith.constant 0 : i32
          %dma_wait3A_159 = tpu.memref_slice %arg7[%add3A_130, %dma_wait3A_158] : memref<10000x64xf32, #tpu.memory_space<hbm>> -> memref<80x64xf32, #tpu.memory_space<hbm>>
          %dma_wait3A_160 = arith.constant 0 : i32
          %dma_wait3A_161 = tpu.memref_slice %arg7[%add3A_130, %dma_wait3A_160] : memref<10000x64xf32, #tpu.memory_space<hbm>> -> memref<80x64xf32, #tpu.memory_space<hbm>>
          tpu.wait_dma2 semaphore(%run_scoped3A : memref<!tpu.dma_semaphore, #tpu.memory_space<semaphore_mem>>) src(%dma_wait3A_161 : memref<80x64xf32, #tpu.memory_space<hbm>>) dst(%arg19 : memref<80x64xf32, #tpu.memory_space<vmem>>)
          tpu.yield
        }) : () -> ()
      } else {
      }
      %scan3A_138 = arith.constant 0 : i32
      %scan3A_139 = arith.constant 0 : i32
      %scan3A_140 = arith.constant 80 : i32
      %scan3A_141 = arith.addi %scan3A_139, %scan3A_140 : i32
      %scan3A_142 = arith.constant 1 : i32
      scf.for %scan3A_154 = %scan3A_139 to %scan3A_141 step %scan3A_142  : i32 {
        %mul3A_155 = arith.constant 80 : i32
        %mul3A_156 = arith.muli %while3A_127, %mul3A_155 : i32
        %add3A_157 = arith.addi %mul3A_156, %scan3A_154 : i32
        %get3A = arith.index_cast %add3A_157 : i32 to index
        %get3A_158 = tpu.vector_load %arg25[%get3A] {strides = array<i32>} : memref<656xf32, #tpu.memory_space<vmem>>, vector<16xf32>,
        %get3A_159 = vector.shape_cast %get3A_158 : vector<16xf32> to vector<16xf32>
        %slice3A = vector.extract_strided_slice %get3A_159 {offsets = [0], sizes = [1], strides = [1]} : vector<16xf32> to vector<1xf32>
        %squeeze3A = vector.extract %slice3A[0] : f32 from vector<1xf32>
        %scan3A_160 = arith.constant 0 : i32
        %scan3A_161 = arith.constant 4 : i32
        %scan3A_162 = arith.addi %scan3A_160, %scan3A_161 : i32
        %scan3A_163 = arith.constant 1 : i32
        scf.for %scan3A_165 = %scan3A_160 to %scan3A_162 step %scan3A_163  : i32 {
          %mul3A_166 = arith.constant 16 : i32
          %mul3A_167 = arith.muli %scan3A_165, %mul3A_166 : i32
          %get3A_168 = arith.index_cast %scan3A_154 : i32 to index
          %get3A_169 = arith.index_cast %mul3A_167 : i32 to index
          %get3A_170 = tpu.vector_load %arg19[%get3A_168, %get3A_169] {strides = array<i32>} : memref<80x64xf32, #tpu.memory_space<vmem>>, vector<1x16xf32>,
          %get3A_171 = vector.shape_cast %get3A_170 : vector<1x16xf32> to vector<16xf32>
          %mul3A_172 = vector.broadcast %squeeze3A : f32 to vector<16xf32>
          %mul3A_173 = arith.mulf %get3A_171, %mul3A_172 : vector<16xf32>
          %swap3A = arith.index_cast %scan3A_154 : i32 to index
          %swap3A_174 = arith.index_cast %mul3A_167 : i32 to index
          %swap3A_175 = tpu.vector_load %arg19[%swap3A, %swap3A_174] {strides = array<i32>} : memref<80x64xf32, #tpu.memory_space<vmem>>, vector<1x16xf32>,
          %swap3A_176 = vector.shape_cast %swap3A_175 : vector<1x16xf32> to vector<16xf32>
          %swap3A_177 = vector.shape_cast %mul3A_173 : vector<16xf32> to vector<1x16xf32>
          tpu.vector_store %arg19[%swap3A, %swap3A_174], %swap3A_177 {strides = array<i32>} : memref<80x64xf32, #tpu.memory_space<vmem>>, vector<1x16xf32>,
        }
        %scan3A_164 = arith.constant 4 : i32
      }
      %scan3A_143 = arith.constant 80 : i32
      %eq3A_144 = arith.constant 0 : i32
      %eq3A_145 = arith.cmpi eq, %arg0, %eq3A_144 : i32
      %convert_element_type3A_146 = arith.extui %eq3A_145 : i1 to i32
      %cond3A_147 = arith.constant 0 : i32
      %cond3A_148 = arith.cmpi ne, %convert_element_type3A_146, %cond3A_147 : i32
      scf.if %cond3A_148 {
        "tpu.region"() ({
          %run_scoped3A = tpu.sem_alloc : memref<!tpu.dma_semaphore, #tpu.memory_space<semaphore_mem>>
          %dma_start3A_154 = arith.constant 0 : i32
          %dma_start3A_155 = tpu.memref_slice %arg6[%add3A_130, %dma_start3A_154] : memref<10000x64xf32, #tpu.memory_space<hbm>> -> memref<80x64xf32, #tpu.memory_space<hbm>>
          %dma_start3A_156 = arith.constant 0 : i32
          %dma_start3A_157 = tpu.memref_slice %arg6[%add3A_130, %dma_start3A_156] : memref<10000x64xf32, #tpu.memory_space<hbm>> -> memref<80x64xf32, #tpu.memory_space<hbm>>
          tpu.enqueue_dma source(%arg19 : memref<80x64xf32, #tpu.memory_space<vmem>>) target(%dma_start3A_157 : memref<80x64xf32, #tpu.memory_space<hbm>>) target_semaphore(%run_scoped3A : memref<!tpu.dma_semaphore, #tpu.memory_space<semaphore_mem>>)
          %dma_wait3A_158 = arith.constant 0 : i32
          %dma_wait3A_159 = tpu.memref_slice %arg6[%add3A_130, %dma_wait3A_158] : memref<10000x64xf32, #tpu.memory_space<hbm>> -> memref<80x64xf32, #tpu.memory_space<hbm>>
          %dma_wait3A_160 = arith.constant 0 : i32
          %dma_wait3A_161 = tpu.memref_slice %arg6[%add3A_130, %dma_wait3A_160] : memref<10000x64xf32, #tpu.memory_space<hbm>> -> memref<80x64xf32, #tpu.memory_space<hbm>>
          tpu.wait_dma2 semaphore(%run_scoped3A : memref<!tpu.dma_semaphore, #tpu.memory_space<semaphore_mem>>) src(%arg19 : memref<80x64xf32, #tpu.memory_space<vmem>>) dst(%dma_wait3A_161 : memref<80x64xf32, #tpu.memory_space<hbm>>)
          tpu.yield
        }) : () -> ()
      } else {
      }
      %eq3A_149 = arith.constant 1 : i32
      %eq3A_150 = arith.cmpi eq, %arg0, %eq3A_149 : i32
      %convert_element_type3A_151 = arith.extui %eq3A_150 : i1 to i32
      %cond3A_152 = arith.constant 0 : i32
      %cond3A_153 = arith.cmpi ne, %convert_element_type3A_151, %cond3A_152 : i32
      scf.if %cond3A_153 {
        "tpu.region"() ({
          %run_scoped3A = tpu.sem_alloc : memref<!tpu.dma_semaphore, #tpu.memory_space<semaphore_mem>>
          %dma_start3A_154 = arith.constant 0 : i32
          %dma_start3A_155 = tpu.memref_slice %arg7[%add3A_130, %dma_start3A_154] : memref<10000x64xf32, #tpu.memory_space<hbm>> -> memref<80x64xf32, #tpu.memory_space<hbm>>
          %dma_start3A_156 = arith.constant 0 : i32
          %dma_start3A_157 = tpu.memref_slice %arg7[%add3A_130, %dma_start3A_156] : memref<10000x64xf32, #tpu.memory_space<hbm>> -> memref<80x64xf32, #tpu.memory_space<hbm>>
          tpu.enqueue_dma source(%arg19 : memref<80x64xf32, #tpu.memory_space<vmem>>) target(%dma_start3A_157 : memref<80x64xf32, #tpu.memory_space<hbm>>) target_semaphore(%run_scoped3A : memref<!tpu.dma_semaphore, #tpu.memory_space<semaphore_mem>>)
          %dma_wait3A_158 = arith.constant 0 : i32
          %dma_wait3A_159 = tpu.memref_slice %arg7[%add3A_130, %dma_wait3A_158] : memref<10000x64xf32, #tpu.memory_space<hbm>> -> memref<80x64xf32, #tpu.memory_space<hbm>>
          %dma_wait3A_160 = arith.constant 0 : i32
          %dma_wait3A_161 = tpu.memref_slice %arg7[%add3A_130, %dma_wait3A_160] : memref<10000x64xf32, #tpu.memory_space<hbm>> -> memref<80x64xf32, #tpu.memory_space<hbm>>
          tpu.wait_dma2 semaphore(%run_scoped3A : memref<!tpu.dma_semaphore, #tpu.memory_space<semaphore_mem>>) src(%arg19 : memref<80x64xf32, #tpu.memory_space<vmem>>) dst(%dma_wait3A_161 : memref<80x64xf32, #tpu.memory_space<hbm>>)
          tpu.yield
        }) : () -> ()
      } else {
      }
    }
    return
  }
}

module attributes {stable_mosaic.version = 14 : i64} {
  func.func @mm(%arg0: i32, %arg1: memref<400x64xf32, #tpu.memory_space<vmem>>, %arg2: memref<400x64xf32, #tpu.memory_space<vmem>>, %arg3: memref<128x40xf32, #tpu.memory_space<vmem>>, %arg4: memref<1x40xf32, #tpu.memory_space<vmem>>, %arg5: memref<400x40xf32, #tpu.memory_space<vmem>>) attributes {dimension_semantics = [#tpu.dimension_semantics<arbitrary>], iteration_bounds = array<i64: 25>, scalar_prefetch = 0 : i64, scratch_operands = 0 : i64, tpu.core_type = #tpu.core_type<tc>, window_params = [{transform_indices = @transform_0, window_bounds = array<i64: 400, 64>}, {transform_indices = @transform_1, window_bounds = array<i64: 400, 64>}, {pipeline_mode = #tpu.pipeline_mode<synchronous>, transform_indices = @transform_2, window_bounds = array<i64: 128, 40>}, {pipeline_mode = #tpu.pipeline_mode<synchronous>, transform_indices = @transform_3, window_bounds = array<i64: 1, 40>}, {transform_indices = @transform_4, window_bounds = array<i64: 400, 40>}]} {
    %get3A = arith.constant 0 : index
    %get3A_0 = arith.constant 0 : index
    %get3A_1 = vector.load %arg3[%get3A, %get3A_0] : memref<128x40xf32, #tpu.memory_space<vmem>>, vector<128x40xf32>
    %get3A_2 = arith.constant 0 : index
    %get3A_3 = arith.constant 0 : index
    %get3A_4 = vector.load %arg1[%get3A_2, %get3A_3] : memref<400x64xf32, #tpu.memory_space<vmem>>, vector<400x64xf32>
    %slice3A = vector.extract_strided_slice %get3A_1 {offsets = [0, 0], sizes = [64, 40], strides = [1, 1]} : vector<128x40xf32> to vector<64x40xf32>
    %dot_general3A = arith.constant dense<0.000000e+00> : vector<400x40xf32>
    %dot_general3A_5 = tpu.matmul %get3A_4, %slice3A, %dot_general3A {dimension_numbers = #tpu.dot_dimension_numbers<[1], [0], [0], [1], [0, 0, 1, 1], [], []>, transpose_lhs_hint = false} : vector<400x64xf32>, vector<64x40xf32>, vector<400x40xf32> -> vector<400x40xf32>
    %get3A_6 = arith.constant 0 : index
    %get3A_7 = arith.constant 0 : index
    %get3A_8 = vector.load %arg2[%get3A_6, %get3A_7] : memref<400x64xf32, #tpu.memory_space<vmem>>, vector<400x64xf32>
    %slice3A_9 = vector.extract_strided_slice %get3A_1 {offsets = [64, 0], sizes = [64, 40], strides = [1, 1]} : vector<128x40xf32> to vector<64x40xf32>
    %dot_general3A_10 = arith.constant dense<0.000000e+00> : vector<400x40xf32>
    %dot_general3A_11 = tpu.matmul %get3A_8, %slice3A_9, %dot_general3A_10 {dimension_numbers = #tpu.dot_dimension_numbers<[1], [0], [0], [1], [0, 0, 1, 1], [], []>, transpose_lhs_hint = false} : vector<400x64xf32>, vector<64x40xf32>, vector<400x40xf32> -> vector<400x40xf32>
    %add3A = arith.addf %dot_general3A_5, %dot_general3A_11 : vector<400x40xf32>
    %get3A_12 = arith.constant 0 : index
    %get3A_13 = arith.constant 0 : index
    %get3A_14 = vector.load %arg4[%get3A_12, %get3A_13] : memref<1x40xf32, #tpu.memory_space<vmem>>, vector<1x40xf32>
    %add3A_15 = vector.broadcast %get3A_14 : vector<1x40xf32> to vector<400x40xf32>
    %add3A_16 = arith.addf %add3A, %add3A_15 : vector<400x40xf32>
    %swap3A = arith.constant 0 : index
    %swap3A_17 = arith.constant 0 : index
    %swap3A_18 = vector.load %arg5[%swap3A, %swap3A_17] : memref<400x40xf32, #tpu.memory_space<vmem>>, vector<400x40xf32>
    tpu.vector_store %arg5[%swap3A, %swap3A_17], %add3A_16 {strides = array<i32>} : memref<400x40xf32, #tpu.memory_space<vmem>>, vector<400x40xf32>,
    return
  }
  func.func @transform_0(%arg0: i32) -> (i32, i32) {
    %c0_i32 = arith.constant 0 : i32
    %c0_i32_0 = arith.constant 0 : i32
    return %arg0, %c0_i32 : i32, i32
  }
  func.func @transform_1(%arg0: i32) -> (i32, i32) {
    %c0_i32 = arith.constant 0 : i32
    %c0_i32_0 = arith.constant 0 : i32
    return %arg0, %c0_i32 : i32, i32
  }
  func.func @transform_2(%arg0: i32) -> (i32, i32) {
    %c0_i32 = arith.constant 0 : i32
    %c0_i32_0 = arith.constant 0 : i32
    %c0_i32_1 = arith.constant 0 : i32
    return %c0_i32, %c0_i32_0 : i32, i32
  }
  func.func @transform_3(%arg0: i32) -> (i32, i32) {
    %c0_i32 = arith.constant 0 : i32
    %c0_i32_0 = arith.constant 0 : i32
    %c0_i32_1 = arith.constant 0 : i32
    return %c0_i32, %c0_i32_0 : i32, i32
  }
  func.func @transform_4(%arg0: i32) -> (i32, i32) {
    %c0_i32 = arith.constant 0 : i32
    %c0_i32_0 = arith.constant 0 : i32
    return %arg0, %c0_i32 : i32, i32
  }
}

</mosaic_0001>

<sc_bundles>
// kernel: kernel.4.cloned.1.call-start
scs
__scs_entry_jumppad:
0x0: {  	(pc) =	sbr.rel $0x88, $3  }
0x1: {  	(tag) =	ssettag $0x0;
	lr =	simm.s32 $0x1  }
0x2: {  	[smem:$0x3F9D] =	sst lr;
	_ =	strace $0xD0000000  }
0x3: {  	_ = 	snop  }
0x4: {  	_ = 	snop  }
0x5: {  	_ = 	snop  }
0x6: {  	_ = 	snop  }
0x7: {  	_ = 	snop  }
__scs_overlays_trampoline_lowered:
0x8: {  	[smem:$0x3FAC] =	sst s0  }
0x9: {  	[smem:$0x3FAD] =	sst s1  }
0xa: {  	[smem:$0x3FAE] =	sst s2  }
0xb: {  	[smem:$0x3FAF] =	sst s3  }
0xc: {  	[smem:$0x3FB0] =	sst s4  }
0xd: {  	[smem:$0x3FB1] =	sst s5  }
0xe: {  	[smem:$0x3FB2] =	sst s6  }
0xf: {  	[smem:$0x3FB3] =	sst s7  }
0x10: {  	[smem:$0x3FB4] =	sst s8  }
0x11: {  	[smem:$0x3FB5] =	sst s9;
	s0 =	simm.s32 @!p0 $0x0  }
0x12: {  	s1 =	sld [smem:$0x3F9B];
	s0 =	simm.s32 @p0 $0x1  }
0x13: {  	[smem:$0x3FB6] =	sst s0;
	s0 =	simm.s32 @!p1 $0x0  }
0x14: {  	s2 =	sld [smem:$0x3F9A];
	s0 =	simm.s32 @p1 $0x1  }
0x15: {  	[smem:$0x3FB7] =	sst s0;
	s0 =	simm.s32 @!p2 $0x0  }
0x16: {  	s3 =	sld [smem:$0x3FDB];
	s0 =	simm.s32 @p2 $0x1  }
0x17: {  	s4 =	simm.s32 $0x1BF5;
	[smem:$0x3FB9] =	sst s0  }
0x18: {  	s0 =	sld [smem:$0x3F9C];
	_ =	swait.ge [sflag:s4], $0x0  }
0x19: {  	s7 =	sld [smem:$0x3F9D]  }
0x1a: {  	s8 =	sadd.s32 $0xFFFFE003, lr  }
0x1b: {  	s9 =	sadd.s32 $0xFFFFFEF7, lr;
	s5 =	simm.s32 $0xFFFFFFFF;
	p2 =	slt.u32 s8, $0xFFFFF086  }
0x1c: {  	p1 =	slt.u32 s9, $0xF7A;
	s5 =	simm.s32 @!p2 $0x0  }
0x1d: {  	s5 =	simm.s32 @p1 $0x1;
	p0 =	seq.s32 s7, s2  }
0x1e: {  	s7 =	smul.u32 @!p0 $0xF7A, s2;
	p2 =	seq.s32 @!p0 s5, $0x0  }
0x1f: {  	s9 =	smul.u32 $0xF7A, s1;
	s8 =	simm.s32 @!p0 $0x1BF5;
	p2 =	por !p2, p0  }
0x20: {  	[sflag:s8] =	ssyncset.s32 @!p0 $0xFFFFF086;
	s6 =	sadd.s32 @!p0 s3, s7;
	s7 =	simm.s32 @!p0 $0x108  }
0x21: {  	s3 =	sadd.s32 s3, s9;
	s6 =	sadd.s32 @!p0 $0x88, s6;
	s7 =	simm.s32 @p2 $0x1082  }
0x22: {  	[simem:s7], [sflag:s8] =	dma.local @!p0 [hbm:s6], $0xF7A  }
0x23: {  	s9 =	sor.u32 $0xD0000000, s2;
	s6 =	simm.s32 $0x108;
	_ =	swait.ge @!p0 [sflag:s8], $0x0  }
0x24: {  	s3 =	sadd.s32 $0x88, s3;
	s6 =	simm.s32 @!p1 $0x1082;
	[sflag:s4] =	ssyncset.s32 $0xFFFFF086  }
0x25: {  	[simem:s6], [sflag:s4] =	dma.local [hbm:s3], $0xF7A  }
0x26: {  	[smem:$0x3F9D] =	sst s1;
	(tag) =	ssettag s2;
	_ =	strace s9  }
0x27: {  	s1 =	sld [smem:$0x3FAD]  }
0x28: {  	s2 =	sld [smem:$0x3FAE]  }
0x29: {  	s4 =	sld [smem:$0x3FB0]  }
0x2a: {  	p0 =	seq.s32 s5, $0x0;
	s5 =	sld [smem:$0x3FB1]  }
0x2b: {  	s6 =	sld [smem:$0x3FB2]  }
0x2c: {  	s7 =	sld [smem:$0x3FB3]  }
0x2d: {  	s3 =	simm.s32 $0x108;
	s8 =	sld [smem:$0x3FB4]  }
0x2e: {  	s3 =	simm.s32 @!p0 $0x1082;
	s9 =	sld [smem:$0x3FB5]  }
0x2f: {  	lr =	sadd.s32 s0, s3;
	s0 =	sld [smem:$0x3FAC]  }
0x30: {  	s3 =	sld [smem:$0x3FAF]  }
0x31: {  	[smem:$0x3FB8] =	sst s10  }
0x32: {  	s10 =	sld [smem:$0x3FB6];
	_ =	sdelay $0x3  }
0x33: {  	p0 =	seq.s32 s10, $0x1;
	s10 =	sld [smem:$0x3FB8];
	_ =	sdelay $0x3  }
0x34: {  	[smem:$0x3FB8] =	sst s10  }
0x35: {  	s10 =	sld [smem:$0x3FB7];
	_ =	sdelay $0x3  }
0x36: {  	p1 =	seq.s32 s10, $0x1;
	s10 =	sld [smem:$0x3FB8];
	_ =	sdelay $0x3  }
0x37: {  	[smem:$0x3FB8] =	sst s10  }
0x38: {  	s10 =	sld [smem:$0x3FB9]  }
0x39: {  	_ = 	snop;
	(pc) =	sbr.ind lr, $3  }
0x3a: {  	_ = 	snop  }
0x3b: {  	_ = 	snop  }
0x3c: {  	p2 =	seq.s32 s10, $0x1;
	s10 =	sld [smem:$0x3FB8]  }
0x3d: {  	_ =	shalt  }
0x3e: {  	_ =	shalt  }
0x3f: {  	_ =	shalt  }
0x40: {  	_ =	shalt  }
0x41: {  	_ =	shalt  }
0x42: {  	_ =	shalt  }
0x43: {  	_ =	shalt  }
0x44: {  	_ =	shalt  }
0x45: {  	_ =	shalt  }
0x46: {  	_ =	shalt  }
0x47: {  	_ =	shalt  }
0x48: {  	_ =	shalt  }
0x49: {  	_ =	shalt  }
0x4a: {  	_ =	shalt  }
0x4b: {  	_ =	shalt  }
0x4c: {  	_ =	shalt  }
0x4d: {  	_ =	shalt  }
0x4e: {  	_ =	shalt  }
0x4f: {  	_ =	shalt  }
0x50: {  	_ =	shalt  }
0x51: {  	_ =	shalt  }
0x52: {  	_ =	shalt  }
0x53: {  	_ =	shalt  }
0x54: {  	_ =	shalt  }
0x55: {  	_ =	shalt  }
0x56: {  	_ =	shalt  }
0x57: {  	_ =	shalt  }
0x58: {  	_ =	shalt  }
0x59: {  	_ =	shalt  }
0x5a: {  	_ =	shalt  }
0x5b: {  	_ =	shalt  }
0x5c: {  	_ =	shalt  }
0x5d: {  	_ =	shalt  }
0x5e: {  	_ =	shalt  }
0x5f: {  	_ =	shalt  }
0x60: {  	_ =	shalt  }
0x61: {  	_ =	shalt  }
0x62: {  	_ =	shalt  }
0x63: {  	_ =	shalt  }
0x64: {  	_ =	shalt  }
0x65: {  	_ =	shalt  }
0x66: {  	_ =	shalt  }
0x67: {  	_ =	shalt  }
0x68: {  	_ =	shalt  }
0x69: {  	_ =	shalt  }
0x6a: {  	_ =	shalt  }
0x6b: {  	_ =	shalt  }
0x6c: {  	_ =	shalt  }
0x6d: {  	_ =	shalt  }
0x6e: {  	_ =	shalt  }
0x6f: {  	_ =	shalt  }
0x70: {  	_ =	shalt  }
0x71: {  	_ =	shalt  }
0x72: {  	_ =	shalt  }
0x73: {  	_ =	shalt  }
0x74: {  	_ =	shalt  }
0x75: {  	_ =	shalt  }
0x76: {  	_ =	shalt  }
0x77: {  	_ =	shalt  }
0x78: {  	_ =	shalt  }
0x79: {  	_ =	shalt  }
0x7a: {  	_ =	shalt  }
0x7b: {  	_ =	shalt  }
0x7c: {  	_ =	shalt  }
0x7d: {  	_ =	shalt  }
0x7e: {  	_ =	shalt  }
0x7f: {  	_ =	shalt  }
0x80: {  	_ =	shalt  }
0x81: {  	_ =	shalt  }
0x82: {  	_ =	shalt  }
0x83: {  	_ =	shalt  }
0x84: {  	_ =	shalt  }
0x85: {  	_ =	shalt  }
0x86: {  	_ =	shalt  }
0x87: {  	_ =	shalt  }
.Lfunc_end0:
.L_simem_size_0:
called_computation_lowered:
.L_overlay_start_0:
0x88: {  	s2 =	sld [smem:$0x3FD9]  }
0x89: {  	s3 =	sld [smem:$0x3FFE];
	_ =	sdelay $0x1  }
0x8a: {  	s1 =	srdreg.scid  }
0x8b: {  	s0 =	sand.u32 $0x1, s1  }
0x8c: {  	s17 =	sshll.u32 s0, $0xA;
	s2 =	sadd.s32 s3, s2  }
0x8d: {  	s2 =	sadd.s32 s2, s17  }
0x8e: {  	[smem:$0x3FC4] =	sst s2  }
0x8f: {  	_ = 	snop  }
0x90: {  	s2 =	sld [smem:$0x3FD0];
	(tm) =	ssettm $0x1  }
0x91: {  	s18 =	sld [smem:$0x3FFB];
	_ =	sdelay $0x3  }
0x92: {  	_ =	strace s18  }
0x93: {  	s3 =	sld [smem:$0x3FFC];
	_ =	sdelay $0x3  }
0x94: {  	_ =	strace s3  }
0x95: {  	s3 =	sld [smem:$0x3FFD];
	_ =	sdelay $0x3  }
0x96: {  	_ =	strace s3  }
0x97: {  	_ =	strace $0x8FFFFFFF  }
0x98: {  	s19 =	sld [smem:$0x3FDB];
	_ =	sdelay $0x1  }
0x99: {  	s4 =	simm.s32 $_scs_section_size  }
0x9a: {  	s5 =	simm.s32 $_size__tile_overlayer_lowered;
	s6 =	simm.s32 $_tile_overlayer_lowered  }
0x9b: {  	s22 =	simm.s32 $0x1BFF;
	s21 =	sshll.u32 s6, $0x1;
	s3 =	sadd.s32 s4, s19  }
0x9c: {  	s7 =	simm.s32 $0x0;
	s20 =	sshll.u32 s5, $0x1;
	s5 =	sadd.s32 s21, s3  }
0x9d: {  	[timem:s7], [sflag:s22] =	dma.local [hbm:s5], s20  }
0x9e: {  	_ =	swait.ge [sflag:s22], s20  }
0x9f: {  	s4 =	ssub.s32 $0x0, s20;
	[sflag:s22] =	ssyncset.done $0x0  }
0xa0: {  	[sflag:s22] =	ssyncadd.s32 s4;
	_ =	sdelay $0x1  }
0xa1: {  	s23 =	simm.s32 $0x1B8B  }
0xa2: {  	_ =	swait.ge [sflag:s23], $0x1  }
0xa3: {  	[sflag:s23] =	ssyncset.done $0x0  }
0xa4: {  	s25 =	simm.s32 $0x1B8E;
	s24 =	sld [smem:$0x3FFE];
	[sflag:s23] =	ssyncadd.s32 $0xFFFFFFFF  }
0xa5: {  	s26 =	simm.s32 $execute0_lowered;
	[smem:$0x3FD2] =	sst s25  }
0xa6: {  	s5 =	sshll.u32 s26, $0x1;
	_ =	strace $0x80000046;
	[dreg:$0x1] =	wrdreg $0xFFFFFFFF  }
0xa7: {  	s28 =	simm.s32 $_size_execute0_lowered;
	s3 =	sadd.s32 s3, s5;
	[dreg:$0x0] =	wrdreg $0x0  }
0xa8: {  	s5 =	sshll.u32 s28, $0x1;
	[dreg:$0x2] =	wrdreg s3  }
0xa9: {  	[dreg:$0x3] =	wrdreg s5  }
0xaa: {  	[dreg:$0x4] =	wrdreg $0xC0  }
0xab: {  	_ =	task [dreg:s7], $0x5FFFF  }
0xac: {  	[dreg:$0x1] =	wrdreg $0xFFFFFFFF  }
0xad: {  	[dreg:$0x0] =	wrdreg $0x60  }
0xae: {  	[dreg:$0x2] =	wrdreg s24  }
0xaf: {  	[dreg:$0x3] =	wrdreg s2  }
0xb0: {  	[dreg:$0x4] =	wrdreg $0x13B000  }
0xb1: {  	[dreg:$0x5] =	wrdreg $0x9D800  }
0xb2: {  	[dreg:$0x6] =	wrdreg $0x0  }
0xb3: {  	[dreg:$0x7] =	wrdreg $0x9  }
0xb4: {  	_ =	task.clear_ibuf [dreg:s7], $0x8FFFF;
	_ =	strace $0x90000046  }
0xb5: {  	s29 =	simm.s32 $0x9;
	_ =	strace $0x80000048  }
0xb6: {  	_ =	swait.ge [sflag:s29], $0x1  }
0xb7: {  	[sflag:s29] =	ssyncadd.s32 $0xFFFFFFFF  }
0xb8: {  	_ =	strace $0x90000048  }
0xb9: {  	_ =	sfence  }
0xba: {  	s30 =	sld [smem:$0x0];
	_ =	sdelay $0x2  }
0xbb: {  	s31 =	sshll.u32 s1, $0xD;
	s1 =	sshrl.u32 s1, $0x2  }
0xbc: {  	s3 =	sand.u32 $0x4000, s31;
	s1 =	sadd.s32 s1, s30  }
0xbd: {  	s0 =	sor.u32 s3, s0;
	s1 =	sshll.u32 s1, $0x11  }
0xbe: {  	s0 =	sor.u32 s1, s0  }
0xbf: {  	s0 =	sadd.s32 $0x8F2B, s0  }
0xc0: {  	[sflag:s0] =	ssyncadd.remote.s32 $0x1  }
0xc1: {  	_ =	sfence.sel $0xFFFF  }
0xc2: {  	[dreg:$0x0] =	wrdreg $0xFFFFFFFF;
	(pc) =	sbr.abs _section_cstart, $3  }
0xc3: {  	[dreg:$0x1] =	wrdreg $0xFFFFFFFF  }
0xc4: {  	_ =	task.clear_ibuf [dreg:s7], $0x2FFFF;
	_ =	strace $0x9FFFFFFF  }
0xc5: {  	(tm) =	ssettm $0x7FFFFFFF  }
tec
execute0_lowered:
.L_overlay_start_1:
0x0: {  	(tag) =	ssettag $0x1  }
0x1: {  	s0 =	rddreg [dreg:$0x0]  }
0x2: {  	s5 =	rddreg [dreg:$0x1]  }
0x3: {  	s1 =	rddreg [dreg:$0x2]  }
0x4: {  	s2 =	rddreg [dreg:$0x3]  }
0x5: {  	s3 =	rddreg [dreg:$0x4]  }
0x6: {  	s4 =	simm.s32 $0x0;
	s6 =	srdreg.scid;
	s13 =	stileid.u32  }
0x7: {  	s30 =	simm.s32 $0x14580;
	s28 =	simm.s32 $0x14600;
	s29 =	simm.s32 $0x14680  }
0x8: {  	s18 =	simm.s32 $0x14980;
	s24 =	simm.s32 $0x17D80;
	s17 =	simm.s32 $0x1  }
0x9: {  	[smem:$0x7FF] =	sst s4;
	s9 =	sadd.s32 $0x14400, s0;
	s15 =	sadd.s32 $0xA00, s0  }
0xa: {  	s6 =	sand.u32 $0x1, s6;
	s10 =	sadd.s32 $0x27E00, s0;
	s16 =	smul.u32 $0x280, s13  }
0xb: {  	s7 =	sadd.s32 $0x45800, s0;
	s8 =	sadd.s32 $0x31E00, s0;
	s14 =	smul.u32 $0xA00, s13  }
0xc: {  	s20 =	sshll.u32 s13, $0x3;
	s22 =	smul.u32 $0x28000, s13;
	_ =	strace $0x80000047  }
0xd: {  	s11 =	ssub.s32 $0x2, s6;
	s12 =	sxor.u32 $0x7D, s20;
	p0 =	seq.s32 s6, $0x0  }
0xe: {  	p1 =	sne.s32 s6, $0x0;
	s6 =	simm.s32 $0x3;
	[dreg:$0x11] =	wrdreg s7  }
0xf: {  	[dreg:$0x12] =	wrdreg s8;
	s19 =	sshrl.u32 s11, $0x1;
	s12 =	smin.u32 s12, $0x8  }
0x10: {  	[dreg:$0x7] =	wrdreg s16;
	s21 =	sor.u32 $0x100, s14;
	s23 =	sadd.s32 s5, s14  }
0x11: {  	s14 =	sadd.s32 s10, s14;
	s26 =	sshrl.u32 s22, $0x2;
	s15 =	smov.u32 @p0 s9  }
0x12: {  	s22 =	simm.s32 $0xC;
	s0 =	ssub.s32 s11, s19;
	[dreg:$0x8] =	wrdreg s12  }
0x13: {  	s11 =	sxor.u32 $0x7E, s20;
	s19 =	sadd.s32 s16, s1;
	[dreg:$0x6] =	wrdreg s15  }
0x14: {  	s5 =	sadd.s32 s5, s21;
	s25 =	sadd.s32 s10, s21;
	[dreg:$0x13] =	wrdreg s23  }
0x15: {  	s31 =	sadd.s32 s26, s2;
	s12 =	simm.s32 $0x1D980;
	[dreg:$0xb] =	wrdreg s5  }
0x16: {  	s21 =	simm.s32 $0x15D80;
	s20 =	simm.s32 $0x9;
	[dreg:$0xc] =	wrdreg s25  }
0x17: {  	s15 =	simm.s32 $0xB;
	s10 =	simm.s32 $0x0;
	[dreg:$0xf] =	wrdreg s31  }
0x18: {  	s11 =	smin.u32 s11, $0x8;
	s0 =	smax.u32 s0, $0x1;
	[dreg:$0xa] =	wrdreg s19  }
0x19: {  	s5 =	smov.u32 s8;
	s25 =	simm.s32 $0x80;
	[dreg:$0x9] =	wrdreg s11  }
0x1a: {  	[dreg:$0xd] =	wrdreg s0;
	s5 =	smov.u32 @p0 s7;
	s0 =	sadd.s32 s26, s3  }
0x1b: {  	s26 =	simm.s32 $0x1ED80;
	s11 =	simm.s32 $0x4;
	[dreg:$0xe] =	wrdreg s5  }
0x1c: {  	v0 =	vimm.f32 $0.0e+00;
	v1 =	vimm.f32 $1.000000000e+00;
	[dreg:$0x10] =	wrdreg s0;
	s0 =	simm.s32 $0x2;
	s5 =	simm.s32 $0xA  }
.LBB2_1:
0x1d: {  	[dreg:$0x14] =	wrdreg s10;
	s10 =	simm.s32 $0x100;
	s9 =	simm.s32 $0x0  }
.LBB2_2:
0x1e: {  	p2 =	sne.s32 s10, $0x4F00;
	[tilespmem:s9+$0x1D9B0] =	vst v0;
	s16 =	smov.u32 s10;
	s10 =	sadd.s32 $0x100, s10  }
.Ltmp0:
0x1f: {  	[tilespmem:s9+$0x1D9A0] =	vst v0;
	(pc) =	sbr.rel @p2 .LBB2_2-.Ltmp0, $3  }
0x20: {  	[tilespmem:s9+$0x1D980] =	vst v0  }
0x21: {  	[tilespmem:s9+$0x1D990] =	vst v0;
	_ =	sdelay $0x1  }
0x22: {  	s9 =	sshra.s32 s16, $0x2  }
0x23: {  	[tilespmem:s9+$0x1D9B0] =	vst v0  }
0x24: {  	[tilespmem:s9+$0x1D9A0] =	vst v0  }
0x25: {  	[tilespmem:s9+$0x1D980] =	vst v0  }
0x26: {  	[tilespmem:s9+$0x1D990] =	vst v0  }
0x27: {  	[tilespmem:$0x1ED80] =	vst v1  }
0x28: {  	[tilespmem:$0x1ED90] =	vst v1  }
0x29: {  	[tilespmem:$0x1EDA0] =	vst v1  }
0x2a: {  	[tilespmem:$0x1EDB0] =	vst v1  }
0x2b: {  	[tilespmem:$0x1EDC0] =	vst v1  }
0x2c: {  	[tilespmem:$0x1EDD0] =	vst v1  }
0x2d: {  	[tilespmem:$0x1EDE0] =	vst v1  }
0x2e: {  	[tilespmem:$0x1EDF0] =	vst v1  }
0x2f: {  	[tilespmem:$0x1F830] =	vst v0  }
0x30: {  	[tilespmem:$0x1F840] =	vst v0  }
0x31: {  	[tilespmem:$0x1F850] =	vst v0  }
0x32: {  	[tilespmem:$0x1F860] =	vst v0  }
0x33: {  	[tilespmem:$0x1F870] =	vst v0  }
0x34: {  	[tilespmem:$0x1F880] =	vst v0  }
0x35: {  	[tilespmem:$0x1F890] =	vst v0  }
0x36: {  	[tilespmem:$0x1F8A0] =	vst v0  }
0x37: {  	[tilespmem:$0x1F8B0] =	vst v0  }
0x38: {  	[tilespmem:$0x1F8C0] =	vst v0  }
0x39: {  	[tilespmem:$0x1F8D0] =	vst v0  }
0x3a: {  	[tilespmem:$0x1F8E0] =	vst v0  }
0x3b: {  	[tilespmem:$0x1F8F0] =	vst v0  }
0x3c: {  	[tilespmem:$0x1F900] =	vst v0  }
0x3d: {  	[tilespmem:$0x1F910] =	vst v0  }
0x3e: {  	[tilespmem:$0x1F920] =	vst v0  }
0x3f: {  	[tilespmem:$0x1F930] =	vst v0  }
0x40: {  	[tilespmem:$0x1F940] =	vst v0  }
0x41: {  	[tilespmem:$0x1F950] =	vst v0  }
0x42: {  	[tilespmem:$0x1F960] =	vst v0  }
0x43: {  	[tilespmem:$0x1F970] =	vst v0  }
0x44: {  	[tilespmem:$0x1F980] =	vst v0  }
0x45: {  	[tilespmem:$0x1F990] =	vst v0  }
0x46: {  	[tilespmem:$0x1F9A0] =	vst v0  }
0x47: {  	[tilespmem:$0x1F9B0] =	vst v0  }
0x48: {  	[tilespmem:$0x1F9C0] =	vst v0  }
0x49: {  	[tilespmem:$0x1F9D0] =	vst v0  }
0x4a: {  	[tilespmem:$0x1F9E0] =	vst v0  }
0x4b: {  	[tilespmem:$0x1F9F0] =	vst v0  }
0x4c: {  	[tilespmem:$0x1FA00] =	vst v0  }
0x4d: {  	[tilespmem:$0x1FA10] =	vst v0  }
0x4e: {  	[tilespmem:$0x1FA20] =	vst v0  }
0x4f: {  	[tilespmem:$0x1FA30] =	vst v0  }
0x50: {  	[tilespmem:$0x1FA40] =	vst v0  }
0x51: {  	[tilespmem:$0x1FA50] =	vst v0  }
0x52: {  	[tilespmem:$0x1FA60] =	vst v0  }
0x53: {  	[tilespmem:$0x1FA70] =	vst v0  }
0x54: {  	[tilespmem:$0x1FA80] =	vst v0  }
0x55: {  	[tilespmem:$0x1FA90] =	vst v0  }
0x56: {  	s23 =	simm.s32 $0x1F830;
	[tilespmem:$0x1FAA0] =	vst v0  }
0x57: {  	[spmem:s19] =	stream.linear.scatter [tilespmem:s23], [sflag:$0xC], $0x280, $0x38;
	[tilespmem:$0x1FAB0] =	vst v63  }
0x58: {  	_ =	swait.ge [sflag:s22], $0x280  }
0x59: {  	[sflag:s22] =	ssyncset.done $0x0  }
0x5a: {  	s10 =	rddreg [dreg:$0xf];
	[sflag:s22] =	ssyncadd.s32 $0xFFFFFD80  }
0x5b: {  	[spmem:s10] =	stream.linear.scatter [tilespmem:s12], [sflag:$0xC], $0x1400, $0x38;
	[tilespmem:$0x1FAB0] =	vst v63  }
0x5c: {  	_ =	swait.ge [sflag:s22], $0x1400  }
0x5d: {  	s31 =	rddreg [dreg:$0x9]  }
0x5e: {  	p2 =	sne.s32 s31, $0x1  }
.Ltmp1:
0x5f: {  	[sflag:s22] =	ssyncset.done $0x0;
	(pc) =	sbr.rel @!p2 .LBB2_5-.Ltmp1, $4  }
0x60: {  	s16 =	rddreg [dreg:$0x10];
	[sflag:s22] =	ssyncadd.s32 $0xFFFFEC00  }
0x61: {  	[spmem:s16] =	stream.linear.scatter [tilespmem:s12], [sflag:$0xC], $0x1400, $0x38;
	[tilespmem:$0x1FAB0] =	vst v63  }
0x62: {  	_ =	swait.ge [sflag:s22], $0x1400  }
0x63: {  	s9 =	sadd.s32 $0xFFFFFFFF, s31;
	[sflag:s22] =	ssyncset.done $0x0  }
.LBB2_4:
0x64: {  	[sflag:s22] =	ssyncadd.s32 $0xFFFFEC00;
	s10 =	sadd.s32 $0x1400, s10;
	s16 =	sadd.s32 $0x1400, s16  }
0x65: {  	[spmem:s10] =	stream.linear.scatter [tilespmem:s12], [sflag:$0xC], $0x1400, $0x38;
	[tilespmem:$0x1FAB0] =	vst v63  }
0x66: {  	p2 =	sne.s32 s9, $0x1;
	s9 =	sadd.s32 $0xFFFFFFFF, s9;
	_ =	swait.ge [sflag:s22], $0x1400  }
.Ltmp2:
0x67: {  	[sflag:s22] =	ssyncset.done $0x0;
	(pc) =	sbr.rel @p2 .LBB2_4-.Ltmp2, $4  }
0x68: {  	[sflag:s22] =	ssyncadd.s32 $0xFFFFEC00  }
0x69: {  	[spmem:s16] =	stream.linear.scatter [tilespmem:s12], [sflag:$0xC], $0x1400, $0x38;
	[tilespmem:$0x1FAB0] =	vst v63  }
0x6a: {  	_ =	swait.ge [sflag:s22], $0x1400  }
0x6b: {  	[sflag:s22] =	ssyncset.done $0x0  }
.LBB2_5:
0x6c: {  	[sflag:s22] =	ssyncadd.s32 $0xFFFFEC00  }
0x6d: {  	s9 =	sadd.s32 $0x0, s14;
	[bflag:$0x0] =	sbarrier.arrive $0xFFFF  }
0x6e: {  	[tilespmem:s30], [sflag:$0xC] =	stream.linear.gather [hbm4b:s9+s4], $0x800, $0x38;
	[tilespmem:$0x1FAB0] =	vst v63  }
0x6f: {  	_ =	swait.ge [sflag:s22], $0x800  }
0x70: {  	[sflag:s22] =	ssyncset.done $0x0  }
0x71: {  	[sflag:s22] =	ssyncadd.s32 $0xFFFFF800  }
0x72: {  	[spmem:s1] =	stream.indirect.scatter.add.f32 [tilespmem:s26], [sflag:$0xC], $0x1, s30, s25, $0xb8;
	[tilespmem:$0x1FAB0] =	vst v63  }
0x73: {  	_ =	swait.ge [sflag:s22], $0x80  }
0x74: {  	[sflag:s22] =	ssyncset.done $0x0  }
0x75: {  	[sflag:s22] =	ssyncadd.s32 $0xFFFFFF80  }
0x76: {  	[spmem:s1] =	stream.indirect.scatter.add.f32 [tilespmem:s26], [sflag:$0xC], $0x1, s28, s25, $0xb8;
	[tilespmem:$0x1FAB0] =	vst v63  }
0x77: {  	_ =	swait.ge [sflag:s22], $0x80  }
0x78: {  	[sflag:s22] =	ssyncset.done $0x0  }
0x79: {  	[sflag:s22] =	ssyncadd.s32 $0xFFFFFF80  }
0x7a: {  	[spmem:s1] =	stream.indirect.scatter.add.f32 [tilespmem:s26], [sflag:$0xC], $0x1, s29, s25, $0xb8;
	[tilespmem:$0x1FAB0] =	vst v63  }
0x7b: {  	_ =	swait.ge [sflag:s22], $0x80  }
0x7c: {  	[sflag:s22] =	ssyncset.done $0x0  }
0x7d: {  	s9 =	simm.s32 $0x14700;
	[sflag:s22] =	ssyncadd.s32 $0xFFFFFF80  }
0x7e: {  	[spmem:s1] =	stream.indirect.scatter.add.f32 [tilespmem:s26], [sflag:$0xC], $0x1, s9, s25, $0xb8;
	[tilespmem:$0x1FAB0] =	vst v63  }
0x7f: {  	_ =	swait.ge [sflag:s22], $0x80  }
0x80: {  	[sflag:s22] =	ssyncset.done $0x0  }
0x81: {  	s10 =	simm.s32 $0x14780;
	[sflag:s22] =	ssyncadd.s32 $0xFFFFFF80  }
0x82: {  	[spmem:s1] =	stream.indirect.scatter.add.f32 [tilespmem:s26], [sflag:$0xC], $0x1, s10, s25, $0xb8;
	[tilespmem:$0x1FAB0] =	vst v63  }
0x83: {  	_ =	swait.ge [sflag:s22], $0x80  }
0x84: {  	[sflag:s22] =	ssyncset.done $0x0  }
0x85: {  	s12 =	simm.s32 $0x14800;
	[sflag:s22] =	ssyncadd.s32 $0xFFFFFF80  }
0x86: {  	[spmem:s1] =	stream.indirect.scatter.add.f32 [tilespmem:s26], [sflag:$0xC], $0x1, s12, s25, $0xb8;
	[tilespmem:$0x1FAB0] =	vst v63  }
0x87: {  	_ =	swait.ge [sflag:s22], $0x80  }
0x88: {  	[sflag:s22] =	ssyncset.done $0x0  }
0x89: {  	s16 =	simm.s32 $0x14880;
	[sflag:s22] =	ssyncadd.s32 $0xFFFFFF80  }
0x8a: {  	[spmem:s1] =	stream.indirect.scatter.add.f32 [tilespmem:s26], [sflag:$0xC], $0x1, s16, s25, $0xb8;
	[tilespmem:$0x1FAB0] =	vst v63  }
0x8b: {  	_ =	swait.ge [sflag:s22], $0x80  }
0x8c: {  	[sflag:s22] =	ssyncset.done $0x0  }
0x8d: {  	s19 =	simm.s32 $0x14900;
	[sflag:s22] =	ssyncadd.s32 $0xFFFFFF80  }
0x8e: {  	[spmem:s1] =	stream.indirect.scatter.add.f32 [tilespmem:s26], [sflag:$0xC], $0x1, s19, s25, $0xb8;
	[tilespmem:$0x1FAB0] =	vst v63  }
0x8f: {  	_ =	swait.ge [sflag:s22], $0x80  }
0x90: {  	[sflag:s22] =	ssyncset.done $0x0  }
0x91: {  	[sflag:s22] =	ssyncadd.s32 $0xFFFFFF80  }
0x92: {  	[spmem:s1] =	stream.indirect.scatter.add.f32 [tilespmem:s26], [sflag:$0xC], $0x1, s18, s25, $0xb8;
	[tilespmem:$0x1FAB0] =	vst v63  }
0x93: {  	_ =	swait.ge [sflag:s22], $0x80  }
0x94: {  	[sflag:s22] =	ssyncset.done $0x0  }
0x95: {  	s9 =	simm.s32 $0x14A00;
	[sflag:s22] =	ssyncadd.s32 $0xFFFFFF80  }
0x96: {  	[spmem:s1] =	stream.indirect.scatter.add.f32 [tilespmem:s26], [sflag:$0xC], $0x1, s9, s25, $0xb8;
	[tilespmem:$0x1FAB0] =	vst v63  }
0x97: {  	_ =	swait.ge [sflag:s22], $0x80  }
0x98: {  	[sflag:s22] =	ssyncset.done $0x0  }
0x99: {  	s10 =	simm.s32 $0x14A80;
	[sflag:s22] =	ssyncadd.s32 $0xFFFFFF80  }
0x9a: {  	[spmem:s1] =	stream.indirect.scatter.add.f32 [tilespmem:s26], [sflag:$0xC], $0x1, s10, s25, $0xb8;
	[tilespmem:$0x1FAB0] =	vst v63  }
0x9b: {  	_ =	swait.ge [sflag:s22], $0x80  }
0x9c: {  	[sflag:s22] =	ssyncset.done $0x0  }
0x9d: {  	s16 =	simm.s32 $0x14B00;
	[sflag:s22] =	ssyncadd.s32 $0xFFFFFF80  }
0x9e: {  	[spmem:s1] =	stream.indirect.scatter.add.f32 [tilespmem:s26], [sflag:$0xC], $0x1, s16, s25, $0xb8;
	[tilespmem:$0x1FAB0] =	vst v63  }
0x9f: {  	_ =	swait.ge [sflag:s22], $0x80  }
0xa0: {  	[sflag:s22] =	ssyncset.done $0x0  }
0xa1: {  	s18 =	simm.s32 $0x14B80;
	[sflag:s22] =	ssyncadd.s32 $0xFFFFFF80  }
0xa2: {  	[spmem:s1] =	stream.indirect.scatter.add.f32 [tilespmem:s26], [sflag:$0xC], $0x1, s18, s25, $0xb8;
	[tilespmem:$0x1FAB0] =	vst v63  }
0xa3: {  	_ =	swait.ge [sflag:s22], $0x80  }
0xa4: {  	[sflag:s22] =	ssyncset.done $0x0  }
0xa5: {  	s10 =	simm.s32 $0x14C00;
	[sflag:s22] =	ssyncadd.s32 $0xFFFFFF80  }
0xa6: {  	[spmem:s1] =	stream.indirect.scatter.add.f32 [tilespmem:s26], [sflag:$0xC], $0x1, s10, s25, $0xb8;
	[tilespmem:$0x1FAB0] =	vst v63  }
0xa7: {  	_ =	swait.ge [sflag:s22], $0x80  }
0xa8: {  	[sflag:s22] =	ssyncset.done $0x0  }
0xa9: {  	s13 =	simm.s32 $0x14700;
	s16 =	simm.s32 $0x14C80;
	[sflag:s22] =	ssyncadd.s32 $0xFFFFFF80  }
0xaa: {  	[spmem:s1] =	stream.indirect.scatter.add.f32 [tilespmem:s26], [sflag:$0xC], $0x1, s16, s25, $0xb8;
	[tilespmem:$0x1FAB0] =	vst v63  }
0xab: {  	s31 =	simm.s32 $0x14780;
	s23 =	simm.s32 $0x14880;
	_ =	swait.ge [sflag:s22], $0x80  }
0xac: {  	s7 =	simm.s32 $0x0;
	s8 =	simm.s32 $0x14900;
	[sflag:s22] =	ssyncset.done $0x0  }
0xad: {  	s4 =	simm.s32 $0x14B00;
	s18 =	simm.s32 $0x14D00;
	[sflag:s22] =	ssyncadd.s32 $0xFFFFFF80  }
0xae: {  	[spmem:s1] =	stream.indirect.scatter.add.f32 [tilespmem:s26], [sflag:$0xC], $0x1, s18, s25, $0xb8;
	[tilespmem:$0x1FAB0] =	vst v63  }
0xaf: {  	s12 =	simm.s32 $0x14A00;
	s19 =	simm.s32 $0x14A80;
	_ =	swait.ge [sflag:s22], $0x80  }
0xb0: {  	s9 =	simm.s32 $0x100;
	s16 =	simm.s32 $0x200;
	[sflag:s22] =	ssyncset.done $0x0  }
.LBB2_6:
0xb1: {  	s18 =	sadd.s32 s9, s14  }
0xb2: {  	[sflag:s22] =	ssyncadd.s32 $0xFFFFFF80;
	s9 =	smov.u32 s16;
	s10 =	sadd.s32 $0x100, s16  }
0xb3: {  	[tilespmem:s30], [sflag:$0xC] =	stream.linear.gather [hbm4b:s18+s7], $0x800, $0x38;
	[tilespmem:$0x1FAB0] =	vst v63  }
0xb4: {  	s18 =	simm.s32 $0x14980  }
0xb5: {  	p2 =	sne.s32 s16, $0x900;
	_ =	swait.ge [sflag:s22], $0x800  }
0xb6: {  	[sflag:s22] =	ssyncset.done $0x0  }
0xb7: {  	[sflag:s22] =	ssyncadd.s32 $0xFFFFF800  }
0xb8: {  	[spmem:s1] =	stream.indirect.scatter.add.f32 [tilespmem:s26], [sflag:$0xC], $0x1, s30, s25, $0xb8;
	[tilespmem:$0x1FAB0] =	vst v63  }
0xb9: {  	_ =	swait.ge [sflag:s22], $0x80  }
0xba: {  	[sflag:s22] =	ssyncset.done $0x0  }
0xbb: {  	[sflag:s22] =	ssyncadd.s32 $0xFFFFFF80  }
0xbc: {  	[spmem:s1] =	stream.indirect.scatter.add.f32 [tilespmem:s26], [sflag:$0xC], $0x1, s28, s25, $0xb8;
	[tilespmem:$0x1FAB0] =	vst v63  }
0xbd: {  	_ =	swait.ge [sflag:s22], $0x80  }
0xbe: {  	[sflag:s22] =	ssyncset.done $0x0  }
0xbf: {  	[sflag:s22] =	ssyncadd.s32 $0xFFFFFF80  }
0xc0: {  	[spmem:s1] =	stream.indirect.scatter.add.f32 [tilespmem:s26], [sflag:$0xC], $0x1, s29, s25, $0xb8;
	[tilespmem:$0x1FAB0] =	vst v63  }
0xc1: {  	_ =	swait.ge [sflag:s22], $0x80  }
0xc2: {  	[sflag:s22] =	ssyncset.done $0x0  }
0xc3: {  	[sflag:s22] =	ssyncadd.s32 $0xFFFFFF80  }
0xc4: {  	[spmem:s1] =	stream.indirect.scatter.add.f32 [tilespmem:s26], [sflag:$0xC], $0x1, s13, s25, $0xb8;
	[tilespmem:$0x1FAB0] =	vst v63  }
0xc5: {  	_ =	swait.ge [sflag:s22], $0x80  }
0xc6: {  	[sflag:s22] =	ssyncset.done $0x0  }
0xc7: {  	[sflag:s22] =	ssyncadd.s32 $0xFFFFFF80  }
0xc8: {  	[spmem:s1] =	stream.indirect.scatter.add.f32 [tilespmem:s26], [sflag:$0xC], $0x1, s31, s25, $0xb8;
	[tilespmem:$0x1FAB0] =	vst v63  }
0xc9: {  	_ =	swait.ge [sflag:s22], $0x80  }
0xca: {  	[sflag:s22] =	ssyncset.done $0x0  }
0xcb: {  	s16 =	simm.s32 $0x14800;
	[sflag:s22] =	ssyncadd.s32 $0xFFFFFF80  }
0xcc: {  	[spmem:s1] =	stream.indirect.scatter.add.f32 [tilespmem:s26], [sflag:$0xC], $0x1, s16, s25, $0xb8;
	[tilespmem:$0x1FAB0] =	vst v63  }
0xcd: {  	_ =	swait.ge [sflag:s22], $0x80  }
0xce: {  	[sflag:s22] =	ssyncset.done $0x0  }
0xcf: {  	[sflag:s22] =	ssyncadd.s32 $0xFFFFFF80  }
0xd0: {  	[spmem:s1] =	stream.indirect.scatter.add.f32 [tilespmem:s26], [sflag:$0xC], $0x1, s23, s25, $0xb8;
	[tilespmem:$0x1FAB0] =	vst v63  }
0xd1: {  	_ =	swait.ge [sflag:s22], $0x80  }
0xd2: {  	[sflag:s22] =	ssyncset.done $0x0  }
0xd3: {  	[sflag:s22] =	ssyncadd.s32 $0xFFFFFF80  }
0xd4: {  	[spmem:s1] =	stream.indirect.scatter.add.f32 [tilespmem:s26], [sflag:$0xC], $0x1, s8, s25, $0xb8;
	[tilespmem:$0x1FAB0] =	vst v63  }
0xd5: {  	_ =	swait.ge [sflag:s22], $0x80  }
0xd6: {  	[sflag:s22] =	ssyncset.done $0x0  }
0xd7: {  	[sflag:s22] =	ssyncadd.s32 $0xFFFFFF80  }
0xd8: {  	[spmem:s1] =	stream.indirect.scatter.add.f32 [tilespmem:s26], [sflag:$0xC], $0x1, s18, s25, $0xb8;
	[tilespmem:$0x1FAB0] =	vst v63  }
0xd9: {  	_ =	swait.ge [sflag:s22], $0x80  }
0xda: {  	[sflag:s22] =	ssyncset.done $0x0  }
0xdb: {  	[sflag:s22] =	ssyncadd.s32 $0xFFFFFF80  }
0xdc: {  	[spmem:s1] =	stream.indirect.scatter.add.f32 [tilespmem:s26], [sflag:$0xC], $0x1, s12, s25, $0xb8;
	[tilespmem:$0x1FAB0] =	vst v63  }
0xdd: {  	_ =	swait.ge [sflag:s22], $0x80  }
0xde: {  	[sflag:s22] =	ssyncset.done $0x0  }
0xdf: {  	[sflag:s22] =	ssyncadd.s32 $0xFFFFFF80  }
0xe0: {  	[spmem:s1] =	stream.indirect.scatter.add.f32 [tilespmem:s26], [sflag:$0xC], $0x1, s19, s25, $0xb8;
	[tilespmem:$0x1FAB0] =	vst v63  }
0xe1: {  	_ =	swait.ge [sflag:s22], $0x80  }
0xe2: {  	[sflag:s22] =	ssyncset.done $0x0  }
0xe3: {  	[sflag:s22] =	ssyncadd.s32 $0xFFFFFF80  }
0xe4: {  	[spmem:s1] =	stream.indirect.scatter.add.f32 [tilespmem:s26], [sflag:$0xC], $0x1, s4, s25, $0xb8;
	[tilespmem:$0x1FAB0] =	vst v63  }
0xe5: {  	_ =	swait.ge [sflag:s22], $0x80  }
0xe6: {  	[sflag:s22] =	ssyncset.done $0x0  }
0xe7: {  	s16 =	simm.s32 $0x14B80;
	[sflag:s22] =	ssyncadd.s32 $0xFFFFFF80  }
0xe8: {  	[spmem:s1] =	stream.indirect.scatter.add.f32 [tilespmem:s26], [sflag:$0xC], $0x1, s16, s25, $0xb8;
	[tilespmem:$0x1FAB0] =	vst v63  }
0xe9: {  	_ =	swait.ge [sflag:s22], $0x80  }
0xea: {  	[sflag:s22] =	ssyncset.done $0x0  }
0xeb: {  	s16 =	simm.s32 $0x14C00;
	[sflag:s22] =	ssyncadd.s32 $0xFFFFFF80  }
0xec: {  	[spmem:s1] =	stream.indirect.scatter.add.f32 [tilespmem:s26], [sflag:$0xC], $0x1, s16, s25, $0xb8;
	[tilespmem:$0x1FAB0] =	vst v63  }
0xed: {  	_ =	swait.ge [sflag:s22], $0x80  }
0xee: {  	[sflag:s22] =	ssyncset.done $0x0  }
0xef: {  	s16 =	simm.s32 $0x14C80;
	[sflag:s22] =	ssyncadd.s32 $0xFFFFFF80  }
0xf0: {  	[spmem:s1] =	stream.indirect.scatter.add.f32 [tilespmem:s26], [sflag:$0xC], $0x1, s16, s25, $0xb8;
	[tilespmem:$0x1FAB0] =	vst v63  }
0xf1: {  	_ =	swait.ge [sflag:s22], $0x80  }
.Ltmp3:
0xf2: {  	[sflag:s22] =	ssyncset.done $0x0;
	(pc) =	sbr.rel @p2 .LBB2_6-.Ltmp3, $4  }
0xf3: {  	s16 =	simm.s32 $0x14D00;
	[sflag:s22] =	ssyncadd.s32 $0xFFFFFF80  }
0xf4: {  	[spmem:s1] =	stream.indirect.scatter.add.f32 [tilespmem:s26], [sflag:$0xC], $0x1, s16, s25, $0xb8;
	[tilespmem:$0x1FAB0] =	vst v63  }
0xf5: {  	_ =	swait.ge [sflag:s22], $0x80  }
0xf6: {  	s16 =	smov.u32 s10;
	[sflag:s22] =	ssyncset.done $0x0  }
0xf7: {  	s9 =	sadd.s32 s9, s14;
	[sflag:s22] =	ssyncadd.s32 $0xFFFFFF80  }
0xf8: {  	[tilespmem:s30], [sflag:$0xC] =	stream.linear.gather [hbm4b:s9+s7], $0x800, $0x38;
	[tilespmem:$0x1FAB0] =	vst v63  }
0xf9: {  	_ =	swait.ge [sflag:s22], $0x800  }
0xfa: {  	[sflag:s22] =	ssyncset.done $0x0  }
0xfb: {  	[sflag:s22] =	ssyncadd.s32 $0xFFFFF800  }
0xfc: {  	[spmem:s1] =	stream.indirect.scatter.add.f32 [tilespmem:s26], [sflag:$0xC], $0x1, s30, s25, $0xb8;
	[tilespmem:$0x1FAB0] =	vst v63  }
0xfd: {  	_ =	swait.ge [sflag:s22], $0x80  }
0xfe: {  	[sflag:s22] =	ssyncset.done $0x0  }
0xff: {  	[sflag:s22] =	ssyncadd.s32 $0xFFFFFF80  }
0x100: {  	[spmem:s1] =	stream.indirect.scatter.add.f32 [tilespmem:s26], [sflag:$0xC], $0x1, s28, s25, $0xb8;
	[tilespmem:$0x1FAB0] =	vst v63  }
0x101: {  	_ =	swait.ge [sflag:s22], $0x80  }
0x102: {  	[sflag:s22] =	ssyncset.done $0x0  }
0x103: {  	[sflag:s22] =	ssyncadd.s32 $0xFFFFFF80  }
0x104: {  	[spmem:s1] =	stream.indirect.scatter.add.f32 [tilespmem:s26], [sflag:$0xC], $0x1, s29, s25, $0xb8;
	[tilespmem:$0x1FAB0] =	vst v63  }
0x105: {  	_ =	swait.ge [sflag:s22], $0x80  }
0x106: {  	[sflag:s22] =	ssyncset.done $0x0  }
0x107: {  	[sflag:s22] =	ssyncadd.s32 $0xFFFFFF80  }
0x108: {  	[spmem:s1] =	stream.indirect.scatter.add.f32 [tilespmem:s26], [sflag:$0xC], $0x1, s13, s25, $0xb8;
	[tilespmem:$0x1FAB0] =	vst v63  }
0x109: {  	_ =	swait.ge [sflag:s22], $0x80  }
0x10a: {  	[sflag:s22] =	ssyncset.done $0x0  }
0x10b: {  	[sflag:s22] =	ssyncadd.s32 $0xFFFFFF80  }
0x10c: {  	[spmem:s1] =	stream.indirect.scatter.add.f32 [tilespmem:s26], [sflag:$0xC], $0x1, s31, s25, $0xb8;
	[tilespmem:$0x1FAB0] =	vst v63  }
0x10d: {  	_ =	swait.ge [sflag:s22], $0x80  }
0x10e: {  	[sflag:s22] =	ssyncset.done $0x0  }
0x10f: {  	s10 =	simm.s32 $0x14800;
	[sflag:s22] =	ssyncadd.s32 $0xFFFFFF80  }
0x110: {  	[spmem:s1] =	stream.indirect.scatter.add.f32 [tilespmem:s26], [sflag:$0xC], $0x1, s10, s25, $0xb8;
	[tilespmem:$0x1FAB0] =	vst v63  }
0x111: {  	_ =	swait.ge [sflag:s22], $0x80  }
0x112: {  	[sflag:s22] =	ssyncset.done $0x0  }
0x113: {  	[sflag:s22] =	ssyncadd.s32 $0xFFFFFF80  }
0x114: {  	[spmem:s1] =	stream.indirect.scatter.add.f32 [tilespmem:s26], [sflag:$0xC], $0x1, s23, s25, $0xb8;
	[tilespmem:$0x1FAB0] =	vst v63  }
0x115: {  	_ =	swait.ge [sflag:s22], $0x80  }
0x116: {  	[sflag:s22] =	ssyncset.done $0x0  }
0x117: {  	[sflag:s22] =	ssyncadd.s32 $0xFFFFFF80  }
0x118: {  	[spmem:s1] =	stream.indirect.scatter.add.f32 [tilespmem:s26], [sflag:$0xC], $0x1, s8, s25, $0xb8;
	[tilespmem:$0x1FAB0] =	vst v63  }
0x119: {  	_ =	swait.ge [sflag:s22], $0x80  }
0x11a: {  	[sflag:s22] =	ssyncset.done $0x0  }
0x11b: {  	[sflag:s22] =	ssyncadd.s32 $0xFFFFFF80  }
0x11c: {  	[spmem:s1] =	stream.indirect.scatter.add.f32 [tilespmem:s26], [sflag:$0xC], $0x1, s18, s25, $0xb8;
	[tilespmem:$0x1FAB0] =	vst v63  }
0x11d: {  	_ =	swait.ge [sflag:s22], $0x80  }
0x11e: {  	[sflag:s22] =	ssyncset.done $0x0  }
0x11f: {  	[sflag:s22] =	ssyncadd.s32 $0xFFFFFF80  }
0x120: {  	[spmem:s1] =	stream.indirect.scatter.add.f32 [tilespmem:s26], [sflag:$0xC], $0x1, s12, s25, $0xb8;
	[tilespmem:$0x1FAB0] =	vst v63  }
0x121: {  	_ =	swait.ge [sflag:s22], $0x80  }
0x122: {  	[sflag:s22] =	ssyncset.done $0x0  }
0x123: {  	[sflag:s22] =	ssyncadd.s32 $0xFFFFFF80  }
0x124: {  	[spmem:s1] =	stream.indirect.scatter.add.f32 [tilespmem:s26], [sflag:$0xC], $0x1, s19, s25, $0xb8;
	[tilespmem:$0x1FAB0] =	vst v63  }
0x125: {  	_ =	swait.ge [sflag:s22], $0x80  }
0x126: {  	[sflag:s22] =	ssyncset.done $0x0  }
0x127: {  	[sflag:s22] =	ssyncadd.s32 $0xFFFFFF80  }
0x128: {  	[spmem:s1] =	stream.indirect.scatter.add.f32 [tilespmem:s26], [sflag:$0xC], $0x1, s4, s25, $0xb8;
	[tilespmem:$0x1FAB0] =	vst v63  }
0x129: {  	_ =	swait.ge [sflag:s22], $0x80  }
0x12a: {  	[sflag:s22] =	ssyncset.done $0x0  }
0x12b: {  	s13 =	simm.s32 $0x14B80;
	[sflag:s22] =	ssyncadd.s32 $0xFFFFFF80  }
0x12c: {  	[spmem:s1] =	stream.indirect.scatter.add.f32 [tilespmem:s26], [sflag:$0xC], $0x1, s13, s25, $0xb8;
	[tilespmem:$0x1FAB0] =	vst v63  }
0x12d: {  	_ =	swait.ge [sflag:s22], $0x80  }
0x12e: {  	[sflag:s22] =	ssyncset.done $0x0  }
0x12f: {  	s16 =	simm.s32 $0x14C00;
	[sflag:s22] =	ssyncadd.s32 $0xFFFFFF80  }
0x130: {  	[spmem:s1] =	stream.indirect.scatter.add.f32 [tilespmem:s26], [sflag:$0xC], $0x1, s16, s25, $0xb8;
	[tilespmem:$0x1FAB0] =	vst v63  }
0x131: {  	_ =	swait.ge [sflag:s22], $0x80  }
0x132: {  	[sflag:s22] =	ssyncset.done $0x0  }
0x133: {  	s18 =	simm.s32 $0x14C80;
	[sflag:s22] =	ssyncadd.s32 $0xFFFFFF80  }
0x134: {  	[spmem:s1] =	stream.indirect.scatter.add.f32 [tilespmem:s26], [sflag:$0xC], $0x1, s18, s25, $0xb8;
	[tilespmem:$0x1FAB0] =	vst v63  }
0x135: {  	_ =	swait.ge [sflag:s22], $0x80  }
0x136: {  	[sflag:s22] =	ssyncset.done $0x0  }
0x137: {  	s19 =	simm.s32 $0x14D00;
	[sflag:s22] =	ssyncadd.s32 $0xFFFFFF80  }
0x138: {  	[spmem:s1] =	stream.indirect.scatter.add.f32 [tilespmem:s26], [sflag:$0xC], $0x1, s19, s25, $0xb8;
	[tilespmem:$0x1FAB0] =	vst v63  }
0x139: {  	_ =	swait.ge [sflag:s22], $0x80  }
0x13a: {  	[sflag:s22] =	ssyncset.done $0x0  }
0x13b: {  	[sflag:s22] =	ssyncadd.s32 $0xFFFFFF80  }
0x13c: {  	[bflag:$0x0] =	sbarrier.arrive $0xFFFF  }
0x13d: {  	s30 =	simm.s32 $0x1EE00;
	s23 =	rddreg [dreg:$0xa]  }
0x13e: {  	[tilespmem:s30], [sflag:$0xC] =	stream.linear.gather [spmem:s23], $0x280, $0x38;
	[tilespmem:$0x1FAB0] =	vst v63  }
0x13f: {  	_ =	swait.ge [sflag:s22], $0x280  }
0x140: {  	[sflag:s22] =	ssyncset.done $0x0  }
0x141: {  	s9 =	simm.s32 $0x0;
	[sflag:s22] =	ssyncadd.s32 $0xFFFFFD80  }
0x142: {  	v2 =	vld [tilespmem:s9+$0x1EE00];
	_ =	sdelay $0x4  }
0x143: {  	s28 =	simm.s32 $0x10;
	v7 =	vadd.f32 $1.000000000e+00, v2  }
0x144: {  	v2 =	vld [tilespmem:s28+$0x1EE00]  }
0x145: {  	v3 =	vshra.s32 v7, $0x1;
	v5 =	vmul.f32 $5.000000000e-01, v7  }
0x146: {  	v4 =	vsub.s32 $0x5F3759DF, v3  }
0x147: {  	v3 =	vmul.f32 v4, v5;
	_ =	sdelay $0x1  }
0x148: {  	v6 =	vmul.f32 v4, v3;
	v3 =	vadd.f32 $1.000000000e+00, v2  }
0x149: {  	s16 =	simm.s32 $0x20;
	(erf) = vrcp.f32 v7  }
0x14a: {  	v2 =	vld [tilespmem:s16+$0x1EE00];
	v8 =	vshra.s32 v3, $0x1;
	v13 =	vmul.f32 $5.000000000e-01, v3;
	v6 =	vsub.f32 $1.500000000e+00, v6  }
0x14b: {  	v8 =	vsub.s32 $0x5F3759DF, v8  }
0x14c: {  	v9 =	vmul.f32 v8, v13;
	v10 =	vmul.f32 v4, v6  }
0x14d: {  	s29 =	simm.s32 $0x30  }
0x14e: {  	v4 =	vmul.f32 v8, v9;
	v9 =	vld [tilespmem:s29+$0x1EE00];
	v11 =	vmul.f32 v10, v5  }
0x14f: {  	v2 =	vadd.f32 $1.000000000e+00, v2  }
0x150: {  	(erf) = vrcp.f32 v3;
	v11 =	vmul.f32 v11, v10;
	v4 =	vsub.f32 $1.500000000e+00, v4  }
0x151: {  	v12 =	vshra.s32 v2, $0x1;
	v6 =	vmul.f32 $5.000000000e-01, v2  }
0x152: {  	v15 =	vpop (erf);
	v12 =	vsub.s32 $0x5F3759DF, v12;
	v11 =	vsub.f32 $1.500000000e+00, v11;
	v16 =	vmul.f32 v8, v4  }
0x153: {  	s18 =	simm.s32 $0x40;
	[tilespmem:s9+$0x1F310] =	vst v15;
	(erf) = vrcp.f32 v2;
	v14 =	vmul.f32 v12, v6;
	v4 =	vadd.f32 $1.000000000e+00, v9  }
0x154: {  	v9 =	vld [tilespmem:s18+$0x1EE00];
	v15 =	vmul.f32 v11, v10;
	v10 =	vmul.f32 v16, v13  }
0x155: {  	v14 =	vmul.f32 v12, v14;
	v11 =	vshra.s32 v4, $0x1;
	v8 =	vmul.f32 $5.000000000e-01, v4  }
0x156: {  	v18 =	vsub.s32 $0x5F3759DF, v11;
	v5 =	vmul.f32 v15, v5;
	v10 =	vmul.f32 v10, v16  }
0x157: {  	v14 =	vsub.f32 $1.500000000e+00, v14;
	v11 =	vmul.f32 v18, v8  }
0x158: {  	(erf) = vrcp.f32 v4;
	v17 =	vmul.f32 v5, v15;
	v10 =	vsub.f32 $1.500000000e+00, v10  }
0x159: {  	v19 =	vpop (erf);
	v5 =	vadd.f32 $1.000000000e+00, v9;
	v20 =	vmul.f32 v18, v11;
	v11 =	vmul.f32 v12, v14  }
0x15a: {  	s10 =	simm.s32 $0x50;
	[tilespmem:s28+$0x1F310] =	vst v19;
	v10 =	vmul.f32 v10, v16;
	v14 =	vsub.f32 $1.500000000e+00, v17  }
0x15b: {  	v16 =	vld [tilespmem:s10+$0x1EE00];
	v12 =	vshra.s32 v5, $0x1;
	v9 =	vmul.f32 $5.000000000e-01, v5;
	v17 =	vmul.f32 v11, v6  }
0x15c: {  	v12 =	vsub.s32 $0x5F3759DF, v12;
	v13 =	vmul.f32 v10, v13;
	v14 =	vmul.f32 v14, v15  }
0x15d: {  	v19 =	vmul.f32 v12, v9;
	v17 =	vmul.f32 v17, v11  }
0x15e: {  	v21 =	vpop (erf);
	(erf) = vrcp.f32 v5;
	v20 =	vsub.f32 $1.500000000e+00, v20;
	v22 =	vmul.f32 v14, v7  }
0x15f: {  	[tilespmem:s16+$0x1F310] =	vst v21;
	v15 =	vmul.f32 v13, v10;
	v13 =	vmul.f32 v12, v19;
	v17 =	vsub.f32 $1.500000000e+00, v17  }
0x160: {  	s31 =	simm.s32 $0x14880;
	s23 =	simm.s32 $0x180;
	[tilespmem:s9+$0x1F080] =	vst v14;
	v7 =	vadd.f32 $1.000000000e+00, v16;
	v16 =	vmul.f32 v18, v20;
	v14 =	vmul.f32 $9.499999880e-02, v22  }
.LBB2_8:
0x161: {  	s30 =	sshra.s32 s23, $0x2;
	p2 =	sne.s32 s23, $0x9C0;
	s23 =	sadd.s32 $0x40, s23;
	v18 =	vpop (erf);
	v17 =	vmul.f32 v17, v11;
	v15 =	vsub.f32 $1.500000000e+00, v15  }
0x162: {  	v19 =	vld [tilespmem:s30+$0x1EE00];
	v20 =	vshra.s32 v7, $0x1;
	v21 =	vmul.f32 $5.000000000e-01, v7;
	v22 =	vmul.f32 v16, v8;
	[tilespmem:s9+$0x1F5A0] =	vst v14;
	v11 =	vmovc v16;
	s9 =	smov.u32 s28;
	s28 =	smov.u32 s16;
	s16 =	smov.u32 s29  }
.Ltmp4:
0x163: {  	s29 =	smov.u32 s18;
	s18 =	smov.u32 s10;
	v20 =	vsub.s32 $0x5F3759DF, v20;
	[tilespmem:s16+$0x1F310] =	vst v18;
	v14 =	vmul.f32 v17, v6;
	v16 =	vmul.f32 v15, v10;
	v10 =	vmovc v17;
	(pc) =	sbr.rel @p2 .LBB2_8-.Ltmp4, $4  }
0x164: {  	s10 =	smov.u32 s30;
	v6 =	vmovc v8;
	v8 =	vmovc v9;
	v17 =	vmul.f32 v20, v21;
	v18 =	vmul.f32 v22, v11;
	v9 =	vmov v21  }
0x165: {  	v21 =	vsub.f32 $1.500000000e+00, v13;
	v15 =	vmul.f32 v14, v10;
	[tilespmem:s9+$0x1F080] =	vst v16;
	v14 =	vmul.f32 v16, v3;
	v3 =	vmovc v2  }
0x166: {  	v2 =	vmovc v4;
	v4 =	vmovc v5;
	v13 =	vmul.f32 v20, v17;
	(erf) = vrcp.f32 v7;
	v17 =	vsub.f32 $1.500000000e+00, v18  }
0x167: {  	v5 =	vmovc v7;
	v16 =	vmul.f32 v12, v21;
	v12 =	vmovc v20;
	v14 =	vmul.f32 $9.499999880e-02, v14;
	v7 =	vadd.f32 $1.000000000e+00, v19  }
0x168: {  	_ = 	snop  }
0x169: {  	v18 =	vshra.s32 v7, $0x1;
	v19 =	vmul.f32 $5.000000000e-01, v7  }
0x16a: {  	v18 =	vsub.s32 $0x5F3759DF, v18  }
0x16b: {  	v20 =	vmul.f32 v18, v19;
	_ =	sdelay $0x1  }
0x16c: {  	v13 =	vsub.f32 $1.500000000e+00, v13;
	v20 =	vmul.f32 v18, v20  }
0x16d: {  	v21 =	vmul.f32 v16, v8  }
0x16e: {  	v12 =	vmul.f32 v12, v13;
	v44 =	vsub.f32 $1.500000000e+00, v20  }
0x16f: {  	v45 =	vmul.f32 v21, v16  }
0x170: {  	v46 =	vmul.f32 v12, v9;
	v13 =	vmul.f32 v18, v44  }
0x171: {  	v11 =	vmul.f32 v17, v11;
	v47 =	vsub.f32 $1.500000000e+00, v45  }
0x172: {  	v15 =	vsub.f32 $1.500000000e+00, v15;
	v18 =	vmul.f32 v46, v12;
	v48 =	vmul.f32 v13, v19  }
0x173: {  	v6 =	vmul.f32 v11, v6;
	v49 =	vmul.f32 v47, v16  }
0x174: {  	v10 =	vmul.f32 v15, v10;
	v50 =	vsub.f32 $1.500000000e+00, v18;
	v51 =	vmul.f32 v48, v13  }
0x175: {  	v6 =	vmul.f32 v6, v11;
	v52 =	vmul.f32 v49, v8  }
0x176: {  	(erf) = vrcp.f32 v7;
	v12 =	vmul.f32 v50, v12;
	v53 =	vsub.f32 $1.500000000e+00, v51  }
0x177: {  	v3 =	vmul.f32 v10, v3;
	v6 =	vsub.f32 $1.500000000e+00, v6;
	v8 =	vmul.f32 v52, v49  }
0x178: {  	v54 =	vmul.f32 v12, v9;
	v13 =	vmul.f32 v53, v13  }
0x179: {  	v55 =	vpop (erf);
	[tilespmem:s9+$0x1F5A0] =	vst v14;
	v3 =	vmul.f32 $9.499999880e-02, v3;
	v6 =	vmul.f32 v6, v11;
	v8 =	vsub.f32 $1.500000000e+00, v8  }
0x17a: {  	[tilespmem:s29+$0x1F310] =	vst v55;
	v9 =	vmul.f32 v54, v12;
	v56 =	vmul.f32 v13, v19  }
0x17b: {  	[tilespmem:s28+$0x1F080] =	vst v10;
	v2 =	vmul.f32 v6, v2;
	v8 =	vmul.f32 v8, v49  }
0x17c: {  	v57 =	vpop (erf);
	[tilespmem:s28+$0x1F5A0] =	vst v3;
	v3 =	vsub.f32 $1.500000000e+00, v9;
	v58 =	vmul.f32 v56, v13  }
0x17d: {  	[tilespmem:s18+$0x1F310] =	vst v57;
	v2 =	vmul.f32 $9.499999880e-02, v2;
	v4 =	vmul.f32 v8, v4  }
0x17e: {  	[tilespmem:s16+$0x1F080] =	vst v6;
	v3 =	vmul.f32 v3, v12;
	v59 =	vsub.f32 $1.500000000e+00, v58  }
0x17f: {  	v60 =	vpop (erf);
	[tilespmem:s16+$0x1F5A0] =	vst v2;
	v2 =	vmul.f32 $9.499999880e-02, v4  }
0x180: {  	[tilespmem:s10+$0x1F310] =	vst v60;
	v61 =	vmul.f32 v3, v5;
	v62 =	vmul.f32 v59, v13  }
0x181: {  	[tilespmem:s29+$0x1F080] =	vst v8  }
0x182: {  	[tilespmem:s29+$0x1F5A0] =	vst v2;
	v2 =	vmul.f32 $9.499999880e-02, v61;
	v63 =	vmul.f32 v62, v7  }
0x183: {  	[tilespmem:s18+$0x1F080] =	vst v3  }
0x184: {  	s4 =	simm.s32 $0x0;
	s7 =	rddreg [dreg:$0x11];
	[tilespmem:s18+$0x1F5A0] =	vst v2;
	v2 =	vmul.f32 $9.499999880e-02, v63  }
0x185: {  	s13 =	rddreg [dreg:$0x13];
	s8 =	simm.s32 $0x1B180;
	s19 =	simm.s32 $0xD;
	[tilespmem:s10+$0x1F080] =	vst v62  }
0x186: {  	s9 =	simm.s32 $0x0;
	s16 =	simm.s32 $0x0;
	[tilespmem:s10+$0x1F5A0] =	vst v2;
	s10 =	simm.s32 $0x1F080  }
.LBB2_10:
0x187: {  	s18 =	smul.u32 $0x50, s16  }
0x188: {  	s12 =	rddreg [dreg:$0x7]  }
0x189: {  	s18 =	sadd.s32 s12, s18  }
0x18a: {  	s30 =	rddreg [dreg:$0x6];
	s23 =	sshll.u32 s18, $0x3  }
0x18b: {  	s23 =	sadd.s32 s30, s23  }
0x18c: {  	[tilespmem:s8], [sflag:$0xD] =	stream.linear.gather [hbm4b:s23+s9], $0x1400, $0x38;
	[tilespmem:$0x1FAB0] =	vst v63  }
0x18d: {  	_ =	swait.ge [sflag:s19], $0x1400  }
0x18e: {  	[sflag:s19] =	ssyncset.done $0x0  }
0x18f: {  	[sflag:s19] =	ssyncadd.s32 $0xFFFFEC00  }
0x190: {  	s23 =	simm.s32 $0x0;
	v2 =	vld.msk [tilespmem:s10+$0x0 ss:$0x0], $0xffff  }
0x191: {  	v3 =	vld [tilespmem:s23+$0x1B1B0]  }
0x192: {  	v4 =	vld [tilespmem:s23+$0x1B190]  }
0x193: {  	v5 =	vld [tilespmem:s23+$0x1B1A0]  }
0x194: {  	v6 =	vld [tilespmem:s23+$0x1B180];
	_ =	sdelay $0x2  }
0x195: {  	v3 =	vmul.f32 v3, v2  }
0x196: {  	v7 =	vmul.f32 v4, v2  }
0x197: {  	v4 =	vmul.f32 v5, v2;
	v5 =	vmul.f32 v6, v2;
	[tilespmem:s23+$0x1B1B0] =	vst v3  }
0x198: {  	s28 =	simm.s32 $0x100;
	s29 =	smov.u32 s10;
	v3 =	vmul.f32 $5.263158080e-01, v3;
	[tilespmem:s23+$0x1B190] =	vst v7;
	v2 =	vmul.f32 $5.263158080e-01, v7  }
.LBB2_11:
0x199: {  	p2 =	sne.s32 s28, $0x4F00  }
0x19a: {  	[tilespmem:s23+$0x1B1A0] =	vst v4;
	v4 =	vmul.f32 $5.263158080e-01, v4;
	s29 =	sadd.s32 $0x1, s29;
	s30 =	smov.u32 s28;
	s28 =	sadd.s32 $0x100, s28  }
0x19b: {  	[tilespmem:s23+$0x1B180] =	vst v5;
	v5 =	vmul.f32 $5.263158080e-01, v5  }
0x19c: {  	[tilespmem:s23+$0x1C5B0] =	vst v3  }
0x19d: {  	[tilespmem:s23+$0x1C5A0] =	vst v4  }
0x19e: {  	[tilespmem:s23+$0x1C580] =	vst v5  }
0x19f: {  	[tilespmem:s23+$0x1C590] =	vst v2  }
0x1a0: {  	s23 =	sshra.s32 s30, $0x2;
	v2 =	vld.msk [tilespmem:s29+$0x0 ss:$0x0], $0xffff  }
0x1a1: {  	v3 =	vld [tilespmem:s23+$0x1B1B0]  }
0x1a2: {  	v4 =	vld [tilespmem:s23+$0x1B190]  }
0x1a3: {  	v5 =	vld [tilespmem:s23+$0x1B1A0]  }
0x1a4: {  	v6 =	vld [tilespmem:s23+$0x1B180]  }
.Ltmp5:
0x1a5: {  	(pc) =	sbr.rel @p2 .LBB2_11-.Ltmp5, $4  }
0x1a6: {  	v3 =	vmul.f32 v3, v2  }
0x1a7: {  	v7 =	vmul.f32 v4, v2  }
0x1a8: {  	v4 =	vmul.f32 v5, v2;
	[tilespmem:s23+$0x1B1B0] =	vst v3;
	v3 =	vmul.f32 $5.263158080e-01, v3  }
0x1a9: {  	v5 =	vmul.f32 v6, v2;
	[tilespmem:s23+$0x1B190] =	vst v7;
	v2 =	vmul.f32 $5.263158080e-01, v7  }
0x1aa: {  	[tilespmem:s23+$0x1B1A0] =	vst v4  }
0x1ab: {  	[tilespmem:s23+$0x1C5B0] =	vst v3  }
0x1ac: {  	v62 =	vmul.f32 $5.263158080e-01, v4;
	[tilespmem:s23+$0x1B180] =	vst v5  }
0x1ad: {  	v63 =	vmul.f32 $5.263158080e-01, v5;
	[tilespmem:s23+$0x1C590] =	vst v2  }
0x1ae: {  	s18 =	sshll.u32 s18, $0x6;
	[tilespmem:s23+$0x1C5A0] =	vst v62  }
0x1af: {  	s8 =	simm.s32 $0x1B180;
	s28 =	sadd.s32 s18, s3;
	[tilespmem:s23+$0x1C580] =	vst v63  }
0x1b0: {  	[spmem:s28] =	stream.linear.scatter [tilespmem:s8], [sflag:$0xD], $0x1400, $0x38;
	[tilespmem:$0x1FAB0] =	vst v63  }
0x1b1: {  	s29 =	simm.s32 $0x1C580;
	s18 =	sshrl.u32 s18, $0x3;
	_ =	swait.ge [sflag:s19], $0x1400  }
0x1b2: {  	s23 =	simm.s32 $0xD;
	[sflag:s19] =	ssyncset.done $0x0;
	s12 =	rddreg [dreg:$0xe]  }
0x1b3: {  	s23 =	simm.s32 @!p0 $0xC;
	[sflag:s19] =	ssyncadd.s32 $0xFFFFEC00;
	s18 =	sadd.s32 s12, s18  }
0x1b4: {  	[hbm4b:s18+s4] =	stream.linear.scatter [tilespmem:s29], [sflag:s23], $0x1400, $0x38;
	[tilespmem:$0x1FAB0] =	vst v63  }
0x1b5: {  	_ =	swait.ge [sflag:s23], $0x1400  }
0x1b6: {  	s16 =	sadd.s32 $0x1, s16;
	s30 =	rddreg [dreg:$0x8]  }
0x1b7: {  	p2 =	sne.s32 s16, s30  }
.Ltmp6:
0x1b8: {  	_ = 	snop;
	(pc) =	sbr.rel @p2 .LBB2_10-.Ltmp6, $3  }
0x1b9: {  	_ =	sdelay $0x1  }
0x1ba: {  	[sflag:s23] =	ssyncset.done $0x0  }
0x1bb: {  	s10 =	sadd.s32 $0x50, s10;
	[sflag:s23] =	ssyncadd.s32 $0xFFFFEC00  }
0x1bc: {  	[dreg:$0x15] =	wrdreg s23  }
0x1bd: {  	s10 =	simm.s32 $0x0;
	s8 =	simm.s32 $0x13D80;
	[bflag:$0x0] =	sbarrier.arrive $0xFFFF  }
0x1be: {  	[tilespmem:s8], [sflag:$0x5] =	stream.linear.gather [hbm4b:s13+s10], $0x800, $0x38;
	[tilespmem:$0x1FAB0] =	vst v63  }
0x1bf: {  	s30 =	simm.s32 $0x14580  }
0x1c0: {  	[tilespmem:s30], [sflag:$0x6] =	stream.linear.gather [hbm4b:s14+s10], $0x800, $0x38;
	[tilespmem:$0x1FAB0] =	vst v63  }
0x1c1: {  	s23 =	simm.s32 $0x14D80;
	s9 =	rddreg [dreg:$0xb]  }
0x1c2: {  	[tilespmem:s23], [sflag:$0x7] =	stream.linear.gather [hbm4b:s9+s10], $0x800, $0x38;
	[tilespmem:$0x1FAB0] =	vst v63  }
0x1c3: {  	s29 =	simm.s32 $0x15580;
	s28 =	rddreg [dreg:$0xc]  }
0x1c4: {  	[tilespmem:s29], [sflag:$0x8] =	stream.linear.gather [hbm4b:s28+s10], $0x800, $0x38;
	[tilespmem:$0x1FAB0] =	vst v63  }
.LBB2_14:
0x1c5: {  	[dreg:$0x16] =	wrdreg s10  }
0x1c6: {  	s28 =	simm.s32 $0x0;
	s18 =	simm.s32 $0x14680;
	s23 =	simm.s32 $0x14780  }
0x1c7: {  	s29 =	simm.s32 $0x14800;
	s19 =	simm.s32 $0x14D80;
	s12 =	simm.s32 $0x15580  }
.LBB2_15:
0x1c8: {  	s8 =	simm.s32 $0x5  }
0x1c9: {  	_ =	swait.ge [sflag:s8], $0x800  }
0x1ca: {  	[sflag:s8] =	ssyncset.done $0x0  }
0x1cb: {  	s10 =	simm.s32 $0x6;
	[sflag:s8] =	ssyncadd.s32 $0xFFFFF800  }
0x1cc: {  	p2 =	seq.s32 s28, $0x0;
	_ =	swait.ge [sflag:s10], $0x800  }
0x1cd: {  	s9 =	simm.s32 @p2 $0x80;
	[sflag:s10] =	ssyncset.done $0x0  }
0x1ce: {  	s16 =	simm.s32 @p2 $0x15D80;
	[sflag:s10] =	ssyncadd.s32 $0xFFFFF800;
	s10 =	simm.s32 @p2 $0x13D80  }
0x1cf: {  	[tilespmem:s16], [sflag:$0x1] =	stream.indirect.gather @p2 [spmem:s3], $0x40, s10, s9, $0xb8;
	[tilespmem:$0x1FAB0] =	vst v63  }
0x1d0: {  	s10 =	simm.s32 @p2 $0x1  }
0x1d1: {  	_ =	swait.ge @p2 [sflag:s10], $0x2000  }
0x1d2: {  	[sflag:s10] =	ssyncset.done @p2 $0x0  }
0x1d3: {  	[sflag:s10] =	ssyncadd.s32 @p2 $0xFFFFE000;
	s10 =	simm.s32 @p2 $0x14580  }
0x1d4: {  	[spmem:s2] =	stream.indirect.scatter.add.f32 @p2 [tilespmem:s16], [sflag:$0x3], $0x40, s10, s9, $0xb8;
	[tilespmem:$0x1FAB0] =	vst v63  }
0x1d5: {  	s9 =	simm.s32 @!p2 $0x3  }
0x1d6: {  	_ =	swait.ge @!p2 [sflag:s9], $0x2000  }
0x1d7: {  	s10 =	simm.s32 @!p2 $0x13D80;
	[sflag:s9] =	ssyncset.done @!p2 $0x0  }
0x1d8: {  	s16 =	simm.s32 @!p2 $0x15D80;
	[sflag:s9] =	ssyncadd.s32 @!p2 $0xFFFFE000;
	s9 =	simm.s32 @!p2 $0x80  }
0x1d9: {  	[tilespmem:s16], [sflag:$0x1] =	stream.indirect.gather @!p2 [spmem:s3], $0x40, s10, s9, $0xb8;
	[tilespmem:$0x1FAB0] =	vst v63  }
0x1da: {  	s10 =	simm.s32 @!p2 $0x1  }
0x1db: {  	_ =	swait.ge @!p2 [sflag:s10], $0x2000  }
0x1dc: {  	[sflag:s10] =	ssyncset.done @!p2 $0x0  }
0x1dd: {  	[sflag:s10] =	ssyncadd.s32 @!p2 $0xFFFFE000;
	s10 =	simm.s32 @!p2 $0x14580  }
0x1de: {  	[spmem:s2] =	stream.indirect.scatter.add.f32 @!p2 [tilespmem:s16], [sflag:$0x3], $0x40, s10, s9, $0xb8;
	[tilespmem:$0x1FAB0] =	vst v63  }
0x1df: {  	s9 =	simm.s32 @!p2 $0x4  }
0x1e0: {  	_ =	swait.ge @!p2 [sflag:s9], $0x2000  }
0x1e1: {  	[sflag:s9] =	ssyncset.done @!p2 $0x0  }
0x1e2: {  	s16 =	simm.s32 $0x13E00;
	[sflag:s9] =	ssyncadd.s32 @!p2 $0xFFFFE000  }
0x1e3: {  	[tilespmem:s24], [sflag:$0x2] =	stream.indirect.gather [spmem:s3], $0x40, s16, s25, $0xb8;
	[tilespmem:$0x1FAB0] =	vst v63  }
0x1e4: {  	_ =	swait.ge [sflag:s0], $0x2000  }
0x1e5: {  	[sflag:s0] =	ssyncset.done $0x0  }
0x1e6: {  	s9 =	simm.s32 $0x14600;
	[sflag:s0] =	ssyncadd.s32 $0xFFFFE000  }
0x1e7: {  	[spmem:s2] =	stream.indirect.scatter.add.f32 [tilespmem:s24], [sflag:$0x4], $0x40, s9, s25, $0xb8;
	[tilespmem:$0x1FAB0] =	vst v63  }
0x1e8: {  	_ =	swait.ge [sflag:s6], $0x2000  }
0x1e9: {  	[sflag:s6] =	ssyncset.done $0x0  }
0x1ea: {  	s10 =	simm.s32 $0x13E80;
	[sflag:s6] =	ssyncadd.s32 $0xFFFFE000  }
0x1eb: {  	[tilespmem:s21], [sflag:$0x1] =	stream.indirect.gather [spmem:s3], $0x40, s10, s25, $0xb8;
	[tilespmem:$0x1FAB0] =	vst v63  }
0x1ec: {  	_ =	swait.ge [sflag:s17], $0x2000  }
0x1ed: {  	[sflag:s17] =	ssyncset.done $0x0  }
0x1ee: {  	[sflag:s17] =	ssyncadd.s32 $0xFFFFE000  }
0x1ef: {  	[spmem:s2] =	stream.indirect.scatter.add.f32 [tilespmem:s21], [sflag:$0x3], $0x40, s18, s25, $0xb8;
	[tilespmem:$0x1FAB0] =	vst v63  }
0x1f0: {  	_ =	swait.ge [sflag:s11], $0x2000  }
0x1f1: {  	[sflag:s11] =	ssyncset.done $0x0  }
0x1f2: {  	s16 =	simm.s32 $0x13F00;
	[sflag:s11] =	ssyncadd.s32 $0xFFFFE000  }
0x1f3: {  	[tilespmem:s24], [sflag:$0x2] =	stream.indirect.gather [spmem:s3], $0x40, s16, s25, $0xb8;
	[tilespmem:$0x1FAB0] =	vst v63  }
0x1f4: {  	_ =	swait.ge [sflag:s0], $0x2000  }
0x1f5: {  	[sflag:s0] =	ssyncset.done $0x0  }
0x1f6: {  	s8 =	simm.s32 $0x14700;
	[sflag:s0] =	ssyncadd.s32 $0xFFFFE000  }
0x1f7: {  	[spmem:s2] =	stream.indirect.scatter.add.f32 [tilespmem:s24], [sflag:$0x4], $0x40, s8, s25, $0xb8;
	[tilespmem:$0x1FAB0] =	vst v63  }
0x1f8: {  	_ =	swait.ge [sflag:s6], $0x2000  }
0x1f9: {  	[sflag:s6] =	ssyncset.done $0x0  }
0x1fa: {  	s10 =	simm.s32 $0x13F80;
	[sflag:s6] =	ssyncadd.s32 $0xFFFFE000  }
0x1fb: {  	[tilespmem:s21], [sflag:$0x1] =	stream.indirect.gather [spmem:s3], $0x40, s10, s25, $0xb8;
	[tilespmem:$0x1FAB0] =	vst v63  }
0x1fc: {  	_ =	swait.ge [sflag:s17], $0x2000  }
0x1fd: {  	[sflag:s17] =	ssyncset.done $0x0  }
0x1fe: {  	[sflag:s17] =	ssyncadd.s32 $0xFFFFE000  }
0x1ff: {  	[spmem:s2] =	stream.indirect.scatter.add.f32 [tilespmem:s21], [sflag:$0x3], $0x40, s23, s25, $0xb8;
	[tilespmem:$0x1FAB0] =	vst v63  }
0x200: {  	_ =	swait.ge [sflag:s11], $0x2000  }
0x201: {  	[sflag:s11] =	ssyncset.done $0x0  }
0x202: {  	s16 =	simm.s32 $0x14000;
	[sflag:s11] =	ssyncadd.s32 $0xFFFFE000  }
0x203: {  	[tilespmem:s24], [sflag:$0x2] =	stream.indirect.gather [spmem:s3], $0x40, s16, s25, $0xb8;
	[tilespmem:$0x1FAB0] =	vst v63  }
0x204: {  	_ =	swait.ge [sflag:s0], $0x2000  }
0x205: {  	[sflag:s0] =	ssyncset.done $0x0  }
0x206: {  	[sflag:s0] =	ssyncadd.s32 $0xFFFFE000  }
0x207: {  	[spmem:s2] =	stream.indirect.scatter.add.f32 [tilespmem:s24], [sflag:$0x4], $0x40, s29, s25, $0xb8;
	[tilespmem:$0x1FAB0] =	vst v63  }
0x208: {  	_ =	swait.ge [sflag:s6], $0x2000  }
0x209: {  	[sflag:s6] =	ssyncset.done $0x0  }
0x20a: {  	s9 =	simm.s32 $0x14080;
	[sflag:s6] =	ssyncadd.s32 $0xFFFFE000  }
0x20b: {  	[tilespmem:s21], [sflag:$0x1] =	stream.indirect.gather [spmem:s3], $0x40, s9, s25, $0xb8;
	[tilespmem:$0x1FAB0] =	vst v63  }
0x20c: {  	_ =	swait.ge [sflag:s17], $0x2000  }
0x20d: {  	[sflag:s17] =	ssyncset.done $0x0  }
0x20e: {  	[sflag:s17] =	ssyncadd.s32 $0xFFFFE000  }
0x20f: {  	[spmem:s2] =	stream.indirect.scatter.add.f32 [tilespmem:s21], [sflag:$0x3], $0x40, s31, s25, $0xb8;
	[tilespmem:$0x1FAB0] =	vst v63  }
0x210: {  	_ =	swait.ge [sflag:s11], $0x2000  }
0x211: {  	[sflag:s11] =	ssyncset.done $0x0  }
0x212: {  	s10 =	simm.s32 $0x14100;
	[sflag:s11] =	ssyncadd.s32 $0xFFFFE000  }
0x213: {  	[tilespmem:s24], [sflag:$0x2] =	stream.indirect.gather [spmem:s3], $0x40, s10, s25, $0xb8;
	[tilespmem:$0x1FAB0] =	vst v63  }
0x214: {  	_ =	swait.ge [sflag:s0], $0x2000  }
0x215: {  	[sflag:s0] =	ssyncset.done $0x0  }
0x216: {  	s16 =	simm.s32 $0x14900;
	[sflag:s0] =	ssyncadd.s32 $0xFFFFE000  }
0x217: {  	[spmem:s2] =	stream.indirect.scatter.add.f32 [tilespmem:s24], [sflag:$0x4], $0x40, s16, s25, $0xb8;
	[tilespmem:$0x1FAB0] =	vst v63  }
0x218: {  	_ =	swait.ge [sflag:s6], $0x2000  }
0x219: {  	[sflag:s6] =	ssyncset.done $0x0  }
0x21a: {  	s9 =	simm.s32 $0x14180;
	[sflag:s6] =	ssyncadd.s32 $0xFFFFE000  }
0x21b: {  	[tilespmem:s21], [sflag:$0x1] =	stream.indirect.gather [spmem:s3], $0x40, s9, s25, $0xb8;
	[tilespmem:$0x1FAB0] =	vst v63  }
0x21c: {  	_ =	swait.ge [sflag:s17], $0x2000  }
0x21d: {  	[sflag:s17] =	ssyncset.done $0x0  }
0x21e: {  	s10 =	simm.s32 $0x14980;
	[sflag:s17] =	ssyncadd.s32 $0xFFFFE000  }
0x21f: {  	[spmem:s2] =	stream.indirect.scatter.add.f32 [tilespmem:s21], [sflag:$0x3], $0x40, s10, s25, $0xb8;
	[tilespmem:$0x1FAB0] =	vst v63  }
0x220: {  	_ =	swait.ge [sflag:s11], $0x2000  }
0x221: {  	[sflag:s11] =	ssyncset.done $0x0  }
0x222: {  	s16 =	simm.s32 $0x14200;
	[sflag:s11] =	ssyncadd.s32 $0xFFFFE000  }
0x223: {  	[tilespmem:s24], [sflag:$0x2] =	stream.indirect.gather [spmem:s3], $0x40, s16, s25, $0xb8;
	[tilespmem:$0x1FAB0] =	vst v63  }
0x224: {  	_ =	swait.ge [sflag:s0], $0x2000  }
0x225: {  	[sflag:s0] =	ssyncset.done $0x0  }
0x226: {  	s9 =	simm.s32 $0x14A00;
	[sflag:s0] =	ssyncadd.s32 $0xFFFFE000  }
0x227: {  	[spmem:s2] =	stream.indirect.scatter.add.f32 [tilespmem:s24], [sflag:$0x4], $0x40, s9, s25, $0xb8;
	[tilespmem:$0x1FAB0] =	vst v63  }
0x228: {  	_ =	swait.ge [sflag:s6], $0x2000  }
0x229: {  	[sflag:s6] =	ssyncset.done $0x0  }
0x22a: {  	s10 =	simm.s32 $0x14280;
	[sflag:s6] =	ssyncadd.s32 $0xFFFFE000  }
0x22b: {  	[tilespmem:s21], [sflag:$0x1] =	stream.indirect.gather [spmem:s3], $0x40, s10, s25, $0xb8;
	[tilespmem:$0x1FAB0] =	vst v63  }
0x22c: {  	_ =	swait.ge [sflag:s17], $0x2000  }
0x22d: {  	[sflag:s17] =	ssyncset.done $0x0  }
0x22e: {  	s16 =	simm.s32 $0x14A80;
	[sflag:s17] =	ssyncadd.s32 $0xFFFFE000  }
0x22f: {  	[spmem:s2] =	stream.indirect.scatter.add.f32 [tilespmem:s21], [sflag:$0x3], $0x40, s16, s25, $0xb8;
	[tilespmem:$0x1FAB0] =	vst v63  }
0x230: {  	_ =	swait.ge [sflag:s11], $0x2000  }
0x231: {  	[sflag:s11] =	ssyncset.done $0x0  }
0x232: {  	s9 =	simm.s32 $0x14300;
	[sflag:s11] =	ssyncadd.s32 $0xFFFFE000  }
0x233: {  	[tilespmem:s24], [sflag:$0x2] =	stream.indirect.gather [spmem:s3], $0x40, s9, s25, $0xb8;
	[tilespmem:$0x1FAB0] =	vst v63  }
0x234: {  	_ =	swait.ge [sflag:s0], $0x2000  }
0x235: {  	[sflag:s0] =	ssyncset.done $0x0  }
0x236: {  	s10 =	simm.s32 $0x14B00;
	[sflag:s0] =	ssyncadd.s32 $0xFFFFE000  }
0x237: {  	[spmem:s2] =	stream.indirect.scatter.add.f32 [tilespmem:s24], [sflag:$0x4], $0x40, s10, s25, $0xb8;
	[tilespmem:$0x1FAB0] =	vst v63  }
0x238: {  	_ =	swait.ge [sflag:s6], $0x2000  }
0x239: {  	[sflag:s6] =	ssyncset.done $0x0  }
0x23a: {  	s16 =	simm.s32 $0x14380;
	[sflag:s6] =	ssyncadd.s32 $0xFFFFE000  }
0x23b: {  	[tilespmem:s21], [sflag:$0x1] =	stream.indirect.gather [spmem:s3], $0x40, s16, s25, $0xb8;
	[tilespmem:$0x1FAB0] =	vst v63  }
0x23c: {  	_ =	swait.ge [sflag:s17], $0x2000  }
0x23d: {  	[sflag:s17] =	ssyncset.done $0x0  }
0x23e: {  	s9 =	simm.s32 $0x14B80;
	[sflag:s17] =	ssyncadd.s32 $0xFFFFE000  }
0x23f: {  	[spmem:s2] =	stream.indirect.scatter.add.f32 [tilespmem:s21], [sflag:$0x3], $0x40, s9, s25, $0xb8;
	[tilespmem:$0x1FAB0] =	vst v63  }
0x240: {  	_ =	swait.ge [sflag:s11], $0x2000  }
0x241: {  	[sflag:s11] =	ssyncset.done $0x0  }
0x242: {  	s10 =	simm.s32 $0x14400;
	[sflag:s11] =	ssyncadd.s32 $0xFFFFE000  }
0x243: {  	[tilespmem:s24], [sflag:$0x2] =	stream.indirect.gather [spmem:s3], $0x40, s10, s25, $0xb8;
	[tilespmem:$0x1FAB0] =	vst v63  }
0x244: {  	_ =	swait.ge [sflag:s0], $0x2000  }
0x245: {  	[sflag:s0] =	ssyncset.done $0x0  }
0x246: {  	s16 =	simm.s32 $0x14C00;
	[sflag:s0] =	ssyncadd.s32 $0xFFFFE000  }
0x247: {  	[spmem:s2] =	stream.indirect.scatter.add.f32 [tilespmem:s24], [sflag:$0x4], $0x40, s16, s25, $0xb8;
	[tilespmem:$0x1FAB0] =	vst v63  }
0x248: {  	_ =	swait.ge [sflag:s6], $0x2000  }
0x249: {  	[sflag:s6] =	ssyncset.done $0x0  }
0x24a: {  	s9 =	simm.s32 $0x14480;
	[sflag:s6] =	ssyncadd.s32 $0xFFFFE000  }
0x24b: {  	[tilespmem:s21], [sflag:$0x1] =	stream.indirect.gather [spmem:s3], $0x40, s9, s25, $0xb8;
	[tilespmem:$0x1FAB0] =	vst v63  }
0x24c: {  	_ =	swait.ge [sflag:s17], $0x2000  }
0x24d: {  	[sflag:s17] =	ssyncset.done $0x0  }
0x24e: {  	s10 =	simm.s32 $0x14C80;
	[sflag:s17] =	ssyncadd.s32 $0xFFFFE000  }
0x24f: {  	[spmem:s2] =	stream.indirect.scatter.add.f32 [tilespmem:s21], [sflag:$0x3], $0x40, s10, s25, $0xb8;
	[tilespmem:$0x1FAB0] =	vst v63  }
0x250: {  	_ =	swait.ge [sflag:s11], $0x2000  }
0x251: {  	[sflag:s11] =	ssyncset.done $0x0  }
0x252: {  	s16 =	simm.s32 $0x14500;
	[sflag:s11] =	ssyncadd.s32 $0xFFFFE000  }
0x253: {  	[tilespmem:s24], [sflag:$0x2] =	stream.indirect.gather [spmem:s3], $0x40, s16, s25, $0xb8;
	[tilespmem:$0x1FAB0] =	vst v63  }
0x254: {  	_ =	swait.ge [sflag:s0], $0x2000  }
0x255: {  	[sflag:s0] =	ssyncset.done $0x0  }
0x256: {  	p2 =	seq.s32 s28, $0x800;
	s9 =	simm.s32 $0x14D00;
	[sflag:s0] =	ssyncadd.s32 $0xFFFFE000  }
0x257: {  	[spmem:s2] =	stream.indirect.scatter.add.f32 [tilespmem:s24], [sflag:$0x4], $0x40, s9, s25, $0xb8;
	[tilespmem:$0x1FAB0] =	vst v63  }
0x258: {  	s9 =	sadd.s32 @!p2 s28, s13  }
0x259: {  	s10 =	simm.s32 @!p2 $0x0;
	s16 =	simm.s32 @!p2 $0x13D80;
	s9 =	sadd.s32 @!p2 $0x200, s9  }
0x25a: {  	[tilespmem:s16], [sflag:$0x5] =	stream.linear.gather @!p2 [hbm4b:s9+s10], $0x800, $0x38;
	[tilespmem:$0x1FAB0] =	vst v63  }
0x25b: {  	s9 =	sadd.s32 @!p2 s28, s14  }
0x25c: {  	s16 =	simm.s32 @!p2 $0x14580;
	s9 =	sadd.s32 @!p2 $0x200, s9  }
0x25d: {  	[tilespmem:s16], [sflag:$0x6] =	stream.linear.gather @!p2 [hbm4b:s9+s10], $0x800, $0x38;
	[tilespmem:$0x1FAB0] =	vst v63  }
0x25e: {  	s10 =	simm.s32 $0x7  }
0x25f: {  	_ =	swait.ge [sflag:s10], $0x800  }
0x260: {  	[sflag:s10] =	ssyncset.done $0x0  }
0x261: {  	s16 =	simm.s32 $0x8;
	[sflag:s10] =	ssyncadd.s32 $0xFFFFF800  }
0x262: {  	_ =	swait.ge [sflag:s16], $0x800  }
0x263: {  	[sflag:s16] =	ssyncset.done $0x0  }
0x264: {  	[sflag:s16] =	ssyncadd.s32 $0xFFFFF800  }
0x265: {  	_ =	swait.ge [sflag:s6], $0x2000  }
0x266: {  	[sflag:s6] =	ssyncset.done $0x0  }
0x267: {  	[sflag:s6] =	ssyncadd.s32 $0xFFFFE000  }
0x268: {  	[tilespmem:s21], [sflag:$0x1] =	stream.indirect.gather [spmem:s3], $0x40, s19, s25, $0xb8;
	[tilespmem:$0x1FAB0] =	vst v63  }
0x269: {  	_ =	swait.ge [sflag:s17], $0x2000  }
0x26a: {  	[sflag:s17] =	ssyncset.done $0x0  }
0x26b: {  	[sflag:s17] =	ssyncadd.s32 $0xFFFFE000  }
0x26c: {  	[spmem:s2] =	stream.indirect.scatter.add.f32 [tilespmem:s21], [sflag:$0x3], $0x40, s12, s25, $0xb8;
	[tilespmem:$0x1FAB0] =	vst v63  }
0x26d: {  	_ =	swait.ge [sflag:s11], $0x2000  }
0x26e: {  	[sflag:s11] =	ssyncset.done $0x0  }
0x26f: {  	s9 =	simm.s32 $0x14E00;
	[sflag:s11] =	ssyncadd.s32 $0xFFFFE000  }
0x270: {  	[tilespmem:s24], [sflag:$0x2] =	stream.indirect.gather [spmem:s3], $0x40, s9, s25, $0xb8;
	[tilespmem:$0x1FAB0] =	vst v63  }
0x271: {  	_ =	swait.ge [sflag:s0], $0x2000  }
0x272: {  	[sflag:s0] =	ssyncset.done $0x0  }
0x273: {  	s10 =	simm.s32 $0x15600;
	[sflag:s0] =	ssyncadd.s32 $0xFFFFE000  }
0x274: {  	[spmem:s2] =	stream.indirect.scatter.add.f32 [tilespmem:s24], [sflag:$0x4], $0x40, s10, s25, $0xb8;
	[tilespmem:$0x1FAB0] =	vst v63  }
0x275: {  	_ =	swait.ge [sflag:s6], $0x2000  }
0x276: {  	[sflag:s6] =	ssyncset.done $0x0  }
0x277: {  	s12 =	simm.s32 $0x14E80;
	[sflag:s6] =	ssyncadd.s32 $0xFFFFE000  }
0x278: {  	[tilespmem:s21], [sflag:$0x1] =	stream.indirect.gather [spmem:s3], $0x40, s12, s25, $0xb8;
	[tilespmem:$0x1FAB0] =	vst v63  }
0x279: {  	_ =	swait.ge [sflag:s17], $0x2000  }
0x27a: {  	[sflag:s17] =	ssyncset.done $0x0  }
0x27b: {  	s16 =	simm.s32 $0x15680;
	[sflag:s17] =	ssyncadd.s32 $0xFFFFE000  }
0x27c: {  	[spmem:s2] =	stream.indirect.scatter.add.f32 [tilespmem:s21], [sflag:$0x3], $0x40, s16, s25, $0xb8;
	[tilespmem:$0x1FAB0] =	vst v63  }
0x27d: {  	_ =	swait.ge [sflag:s11], $0x2000  }
0x27e: {  	[sflag:s11] =	ssyncset.done $0x0  }
0x27f: {  	s19 =	simm.s32 $0x14F00;
	[sflag:s11] =	ssyncadd.s32 $0xFFFFE000  }
0x280: {  	[tilespmem:s24], [sflag:$0x2] =	stream.indirect.gather [spmem:s3], $0x40, s19, s25, $0xb8;
	[tilespmem:$0x1FAB0] =	vst v63  }
0x281: {  	_ =	swait.ge [sflag:s0], $0x2000  }
0x282: {  	[sflag:s0] =	ssyncset.done $0x0  }
0x283: {  	s9 =	simm.s32 $0x15700;
	[sflag:s0] =	ssyncadd.s32 $0xFFFFE000  }
0x284: {  	[spmem:s2] =	stream.indirect.scatter.add.f32 [tilespmem:s24], [sflag:$0x4], $0x40, s9, s25, $0xb8;
	[tilespmem:$0x1FAB0] =	vst v63  }
0x285: {  	_ =	swait.ge [sflag:s6], $0x2000  }
0x286: {  	[sflag:s6] =	ssyncset.done $0x0  }
0x287: {  	s10 =	simm.s32 $0x14F80;
	[sflag:s6] =	ssyncadd.s32 $0xFFFFE000  }
0x288: {  	[tilespmem:s21], [sflag:$0x1] =	stream.indirect.gather [spmem:s3], $0x40, s10, s25, $0xb8;
	[tilespmem:$0x1FAB0] =	vst v63  }
0x289: {  	_ =	swait.ge [sflag:s17], $0x2000  }
0x28a: {  	[sflag:s17] =	ssyncset.done $0x0  }
0x28b: {  	s12 =	simm.s32 $0x15780;
	[sflag:s17] =	ssyncadd.s32 $0xFFFFE000  }
0x28c: {  	[spmem:s2] =	stream.indirect.scatter.add.f32 [tilespmem:s21], [sflag:$0x3], $0x40, s12, s25, $0xb8;
	[tilespmem:$0x1FAB0] =	vst v63  }
0x28d: {  	_ =	swait.ge [sflag:s11], $0x2000  }
0x28e: {  	[sflag:s11] =	ssyncset.done $0x0  }
0x28f: {  	s16 =	simm.s32 $0x15000;
	[sflag:s11] =	ssyncadd.s32 $0xFFFFE000  }
0x290: {  	[tilespmem:s24], [sflag:$0x2] =	stream.indirect.gather [spmem:s3], $0x40, s16, s25, $0xb8;
	[tilespmem:$0x1FAB0] =	vst v63  }
0x291: {  	_ =	swait.ge [sflag:s0], $0x2000  }
0x292: {  	[sflag:s0] =	ssyncset.done $0x0  }
0x293: {  	s19 =	simm.s32 $0x15800;
	[sflag:s0] =	ssyncadd.s32 $0xFFFFE000  }
0x294: {  	[spmem:s2] =	stream.indirect.scatter.add.f32 [tilespmem:s24], [sflag:$0x4], $0x40, s19, s25, $0xb8;
	[tilespmem:$0x1FAB0] =	vst v63  }
0x295: {  	_ =	swait.ge [sflag:s6], $0x2000  }
0x296: {  	[sflag:s6] =	ssyncset.done $0x0  }
0x297: {  	s9 =	simm.s32 $0x15080;
	[sflag:s6] =	ssyncadd.s32 $0xFFFFE000  }
0x298: {  	[tilespmem:s21], [sflag:$0x1] =	stream.indirect.gather [spmem:s3], $0x40, s9, s25, $0xb8;
	[tilespmem:$0x1FAB0] =	vst v63  }
0x299: {  	_ =	swait.ge [sflag:s17], $0x2000  }
0x29a: {  	[sflag:s17] =	ssyncset.done $0x0  }
0x29b: {  	s10 =	simm.s32 $0x15880;
	[sflag:s17] =	ssyncadd.s32 $0xFFFFE000  }
0x29c: {  	[spmem:s2] =	stream.indirect.scatter.add.f32 [tilespmem:s21], [sflag:$0x3], $0x40, s10, s25, $0xb8;
	[tilespmem:$0x1FAB0] =	vst v63  }
0x29d: {  	_ =	swait.ge [sflag:s11], $0x2000  }
0x29e: {  	[sflag:s11] =	ssyncset.done $0x0  }
0x29f: {  	s12 =	simm.s32 $0x15100;
	[sflag:s11] =	ssyncadd.s32 $0xFFFFE000  }
0x2a0: {  	[tilespmem:s24], [sflag:$0x2] =	stream.indirect.gather [spmem:s3], $0x40, s12, s25, $0xb8;
	[tilespmem:$0x1FAB0] =	vst v63  }
0x2a1: {  	_ =	swait.ge [sflag:s0], $0x2000  }
0x2a2: {  	[sflag:s0] =	ssyncset.done $0x0  }
0x2a3: {  	s16 =	simm.s32 $0x15900;
	[sflag:s0] =	ssyncadd.s32 $0xFFFFE000  }
0x2a4: {  	[spmem:s2] =	stream.indirect.scatter.add.f32 [tilespmem:s24], [sflag:$0x4], $0x40, s16, s25, $0xb8;
	[tilespmem:$0x1FAB0] =	vst v63  }
0x2a5: {  	_ =	swait.ge [sflag:s6], $0x2000  }
0x2a6: {  	[sflag:s6] =	ssyncset.done $0x0  }
0x2a7: {  	s19 =	simm.s32 $0x15180;
	[sflag:s6] =	ssyncadd.s32 $0xFFFFE000  }
0x2a8: {  	[tilespmem:s21], [sflag:$0x1] =	stream.indirect.gather [spmem:s3], $0x40, s19, s25, $0xb8;
	[tilespmem:$0x1FAB0] =	vst v63  }
0x2a9: {  	_ =	swait.ge [sflag:s17], $0x2000  }
0x2aa: {  	[sflag:s17] =	ssyncset.done $0x0  }
0x2ab: {  	s9 =	simm.s32 $0x15980;
	[sflag:s17] =	ssyncadd.s32 $0xFFFFE000  }
0x2ac: {  	[spmem:s2] =	stream.indirect.scatter.add.f32 [tilespmem:s21], [sflag:$0x3], $0x40, s9, s25, $0xb8;
	[tilespmem:$0x1FAB0] =	vst v63  }
0x2ad: {  	_ =	swait.ge [sflag:s11], $0x2000  }
0x2ae: {  	[sflag:s11] =	ssyncset.done $0x0  }
0x2af: {  	s10 =	simm.s32 $0x15200;
	[sflag:s11] =	ssyncadd.s32 $0xFFFFE000  }
0x2b0: {  	[tilespmem:s24], [sflag:$0x2] =	stream.indirect.gather [spmem:s3], $0x40, s10, s25, $0xb8;
	[tilespmem:$0x1FAB0] =	vst v63  }
0x2b1: {  	_ =	swait.ge [sflag:s0], $0x2000  }
0x2b2: {  	[sflag:s0] =	ssyncset.done $0x0  }
0x2b3: {  	s12 =	simm.s32 $0x15A00;
	[sflag:s0] =	ssyncadd.s32 $0xFFFFE000  }
0x2b4: {  	[spmem:s2] =	stream.indirect.scatter.add.f32 [tilespmem:s24], [sflag:$0x4], $0x40, s12, s25, $0xb8;
	[tilespmem:$0x1FAB0] =	vst v63  }
0x2b5: {  	_ =	swait.ge [sflag:s6], $0x2000  }
0x2b6: {  	[sflag:s6] =	ssyncset.done $0x0  }
0x2b7: {  	s16 =	simm.s32 $0x15280;
	[sflag:s6] =	ssyncadd.s32 $0xFFFFE000  }
0x2b8: {  	[tilespmem:s21], [sflag:$0x1] =	stream.indirect.gather [spmem:s3], $0x40, s16, s25, $0xb8;
	[tilespmem:$0x1FAB0] =	vst v63  }
0x2b9: {  	_ =	swait.ge [sflag:s17], $0x2000  }
0x2ba: {  	[sflag:s17] =	ssyncset.done $0x0  }
0x2bb: {  	s19 =	simm.s32 $0x15A80;
	[sflag:s17] =	ssyncadd.s32 $0xFFFFE000  }
0x2bc: {  	[spmem:s2] =	stream.indirect.scatter.add.f32 [tilespmem:s21], [sflag:$0x3], $0x40, s19, s25, $0xb8;
	[tilespmem:$0x1FAB0] =	vst v63  }
0x2bd: {  	_ =	swait.ge [sflag:s11], $0x2000  }
0x2be: {  	[sflag:s11] =	ssyncset.done $0x0  }
0x2bf: {  	s9 =	simm.s32 $0x15300;
	[sflag:s11] =	ssyncadd.s32 $0xFFFFE000  }
0x2c0: {  	[tilespmem:s24], [sflag:$0x2] =	stream.indirect.gather [spmem:s3], $0x40, s9, s25, $0xb8;
	[tilespmem:$0x1FAB0] =	vst v63  }
0x2c1: {  	_ =	swait.ge [sflag:s0], $0x2000  }
0x2c2: {  	[sflag:s0] =	ssyncset.done $0x0  }
0x2c3: {  	s10 =	simm.s32 $0x15B00;
	[sflag:s0] =	ssyncadd.s32 $0xFFFFE000  }
0x2c4: {  	[spmem:s2] =	stream.indirect.scatter.add.f32 [tilespmem:s24], [sflag:$0x4], $0x40, s10, s25, $0xb8;
	[tilespmem:$0x1FAB0] =	vst v63  }
0x2c5: {  	_ =	swait.ge [sflag:s6], $0x2000  }
0x2c6: {  	[sflag:s6] =	ssyncset.done $0x0  }
0x2c7: {  	s12 =	simm.s32 $0x15380;
	[sflag:s6] =	ssyncadd.s32 $0xFFFFE000  }
0x2c8: {  	[tilespmem:s21], [sflag:$0x1] =	stream.indirect.gather [spmem:s3], $0x40, s12, s25, $0xb8;
	[tilespmem:$0x1FAB0] =	vst v63  }
0x2c9: {  	_ =	swait.ge [sflag:s17], $0x2000  }
0x2ca: {  	[sflag:s17] =	ssyncset.done $0x0  }
0x2cb: {  	s16 =	simm.s32 $0x15B80;
	[sflag:s17] =	ssyncadd.s32 $0xFFFFE000  }
0x2cc: {  	[spmem:s2] =	stream.indirect.scatter.add.f32 [tilespmem:s21], [sflag:$0x3], $0x40, s16, s25, $0xb8;
	[tilespmem:$0x1FAB0] =	vst v63  }
0x2cd: {  	_ =	swait.ge [sflag:s11], $0x2000  }
0x2ce: {  	[sflag:s11] =	ssyncset.done $0x0  }
0x2cf: {  	s19 =	simm.s32 $0x15400;
	[sflag:s11] =	ssyncadd.s32 $0xFFFFE000  }
0x2d0: {  	[tilespmem:s24], [sflag:$0x2] =	stream.indirect.gather [spmem:s3], $0x40, s19, s25, $0xb8;
	[tilespmem:$0x1FAB0] =	vst v63  }
0x2d1: {  	_ =	swait.ge [sflag:s0], $0x2000  }
0x2d2: {  	[sflag:s0] =	ssyncset.done $0x0  }
0x2d3: {  	s9 =	simm.s32 $0x15C00;
	[sflag:s0] =	ssyncadd.s32 $0xFFFFE000  }
0x2d4: {  	[spmem:s2] =	stream.indirect.scatter.add.f32 [tilespmem:s24], [sflag:$0x4], $0x40, s9, s25, $0xb8;
	[tilespmem:$0x1FAB0] =	vst v63  }
0x2d5: {  	_ =	swait.ge [sflag:s6], $0x2000  }
0x2d6: {  	[sflag:s6] =	ssyncset.done $0x0  }
0x2d7: {  	s10 =	simm.s32 $0x15480;
	[sflag:s6] =	ssyncadd.s32 $0xFFFFE000  }
0x2d8: {  	[tilespmem:s21], [sflag:$0x1] =	stream.indirect.gather [spmem:s3], $0x40, s10, s25, $0xb8;
	[tilespmem:$0x1FAB0] =	vst v63  }
0x2d9: {  	_ =	swait.ge [sflag:s17], $0x2000  }
0x2da: {  	[sflag:s17] =	ssyncset.done $0x0  }
0x2db: {  	s12 =	simm.s32 $0x15C80;
	[sflag:s17] =	ssyncadd.s32 $0xFFFFE000  }
0x2dc: {  	[spmem:s2] =	stream.indirect.scatter.add.f32 [tilespmem:s21], [sflag:$0x3], $0x40, s12, s25, $0xb8;
	[tilespmem:$0x1FAB0] =	vst v63  }
0x2dd: {  	_ =	swait.ge [sflag:s11], $0x2000  }
0x2de: {  	[sflag:s11] =	ssyncset.done $0x0  }
0x2df: {  	s16 =	simm.s32 $0x15500;
	[sflag:s11] =	ssyncadd.s32 $0xFFFFE000  }
0x2e0: {  	[tilespmem:s24], [sflag:$0x2] =	stream.indirect.gather [spmem:s3], $0x40, s16, s25, $0xb8;
	[tilespmem:$0x1FAB0] =	vst v63  }
.Ltmp7:
0x2e1: {  	_ = 	snop;
	(pc) =	sbr.rel @p2 .LBB2_17-.Ltmp7, $4  }
0x2e2: {  	_ =	swait.ge [sflag:s0], $0x2000  }
0x2e3: {  	s19 =	simm.s32 $0x15D00;
	[sflag:s0] =	ssyncset.done $0x0  }
0x2e4: {  	s12 =	simm.s32 $0x15580;
	s16 =	simm.s32 $0x14D80;
	[sflag:s0] =	ssyncadd.s32 $0xFFFFE000  }
0x2e5: {  	[spmem:s2] =	stream.indirect.scatter.add.f32 [tilespmem:s24], [sflag:$0x4], $0x40, s19, s25, $0xb8;
	[tilespmem:$0x1FAB0] =	vst v63  }
0x2e6: {  	s9 =	sadd.s32 s28, s13  }
.Ltmp8:
0x2e7: {  	s19 =	sadd.s32 s28, s14;
	s9 =	sadd.s32 $0x300, s9;
	(pc) =	sbr.rel .LBB2_15-.Ltmp8, $4  }
0x2e8: {  	[tilespmem:s16], [sflag:$0x7] =	stream.linear.gather [hbm4b:s9+s4], $0x800, $0x38;
	[tilespmem:$0x1FAB0] =	vst v63  }
0x2e9: {  	s9 =	sadd.s32 $0x300, s19  }
0x2ea: {  	[tilespmem:s12], [sflag:$0x8] =	stream.linear.gather [hbm4b:s9+s4], $0x800, $0x38;
	[tilespmem:$0x1FAB0] =	vst v63  }
0x2eb: {  	s28 =	sadd.s32 $0x200, s28;
	s19 =	simm.s32 $0x14D80;
	s12 =	simm.s32 $0x15580  }
.LBB2_17:
0x2ec: {  	_ =	swait.ge [sflag:s6], $0x2000  }
0x2ed: {  	[sflag:s6] =	ssyncset.done $0x0  }
0x2ee: {  	[sflag:s6] =	ssyncadd.s32 $0xFFFFE000  }
0x2ef: {  	_ =	swait.ge [sflag:s11], $0x2000  }
0x2f0: {  	[sflag:s11] =	ssyncset.done $0x0  }
0x2f1: {  	s9 =	simm.s32 $0x0;
	s8 =	simm.s32 $0x13D80;
	[sflag:s11] =	ssyncadd.s32 $0xFFFFE000  }
0x2f2: {  	[tilespmem:s8], [sflag:$0x5] =	stream.linear.gather [hbm4b:s13+s9], $0x800, $0x38;
	[tilespmem:$0x1FAB0] =	vst v63  }
0x2f3: {  	_ = 	snop  }
0x2f4: {  	[tilespmem:s30], [sflag:$0x6] =	stream.linear.gather [hbm4b:s14+s9], $0x800, $0x38;
	[tilespmem:$0x1FAB0] =	vst v63  }
0x2f5: {  	s10 =	rddreg [dreg:$0xb]  }
0x2f6: {  	[tilespmem:s16], [sflag:$0x7] =	stream.linear.gather [hbm4b:s10+s9], $0x800, $0x38;
	[tilespmem:$0x1FAB0] =	vst v63  }
0x2f7: {  	s30 =	rddreg [dreg:$0xc]  }
0x2f8: {  	[tilespmem:s12], [sflag:$0x8] =	stream.linear.gather [hbm4b:s30+s9], $0x800, $0x38;
	[tilespmem:$0x1FAB0] =	vst v63  }
0x2f9: {  	s31 =	simm.s32 $0x1F310;
	[bflag:$0x0] =	sbarrier.arrive $0xFFFF  }
0x2fa: {  	s18 =	simm.s32 $0x1B180;
	s19 =	simm.s32 $0x19D80;
	s8 =	rddreg [dreg:$0x12]  }
.LBB2_18:
0x2fb: {  	s10 =	smul.u32 $0x50, s9  }
0x2fc: {  	s12 =	rddreg [dreg:$0x7]  }
0x2fd: {  	s10 =	sadd.s32 s12, s10  }
0x2fe: {  	s16 =	sshll.u32 s10, $0x6  }
0x2ff: {  	s10 =	sadd.s32 s16, s2  }
0x300: {  	[tilespmem:s19], [sflag:$0x9] =	stream.linear.gather [spmem:s10], $0x1400, $0x38;
	[tilespmem:$0x1FAB0] =	vst v63  }
0x301: {  	s28 =	sadd.s32 s16, s3;
	s29 =	sshrl.u32 s16, $0x3  }
0x302: {  	[tilespmem:s18], [sflag:$0xA] =	stream.linear.gather [spmem:s28], $0x1400, $0x38;
	[tilespmem:$0x1FAB0] =	vst v63  }
0x303: {  	s23 =	simm.s32 @p1 $0x1C580;
	s16 =	sadd.s32 @p1 s8, s29;
	s18 =	simm.s32 @p1 $0x0  }
0x304: {  	[tilespmem:s23], [sflag:$0xB] =	stream.linear.gather @p1 [hbm4b:s16+s18], $0x1400, $0x38;
	[tilespmem:$0x1FAB0] =	vst v63  }
0x305: {  	s16 =	sadd.s32 @!p1 s7, s29;
	s18 =	simm.s32 @!p1 $0x0;
	s23 =	simm.s32 @!p1 $0x1C580  }
0x306: {  	[tilespmem:s23], [sflag:$0xB] =	stream.linear.gather @!p1 [hbm4b:s16+s18], $0x1400, $0x38;
	[tilespmem:$0x1FAB0] =	vst v63  }
0x307: {  	_ =	swait.ge [sflag:s20], $0x1400  }
0x308: {  	[sflag:s20] =	ssyncset.done $0x0  }
0x309: {  	[sflag:s20] =	ssyncadd.s32 $0xFFFFEC00  }
0x30a: {  	_ =	swait.ge [sflag:s5], $0x1400  }
0x30b: {  	[sflag:s5] =	ssyncset.done $0x0  }
0x30c: {  	[sflag:s5] =	ssyncadd.s32 $0xFFFFEC00  }
0x30d: {  	_ =	swait.ge [sflag:s15], $0x1400  }
0x30e: {  	[sflag:s15] =	ssyncset.done $0x0  }
0x30f: {  	s23 =	simm.s32 $0x0;
	[sflag:s15] =	ssyncadd.s32 $0xFFFFEC00  }
0x310: {  	v5 =	vld [tilespmem:s23+$0x1B1B0]  }
0x311: {  	v3 =	vld [tilespmem:s23+$0x19DA0]  }
0x312: {  	v9 =	vld [tilespmem:s23+$0x1B190]  }
0x313: {  	v6 =	vld [tilespmem:s23+$0x1B1A0]  }
0x314: {  	v8 =	vld [tilespmem:s23+$0x19DB0]  }
0x315: {  	v10 =	vld [tilespmem:s23+$0x19D90]  }
0x316: {  	v4 =	vld [tilespmem:s23+$0x19D80]  }
0x317: {  	v2 =	vld.msk [tilespmem:s31+$0x0 ss:$0x0], $0xffff  }
0x318: {  	v7 =	vld [tilespmem:s23+$0x1B180]  }
0x319: {  	s18 =	sadd.s32 @p1 s7, s29;
	v6 =	vadd.f32 v6, v3;
	v3 =	vld [tilespmem:s23+$0x1C5B0]  }
0x31a: {  	s30 =	simm.s32 $0x100;
	s16 =	smov.u32 @p1 s18;
	s18 =	smov.u32 s31;
	v8 =	vadd.f32 v5, v8;
	v9 =	vadd.f32 v9, v10;
	v5 =	vld [tilespmem:s23+$0x1C590]  }
.LBB2_19:
0x31b: {  	p2 =	sne.s32 s30, $0x4F00  }
0x31c: {  	v10 =	vld [tilespmem:s23+$0x1C5A0];
	s18 =	sadd.s32 $0x1, s18;
	s12 =	smov.u32 s30;
	s30 =	sadd.s32 $0x100, s30  }
0x31d: {  	v11 =	vld [tilespmem:s23+$0x1C580]  }
0x31e: {  	v8 =	vmul.f32 v8, v2;
	v4 =	vadd.f32 v7, v4;
	v7 =	vmul.f32 v9, v2  }
0x31f: {  	v6 =	vmul.f32 v6, v2  }
0x320: {  	s12 =	sshra.s32 s12, $0x2;
	v3 =	vadd.f32 v8, v3;
	v2 =	vmul.f32 v4, v2;
	v5 =	vadd.f32 v7, v5;
	[tilespmem:s23+$0x1B1B0] =	vst v8  }
0x321: {  	v8 =	vld [tilespmem:s12+$0x1B1B0];
	[tilespmem:s23+$0x1B190] =	vst v7;
	v4 =	vadd.f32 v6, v10  }
0x322: {  	v9 =	vld [tilespmem:s12+$0x19DA0];
	[tilespmem:s23+$0x1B180] =	vst v2;
	v2 =	vadd.f32 v2, v11  }
0x323: {  	v10 =	vld [tilespmem:s12+$0x1B190];
	[tilespmem:s23+$0x1B1A0] =	vst v6  }
0x324: {  	v6 =	vld [tilespmem:s12+$0x1B1A0];
	[tilespmem:s23+$0x1C5A0] =	vst v4  }
0x325: {  	v11 =	vld [tilespmem:s12+$0x19DB0];
	[tilespmem:s23+$0x1C580] =	vst v2  }
0x326: {  	v12 =	vld [tilespmem:s12+$0x19D90];
	[tilespmem:s23+$0x1C5B0] =	vst v3  }
.Ltmp9:
0x327: {  	v4 =	vld [tilespmem:s12+$0x19D80];
	[tilespmem:s23+$0x1C590] =	vst v5;
	s23 =	smov.u32 s12;
	(pc) =	sbr.rel @p2 .LBB2_19-.Ltmp9, $4  }
0x328: {  	v2 =	vld.msk [tilespmem:s18+$0x0 ss:$0x0], $0xffff  }
0x329: {  	v7 =	vld [tilespmem:s23+$0x1B180];
	v6 =	vadd.f32 v6, v9  }
0x32a: {  	v8 =	vadd.f32 v8, v11;
	v3 =	vld [tilespmem:s23+$0x1C5B0]  }
0x32b: {  	v9 =	vadd.f32 v10, v12;
	v5 =	vld [tilespmem:s23+$0x1C590]  }
0x32c: {  	_ = 	snop  }
0x32d: {  	v60 =	vmul.f32 v8, v2  }
0x32e: {  	v10 =	vld [tilespmem:s23+$0x1C5A0];
	v61 =	vmul.f32 v9, v2  }
0x32f: {  	v11 =	vld [tilespmem:s23+$0x1C580];
	v6 =	vmul.f32 v6, v2;
	v4 =	vadd.f32 v7, v4;
	[tilespmem:s23+$0x1B1B0] =	vst v60  }
0x330: {  	[tilespmem:s23+$0x1B190] =	vst v61;
	v3 =	vadd.f32 v60, v3  }
0x331: {  	[tilespmem:s23+$0x1B1A0] =	vst v6;
	v2 =	vmul.f32 v4, v2  }
0x332: {  	v63 =	vadd.f32 v61, v5;
	[tilespmem:s23+$0x1C5B0] =	vst v3  }
0x333: {  	v62 =	vadd.f32 v6, v10;
	[tilespmem:s23+$0x1B180] =	vst v2  }
0x334: {  	v2 =	vadd.f32 v2, v11;
	[tilespmem:s23+$0x1C590] =	vst v63  }
0x335: {  	[tilespmem:s23+$0x1C5A0] =	vst v62  }
0x336: {  	s12 =	simm.s32 $0x1D980;
	[tilespmem:s23+$0x1C580] =	vst v2  }
0x337: {  	[spmem:s10] =	stream.linear.scatter [tilespmem:s12], [sflag:$0x9], $0x1400, $0x38;
	[tilespmem:$0x1FAB0] =	vst v63  }
0x338: {  	s18 =	simm.s32 $0x1B180;
	s10 =	sadd.s32 @!p0 s8, s29  }
0x339: {  	[spmem:s28] =	stream.linear.scatter [tilespmem:s18], [sflag:$0xA], $0x1400, $0x38;
	[tilespmem:$0x1FAB0] =	vst v63  }
0x33a: {  	s29 =	simm.s32 $0x1C580;
	s10 =	smov.u32 @p0 s16  }
0x33b: {  	[hbm4b:s10+s4] =	stream.linear.scatter [tilespmem:s29], [sflag:$0xB], $0x1400, $0x38;
	[tilespmem:$0x1FAB0] =	vst v63  }
0x33c: {  	_ =	swait.ge [sflag:s20], $0x1400  }
0x33d: {  	[sflag:s20] =	ssyncset.done $0x0  }
0x33e: {  	[sflag:s20] =	ssyncadd.s32 $0xFFFFEC00  }
0x33f: {  	_ =	swait.ge [sflag:s5], $0x1400  }
0x340: {  	[sflag:s5] =	ssyncset.done $0x0  }
0x341: {  	[sflag:s5] =	ssyncadd.s32 $0xFFFFEC00  }
0x342: {  	_ =	swait.ge [sflag:s15], $0x1400  }
0x343: {  	s9 =	sadd.s32 $0x1, s9;
	s30 =	rddreg [dreg:$0x8]  }
0x344: {  	p2 =	sne.s32 s9, s30  }
.Ltmp10:
0x345: {  	_ = 	snop;
	(pc) =	sbr.rel @p2 .LBB2_18-.Ltmp10, $3  }
0x346: {  	_ =	sdelay $0x1  }
0x347: {  	[sflag:s15] =	ssyncset.done $0x0  }
0x348: {  	s31 =	sadd.s32 $0x50, s31;
	[sflag:s15] =	ssyncadd.s32 $0xFFFFEC00  }
0x349: {  	s10 =	rddreg [dreg:$0x16]  }
0x34a: {  	s10 =	sadd.s32 $0x1, s10  }
0x34b: {  	p2 =	sne.s32 s10, $0xA  }
.Ltmp11:
0x34c: {  	_ = 	snop;
	(pc) =	sbr.rel @p2 .LBB2_14-.Ltmp11, $3  }
0x34d: {  	_ =	sdelay $0x1  }
0x34e: {  	[bflag:$0x0] =	sbarrier.arrive $0xFFFF  }
0x34f: {  	s30 =	simm.s32 $0x14580;
	s31 =	simm.s32 $0x14880  }
0x350: {  	s9 =	simm.s32 $0x5  }
0x351: {  	_ =	swait.ge [sflag:s9], $0x800  }
0x352: {  	[sflag:s9] =	ssyncset.done $0x0  }
0x353: {  	s23 =	simm.s32 $0x6;
	[sflag:s9] =	ssyncadd.s32 $0xFFFFF800  }
0x354: {  	_ =	swait.ge [sflag:s23], $0x800  }
0x355: {  	[sflag:s23] =	ssyncset.done $0x0  }
0x356: {  	s28 =	simm.s32 $0x7;
	[sflag:s23] =	ssyncadd.s32 $0xFFFFF800  }
0x357: {  	_ =	swait.ge [sflag:s28], $0x800  }
0x358: {  	[sflag:s28] =	ssyncset.done $0x0  }
0x359: {  	s29 =	simm.s32 $0x8;
	[sflag:s28] =	ssyncadd.s32 $0xFFFFF800  }
0x35a: {  	s10 =	simm.s32 $0x1F5A0;
	_ =	swait.ge [sflag:s29], $0x800  }
0x35b: {  	s16 =	simm.s32 $0x0;
	s19 =	simm.s32 $0xD;
	[sflag:s29] =	ssyncset.done $0x0  }
0x35c: {  	s31 =	simm.s32 $0x1C580;
	s9 =	simm.s32 $0x0;
	[sflag:s29] =	ssyncadd.s32 $0xFFFFF800  }
.LBB2_23:
0x35d: {  	s12 =	smul.u32 $0x50, s16  }
0x35e: {  	s18 =	rddreg [dreg:$0x7]  }
0x35f: {  	s12 =	sadd.s32 s18, s12  }
0x360: {  	s8 =	rddreg [dreg:$0xe];
	s12 =	sshll.u32 s12, $0x3  }
0x361: {  	s18 =	sadd.s32 s8, s12  }
0x362: {  	[tilespmem:s31], [sflag:$0xD] =	stream.linear.gather [hbm4b:s18+s9], $0x1400, $0x38;
	[tilespmem:$0x1FAB0] =	vst v63  }
0x363: {  	_ =	swait.ge [sflag:s19], $0x1400  }
0x364: {  	[sflag:s19] =	ssyncset.done $0x0  }
0x365: {  	s23 =	simm.s32 $0x1C5A0;
	[sflag:s19] =	ssyncadd.s32 $0xFFFFEC00  }
0x366: {  	v2 =	vld [tilespmem:s23+$0xFFFFFFF0]  }
0x367: {  	s13 =	sadd.s32 $0x0, s10;
	v4 =	vld [tilespmem:s23+$0x10]  }
0x368: {  	v6 =	vld.msk [tilespmem:s13+$0x0 ss:$0x0], $0xffff  }
0x369: {  	v3 =	vld [tilespmem:s23+$0xFFFFFFE0]  }
0x36a: {  	v7 =	vld [tilespmem:s23+$0x0];
	_ =	sdelay $0x3  }
0x36b: {  	v3 =	vmul.f32 v3, v6;
	v5 =	vmul.f32 v4, v6  }
0x36c: {  	s28 =	simm.s32 $0x4;
	s29 =	simm.s32 $0x1C5A0;
	v4 =	vmul.f32 v2, v6;
	v2 =	vmul.f32 v7, v6  }
.LBB2_24:
0x36d: {  	p2 =	sne.s32 s28, $0x13C  }
0x36e: {  	[tilespmem:s23+$0x10] =	vst v5;
	s29 =	sadd.s32 $0x40, s29;
	s12 =	smov.u32 s28;
	s28 =	sadd.s32 $0x4, s28  }
0x36f: {  	[tilespmem:s23+$0xFFFFFFE0] =	vst v3  }
0x370: {  	s12 =	sshra.s32 s12, $0x2;
	v6 =	vld [tilespmem:s29+$0xFFFFFFF0];
	[tilespmem:s23+$0xFFFFFFF0] =	vst v4  }
0x371: {  	s12 =	sadd.s32 s12, s10;
	v4 =	vld [tilespmem:s29+$0x10];
	[tilespmem:s23+$0x0] =	vst v2;
	s23 =	smov.u32 s29  }
0x372: {  	v2 =	vld.msk [tilespmem:s12+$0x0 ss:$0x0], $0xffff  }
0x373: {  	v3 =	vld [tilespmem:s29+$0xFFFFFFE0]  }
0x374: {  	v7 =	vld [tilespmem:s29+$0x0]  }
.Ltmp12:
0x375: {  	(pc) =	sbr.rel @p2 .LBB2_24-.Ltmp12, $3  }
0x376: {  	_ =	sdelay $0x1  }
0x377: {  	v5 =	vmul.f32 v4, v2;
	v3 =	vmul.f32 v3, v2  }
0x378: {  	v4 =	vmul.f32 v6, v2;
	v2 =	vmul.f32 v7, v2  }
0x379: {  	[tilespmem:s23+$0x10] =	vst v5  }
0x37a: {  	[tilespmem:s23+$0xFFFFFFE0] =	vst v3  }
0x37b: {  	[tilespmem:s23+$0xFFFFFFF0] =	vst v4  }
0x37c: {  	s29 =	rddreg [dreg:$0x15];
	[tilespmem:s23+$0x0] =	vst v2  }
0x37d: {  	[hbm4b:s18+s4] =	stream.linear.scatter [tilespmem:s31], [sflag:s29], $0x1400, $0x38;
	[tilespmem:$0x1FAB0] =	vst v63  }
0x37e: {  	_ =	swait.ge [sflag:s29], $0x1400  }
0x37f: {  	s16 =	sadd.s32 $0x1, s16;
	s12 =	rddreg [dreg:$0x8]  }
0x380: {  	p2 =	sne.s32 s16, s12  }
.Ltmp13:
0x381: {  	_ = 	snop;
	(pc) =	sbr.rel @p2 .LBB2_23-.Ltmp13, $3  }
0x382: {  	_ =	sdelay $0x1  }
0x383: {  	[sflag:s29] =	ssyncset.done $0x0  }
0x384: {  	s10 =	sadd.s32 $0x50, s10;
	[sflag:s29] =	ssyncadd.s32 $0xFFFFEC00  }
0x385: {  	s10 =	rddreg [dreg:$0x14]  }
0x386: {  	s9 =	rddreg [dreg:$0xd];
	s10 =	sadd.s32 $0x1, s10  }
0x387: {  	p2 =	sne.s32 s10, s9  }
.Ltmp14:
0x388: {  	_ = 	snop;
	(pc) =	sbr.rel @p2 .LBB2_1-.Ltmp14, $3  }
0x389: {  	_ =	sdelay $0x1  }
0x38a: {  	s19 =	rddreg [dreg:$0xa];
	s12 =	simm.s32 $0x1D980  }
0x38b: {  	s28 =	simm.s32 $0x14600;
	s29 =	simm.s32 $0x14680;
	s18 =	simm.s32 $0x14980  }
0x38c: {  	_ =	sfence.sel $0x180000  }
0x38d: {  	[bflag:$0x0] =	sbarrier.arrive $0xFFFF  }
0x38e: {  	_ =	strace $0x90000047  }
0x38f: {  	s0 =	stileid.u32;
	[bflag:$0x2] =	sbarrier.arrive $0xFFFF  }
0x390: {  	p0 =	sne.s32 s0, $0x0;
	s0 =	rddreg [dreg:$0x5]  }
0x391: {  	s0 =	sadd.s32 @!p0 $0x100000, s0  }
0x392: {  	[sflag:s0] =	ssyncadd.tile.s32 @!p0 $0x1;
	_ =	shalt  }
.Lfunc_end2:
_tile_overlayer_lowered:
.L_overlay_start_2:
0x393: {  	(tag) =	ssettag $0x2  }
0x394: {  	s0 =	rddreg [dreg:$0x0];
	s2 =	stileid.u32  }
0x395: {  	s1 =	rddreg [dreg:$0x1];
	p0 =	sne.s32 s2, $0x0  }
0x396: {  	s3 =	rddreg [dreg:$0x2];
	[bflag:$0x3] =	sbarrier.arrive $0xFFFF;
	s2 =	simm.s32 @!p0 $0x1C0C  }
0x397: {  	[timem:s3], [sflag:s2] =	dma.local @!p0 [hbm:s0], s1  }
0x398: {  	s0 =	simm.s32 @!p0 $0xC  }
0x399: {  	_ =	swait.ge @!p0 [sflag:s0], s1  }
0x39a: {  	s1 =	ssub.s32 @!p0 $0x0, s1;
	[sflag:s0] =	ssyncset.done @!p0 $0x0  }
0x39b: {  	[sflag:s0] =	ssyncadd.s32 @!p0 s1  }
0x39c: {  	[bflag:$0x3] =	sbarrier.arrive $0xFFFF  }
0x39d: {  	_ =	shalt  }

</sc_bundles>
